<compile_context>
chip_gen: v7x
topology: tpu7x:2x2x1
jax: 0.10.2.dev20260603
libtpu: 0.0.44.dev20260713+nightly
codegen_flags: <defaults>
</compile_context>

<pallas_src>
import functools
import math

import jax
import jax.numpy as jnp
from jax import lax
from jax.experimental import pallas as pl
from jax.experimental.pallas import tpu as pltpu
from jax.experimental.pallas import tpu_sc as plsc

NUM_EXPERTS = 64
TOP_K = 2
HIDDEN = 768
INTER = 3072
CAPACITY_FACTOR = 0.5
BATCH = 2
SEQ = 8192

T = BATCH * SEQ
EC = NUM_EXPERTS - 1
CAP = math.ceil(T / NUM_EXPERTS * CAPACITY_FACTOR)
NROW = EC * CAP
DUMMY = NROW
GROWS = 8192
TOKP = 8208

TB = 1024

_NW = 32
_D1T = 4
_D1TOK = T // _D1T


def _sc_mesh():
    return plsc.VectorSubcoreMesh(core_axis_name="c", subcore_axis_name="s")


def _router_body(x_ref, wr_ref, rb_ref, d0_ref, d1_ref, c0_ref, c1_ref,
                 wx_ref, cnt_ref, carry_ref):
    pi = pl.program_id(0)

    @pl.when(pi == 0)
    def _():
        carry_ref[...] = jnp.zeros_like(carry_ref)

    xb = x_ref[...]
    logits = jnp.dot(xb, wr_ref[...], preferred_element_type=jnp.float32)
    logits = logits + rb_ref[0:1, :]

    iota = lax.broadcasted_iota(jnp.int32, (TB, NUM_EXPERTS), 1)
    m = jnp.max(logits, axis=-1, keepdims=True)
    e0 = jnp.min(jnp.where(logits == m, iota, NUM_EXPERTS),
                 axis=-1, keepdims=True)
    lm = jnp.where(iota == e0, -1e30, logits)
    sm = jnp.max(lm, axis=-1, keepdims=True)
    e1 = jnp.min(jnp.where(lm == sm, iota, NUM_EXPERTS),
                 axis=-1, keepdims=True)
    s = jnp.sum(jnp.exp(logits - m), axis=-1, keepdims=True)
    v0 = 1.0 / s
    v1 = jnp.exp(sm - m) * v0

    nw = jnp.where(e0 == EC, v0, jnp.where(e1 == EC, v1, 0.0))
    sel0 = e0 != EC
    sel1 = e1 != EC
    md = (jnp.where((iota == e0) & sel0, 1.0, 0.0)
          + jnp.where((iota == e1) & sel1, 1.0, 0.0))

    ri = lax.broadcasted_iota(jnp.int32, (TB, TB), 0)
    ci = lax.broadcasted_iota(jnp.int32, (TB, TB), 1)
    lstrict = jnp.where(ri > ci, 1.0, 0.0)
    cum = jnp.dot(lstrict, md, preferred_element_type=jnp.float32)
    cum = cum + carry_ref[0:1, :]
    slot0 = jnp.sum(jnp.where(iota == e0, cum, 0.0), axis=-1, keepdims=True)
    slot1 = jnp.sum(jnp.where(iota == e1, cum, 0.0), axis=-1, keepdims=True)
    carry_ref[0:1, :] = carry_ref[0:1, :] + jnp.sum(md, axis=0, keepdims=True)
    cnt_ref[...] = jnp.broadcast_to(carry_ref[0:1, :], cnt_ref.shape)

    r0 = e0.astype(jnp.float32) * CAP + slot0
    r1 = e1.astype(jnp.float32) * CAP + slot1
    val0 = sel0 & (slot0 < CAP)
    val1 = sel1 & (slot1 < CAP)
    ti = (pi * TB + lax.broadcasted_iota(jnp.int32, (TB, 1), 0)) % NROW
    tif = ti.astype(jnp.float32)
    d0_ref[...] = jnp.where(val0, r0, float(DUMMY)).astype(jnp.int32)
    d1_ref[...] = jnp.where(val1, r1, float(DUMMY)).astype(jnp.int32)
    c0_ref[...] = jnp.where(val0, r0, tif).astype(jnp.int32)
    c1_ref[...] = jnp.where(val1, r1, tif).astype(jnp.int32)
    wx_ref[...] = jnp.concatenate(
        [jnp.broadcast_to(jnp.where(val0, v0, 0.0), (TB, 16)),
         jnp.broadcast_to(jnp.where(val1, v1, 0.0), (TB, 16)),
         jnp.broadcast_to(nw, (TB, 16)),
         jnp.zeros((TB, 80), jnp.float32)], axis=1)


def _run_router(x2d, wr_t, rb_bcast):
    grid = T // TB
    return pl.pallas_call(
        _router_body,
        grid=(grid,),
        in_specs=[
            pl.BlockSpec((TB, HIDDEN), lambda i: (i, 0)),
            pl.BlockSpec((HIDDEN, NUM_EXPERTS), lambda i: (0, 0)),
            pl.BlockSpec((8, NUM_EXPERTS), lambda i: (0, 0)),
        ],
        out_specs=[
            pl.BlockSpec((TB, 1), lambda i: (i, 0)),
            pl.BlockSpec((TB, 1), lambda i: (i, 0)),
            pl.BlockSpec((TB, 1), lambda i: (i, 0)),
            pl.BlockSpec((TB, 1), lambda i: (i, 0)),
            pl.BlockSpec((TB, 128), lambda i: (i, 0)),
            pl.BlockSpec((8, NUM_EXPERTS), lambda i: (0, 0)),
        ],
        out_shape=[
            jax.ShapeDtypeStruct((T, 1), jnp.int32),
            jax.ShapeDtypeStruct((T, 1), jnp.int32),
            jax.ShapeDtypeStruct((T, 1), jnp.int32),
            jax.ShapeDtypeStruct((T, 1), jnp.int32),
            jax.ShapeDtypeStruct((T, 128), jnp.float32),
            jax.ShapeDtypeStruct((8, NUM_EXPERTS), jnp.float32),
        ],
        scratch_shapes=[pltpu.VMEM((8, NUM_EXPERTS), jnp.float32)],
        compiler_params=pltpu.CompilerParams(
            dimension_semantics=("arbitrary",)),
    )(x2d, wr_t, rb_bcast)


@functools.cache
def _make_tokmap_sc():
    @functools.partial(
        pl.kernel,
        mesh=_sc_mesh(),
        out_type=jax.ShapeDtypeStruct((_D1T, TOKP), jnp.int32),
        scratch_types=[
            pltpu.VMEM((2 * _D1TOK,), jnp.int32),
            pltpu.VMEM((TOKP,), jnp.int32),
        ],
        compiler_params=pltpu.CompilerParams(needs_layout_passes=False),
    )
    def _tokmap(d0_hbm, d1_hbm, tokp_hbm, dbuf, tokbuf):
        wid = lax.axis_index("s") * 2 + lax.axis_index("c")

        @pl.when(wid < _D1T)
        def _():
            def zb(i, carry):
                tokbuf[pl.ds(i * 16, 16)] = jnp.zeros((16,), jnp.int32)
                return carry

            lax.fori_loop(0, TOKP // 16, zb, 0)
            base = wid * _D1TOK
            pltpu.sync_copy(d0_hbm.at[pl.ds(base, _D1TOK)],
                            dbuf.at[pl.ds(0, _D1TOK)])
            pltpu.sync_copy(d1_hbm.at[pl.ds(base, _D1TOK)],
                            dbuf.at[pl.ds(_D1TOK, _D1TOK)])
            iota16 = lax.iota(jnp.int32, 16)

            def sc0(i, carry):
                idx = dbuf[pl.ds(i * 16, 16)]
                plsc.store_scatter(tokbuf, [idx], base + i * 16 + iota16)
                return carry

            lax.fori_loop(0, _D1TOK // 16, sc0, 0)

            def sc1(i, carry):
                idx = dbuf[pl.ds(_D1TOK + i * 16, 16)]
                plsc.store_scatter(tokbuf, [idx], base + i * 16 + iota16)
                return carry

            lax.fori_loop(0, _D1TOK // 16, sc1, 0)
            pltpu.sync_copy(tokbuf, tokp_hbm.at[wid])

    return _tokmap


_D2CH = 64
_D2NJ = GROWS // _NW // _D2CH


@functools.cache
def _make_dispatch_sc():
    @functools.partial(
        pl.kernel,
        mesh=_sc_mesh(),
        out_type=jax.ShapeDtypeStruct((GROWS, HIDDEN), jnp.float32),
        scratch_types=[
            pltpu.VMEM((_D1T, GROWS // _NW), jnp.int32),
            pltpu.VMEM((GROWS // _NW,), jnp.int32),
            pltpu.VMEM((_D2CH, HIDDEN), jnp.float32),
            pltpu.VMEM((_D2CH, HIDDEN), jnp.float32),
            pltpu.SemaphoreType.DMA,
            pltpu.SemaphoreType.DMA,
            pltpu.SemaphoreType.DMA,
            pltpu.SemaphoreType.DMA,
        ],
    )
    def _dispatch(x_hbm, tokp_hbm, buf_hbm, tokc, isum, xr0, xr1,
                  g0s, g1s, w0s, w1s):
        wid = lax.axis_index("s") * 2 + lax.axis_index("c")
        xr = [xr0, xr1]
        gs = [g0s, g1s]
        ws = [w0s, w1s]
        rows_per_w = GROWS // _NW

        rbase = wid * rows_per_w
        pltpu.sync_copy(tokp_hbm.at[:, pl.ds(rbase, rows_per_w)], tokc)
        for g in range(rows_per_w // 16):
            sl = pl.ds(g * 16, 16)
            s = tokc[0, sl] + tokc[1, sl] + tokc[2, sl] + tokc[3, sl]
            isum[sl] = jnp.minimum(s, T - 1)

        def start_gather(j, b):
            return pltpu.async_copy(
                x_hbm.at[isum.at[pl.ds(j * _D2CH, _D2CH)]], xr[b], gs[b])

        gds = [None, None]
        wds = [None, None]
        gds[0] = start_gather(0, 0)
        for j in range(_D2NJ):
            b = j % 2
            gds[b].wait()
            if j + 1 < _D2NJ:
                if j >= 1:
                    wds[1 - b].wait()
                gds[1 - b] = start_gather(j + 1, 1 - b)
            wds[b] = pltpu.async_copy(
                xr[b], buf_hbm.at[pl.ds(rbase + j * _D2CH, _D2CH)], ws[b])
        wds[(_D2NJ - 1) % 2].wait()
        if _D2NJ >= 2:
            wds[_D2NJ % 2].wait()

    return _dispatch


IB = 1536
NIB = INTER // IB


def _ffn_body(x_ref, vm_ref, w1_ref, w2_ref, out_ref):
    ib = pl.program_id(1)
    xb = jnp.where(vm_ref[...] > 0, x_ref[...], 0.0)
    h = jnp.dot(xb, w1_ref[0], preferred_element_type=jnp.float32)
    h = jnp.maximum(h, 0.0)
    o = jnp.dot(h, w2_ref[0], preferred_element_type=jnp.float32)

    @pl.when(ib == 0)
    def _():
        out_ref[...] = o

    @pl.when(ib != 0)
    def _():
        out_ref[...] = out_ref[...] + o


def _run_ffn(buf, vmask, w1, w2):
    return pl.pallas_call(
        _ffn_body,
        grid=(EC, NIB),
        in_specs=[
            pl.BlockSpec((CAP, HIDDEN), lambda e, i: (e, 0)),
            pl.BlockSpec((CAP, 1), lambda e, i: (e, 0)),
            pl.BlockSpec((1, HIDDEN, IB), lambda e, i: (e, 0, i)),
            pl.BlockSpec((1, IB, HIDDEN), lambda e, i: (e, i, 0)),
        ],
        out_specs=pl.BlockSpec((CAP, HIDDEN), lambda e, i: (e, 0)),
        out_shape=jax.ShapeDtypeStruct((NROW, HIDDEN), jnp.float32),
        compiler_params=pltpu.CompilerParams(
            dimension_semantics=("arbitrary", "arbitrary")),
    )(buf, vmask, w1, w2)


_CCH = 64
_CNJ = (T // _NW // _CCH) * 2


@functools.cache
def _make_gather_sc(tok_base=0, ntok=T):
    @functools.partial(
        pl.kernel,
        mesh=_sc_mesh(),
        out_type=[
            jax.ShapeDtypeStruct((ntok, HIDDEN), jnp.float32),
            jax.ShapeDtypeStruct((ntok, HIDDEN), jnp.float32),
        ],
        scratch_types=[
            pltpu.VMEM((ntok // _NW // _CCH, _CCH), jnp.int32),
            pltpu.VMEM((ntok // _NW // _CCH, _CCH), jnp.int32),
            pltpu.VMEM((_CCH, HIDDEN), jnp.float32),
            pltpu.VMEM((_CCH, HIDDEN), jnp.float32),
            pltpu.SemaphoreType.DMA,
            pltpu.SemaphoreType.DMA,
            pltpu.SemaphoreType.DMA,
            pltpu.SemaphoreType.DMA,
        ],
    )
    def _gather(out_hbm, c0_hbm, c1_hbm, g0_hbm, g1_hbm,
                idx0s, idx1s, gb0, gb1, g0sem, g1sem, w0sem, w1sem):
        wid = lax.axis_index("s") * 2 + lax.axis_index("c")
        gb = [gb0, gb1]
        gsems = [g0sem, g1sem]
        wsems = [w0sem, w1sem]
        nchunk = ntok // _NW // _CCH
        nj = nchunk * 2
        pltpu.sync_copy(c0_hbm.at[wid], idx0s)
        pltpu.sync_copy(c1_hbm.at[wid], idx1s)

        def job(j):
            k, c = j // nchunk, j % nchunk
            idxs = idx0s if k == 0 else idx1s
            dst = g0_hbm if k == 0 else g1_hbm
            tbase = wid * (ntok // _NW) + c * _CCH
            return idxs.at[c], dst.at[pl.ds(tbase, _CCH)]

        gds = [None, None]
        wds = [None, None]
        isrc, _ = job(0)
        gds[0] = pltpu.async_copy(out_hbm.at[isrc], gb[0], gsems[0])
        for j in range(nj):
            b = j % 2
            gds[b].wait()
            if j + 1 < nj:
                if j >= 1:
                    wds[1 - b].wait()
                isrc, _ = job(j + 1)
                gds[1 - b] = pltpu.async_copy(
                    out_hbm.at[isrc], gb[1 - b], gsems[1 - b])
            _, dst = job(j)
            wds[b] = pltpu.async_copy(gb[b], dst, wsems[b])
        wds[(nj - 1) % 2].wait()
        wds[nj % 2].wait()

    return _gather


def _combine_body(g0_ref, g1_ref, x_ref, wx_ref, y_ref):
    w0 = wx_ref[:, 0:1]
    w1 = wx_ref[:, 16:17]
    nw = wx_ref[:, 32:33]
    y_ref[...] = (w0 * g0_ref[...] + w1 * g1_ref[...] + nw * x_ref[...])


def _run_combine(g0, g1, x2d, wx, blk_off=0):
    ntok = g0.shape[0]
    grid = ntok // TB
    return pl.pallas_call(
        _combine_body,
        grid=(grid,),
        in_specs=[
            pl.BlockSpec((TB, HIDDEN), lambda i: (i, 0)),
            pl.BlockSpec((TB, HIDDEN), lambda i: (i, 0)),
            pl.BlockSpec((TB, HIDDEN), lambda i: (i + blk_off, 0)),
            pl.BlockSpec((TB, 128), lambda i: (i + blk_off, 0)),
        ],
        out_specs=pl.BlockSpec((TB, HIDDEN), lambda i: (i, 0)),
        out_shape=jax.ShapeDtypeStruct((ntok, HIDDEN), jnp.float32),
        compiler_params=pltpu.CompilerParams(
            dimension_semantics=("arbitrary",)),
    )(g0, g1, x2d, wx)


def kernel(x, experts_inter, experts_out, router_w, router_b):
    x2d = x.reshape(T, HIDDEN)
    wr_t = router_w.T
    rb_bcast = jnp.broadcast_to(router_b[None, :], (8, NUM_EXPERTS))

    d0, d1, c0, c1, wx, cnt = _run_router(x2d, wr_t, rb_bcast)

    d0 = d0.reshape(T)
    d1 = d1.reshape(T)
    c0r = c0.reshape(_NW, T // _NW // _CCH, _CCH)
    c1r = c1.reshape(_NW, T // _NW // _CCH, _CCH)

    counts = cnt[0, :EC]
    slot_iota = lax.broadcasted_iota(jnp.float32, (EC, CAP), 1)
    vmask = (slot_iota < counts[:, None]).astype(jnp.float32).reshape(NROW, 1)

    tokp = _make_tokmap_sc()(d0, d1)
    buf = _make_dispatch_sc()(x2d, tokp)
    out_buf = _run_ffn(buf, vmask, experts_inter, experts_out)
    g0, g1 = _make_gather_sc()(out_buf, c0r, c1r)
    y = _run_combine(g0, g1, x2d, wx)
    return y.reshape(BATCH, SEQ, HIDDEN)

# --- scband reference (transcript-rebuilt; emitter-appended) ---
"""Pipeline reference for scband-mo-de-66434554135195 (READ-ONLY COPY).

The authoritative reference and input builder live on the scoring server;
editing this copy changes nothing except your own understanding.
"""

import jax, jax.numpy as jnp
import numpy as np
import math

NUM_EXPERTS = 64
TOP_K = 2
HIDDEN = 768
INTER = 3072
CAPACITY_FACTOR = 0.5
BATCH = 2
SEQ = 8192


def setup_inputs(seed: int = 0) -> dict:
    key = jax.random.key(seed)
    k1, k2, k3, k4, k5 = jax.random.split(key, 5)
    x = jax.random.normal(k1, (BATCH, SEQ, HIDDEN), dtype=jnp.float32)
    experts_inter = jax.random.normal(k2, (NUM_EXPERTS - 1, HIDDEN, INTER), dtype=jnp.float32)
    experts_out = jax.random.normal(k3, (NUM_EXPERTS - 1, INTER, HIDDEN), dtype=jnp.float32)
    # Router Linear(hidden, num_experts): xavier-uniform weight, default-uniform bias
    limit_w = math.sqrt(6.0 / (HIDDEN + NUM_EXPERTS))
    router_w = jax.random.uniform(k4, (NUM_EXPERTS, HIDDEN), minval=-limit_w, maxval=limit_w, dtype=jnp.float32)
    limit_b = 1.0 / math.sqrt(HIDDEN)
    router_b = jax.random.uniform(k5, (NUM_EXPERTS,), minval=-limit_b, maxval=limit_b, dtype=jnp.float32)
    return {
        "x": x,
        "experts_inter": experts_inter,
        "experts_out": experts_out,
        "router_w": router_w,
        "router_b": router_b,
    }


def reference(x, experts_inter, experts_out, router_w, router_b):
    batch_size, seq_len, hidden_size = x.shape
    num_experts = router_w.shape[0]
    expert_capacity = math.ceil(batch_size * seq_len / num_experts * CAPACITY_FACTOR)

    # Router: Linear + softmax
    logits = jnp.einsum('bsh,eh->bse', x, router_w) + router_b
    routing_weights = jax.nn.softmax(logits, axis=-1)

    x_flat = x.reshape(-1, hidden_size)
    weights_flat = routing_weights.reshape(-1, num_experts)
    T = weights_flat.shape[0]

    # top-k per token, scatter back into dense weight matrix
    topk_vals, topk_idx = jax.lax.top_k(weights_flat, TOP_K)
    topk_flat_weights = jnp.zeros_like(weights_flat).at[jnp.arange(T)[:, None], topk_idx].set(topk_vals)

    # last expert is the no-op (Mixture-of-Depths) path
    noop_flat_weights = topk_flat_weights[:, -1:]
    noop_routed = x_flat * noop_flat_weights

    experts_flat_weights = topk_flat_weights[:, :-1]
    experts_routing_mask = (experts_flat_weights > 0).astype(jnp.int32)

    # sort each expert column descending by mask (selected tokens first)
    sorted_indices = jnp.argsort(-experts_routing_mask, axis=0)
    sorted_mask = jnp.take_along_axis(experts_routing_mask, sorted_indices, axis=0)
    sorted_mask = sorted_mask[:expert_capacity]
    sorted_indices = sorted_indices[:expert_capacity]

    used_tokens_indices = (sorted_indices * sorted_mask).reshape(-1)
    inputs_tokens = jnp.take(x_flat, used_tokens_indices, axis=0) * sorted_mask.reshape(-1)[:, None].astype(x.dtype)
    inputs_tokens = inputs_tokens.reshape(expert_capacity, num_experts - 1, hidden_size)
    inputs_weights = jnp.take_along_axis(experts_flat_weights, sorted_indices, axis=0)

    out = jnp.einsum('ceh,ehi->cei', inputs_tokens, experts_inter)
    out = jax.nn.relu(out)
    out = jnp.einsum('cei,eih->ceh', out, experts_out)
    out = out * inputs_weights[..., None]
    out = out.reshape(-1, hidden_size)

    expert_embeddings = jnp.zeros_like(x_flat).at[used_tokens_indices].add(out)
    expert_embeddings = expert_embeddings + noop_routed
    return expert_embeddings.reshape(batch_size, seq_len, hidden_size)

if __name__ == "__main__":
    import jax
    _d = setup_inputs()
    print(jax.jit(kernel)(*tuple(_d.values())))

</pallas_src>

<mosaic_0001>
#map = affine_map<(d0, d1) -> (0, 0)>
module attributes {stable_mosaic.version = 14 : i64} {
  func.func @_dispatch(%arg0: i32, %arg1: i32, %arg2: memref<16384x768xf32, #tpu.memory_space<hbm>>, %arg3: memref<4x8208xi32, #tpu.memory_space<hbm>>, %arg4: memref<8192x768xf32, #tpu.memory_space<hbm>>, %arg5: memref<4x256xi32, #tpu.memory_space<vmem>>, %arg6: memref<256xi32, #tpu.memory_space<vmem>>, %arg7: memref<64x768xf32, #tpu.memory_space<vmem>>, %arg8: memref<64x768xf32, #tpu.memory_space<vmem>>, %arg9: memref<!tpu.dma_semaphore, #tpu.memory_space<semaphore_mem>>, %arg10: memref<!tpu.dma_semaphore, #tpu.memory_space<semaphore_mem>>, %arg11: memref<!tpu.dma_semaphore, #tpu.memory_space<semaphore_mem>>, %arg12: memref<!tpu.dma_semaphore, #tpu.memory_space<semaphore_mem>>) attributes {dimension_semantics = [#tpu.dimension_semantics<core_parallel>, #tpu.dimension_semantics<subcore_parallel>], iteration_bounds = array<i64: 2, 16>, scalar_prefetch = 0 : i64, scratch_operands = 8 : i64, tpu.core_type = #tpu.core_type<sc_vector_subcore>, window_params = [{transform_indices = #map}, {transform_indices = #map}, {transform_indices = #map}]} {
    %mul3A = arith.constant 2 : i32
    %mul3A_0 = arith.muli %arg1, %mul3A : i32
    %add3A = arith.addi %mul3A_0, %arg0 : i32
    %mul3A_1 = arith.constant 256 : i32
    %mul3A_2 = arith.muli %add3A, %mul3A_1 : i32
    "tpu.region"() ({
      %run_scoped3A = tpu.sem_alloc : memref<!tpu.dma_semaphore, #tpu.memory_space<semaphore_mem>>
      %dma_start3A_558 = arith.constant 0 : i32
      %dma_start3A_559 = tpu.memref_slice %arg3[%dma_start3A_558, %mul3A_2] : memref<4x8208xi32, #tpu.memory_space<hbm>> -> memref<4x256xi32, #tpu.memory_space<hbm>>
      %dma_start3A_560 = arith.constant 0 : i32
      %dma_start3A_561 = tpu.memref_slice %arg3[%dma_start3A_560, %mul3A_2] : memref<4x8208xi32, #tpu.memory_space<hbm>> -> memref<4x256xi32, #tpu.memory_space<hbm>>
      tpu.enqueue_dma source(%dma_start3A_561 : memref<4x256xi32, #tpu.memory_space<hbm>>) target(%arg5 : memref<4x256xi32, #tpu.memory_space<vmem>>) target_semaphore(%run_scoped3A : memref<!tpu.dma_semaphore, #tpu.memory_space<semaphore_mem>>)
      %dma_wait3A_562 = arith.constant 0 : i32
      %dma_wait3A_563 = tpu.memref_slice %arg3[%dma_wait3A_562, %mul3A_2] : memref<4x8208xi32, #tpu.memory_space<hbm>> -> memref<4x256xi32, #tpu.memory_space<hbm>>
      %dma_wait3A_564 = arith.constant 0 : i32
      %dma_wait3A_565 = tpu.memref_slice %arg3[%dma_wait3A_564, %mul3A_2] : memref<4x8208xi32, #tpu.memory_space<hbm>> -> memref<4x256xi32, #tpu.memory_space<hbm>>
      tpu.wait_dma2 semaphore(%run_scoped3A : memref<!tpu.dma_semaphore, #tpu.memory_space<semaphore_mem>>) src(%dma_wait3A_565 : memref<4x256xi32, #tpu.memory_space<hbm>>) dst(%arg5 : memref<4x256xi32, #tpu.memory_space<vmem>>)
      tpu.yield
    }) : () -> ()
    %get3A = arith.constant 0 : i32
    %get3A_3 = arith.index_cast %get3A : i32 to index
    %get3A_4 = arith.constant 0 : index
    %get3A_5 = tpu.vector_load %arg5[%get3A_3, %get3A_4] {strides = array<i32>} : memref<4x256xi32, #tpu.memory_space<vmem>>, vector<1x16xi32>,
    %get3A_6 = vector.shape_cast %get3A_5 : vector<1x16xi32> to vector<16xi32>
    %get3A_7 = arith.constant 1 : i32
    %get3A_8 = arith.index_cast %get3A_7 : i32 to index
    %get3A_9 = arith.constant 0 : index
    %get3A_10 = tpu.vector_load %arg5[%get3A_8, %get3A_9] {strides = array<i32>} : memref<4x256xi32, #tpu.memory_space<vmem>>, vector<1x16xi32>,
    %get3A_11 = vector.shape_cast %get3A_10 : vector<1x16xi32> to vector<16xi32>
    %add3A_12 = arith.addi %get3A_6, %get3A_11 : vector<16xi32>
    %get3A_13 = arith.constant 2 : i32
    %get3A_14 = arith.index_cast %get3A_13 : i32 to index
    %get3A_15 = arith.constant 0 : index
    %get3A_16 = tpu.vector_load %arg5[%get3A_14, %get3A_15] {strides = array<i32>} : memref<4x256xi32, #tpu.memory_space<vmem>>, vector<1x16xi32>,
    %get3A_17 = vector.shape_cast %get3A_16 : vector<1x16xi32> to vector<16xi32>
    %add3A_18 = arith.addi %add3A_12, %get3A_17 : vector<16xi32>
    %get3A_19 = arith.constant 3 : i32
    %get3A_20 = arith.index_cast %get3A_19 : i32 to index
    %get3A_21 = arith.constant 0 : index
    %get3A_22 = tpu.vector_load %arg5[%get3A_20, %get3A_21] {strides = array<i32>} : memref<4x256xi32, #tpu.memory_space<vmem>>, vector<1x16xi32>,
    %get3A_23 = vector.shape_cast %get3A_22 : vector<1x16xi32> to vector<16xi32>
    %add3A_24 = arith.addi %add3A_18, %get3A_23 : vector<16xi32>
    %min3A = arith.constant 16383 : i32
    %min3A_25 = vector.broadcast %min3A : i32 to vector<16xi32>
    %min3A_26 = arith.minsi %add3A_24, %min3A_25 : vector<16xi32>
    %swap3A = arith.constant 0 : index
    %swap3A_27 = tpu.vector_load %arg6[%swap3A] {strides = array<i32>} : memref<256xi32, #tpu.memory_space<vmem>>, vector<16xi32>,
    %swap3A_28 = vector.shape_cast %swap3A_27 : vector<16xi32> to vector<16xi32>
    %swap3A_29 = vector.shape_cast %min3A_26 : vector<16xi32> to vector<16xi32>
    tpu.vector_store %arg6[%swap3A], %swap3A_29 {strides = array<i32>} : memref<256xi32, #tpu.memory_space<vmem>>, vector<16xi32>,
    %get3A_30 = arith.constant 0 : i32
    %get3A_31 = arith.index_cast %get3A_30 : i32 to index
    %get3A_32 = arith.constant 16 : index
    %get3A_33 = tpu.vector_load %arg5[%get3A_31, %get3A_32] {strides = array<i32>} : memref<4x256xi32, #tpu.memory_space<vmem>>, vector<1x16xi32>,
    %get3A_34 = vector.shape_cast %get3A_33 : vector<1x16xi32> to vector<16xi32>
    %get3A_35 = arith.constant 1 : i32
    %get3A_36 = arith.index_cast %get3A_35 : i32 to index
    %get3A_37 = arith.constant 16 : index
    %get3A_38 = tpu.vector_load %arg5[%get3A_36, %get3A_37] {strides = array<i32>} : memref<4x256xi32, #tpu.memory_space<vmem>>, vector<1x16xi32>,
    %get3A_39 = vector.shape_cast %get3A_38 : vector<1x16xi32> to vector<16xi32>
    %add3A_40 = arith.addi %get3A_34, %get3A_39 : vector<16xi32>
    %get3A_41 = arith.constant 2 : i32
    %get3A_42 = arith.index_cast %get3A_41 : i32 to index
    %get3A_43 = arith.constant 16 : index
    %get3A_44 = tpu.vector_load %arg5[%get3A_42, %get3A_43] {strides = array<i32>} : memref<4x256xi32, #tpu.memory_space<vmem>>, vector<1x16xi32>,
    %get3A_45 = vector.shape_cast %get3A_44 : vector<1x16xi32> to vector<16xi32>
    %add3A_46 = arith.addi %add3A_40, %get3A_45 : vector<16xi32>
    %get3A_47 = arith.constant 3 : i32
    %get3A_48 = arith.index_cast %get3A_47 : i32 to index
    %get3A_49 = arith.constant 16 : index
    %get3A_50 = tpu.vector_load %arg5[%get3A_48, %get3A_49] {strides = array<i32>} : memref<4x256xi32, #tpu.memory_space<vmem>>, vector<1x16xi32>,
    %get3A_51 = vector.shape_cast %get3A_50 : vector<1x16xi32> to vector<16xi32>
    %add3A_52 = arith.addi %add3A_46, %get3A_51 : vector<16xi32>
    %min3A_53 = arith.constant 16383 : i32
    %min3A_54 = vector.broadcast %min3A_53 : i32 to vector<16xi32>
    %min3A_55 = arith.minsi %add3A_52, %min3A_54 : vector<16xi32>
    %swap3A_56 = arith.constant 16 : index
    %swap3A_57 = tpu.vector_load %arg6[%swap3A_56] {strides = array<i32>} : memref<256xi32, #tpu.memory_space<vmem>>, vector<16xi32>,
    %swap3A_58 = vector.shape_cast %swap3A_57 : vector<16xi32> to vector<16xi32>
    %swap3A_59 = vector.shape_cast %min3A_55 : vector<16xi32> to vector<16xi32>
    tpu.vector_store %arg6[%swap3A_56], %swap3A_59 {strides = array<i32>} : memref<256xi32, #tpu.memory_space<vmem>>, vector<16xi32>,
    %get3A_60 = arith.constant 0 : i32
    %get3A_61 = arith.index_cast %get3A_60 : i32 to index
    %get3A_62 = arith.constant 32 : index
    %get3A_63 = tpu.vector_load %arg5[%get3A_61, %get3A_62] {strides = array<i32>} : memref<4x256xi32, #tpu.memory_space<vmem>>, vector<1x16xi32>,
    %get3A_64 = vector.shape_cast %get3A_63 : vector<1x16xi32> to vector<16xi32>
    %get3A_65 = arith.constant 1 : i32
    %get3A_66 = arith.index_cast %get3A_65 : i32 to index
    %get3A_67 = arith.constant 32 : index
    %get3A_68 = tpu.vector_load %arg5[%get3A_66, %get3A_67] {strides = array<i32>} : memref<4x256xi32, #tpu.memory_space<vmem>>, vector<1x16xi32>,
    %get3A_69 = vector.shape_cast %get3A_68 : vector<1x16xi32> to vector<16xi32>
    %add3A_70 = arith.addi %get3A_64, %get3A_69 : vector<16xi32>
    %get3A_71 = arith.constant 2 : i32
    %get3A_72 = arith.index_cast %get3A_71 : i32 to index
    %get3A_73 = arith.constant 32 : index
    %get3A_74 = tpu.vector_load %arg5[%get3A_72, %get3A_73] {strides = array<i32>} : memref<4x256xi32, #tpu.memory_space<vmem>>, vector<1x16xi32>,
    %get3A_75 = vector.shape_cast %get3A_74 : vector<1x16xi32> to vector<16xi32>
    %add3A_76 = arith.addi %add3A_70, %get3A_75 : vector<16xi32>
    %get3A_77 = arith.constant 3 : i32
    %get3A_78 = arith.index_cast %get3A_77 : i32 to index
    %get3A_79 = arith.constant 32 : index
    %get3A_80 = tpu.vector_load %arg5[%get3A_78, %get3A_79] {strides = array<i32>} : memref<4x256xi32, #tpu.memory_space<vmem>>, vector<1x16xi32>,
    %get3A_81 = vector.shape_cast %get3A_80 : vector<1x16xi32> to vector<16xi32>
    %add3A_82 = arith.addi %add3A_76, %get3A_81 : vector<16xi32>
    %min3A_83 = arith.constant 16383 : i32
    %min3A_84 = vector.broadcast %min3A_83 : i32 to vector<16xi32>
    %min3A_85 = arith.minsi %add3A_82, %min3A_84 : vector<16xi32>
    %swap3A_86 = arith.constant 32 : index
    %swap3A_87 = tpu.vector_load %arg6[%swap3A_86] {strides = array<i32>} : memref<256xi32, #tpu.memory_space<vmem>>, vector<16xi32>,
    %swap3A_88 = vector.shape_cast %swap3A_87 : vector<16xi32> to vector<16xi32>
    %swap3A_89 = vector.shape_cast %min3A_85 : vector<16xi32> to vector<16xi32>
    tpu.vector_store %arg6[%swap3A_86], %swap3A_89 {strides = array<i32>} : memref<256xi32, #tpu.memory_space<vmem>>, vector<16xi32>,
    %get3A_90 = arith.constant 0 : i32
    %get3A_91 = arith.index_cast %get3A_90 : i32 to index
    %get3A_92 = arith.constant 48 : index
    %get3A_93 = tpu.vector_load %arg5[%get3A_91, %get3A_92] {strides = array<i32>} : memref<4x256xi32, #tpu.memory_space<vmem>>, vector<1x16xi32>,
    %get3A_94 = vector.shape_cast %get3A_93 : vector<1x16xi32> to vector<16xi32>
    %get3A_95 = arith.constant 1 : i32
    %get3A_96 = arith.index_cast %get3A_95 : i32 to index
    %get3A_97 = arith.constant 48 : index
    %get3A_98 = tpu.vector_load %arg5[%get3A_96, %get3A_97] {strides = array<i32>} : memref<4x256xi32, #tpu.memory_space<vmem>>, vector<1x16xi32>,
    %get3A_99 = vector.shape_cast %get3A_98 : vector<1x16xi32> to vector<16xi32>
    %add3A_100 = arith.addi %get3A_94, %get3A_99 : vector<16xi32>
    %get3A_101 = arith.constant 2 : i32
    %get3A_102 = arith.index_cast %get3A_101 : i32 to index
    %get3A_103 = arith.constant 48 : index
    %get3A_104 = tpu.vector_load %arg5[%get3A_102, %get3A_103] {strides = array<i32>} : memref<4x256xi32, #tpu.memory_space<vmem>>, vector<1x16xi32>,
    %get3A_105 = vector.shape_cast %get3A_104 : vector<1x16xi32> to vector<16xi32>
    %add3A_106 = arith.addi %add3A_100, %get3A_105 : vector<16xi32>
    %get3A_107 = arith.constant 3 : i32
    %get3A_108 = arith.index_cast %get3A_107 : i32 to index
    %get3A_109 = arith.constant 48 : index
    %get3A_110 = tpu.vector_load %arg5[%get3A_108, %get3A_109] {strides = array<i32>} : memref<4x256xi32, #tpu.memory_space<vmem>>, vector<1x16xi32>,
    %get3A_111 = vector.shape_cast %get3A_110 : vector<1x16xi32> to vector<16xi32>
    %add3A_112 = arith.addi %add3A_106, %get3A_111 : vector<16xi32>
    %min3A_113 = arith.constant 16383 : i32
    %min3A_114 = vector.broadcast %min3A_113 : i32 to vector<16xi32>
    %min3A_115 = arith.minsi %add3A_112, %min3A_114 : vector<16xi32>
    %swap3A_116 = arith.constant 48 : index
    %swap3A_117 = tpu.vector_load %arg6[%swap3A_116] {strides = array<i32>} : memref<256xi32, #tpu.memory_space<vmem>>, vector<16xi32>,
    %swap3A_118 = vector.shape_cast %swap3A_117 : vector<16xi32> to vector<16xi32>
    %swap3A_119 = vector.shape_cast %min3A_115 : vector<16xi32> to vector<16xi32>
    tpu.vector_store %arg6[%swap3A_116], %swap3A_119 {strides = array<i32>} : memref<256xi32, #tpu.memory_space<vmem>>, vector<16xi32>,
    %get3A_120 = arith.constant 0 : i32
    %get3A_121 = arith.index_cast %get3A_120 : i32 to index
    %get3A_122 = arith.constant 64 : index
    %get3A_123 = tpu.vector_load %arg5[%get3A_121, %get3A_122] {strides = array<i32>} : memref<4x256xi32, #tpu.memory_space<vmem>>, vector<1x16xi32>,
    %get3A_124 = vector.shape_cast %get3A_123 : vector<1x16xi32> to vector<16xi32>
    %get3A_125 = arith.constant 1 : i32
    %get3A_126 = arith.index_cast %get3A_125 : i32 to index
    %get3A_127 = arith.constant 64 : index
    %get3A_128 = tpu.vector_load %arg5[%get3A_126, %get3A_127] {strides = array<i32>} : memref<4x256xi32, #tpu.memory_space<vmem>>, vector<1x16xi32>,
    %get3A_129 = vector.shape_cast %get3A_128 : vector<1x16xi32> to vector<16xi32>
    %add3A_130 = arith.addi %get3A_124, %get3A_129 : vector<16xi32>
    %get3A_131 = arith.constant 2 : i32
    %get3A_132 = arith.index_cast %get3A_131 : i32 to index
    %get3A_133 = arith.constant 64 : index
    %get3A_134 = tpu.vector_load %arg5[%get3A_132, %get3A_133] {strides = array<i32>} : memref<4x256xi32, #tpu.memory_space<vmem>>, vector<1x16xi32>,
    %get3A_135 = vector.shape_cast %get3A_134 : vector<1x16xi32> to vector<16xi32>
    %add3A_136 = arith.addi %add3A_130, %get3A_135 : vector<16xi32>
    %get3A_137 = arith.constant 3 : i32
    %get3A_138 = arith.index_cast %get3A_137 : i32 to index
    %get3A_139 = arith.constant 64 : index
    %get3A_140 = tpu.vector_load %arg5[%get3A_138, %get3A_139] {strides = array<i32>} : memref<4x256xi32, #tpu.memory_space<vmem>>, vector<1x16xi32>,
    %get3A_141 = vector.shape_cast %get3A_140 : vector<1x16xi32> to vector<16xi32>
    %add3A_142 = arith.addi %add3A_136, %get3A_141 : vector<16xi32>
    %min3A_143 = arith.constant 16383 : i32
    %min3A_144 = vector.broadcast %min3A_143 : i32 to vector<16xi32>
    %min3A_145 = arith.minsi %add3A_142, %min3A_144 : vector<16xi32>
    %swap3A_146 = arith.constant 64 : index
    %swap3A_147 = tpu.vector_load %arg6[%swap3A_146] {strides = array<i32>} : memref<256xi32, #tpu.memory_space<vmem>>, vector<16xi32>,
    %swap3A_148 = vector.shape_cast %swap3A_147 : vector<16xi32> to vector<16xi32>
    %swap3A_149 = vector.shape_cast %min3A_145 : vector<16xi32> to vector<16xi32>
    tpu.vector_store %arg6[%swap3A_146], %swap3A_149 {strides = array<i32>} : memref<256xi32, #tpu.memory_space<vmem>>, vector<16xi32>,
    %get3A_150 = arith.constant 0 : i32
    %get3A_151 = arith.index_cast %get3A_150 : i32 to index
    %get3A_152 = arith.constant 80 : index
    %get3A_153 = tpu.vector_load %arg5[%get3A_151, %get3A_152] {strides = array<i32>} : memref<4x256xi32, #tpu.memory_space<vmem>>, vector<1x16xi32>,
    %get3A_154 = vector.shape_cast %get3A_153 : vector<1x16xi32> to vector<16xi32>
    %get3A_155 = arith.constant 1 : i32
    %get3A_156 = arith.index_cast %get3A_155 : i32 to index
    %get3A_157 = arith.constant 80 : index
    %get3A_158 = tpu.vector_load %arg5[%get3A_156, %get3A_157] {strides = array<i32>} : memref<4x256xi32, #tpu.memory_space<vmem>>, vector<1x16xi32>,
    %get3A_159 = vector.shape_cast %get3A_158 : vector<1x16xi32> to vector<16xi32>
    %add3A_160 = arith.addi %get3A_154, %get3A_159 : vector<16xi32>
    %get3A_161 = arith.constant 2 : i32
    %get3A_162 = arith.index_cast %get3A_161 : i32 to index
    %get3A_163 = arith.constant 80 : index
    %get3A_164 = tpu.vector_load %arg5[%get3A_162, %get3A_163] {strides = array<i32>} : memref<4x256xi32, #tpu.memory_space<vmem>>, vector<1x16xi32>,
    %get3A_165 = vector.shape_cast %get3A_164 : vector<1x16xi32> to vector<16xi32>
    %add3A_166 = arith.addi %add3A_160, %get3A_165 : vector<16xi32>
    %get3A_167 = arith.constant 3 : i32
    %get3A_168 = arith.index_cast %get3A_167 : i32 to index
    %get3A_169 = arith.constant 80 : index
    %get3A_170 = tpu.vector_load %arg5[%get3A_168, %get3A_169] {strides = array<i32>} : memref<4x256xi32, #tpu.memory_space<vmem>>, vector<1x16xi32>,
    %get3A_171 = vector.shape_cast %get3A_170 : vector<1x16xi32> to vector<16xi32>
    %add3A_172 = arith.addi %add3A_166, %get3A_171 : vector<16xi32>
    %min3A_173 = arith.constant 16383 : i32
    %min3A_174 = vector.broadcast %min3A_173 : i32 to vector<16xi32>
    %min3A_175 = arith.minsi %add3A_172, %min3A_174 : vector<16xi32>
    %swap3A_176 = arith.constant 80 : index
    %swap3A_177 = tpu.vector_load %arg6[%swap3A_176] {strides = array<i32>} : memref<256xi32, #tpu.memory_space<vmem>>, vector<16xi32>,
    %swap3A_178 = vector.shape_cast %swap3A_177 : vector<16xi32> to vector<16xi32>
    %swap3A_179 = vector.shape_cast %min3A_175 : vector<16xi32> to vector<16xi32>
    tpu.vector_store %arg6[%swap3A_176], %swap3A_179 {strides = array<i32>} : memref<256xi32, #tpu.memory_space<vmem>>, vector<16xi32>,
    %get3A_180 = arith.constant 0 : i32
    %get3A_181 = arith.index_cast %get3A_180 : i32 to index
    %get3A_182 = arith.constant 96 : index
    %get3A_183 = tpu.vector_load %arg5[%get3A_181, %get3A_182] {strides = array<i32>} : memref<4x256xi32, #tpu.memory_space<vmem>>, vector<1x16xi32>,
    %get3A_184 = vector.shape_cast %get3A_183 : vector<1x16xi32> to vector<16xi32>
    %get3A_185 = arith.constant 1 : i32
    %get3A_186 = arith.index_cast %get3A_185 : i32 to index
    %get3A_187 = arith.constant 96 : index
    %get3A_188 = tpu.vector_load %arg5[%get3A_186, %get3A_187] {strides = array<i32>} : memref<4x256xi32, #tpu.memory_space<vmem>>, vector<1x16xi32>,
    %get3A_189 = vector.shape_cast %get3A_188 : vector<1x16xi32> to vector<16xi32>
    %add3A_190 = arith.addi %get3A_184, %get3A_189 : vector<16xi32>
    %get3A_191 = arith.constant 2 : i32
    %get3A_192 = arith.index_cast %get3A_191 : i32 to index
    %get3A_193 = arith.constant 96 : index
    %get3A_194 = tpu.vector_load %arg5[%get3A_192, %get3A_193] {strides = array<i32>} : memref<4x256xi32, #tpu.memory_space<vmem>>, vector<1x16xi32>,
    %get3A_195 = vector.shape_cast %get3A_194 : vector<1x16xi32> to vector<16xi32>
    %add3A_196 = arith.addi %add3A_190, %get3A_195 : vector<16xi32>
    %get3A_197 = arith.constant 3 : i32
    %get3A_198 = arith.index_cast %get3A_197 : i32 to index
    %get3A_199 = arith.constant 96 : index
    %get3A_200 = tpu.vector_load %arg5[%get3A_198, %get3A_199] {strides = array<i32>} : memref<4x256xi32, #tpu.memory_space<vmem>>, vector<1x16xi32>,
    %get3A_201 = vector.shape_cast %get3A_200 : vector<1x16xi32> to vector<16xi32>
    %add3A_202 = arith.addi %add3A_196, %get3A_201 : vector<16xi32>
    %min3A_203 = arith.constant 16383 : i32
    %min3A_204 = vector.broadcast %min3A_203 : i32 to vector<16xi32>
    %min3A_205 = arith.minsi %add3A_202, %min3A_204 : vector<16xi32>
    %swap3A_206 = arith.constant 96 : index
    %swap3A_207 = tpu.vector_load %arg6[%swap3A_206] {strides = array<i32>} : memref<256xi32, #tpu.memory_space<vmem>>, vector<16xi32>,
    %swap3A_208 = vector.shape_cast %swap3A_207 : vector<16xi32> to vector<16xi32>
    %swap3A_209 = vector.shape_cast %min3A_205 : vector<16xi32> to vector<16xi32>
    tpu.vector_store %arg6[%swap3A_206], %swap3A_209 {strides = array<i32>} : memref<256xi32, #tpu.memory_space<vmem>>, vector<16xi32>,
    %get3A_210 = arith.constant 0 : i32
    %get3A_211 = arith.index_cast %get3A_210 : i32 to index
    %get3A_212 = arith.constant 112 : index
    %get3A_213 = tpu.vector_load %arg5[%get3A_211, %get3A_212] {strides = array<i32>} : memref<4x256xi32, #tpu.memory_space<vmem>>, vector<1x16xi32>,
    %get3A_214 = vector.shape_cast %get3A_213 : vector<1x16xi32> to vector<16xi32>
    %get3A_215 = arith.constant 1 : i32
    %get3A_216 = arith.index_cast %get3A_215 : i32 to index
    %get3A_217 = arith.constant 112 : index
    %get3A_218 = tpu.vector_load %arg5[%get3A_216, %get3A_217] {strides = array<i32>} : memref<4x256xi32, #tpu.memory_space<vmem>>, vector<1x16xi32>,
    %get3A_219 = vector.shape_cast %get3A_218 : vector<1x16xi32> to vector<16xi32>
    %add3A_220 = arith.addi %get3A_214, %get3A_219 : vector<16xi32>
    %get3A_221 = arith.constant 2 : i32
    %get3A_222 = arith.index_cast %get3A_221 : i32 to index
    %get3A_223 = arith.constant 112 : index
    %get3A_224 = tpu.vector_load %arg5[%get3A_222, %get3A_223] {strides = array<i32>} : memref<4x256xi32, #tpu.memory_space<vmem>>, vector<1x16xi32>,
    %get3A_225 = vector.shape_cast %get3A_224 : vector<1x16xi32> to vector<16xi32>
    %add3A_226 = arith.addi %add3A_220, %get3A_225 : vector<16xi32>
    %get3A_227 = arith.constant 3 : i32
    %get3A_228 = arith.index_cast %get3A_227 : i32 to index
    %get3A_229 = arith.constant 112 : index
    %get3A_230 = tpu.vector_load %arg5[%get3A_228, %get3A_229] {strides = array<i32>} : memref<4x256xi32, #tpu.memory_space<vmem>>, vector<1x16xi32>,
    %get3A_231 = vector.shape_cast %get3A_230 : vector<1x16xi32> to vector<16xi32>
    %add3A_232 = arith.addi %add3A_226, %get3A_231 : vector<16xi32>
    %min3A_233 = arith.constant 16383 : i32
    %min3A_234 = vector.broadcast %min3A_233 : i32 to vector<16xi32>
    %min3A_235 = arith.minsi %add3A_232, %min3A_234 : vector<16xi32>
    %swap3A_236 = arith.constant 112 : index
    %swap3A_237 = tpu.vector_load %arg6[%swap3A_236] {strides = array<i32>} : memref<256xi32, #tpu.memory_space<vmem>>, vector<16xi32>,
    %swap3A_238 = vector.shape_cast %swap3A_237 : vector<16xi32> to vector<16xi32>
    %swap3A_239 = vector.shape_cast %min3A_235 : vector<16xi32> to vector<16xi32>
    tpu.vector_store %arg6[%swap3A_236], %swap3A_239 {strides = array<i32>} : memref<256xi32, #tpu.memory_space<vmem>>, vector<16xi32>,
    %get3A_240 = arith.constant 0 : i32
    %get3A_241 = arith.index_cast %get3A_240 : i32 to index
    %get3A_242 = arith.constant 128 : index
    %get3A_243 = tpu.vector_load %arg5[%get3A_241, %get3A_242] {strides = array<i32>} : memref<4x256xi32, #tpu.memory_space<vmem>>, vector<1x16xi32>,
    %get3A_244 = vector.shape_cast %get3A_243 : vector<1x16xi32> to vector<16xi32>
    %get3A_245 = arith.constant 1 : i32
    %get3A_246 = arith.index_cast %get3A_245 : i32 to index
    %get3A_247 = arith.constant 128 : index
    %get3A_248 = tpu.vector_load %arg5[%get3A_246, %get3A_247] {strides = array<i32>} : memref<4x256xi32, #tpu.memory_space<vmem>>, vector<1x16xi32>,
    %get3A_249 = vector.shape_cast %get3A_248 : vector<1x16xi32> to vector<16xi32>
    %add3A_250 = arith.addi %get3A_244, %get3A_249 : vector<16xi32>
    %get3A_251 = arith.constant 2 : i32
    %get3A_252 = arith.index_cast %get3A_251 : i32 to index
    %get3A_253 = arith.constant 128 : index
    %get3A_254 = tpu.vector_load %arg5[%get3A_252, %get3A_253] {strides = array<i32>} : memref<4x256xi32, #tpu.memory_space<vmem>>, vector<1x16xi32>,
    %get3A_255 = vector.shape_cast %get3A_254 : vector<1x16xi32> to vector<16xi32>
    %add3A_256 = arith.addi %add3A_250, %get3A_255 : vector<16xi32>
    %get3A_257 = arith.constant 3 : i32
    %get3A_258 = arith.index_cast %get3A_257 : i32 to index
    %get3A_259 = arith.constant 128 : index
    %get3A_260 = tpu.vector_load %arg5[%get3A_258, %get3A_259] {strides = array<i32>} : memref<4x256xi32, #tpu.memory_space<vmem>>, vector<1x16xi32>,
    %get3A_261 = vector.shape_cast %get3A_260 : vector<1x16xi32> to vector<16xi32>
    %add3A_262 = arith.addi %add3A_256, %get3A_261 : vector<16xi32>
    %min3A_263 = arith.constant 16383 : i32
    %min3A_264 = vector.broadcast %min3A_263 : i32 to vector<16xi32>
    %min3A_265 = arith.minsi %add3A_262, %min3A_264 : vector<16xi32>
    %swap3A_266 = arith.constant 128 : index
    %swap3A_267 = tpu.vector_load %arg6[%swap3A_266] {strides = array<i32>} : memref<256xi32, #tpu.memory_space<vmem>>, vector<16xi32>,
    %swap3A_268 = vector.shape_cast %swap3A_267 : vector<16xi32> to vector<16xi32>
    %swap3A_269 = vector.shape_cast %min3A_265 : vector<16xi32> to vector<16xi32>
    tpu.vector_store %arg6[%swap3A_266], %swap3A_269 {strides = array<i32>} : memref<256xi32, #tpu.memory_space<vmem>>, vector<16xi32>,
    %get3A_270 = arith.constant 0 : i32
    %get3A_271 = arith.index_cast %get3A_270 : i32 to index
    %get3A_272 = arith.constant 144 : index
    %get3A_273 = tpu.vector_load %arg5[%get3A_271, %get3A_272] {strides = array<i32>} : memref<4x256xi32, #tpu.memory_space<vmem>>, vector<1x16xi32>,
    %get3A_274 = vector.shape_cast %get3A_273 : vector<1x16xi32> to vector<16xi32>
    %get3A_275 = arith.constant 1 : i32
    %get3A_276 = arith.index_cast %get3A_275 : i32 to index
    %get3A_277 = arith.constant 144 : index
    %get3A_278 = tpu.vector_load %arg5[%get3A_276, %get3A_277] {strides = array<i32>} : memref<4x256xi32, #tpu.memory_space<vmem>>, vector<1x16xi32>,
    %get3A_279 = vector.shape_cast %get3A_278 : vector<1x16xi32> to vector<16xi32>
    %add3A_280 = arith.addi %get3A_274, %get3A_279 : vector<16xi32>
    %get3A_281 = arith.constant 2 : i32
    %get3A_282 = arith.index_cast %get3A_281 : i32 to index
    %get3A_283 = arith.constant 144 : index
    %get3A_284 = tpu.vector_load %arg5[%get3A_282, %get3A_283] {strides = array<i32>} : memref<4x256xi32, #tpu.memory_space<vmem>>, vector<1x16xi32>,
    %get3A_285 = vector.shape_cast %get3A_284 : vector<1x16xi32> to vector<16xi32>
    %add3A_286 = arith.addi %add3A_280, %get3A_285 : vector<16xi32>
    %get3A_287 = arith.constant 3 : i32
    %get3A_288 = arith.index_cast %get3A_287 : i32 to index
    %get3A_289 = arith.constant 144 : index
    %get3A_290 = tpu.vector_load %arg5[%get3A_288, %get3A_289] {strides = array<i32>} : memref<4x256xi32, #tpu.memory_space<vmem>>, vector<1x16xi32>,
    %get3A_291 = vector.shape_cast %get3A_290 : vector<1x16xi32> to vector<16xi32>
    %add3A_292 = arith.addi %add3A_286, %get3A_291 : vector<16xi32>
    %min3A_293 = arith.constant 16383 : i32
    %min3A_294 = vector.broadcast %min3A_293 : i32 to vector<16xi32>
    %min3A_295 = arith.minsi %add3A_292, %min3A_294 : vector<16xi32>
    %swap3A_296 = arith.constant 144 : index
    %swap3A_297 = tpu.vector_load %arg6[%swap3A_296] {strides = array<i32>} : memref<256xi32, #tpu.memory_space<vmem>>, vector<16xi32>,
    %swap3A_298 = vector.shape_cast %swap3A_297 : vector<16xi32> to vector<16xi32>
    %swap3A_299 = vector.shape_cast %min3A_295 : vector<16xi32> to vector<16xi32>
    tpu.vector_store %arg6[%swap3A_296], %swap3A_299 {strides = array<i32>} : memref<256xi32, #tpu.memory_space<vmem>>, vector<16xi32>,
    %get3A_300 = arith.constant 0 : i32
    %get3A_301 = arith.index_cast %get3A_300 : i32 to index
    %get3A_302 = arith.constant 160 : index
    %get3A_303 = tpu.vector_load %arg5[%get3A_301, %get3A_302] {strides = array<i32>} : memref<4x256xi32, #tpu.memory_space<vmem>>, vector<1x16xi32>,
    %get3A_304 = vector.shape_cast %get3A_303 : vector<1x16xi32> to vector<16xi32>
    %get3A_305 = arith.constant 1 : i32
    %get3A_306 = arith.index_cast %get3A_305 : i32 to index
    %get3A_307 = arith.constant 160 : index
    %get3A_308 = tpu.vector_load %arg5[%get3A_306, %get3A_307] {strides = array<i32>} : memref<4x256xi32, #tpu.memory_space<vmem>>, vector<1x16xi32>,
    %get3A_309 = vector.shape_cast %get3A_308 : vector<1x16xi32> to vector<16xi32>
    %add3A_310 = arith.addi %get3A_304, %get3A_309 : vector<16xi32>
    %get3A_311 = arith.constant 2 : i32
    %get3A_312 = arith.index_cast %get3A_311 : i32 to index
    %get3A_313 = arith.constant 160 : index
    %get3A_314 = tpu.vector_load %arg5[%get3A_312, %get3A_313] {strides = array<i32>} : memref<4x256xi32, #tpu.memory_space<vmem>>, vector<1x16xi32>,
    %get3A_315 = vector.shape_cast %get3A_314 : vector<1x16xi32> to vector<16xi32>
    %add3A_316 = arith.addi %add3A_310, %get3A_315 : vector<16xi32>
    %get3A_317 = arith.constant 3 : i32
    %get3A_318 = arith.index_cast %get3A_317 : i32 to index
    %get3A_319 = arith.constant 160 : index
    %get3A_320 = tpu.vector_load %arg5[%get3A_318, %get3A_319] {strides = array<i32>} : memref<4x256xi32, #tpu.memory_space<vmem>>, vector<1x16xi32>,
    %get3A_321 = vector.shape_cast %get3A_320 : vector<1x16xi32> to vector<16xi32>
    %add3A_322 = arith.addi %add3A_316, %get3A_321 : vector<16xi32>
    %min3A_323 = arith.constant 16383 : i32
    %min3A_324 = vector.broadcast %min3A_323 : i32 to vector<16xi32>
    %min3A_325 = arith.minsi %add3A_322, %min3A_324 : vector<16xi32>
    %swap3A_326 = arith.constant 160 : index
    %swap3A_327 = tpu.vector_load %arg6[%swap3A_326] {strides = array<i32>} : memref<256xi32, #tpu.memory_space<vmem>>, vector<16xi32>,
    %swap3A_328 = vector.shape_cast %swap3A_327 : vector<16xi32> to vector<16xi32>
    %swap3A_329 = vector.shape_cast %min3A_325 : vector<16xi32> to vector<16xi32>
    tpu.vector_store %arg6[%swap3A_326], %swap3A_329 {strides = array<i32>} : memref<256xi32, #tpu.memory_space<vmem>>, vector<16xi32>,
    %get3A_330 = arith.constant 0 : i32
    %get3A_331 = arith.index_cast %get3A_330 : i32 to index
    %get3A_332 = arith.constant 176 : index
    %get3A_333 = tpu.vector_load %arg5[%get3A_331, %get3A_332] {strides = array<i32>} : memref<4x256xi32, #tpu.memory_space<vmem>>, vector<1x16xi32>,
    %get3A_334 = vector.shape_cast %get3A_333 : vector<1x16xi32> to vector<16xi32>
    %get3A_335 = arith.constant 1 : i32
    %get3A_336 = arith.index_cast %get3A_335 : i32 to index
    %get3A_337 = arith.constant 176 : index
    %get3A_338 = tpu.vector_load %arg5[%get3A_336, %get3A_337] {strides = array<i32>} : memref<4x256xi32, #tpu.memory_space<vmem>>, vector<1x16xi32>,
    %get3A_339 = vector.shape_cast %get3A_338 : vector<1x16xi32> to vector<16xi32>
    %add3A_340 = arith.addi %get3A_334, %get3A_339 : vector<16xi32>
    %get3A_341 = arith.constant 2 : i32
    %get3A_342 = arith.index_cast %get3A_341 : i32 to index
    %get3A_343 = arith.constant 176 : index
    %get3A_344 = tpu.vector_load %arg5[%get3A_342, %get3A_343] {strides = array<i32>} : memref<4x256xi32, #tpu.memory_space<vmem>>, vector<1x16xi32>,
    %get3A_345 = vector.shape_cast %get3A_344 : vector<1x16xi32> to vector<16xi32>
    %add3A_346 = arith.addi %add3A_340, %get3A_345 : vector<16xi32>
    %get3A_347 = arith.constant 3 : i32
    %get3A_348 = arith.index_cast %get3A_347 : i32 to index
    %get3A_349 = arith.constant 176 : index
    %get3A_350 = tpu.vector_load %arg5[%get3A_348, %get3A_349] {strides = array<i32>} : memref<4x256xi32, #tpu.memory_space<vmem>>, vector<1x16xi32>,
    %get3A_351 = vector.shape_cast %get3A_350 : vector<1x16xi32> to vector<16xi32>
    %add3A_352 = arith.addi %add3A_346, %get3A_351 : vector<16xi32>
    %min3A_353 = arith.constant 16383 : i32
    %min3A_354 = vector.broadcast %min3A_353 : i32 to vector<16xi32>
    %min3A_355 = arith.minsi %add3A_352, %min3A_354 : vector<16xi32>
    %swap3A_356 = arith.constant 176 : index
    %swap3A_357 = tpu.vector_load %arg6[%swap3A_356] {strides = array<i32>} : memref<256xi32, #tpu.memory_space<vmem>>, vector<16xi32>,
    %swap3A_358 = vector.shape_cast %swap3A_357 : vector<16xi32> to vector<16xi32>
    %swap3A_359 = vector.shape_cast %min3A_355 : vector<16xi32> to vector<16xi32>
    tpu.vector_store %arg6[%swap3A_356], %swap3A_359 {strides = array<i32>} : memref<256xi32, #tpu.memory_space<vmem>>, vector<16xi32>,
    %get3A_360 = arith.constant 0 : i32
    %get3A_361 = arith.index_cast %get3A_360 : i32 to index
    %get3A_362 = arith.constant 192 : index
    %get3A_363 = tpu.vector_load %arg5[%get3A_361, %get3A_362] {strides = array<i32>} : memref<4x256xi32, #tpu.memory_space<vmem>>, vector<1x16xi32>,
    %get3A_364 = vector.shape_cast %get3A_363 : vector<1x16xi32> to vector<16xi32>
    %get3A_365 = arith.constant 1 : i32
    %get3A_366 = arith.index_cast %get3A_365 : i32 to index
    %get3A_367 = arith.constant 192 : index
    %get3A_368 = tpu.vector_load %arg5[%get3A_366, %get3A_367] {strides = array<i32>} : memref<4x256xi32, #tpu.memory_space<vmem>>, vector<1x16xi32>,
    %get3A_369 = vector.shape_cast %get3A_368 : vector<1x16xi32> to vector<16xi32>
    %add3A_370 = arith.addi %get3A_364, %get3A_369 : vector<16xi32>
    %get3A_371 = arith.constant 2 : i32
    %get3A_372 = arith.index_cast %get3A_371 : i32 to index
    %get3A_373 = arith.constant 192 : index
    %get3A_374 = tpu.vector_load %arg5[%get3A_372, %get3A_373] {strides = array<i32>} : memref<4x256xi32, #tpu.memory_space<vmem>>, vector<1x16xi32>,
    %get3A_375 = vector.shape_cast %get3A_374 : vector<1x16xi32> to vector<16xi32>
    %add3A_376 = arith.addi %add3A_370, %get3A_375 : vector<16xi32>
    %get3A_377 = arith.constant 3 : i32
    %get3A_378 = arith.index_cast %get3A_377 : i32 to index
    %get3A_379 = arith.constant 192 : index
    %get3A_380 = tpu.vector_load %arg5[%get3A_378, %get3A_379] {strides = array<i32>} : memref<4x256xi32, #tpu.memory_space<vmem>>, vector<1x16xi32>,
    %get3A_381 = vector.shape_cast %get3A_380 : vector<1x16xi32> to vector<16xi32>
    %add3A_382 = arith.addi %add3A_376, %get3A_381 : vector<16xi32>
    %min3A_383 = arith.constant 16383 : i32
    %min3A_384 = vector.broadcast %min3A_383 : i32 to vector<16xi32>
    %min3A_385 = arith.minsi %add3A_382, %min3A_384 : vector<16xi32>
    %swap3A_386 = arith.constant 192 : index
    %swap3A_387 = tpu.vector_load %arg6[%swap3A_386] {strides = array<i32>} : memref<256xi32, #tpu.memory_space<vmem>>, vector<16xi32>,
    %swap3A_388 = vector.shape_cast %swap3A_387 : vector<16xi32> to vector<16xi32>
    %swap3A_389 = vector.shape_cast %min3A_385 : vector<16xi32> to vector<16xi32>
    tpu.vector_store %arg6[%swap3A_386], %swap3A_389 {strides = array<i32>} : memref<256xi32, #tpu.memory_space<vmem>>, vector<16xi32>,
    %get3A_390 = arith.constant 0 : i32
    %get3A_391 = arith.index_cast %get3A_390 : i32 to index
    %get3A_392 = arith.constant 208 : index
    %get3A_393 = tpu.vector_load %arg5[%get3A_391, %get3A_392] {strides = array<i32>} : memref<4x256xi32, #tpu.memory_space<vmem>>, vector<1x16xi32>,
    %get3A_394 = vector.shape_cast %get3A_393 : vector<1x16xi32> to vector<16xi32>
    %get3A_395 = arith.constant 1 : i32
    %get3A_396 = arith.index_cast %get3A_395 : i32 to index
    %get3A_397 = arith.constant 208 : index
    %get3A_398 = tpu.vector_load %arg5[%get3A_396, %get3A_397] {strides = array<i32>} : memref<4x256xi32, #tpu.memory_space<vmem>>, vector<1x16xi32>,
    %get3A_399 = vector.shape_cast %get3A_398 : vector<1x16xi32> to vector<16xi32>
    %add3A_400 = arith.addi %get3A_394, %get3A_399 : vector<16xi32>
    %get3A_401 = arith.constant 2 : i32
    %get3A_402 = arith.index_cast %get3A_401 : i32 to index
    %get3A_403 = arith.constant 208 : index
    %get3A_404 = tpu.vector_load %arg5[%get3A_402, %get3A_403] {strides = array<i32>} : memref<4x256xi32, #tpu.memory_space<vmem>>, vector<1x16xi32>,
    %get3A_405 = vector.shape_cast %get3A_404 : vector<1x16xi32> to vector<16xi32>
    %add3A_406 = arith.addi %add3A_400, %get3A_405 : vector<16xi32>
    %get3A_407 = arith.constant 3 : i32
    %get3A_408 = arith.index_cast %get3A_407 : i32 to index
    %get3A_409 = arith.constant 208 : index
    %get3A_410 = tpu.vector_load %arg5[%get3A_408, %get3A_409] {strides = array<i32>} : memref<4x256xi32, #tpu.memory_space<vmem>>, vector<1x16xi32>,
    %get3A_411 = vector.shape_cast %get3A_410 : vector<1x16xi32> to vector<16xi32>
    %add3A_412 = arith.addi %add3A_406, %get3A_411 : vector<16xi32>
    %min3A_413 = arith.constant 16383 : i32
    %min3A_414 = vector.broadcast %min3A_413 : i32 to vector<16xi32>
    %min3A_415 = arith.minsi %add3A_412, %min3A_414 : vector<16xi32>
    %swap3A_416 = arith.constant 208 : index
    %swap3A_417 = tpu.vector_load %arg6[%swap3A_416] {strides = array<i32>} : memref<256xi32, #tpu.memory_space<vmem>>, vector<16xi32>,
    %swap3A_418 = vector.shape_cast %swap3A_417 : vector<16xi32> to vector<16xi32>
    %swap3A_419 = vector.shape_cast %min3A_415 : vector<16xi32> to vector<16xi32>
    tpu.vector_store %arg6[%swap3A_416], %swap3A_419 {strides = array<i32>} : memref<256xi32, #tpu.memory_space<vmem>>, vector<16xi32>,
    %get3A_420 = arith.constant 0 : i32
    %get3A_421 = arith.index_cast %get3A_420 : i32 to index
    %get3A_422 = arith.constant 224 : index
    %get3A_423 = tpu.vector_load %arg5[%get3A_421, %get3A_422] {strides = array<i32>} : memref<4x256xi32, #tpu.memory_space<vmem>>, vector<1x16xi32>,
    %get3A_424 = vector.shape_cast %get3A_423 : vector<1x16xi32> to vector<16xi32>
    %get3A_425 = arith.constant 1 : i32
    %get3A_426 = arith.index_cast %get3A_425 : i32 to index
    %get3A_427 = arith.constant 224 : index
    %get3A_428 = tpu.vector_load %arg5[%get3A_426, %get3A_427] {strides = array<i32>} : memref<4x256xi32, #tpu.memory_space<vmem>>, vector<1x16xi32>,
    %get3A_429 = vector.shape_cast %get3A_428 : vector<1x16xi32> to vector<16xi32>
    %add3A_430 = arith.addi %get3A_424, %get3A_429 : vector<16xi32>
    %get3A_431 = arith.constant 2 : i32
    %get3A_432 = arith.index_cast %get3A_431 : i32 to index
    %get3A_433 = arith.constant 224 : index
    %get3A_434 = tpu.vector_load %arg5[%get3A_432, %get3A_433] {strides = array<i32>} : memref<4x256xi32, #tpu.memory_space<vmem>>, vector<1x16xi32>,
    %get3A_435 = vector.shape_cast %get3A_434 : vector<1x16xi32> to vector<16xi32>
    %add3A_436 = arith.addi %add3A_430, %get3A_435 : vector<16xi32>
    %get3A_437 = arith.constant 3 : i32
    %get3A_438 = arith.index_cast %get3A_437 : i32 to index
    %get3A_439 = arith.constant 224 : index
    %get3A_440 = tpu.vector_load %arg5[%get3A_438, %get3A_439] {strides = array<i32>} : memref<4x256xi32, #tpu.memory_space<vmem>>, vector<1x16xi32>,
    %get3A_441 = vector.shape_cast %get3A_440 : vector<1x16xi32> to vector<16xi32>
    %add3A_442 = arith.addi %add3A_436, %get3A_441 : vector<16xi32>
    %min3A_443 = arith.constant 16383 : i32
    %min3A_444 = vector.broadcast %min3A_443 : i32 to vector<16xi32>
    %min3A_445 = arith.minsi %add3A_442, %min3A_444 : vector<16xi32>
    %swap3A_446 = arith.constant 224 : index
    %swap3A_447 = tpu.vector_load %arg6[%swap3A_446] {strides = array<i32>} : memref<256xi32, #tpu.memory_space<vmem>>, vector<16xi32>,
    %swap3A_448 = vector.shape_cast %swap3A_447 : vector<16xi32> to vector<16xi32>
    %swap3A_449 = vector.shape_cast %min3A_445 : vector<16xi32> to vector<16xi32>
    tpu.vector_store %arg6[%swap3A_446], %swap3A_449 {strides = array<i32>} : memref<256xi32, #tpu.memory_space<vmem>>, vector<16xi32>,
    %get3A_450 = arith.constant 0 : i32
    %get3A_451 = arith.index_cast %get3A_450 : i32 to index
    %get3A_452 = arith.constant 240 : index
    %get3A_453 = tpu.vector_load %arg5[%get3A_451, %get3A_452] {strides = array<i32>} : memref<4x256xi32, #tpu.memory_space<vmem>>, vector<1x16xi32>,
    %get3A_454 = vector.shape_cast %get3A_453 : vector<1x16xi32> to vector<16xi32>
    %get3A_455 = arith.constant 1 : i32
    %get3A_456 = arith.index_cast %get3A_455 : i32 to index
    %get3A_457 = arith.constant 240 : index
    %get3A_458 = tpu.vector_load %arg5[%get3A_456, %get3A_457] {strides = array<i32>} : memref<4x256xi32, #tpu.memory_space<vmem>>, vector<1x16xi32>,
    %get3A_459 = vector.shape_cast %get3A_458 : vector<1x16xi32> to vector<16xi32>
    %add3A_460 = arith.addi %get3A_454, %get3A_459 : vector<16xi32>
    %get3A_461 = arith.constant 2 : i32
    %get3A_462 = arith.index_cast %get3A_461 : i32 to index
    %get3A_463 = arith.constant 240 : index
    %get3A_464 = tpu.vector_load %arg5[%get3A_462, %get3A_463] {strides = array<i32>} : memref<4x256xi32, #tpu.memory_space<vmem>>, vector<1x16xi32>,
    %get3A_465 = vector.shape_cast %get3A_464 : vector<1x16xi32> to vector<16xi32>
    %add3A_466 = arith.addi %add3A_460, %get3A_465 : vector<16xi32>
    %get3A_467 = arith.constant 3 : i32
    %get3A_468 = arith.index_cast %get3A_467 : i32 to index
    %get3A_469 = arith.constant 240 : index
    %get3A_470 = tpu.vector_load %arg5[%get3A_468, %get3A_469] {strides = array<i32>} : memref<4x256xi32, #tpu.memory_space<vmem>>, vector<1x16xi32>,
    %get3A_471 = vector.shape_cast %get3A_470 : vector<1x16xi32> to vector<16xi32>
    %add3A_472 = arith.addi %add3A_466, %get3A_471 : vector<16xi32>
    %min3A_473 = arith.constant 16383 : i32
    %min3A_474 = vector.broadcast %min3A_473 : i32 to vector<16xi32>
    %min3A_475 = arith.minsi %add3A_472, %min3A_474 : vector<16xi32>
    %swap3A_476 = arith.constant 240 : index
    %swap3A_477 = tpu.vector_load %arg6[%swap3A_476] {strides = array<i32>} : memref<256xi32, #tpu.memory_space<vmem>>, vector<16xi32>,
    %swap3A_478 = vector.shape_cast %swap3A_477 : vector<16xi32> to vector<16xi32>
    %swap3A_479 = vector.shape_cast %min3A_475 : vector<16xi32> to vector<16xi32>
    tpu.vector_store %arg6[%swap3A_476], %swap3A_479 {strides = array<i32>} : memref<256xi32, #tpu.memory_space<vmem>>, vector<16xi32>,
    %dma_start3A = arith.constant 0 : i32
    %dma_start3A_480 = tpu.memref_slice %arg6[%dma_start3A] : memref<256xi32, #tpu.memory_space<vmem>> -> memref<64xi32, #tpu.memory_space<vmem>>
    %dma_start3A_481 = arith.constant 0 : i32
    %dma_start3A_482 = arith.constant 0 : i32
    %dma_start3A_483 = tpu.memref_slice %arg2[%dma_start3A_481, %dma_start3A_482] : memref<16384x768xf32, #tpu.memory_space<hbm>> -> memref<16384x768xf32, #tpu.memory_space<hbm>>
    tpu.enqueue_indirect_dma source(%dma_start3A_483 : memref<16384x768xf32, #tpu.memory_space<hbm>>) target(%arg7 : memref<64x768xf32, #tpu.memory_space<vmem>>) offsets(%dma_start3A_480 : memref<64xi32, #tpu.memory_space<vmem>>) semaphore(%arg9 : memref<!tpu.dma_semaphore, #tpu.memory_space<semaphore_mem>>)
    %dma_wait3A = arith.constant 0 : i32
    %dma_wait3A_484 = tpu.memref_slice %arg6[%dma_wait3A] : memref<256xi32, #tpu.memory_space<vmem>> -> memref<64xi32, #tpu.memory_space<vmem>>
    %dma_wait3A_485 = arith.constant 0 : i32
    %dma_wait3A_486 = arith.constant 0 : i32
    %dma_wait3A_487 = tpu.memref_slice %arg2[%dma_wait3A_485, %dma_wait3A_486] : memref<16384x768xf32, #tpu.memory_space<hbm>> -> memref<16384x768xf32, #tpu.memory_space<hbm>>
    tpu.wait_indirect_dma semaphore(%arg9 : memref<!tpu.dma_semaphore, #tpu.memory_space<semaphore_mem>>) src(%dma_wait3A_487 : memref<16384x768xf32, #tpu.memory_space<hbm>>) dst(%arg7 : memref<64x768xf32, #tpu.memory_space<vmem>>)
    %dma_start3A_488 = arith.constant 64 : i32
    %dma_start3A_489 = tpu.memref_slice %arg6[%dma_start3A_488] : memref<256xi32, #tpu.memory_space<vmem>> -> memref<64xi32, #tpu.memory_space<vmem>>
    %dma_start3A_490 = arith.constant 0 : i32
    %dma_start3A_491 = arith.constant 0 : i32
    %dma_start3A_492 = tpu.memref_slice %arg2[%dma_start3A_490, %dma_start3A_491] : memref<16384x768xf32, #tpu.memory_space<hbm>> -> memref<16384x768xf32, #tpu.memory_space<hbm>>
    tpu.enqueue_indirect_dma source(%dma_start3A_492 : memref<16384x768xf32, #tpu.memory_space<hbm>>) target(%arg8 : memref<64x768xf32, #tpu.memory_space<vmem>>) offsets(%dma_start3A_489 : memref<64xi32, #tpu.memory_space<vmem>>) semaphore(%arg10 : memref<!tpu.dma_semaphore, #tpu.memory_space<semaphore_mem>>)
    %add3A_493 = arith.constant 0 : i32
    %add3A_494 = arith.addi %mul3A_2, %add3A_493 : i32
    %dma_start3A_495 = arith.constant 0 : i32
    %dma_start3A_496 = tpu.memref_slice %arg4[%add3A_494, %dma_start3A_495] : memref<8192x768xf32, #tpu.memory_space<hbm>> -> memref<64x768xf32, #tpu.memory_space<hbm>>
    %dma_start3A_497 = arith.constant 0 : i32
    %dma_start3A_498 = tpu.memref_slice %arg4[%add3A_494, %dma_start3A_497] : memref<8192x768xf32, #tpu.memory_space<hbm>> -> memref<64x768xf32, #tpu.memory_space<hbm>>
    tpu.enqueue_dma source(%arg7 : memref<64x768xf32, #tpu.memory_space<vmem>>) target(%dma_start3A_498 : memref<64x768xf32, #tpu.memory_space<hbm>>) target_semaphore(%arg11 : memref<!tpu.dma_semaphore, #tpu.memory_space<semaphore_mem>>)
    %dma_wait3A_499 = arith.constant 64 : i32
    %dma_wait3A_500 = tpu.memref_slice %arg6[%dma_wait3A_499] : memref<256xi32, #tpu.memory_space<vmem>> -> memref<64xi32, #tpu.memory_space<vmem>>
    %dma_wait3A_501 = arith.constant 0 : i32
    %dma_wait3A_502 = arith.constant 0 : i32
    %dma_wait3A_503 = tpu.memref_slice %arg2[%dma_wait3A_501, %dma_wait3A_502] : memref<16384x768xf32, #tpu.memory_space<hbm>> -> memref<16384x768xf32, #tpu.memory_space<hbm>>
    tpu.wait_indirect_dma semaphore(%arg10 : memref<!tpu.dma_semaphore, #tpu.memory_space<semaphore_mem>>) src(%dma_wait3A_503 : memref<16384x768xf32, #tpu.memory_space<hbm>>) dst(%arg8 : memref<64x768xf32, #tpu.memory_space<vmem>>)
    %dma_wait3A_504 = arith.constant 0 : i32
    %dma_wait3A_505 = tpu.memref_slice %arg4[%add3A_494, %dma_wait3A_504] : memref<8192x768xf32, #tpu.memory_space<hbm>> -> memref<64x768xf32, #tpu.memory_space<hbm>>
    %dma_wait3A_506 = arith.constant 0 : i32
    %dma_wait3A_507 = tpu.memref_slice %arg4[%add3A_494, %dma_wait3A_506] : memref<8192x768xf32, #tpu.memory_space<hbm>> -> memref<64x768xf32, #tpu.memory_space<hbm>>
    tpu.wait_dma2 semaphore(%arg11 : memref<!tpu.dma_semaphore, #tpu.memory_space<semaphore_mem>>) src(%arg7 : memref<64x768xf32, #tpu.memory_space<vmem>>) dst(%dma_wait3A_507 : memref<64x768xf32, #tpu.memory_space<hbm>>)
    %dma_start3A_508 = arith.constant 128 : i32
    %dma_start3A_509 = tpu.memref_slice %arg6[%dma_start3A_508] : memref<256xi32, #tpu.memory_space<vmem>> -> memref<64xi32, #tpu.memory_space<vmem>>
    %dma_start3A_510 = arith.constant 0 : i32
    %dma_start3A_511 = arith.constant 0 : i32
    %dma_start3A_512 = tpu.memref_slice %arg2[%dma_start3A_510, %dma_start3A_511] : memref<16384x768xf32, #tpu.memory_space<hbm>> -> memref<16384x768xf32, #tpu.memory_space<hbm>>
    tpu.enqueue_indirect_dma source(%dma_start3A_512 : memref<16384x768xf32, #tpu.memory_space<hbm>>) target(%arg7 : memref<64x768xf32, #tpu.memory_space<vmem>>) offsets(%dma_start3A_509 : memref<64xi32, #tpu.memory_space<vmem>>) semaphore(%arg9 : memref<!tpu.dma_semaphore, #tpu.memory_space<semaphore_mem>>)
    %add3A_513 = arith.constant 64 : i32
    %add3A_514 = arith.addi %mul3A_2, %add3A_513 : i32
    %dma_start3A_515 = arith.constant 0 : i32
    %dma_start3A_516 = tpu.memref_slice %arg4[%add3A_514, %dma_start3A_515] : memref<8192x768xf32, #tpu.memory_space<hbm>> -> memref<64x768xf32, #tpu.memory_space<hbm>>
    %dma_start3A_517 = arith.constant 0 : i32
    %dma_start3A_518 = tpu.memref_slice %arg4[%add3A_514, %dma_start3A_517] : memref<8192x768xf32, #tpu.memory_space<hbm>> -> memref<64x768xf32, #tpu.memory_space<hbm>>
    tpu.enqueue_dma source(%arg8 : memref<64x768xf32, #tpu.memory_space<vmem>>) target(%dma_start3A_518 : memref<64x768xf32, #tpu.memory_space<hbm>>) target_semaphore(%arg12 : memref<!tpu.dma_semaphore, #tpu.memory_space<semaphore_mem>>)
    %dma_wait3A_519 = arith.constant 128 : i32
    %dma_wait3A_520 = tpu.memref_slice %arg6[%dma_wait3A_519] : memref<256xi32, #tpu.memory_space<vmem>> -> memref<64xi32, #tpu.memory_space<vmem>>
    %dma_wait3A_521 = arith.constant 0 : i32
    %dma_wait3A_522 = arith.constant 0 : i32
    %dma_wait3A_523 = tpu.memref_slice %arg2[%dma_wait3A_521, %dma_wait3A_522] : memref<16384x768xf32, #tpu.memory_space<hbm>> -> memref<16384x768xf32, #tpu.memory_space<hbm>>
    tpu.wait_indirect_dma semaphore(%arg9 : memref<!tpu.dma_semaphore, #tpu.memory_space<semaphore_mem>>) src(%dma_wait3A_523 : memref<16384x768xf32, #tpu.memory_space<hbm>>) dst(%arg7 : memref<64x768xf32, #tpu.memory_space<vmem>>)
    %dma_wait3A_524 = arith.constant 0 : i32
    %dma_wait3A_525 = tpu.memref_slice %arg4[%add3A_514, %dma_wait3A_524] : memref<8192x768xf32, #tpu.memory_space<hbm>> -> memref<64x768xf32, #tpu.memory_space<hbm>>
    %dma_wait3A_526 = arith.constant 0 : i32
    %dma_wait3A_527 = tpu.memref_slice %arg4[%add3A_514, %dma_wait3A_526] : memref<8192x768xf32, #tpu.memory_space<hbm>> -> memref<64x768xf32, #tpu.memory_space<hbm>>
    tpu.wait_dma2 semaphore(%arg12 : memref<!tpu.dma_semaphore, #tpu.memory_space<semaphore_mem>>) src(%arg8 : memref<64x768xf32, #tpu.memory_space<vmem>>) dst(%dma_wait3A_527 : memref<64x768xf32, #tpu.memory_space<hbm>>)
    %dma_start3A_528 = arith.constant 192 : i32
    %dma_start3A_529 = tpu.memref_slice %arg6[%dma_start3A_528] : memref<256xi32, #tpu.memory_space<vmem>> -> memref<64xi32, #tpu.memory_space<vmem>>
    %dma_start3A_530 = arith.constant 0 : i32
    %dma_start3A_531 = arith.constant 0 : i32
    %dma_start3A_532 = tpu.memref_slice %arg2[%dma_start3A_530, %dma_start3A_531] : memref<16384x768xf32, #tpu.memory_space<hbm>> -> memref<16384x768xf32, #tpu.memory_space<hbm>>
    tpu.enqueue_indirect_dma source(%dma_start3A_532 : memref<16384x768xf32, #tpu.memory_space<hbm>>) target(%arg8 : memref<64x768xf32, #tpu.memory_space<vmem>>) offsets(%dma_start3A_529 : memref<64xi32, #tpu.memory_space<vmem>>) semaphore(%arg10 : memref<!tpu.dma_semaphore, #tpu.memory_space<semaphore_mem>>)
    %add3A_533 = arith.constant 128 : i32
    %add3A_534 = arith.addi %mul3A_2, %add3A_533 : i32
    %dma_start3A_535 = arith.constant 0 : i32
    %dma_start3A_536 = tpu.memref_slice %arg4[%add3A_534, %dma_start3A_535] : memref<8192x768xf32, #tpu.memory_space<hbm>> -> memref<64x768xf32, #tpu.memory_space<hbm>>
    %dma_start3A_537 = arith.constant 0 : i32
    %dma_start3A_538 = tpu.memref_slice %arg4[%add3A_534, %dma_start3A_537] : memref<8192x768xf32, #tpu.memory_space<hbm>> -> memref<64x768xf32, #tpu.memory_space<hbm>>
    tpu.enqueue_dma source(%arg7 : memref<64x768xf32, #tpu.memory_space<vmem>>) target(%dma_start3A_538 : memref<64x768xf32, #tpu.memory_space<hbm>>) target_semaphore(%arg11 : memref<!tpu.dma_semaphore, #tpu.memory_space<semaphore_mem>>)
    %dma_wait3A_539 = arith.constant 192 : i32
    %dma_wait3A_540 = tpu.memref_slice %arg6[%dma_wait3A_539] : memref<256xi32, #tpu.memory_space<vmem>> -> memref<64xi32, #tpu.memory_space<vmem>>
    %dma_wait3A_541 = arith.constant 0 : i32
    %dma_wait3A_542 = arith.constant 0 : i32
    %dma_wait3A_543 = tpu.memref_slice %arg2[%dma_wait3A_541, %dma_wait3A_542] : memref<16384x768xf32, #tpu.memory_space<hbm>> -> memref<16384x768xf32, #tpu.memory_space<hbm>>
    tpu.wait_indirect_dma semaphore(%arg10 : memref<!tpu.dma_semaphore, #tpu.memory_space<semaphore_mem>>) src(%dma_wait3A_543 : memref<16384x768xf32, #tpu.memory_space<hbm>>) dst(%arg8 : memref<64x768xf32, #tpu.memory_space<vmem>>)
    %add3A_544 = arith.constant 192 : i32
    %add3A_545 = arith.addi %mul3A_2, %add3A_544 : i32
    %dma_start3A_546 = arith.constant 0 : i32
    %dma_start3A_547 = tpu.memref_slice %arg4[%add3A_545, %dma_start3A_546] : memref<8192x768xf32, #tpu.memory_space<hbm>> -> memref<64x768xf32, #tpu.memory_space<hbm>>
    %dma_start3A_548 = arith.constant 0 : i32
    %dma_start3A_549 = tpu.memref_slice %arg4[%add3A_545, %dma_start3A_548] : memref<8192x768xf32, #tpu.memory_space<hbm>> -> memref<64x768xf32, #tpu.memory_space<hbm>>
    tpu.enqueue_dma source(%arg8 : memref<64x768xf32, #tpu.memory_space<vmem>>) target(%dma_start3A_549 : memref<64x768xf32, #tpu.memory_space<hbm>>) target_semaphore(%arg12 : memref<!tpu.dma_semaphore, #tpu.memory_space<semaphore_mem>>)
    %dma_wait3A_550 = arith.constant 0 : i32
    %dma_wait3A_551 = tpu.memref_slice %arg4[%add3A_545, %dma_wait3A_550] : memref<8192x768xf32, #tpu.memory_space<hbm>> -> memref<64x768xf32, #tpu.memory_space<hbm>>
    %dma_wait3A_552 = arith.constant 0 : i32
    %dma_wait3A_553 = tpu.memref_slice %arg4[%add3A_545, %dma_wait3A_552] : memref<8192x768xf32, #tpu.memory_space<hbm>> -> memref<64x768xf32, #tpu.memory_space<hbm>>
    tpu.wait_dma2 semaphore(%arg12 : memref<!tpu.dma_semaphore, #tpu.memory_space<semaphore_mem>>) src(%arg8 : memref<64x768xf32, #tpu.memory_space<vmem>>) dst(%dma_wait3A_553 : memref<64x768xf32, #tpu.memory_space<hbm>>)
    %dma_wait3A_554 = arith.constant 0 : i32
    %dma_wait3A_555 = tpu.memref_slice %arg4[%add3A_534, %dma_wait3A_554] : memref<8192x768xf32, #tpu.memory_space<hbm>> -> memref<64x768xf32, #tpu.memory_space<hbm>>
    %dma_wait3A_556 = arith.constant 0 : i32
    %dma_wait3A_557 = tpu.memref_slice %arg4[%add3A_534, %dma_wait3A_556] : memref<8192x768xf32, #tpu.memory_space<hbm>> -> memref<64x768xf32, #tpu.memory_space<hbm>>
    tpu.wait_dma2 semaphore(%arg11 : memref<!tpu.dma_semaphore, #tpu.memory_space<semaphore_mem>>) src(%arg7 : memref<64x768xf32, #tpu.memory_space<vmem>>) dst(%dma_wait3A_557 : memref<64x768xf32, #tpu.memory_space<hbm>>)
    return
  }
}

#map = affine_map<(d0, d1) -> (0)>
#map1 = affine_map<(d0, d1) -> (0, 0)>
module attributes {stable_mosaic.version = 14 : i64} {
  func.func @_tokmap(%arg0: i32, %arg1: i32, %arg2: memref<16384xi32, #tpu.memory_space<hbm>>, %arg3: memref<16384xi32, #tpu.memory_space<hbm>>, %arg4: memref<4x8208xi32, #tpu.memory_space<hbm>>, %arg5: memref<8192xi32, #tpu.memory_space<vmem>>, %arg6: memref<8208xi32, #tpu.memory_space<vmem>>) attributes {dimension_semantics = [#tpu.dimension_semantics<core_parallel>, #tpu.dimension_semantics<subcore_parallel>], iteration_bounds = array<i64: 2, 16>, scalar_prefetch = 0 : i64, scratch_operands = 2 : i64, tpu.core_type = #tpu.core_type<sc_vector_subcore>, window_params = [{transform_indices = #map}, {transform_indices = #map}, {transform_indices = #map1}]} {
    %mul3A = arith.constant 2 : i32
    %mul3A_0 = arith.muli %arg1, %mul3A : i32
    %add3A = arith.addi %mul3A_0, %arg0 : i32
    %lt3A = arith.constant 4 : i32
    %lt3A_1 = arith.cmpi slt, %add3A, %lt3A : i32
    %convert_element_type3A = arith.extui %lt3A_1 : i1 to i32
    %cond3A = arith.constant 0 : i32
    %cond3A_2 = arith.cmpi ne, %convert_element_type3A, %cond3A : i32
    scf.if %cond3A_2 {
      %scan3A = arith.constant 0 : i32
      %scan3A_3 = arith.constant 0 : i32
      %scan3A_4 = arith.constant 513 : i32
      %scan3A_5 = arith.addi %scan3A_3, %scan3A_4 : i32
      %scan3A_6 = arith.constant 1 : i32
      scf.for %scan3A_22 = %scan3A_3 to %scan3A_5 step %scan3A_6  : i32 {
        %broadcast_in_dim3A = arith.constant 0 : i32
        %broadcast_in_dim3A_23 = vector.broadcast %broadcast_in_dim3A : i32 to vector<16xi32>
        %mul3A_24 = arith.constant 16 : i32
        %mul3A_25 = arith.muli %scan3A_22, %mul3A_24 : i32
        %swap3A = arith.index_cast %mul3A_25 : i32 to index
        %swap3A_26 = tpu.vector_load %arg6[%swap3A] {strides = array<i32>} : memref<8208xi32, #tpu.memory_space<vmem>>, vector<16xi32>,
        tpu.vector_store %arg6[%swap3A], %broadcast_in_dim3A_23 {strides = array<i32>} : memref<8208xi32, #tpu.memory_space<vmem>>, vector<16xi32>,
      }
      %scan3A_7 = arith.constant 513 : i32
      %mul3A_8 = arith.constant 4096 : i32
      %mul3A_9 = arith.muli %add3A, %mul3A_8 : i32
      "tpu.region"() ({
        %run_scoped3A = tpu.sem_alloc : memref<!tpu.dma_semaphore, #tpu.memory_space<semaphore_mem>>
        %dma_start3A = arith.constant 0 : i32
        %dma_start3A_22 = tpu.memref_slice %arg5[%dma_start3A] : memref<8192xi32, #tpu.memory_space<vmem>> -> memref<4096xi32, #tpu.memory_space<vmem>>
        %dma_start3A_23 = tpu.memref_slice %arg2[%mul3A_9] : memref<16384xi32, #tpu.memory_space<hbm>> -> memref<4096xi32, #tpu.memory_space<hbm>>
        %dma_start3A_24 = arith.constant 0 : i32
        %dma_start3A_25 = tpu.memref_slice %arg5[%dma_start3A_24] : memref<8192xi32, #tpu.memory_space<vmem>> -> memref<4096xi32, #tpu.memory_space<vmem>>
        %dma_start3A_26 = tpu.memref_slice %arg2[%mul3A_9] : memref<16384xi32, #tpu.memory_space<hbm>> -> memref<4096xi32, #tpu.memory_space<hbm>>
        tpu.enqueue_dma source(%dma_start3A_26 : memref<4096xi32, #tpu.memory_space<hbm>>) target(%dma_start3A_25 : memref<4096xi32, #tpu.memory_space<vmem>>) target_semaphore(%run_scoped3A : memref<!tpu.dma_semaphore, #tpu.memory_space<semaphore_mem>>)
        %dma_wait3A = arith.constant 0 : i32
        %dma_wait3A_27 = tpu.memref_slice %arg5[%dma_wait3A] : memref<8192xi32, #tpu.memory_space<vmem>> -> memref<4096xi32, #tpu.memory_space<vmem>>
        %dma_wait3A_28 = tpu.memref_slice %arg2[%mul3A_9] : memref<16384xi32, #tpu.memory_space<hbm>> -> memref<4096xi32, #tpu.memory_space<hbm>>
        %dma_wait3A_29 = arith.constant 0 : i32
        %dma_wait3A_30 = tpu.memref_slice %arg5[%dma_wait3A_29] : memref<8192xi32, #tpu.memory_space<vmem>> -> memref<4096xi32, #tpu.memory_space<vmem>>
        %dma_wait3A_31 = tpu.memref_slice %arg2[%mul3A_9] : memref<16384xi32, #tpu.memory_space<hbm>> -> memref<4096xi32, #tpu.memory_space<hbm>>
        tpu.wait_dma2 semaphore(%run_scoped3A : memref<!tpu.dma_semaphore, #tpu.memory_space<semaphore_mem>>) src(%dma_wait3A_31 : memref<4096xi32, #tpu.memory_space<hbm>>) dst(%dma_wait3A_30 : memref<4096xi32, #tpu.memory_space<vmem>>)
        tpu.yield
      }) : () -> ()
      "tpu.region"() ({
        %run_scoped3A = tpu.sem_alloc : memref<!tpu.dma_semaphore, #tpu.memory_space<semaphore_mem>>
        %dma_start3A = arith.constant 4096 : i32
        %dma_start3A_22 = tpu.memref_slice %arg5[%dma_start3A] : memref<8192xi32, #tpu.memory_space<vmem>> -> memref<4096xi32, #tpu.memory_space<vmem>>
        %dma_start3A_23 = tpu.memref_slice %arg3[%mul3A_9] : memref<16384xi32, #tpu.memory_space<hbm>> -> memref<4096xi32, #tpu.memory_space<hbm>>
        %dma_start3A_24 = arith.constant 4096 : i32
        %dma_start3A_25 = tpu.memref_slice %arg5[%dma_start3A_24] : memref<8192xi32, #tpu.memory_space<vmem>> -> memref<4096xi32, #tpu.memory_space<vmem>>
        %dma_start3A_26 = tpu.memref_slice %arg3[%mul3A_9] : memref<16384xi32, #tpu.memory_space<hbm>> -> memref<4096xi32, #tpu.memory_space<hbm>>
        tpu.enqueue_dma source(%dma_start3A_26 : memref<4096xi32, #tpu.memory_space<hbm>>) target(%dma_start3A_25 : memref<4096xi32, #tpu.memory_space<vmem>>) target_semaphore(%run_scoped3A : memref<!tpu.dma_semaphore, #tpu.memory_space<semaphore_mem>>)
        %dma_wait3A = arith.constant 4096 : i32
        %dma_wait3A_27 = tpu.memref_slice %arg5[%dma_wait3A] : memref<8192xi32, #tpu.memory_space<vmem>> -> memref<4096xi32, #tpu.memory_space<vmem>>
        %dma_wait3A_28 = tpu.memref_slice %arg3[%mul3A_9] : memref<16384xi32, #tpu.memory_space<hbm>> -> memref<4096xi32, #tpu.memory_space<hbm>>
        %dma_wait3A_29 = arith.constant 4096 : i32
        %dma_wait3A_30 = tpu.memref_slice %arg5[%dma_wait3A_29] : memref<8192xi32, #tpu.memory_space<vmem>> -> memref<4096xi32, #tpu.memory_space<vmem>>
        %dma_wait3A_31 = tpu.memref_slice %arg3[%mul3A_9] : memref<16384xi32, #tpu.memory_space<hbm>> -> memref<4096xi32, #tpu.memory_space<hbm>>
        tpu.wait_dma2 semaphore(%run_scoped3A : memref<!tpu.dma_semaphore, #tpu.memory_space<semaphore_mem>>) src(%dma_wait3A_31 : memref<4096xi32, #tpu.memory_space<hbm>>) dst(%dma_wait3A_30 : memref<4096xi32, #tpu.memory_space<vmem>>)
        tpu.yield
      }) : () -> ()
      %iota3A = tpu.iota {dimensions = array<i32: 0>} : vector<16xi32>
      %scan3A_10 = arith.constant 0 : i32
      %scan3A_11 = arith.constant 0 : i32
      %scan3A_12 = arith.constant 256 : i32
      %scan3A_13 = arith.addi %scan3A_11, %scan3A_12 : i32
      %scan3A_14 = arith.constant 1 : i32
      scf.for %scan3A_22 = %scan3A_11 to %scan3A_13 step %scan3A_14  : i32 {
        %mul3A_23 = arith.constant 16 : i32
        %mul3A_24 = arith.muli %scan3A_22, %mul3A_23 : i32
        %get3A = arith.index_cast %mul3A_24 : i32 to index
        %get3A_25 = tpu.vector_load %arg5[%get3A] {strides = array<i32>} : memref<8192xi32, #tpu.memory_space<vmem>>, vector<16xi32>,
        %mul3A_26 = arith.constant 16 : i32
        %mul3A_27 = arith.muli %scan3A_22, %mul3A_26 : i32
        %add3A_28 = arith.addi %mul3A_9, %mul3A_27 : i32
        %add3A_29 = vector.broadcast %add3A_28 : i32 to vector<16xi32>
        %add3A_30 = arith.addi %add3A_29, %iota3A : vector<16xi32>
        tpu.vector_store_idx %arg6[%get3A_25], %add3A_30 : memref<8208xi32, #tpu.memory_space<vmem>>[vector<16xi32>], vector<16xi32>,
      }
      %scan3A_15 = arith.constant 256 : i32
      %scan3A_16 = arith.constant 0 : i32
      %scan3A_17 = arith.constant 0 : i32
      %scan3A_18 = arith.constant 256 : i32
      %scan3A_19 = arith.addi %scan3A_17, %scan3A_18 : i32
      %scan3A_20 = arith.constant 1 : i32
      scf.for %scan3A_22 = %scan3A_17 to %scan3A_19 step %scan3A_20  : i32 {
        %mul3A_23 = arith.constant 16 : i32
        %mul3A_24 = arith.muli %scan3A_22, %mul3A_23 : i32
        %add3A_25 = arith.constant 4096 : i32
        %add3A_26 = arith.addi %add3A_25, %mul3A_24 : i32
        %get3A = arith.index_cast %add3A_26 : i32 to index
        %get3A_27 = tpu.vector_load %arg5[%get3A] {strides = array<i32>} : memref<8192xi32, #tpu.memory_space<vmem>>, vector<16xi32>,
        %mul3A_28 = arith.constant 16 : i32
        %mul3A_29 = arith.muli %scan3A_22, %mul3A_28 : i32
        %add3A_30 = arith.addi %mul3A_9, %mul3A_29 : i32
        %add3A_31 = vector.broadcast %add3A_30 : i32 to vector<16xi32>
        %add3A_32 = arith.addi %add3A_31, %iota3A : vector<16xi32>
        tpu.vector_store_idx %arg6[%get3A_27], %add3A_32 : memref<8208xi32, #tpu.memory_space<vmem>>[vector<16xi32>], vector<16xi32>,
      }
      %scan3A_21 = arith.constant 256 : i32
      "tpu.region"() ({
        %run_scoped3A = tpu.sem_alloc : memref<!tpu.dma_semaphore, #tpu.memory_space<semaphore_mem>>
        %dma_start3A = arith.constant 0 : i32
        %dma_start3A_22 = tpu.memref_slice %arg4[%add3A, %dma_start3A] : memref<4x8208xi32, #tpu.memory_space<hbm>> -> memref<1x8208xi32, #tpu.memory_space<hbm>>
        %dma_start3A_23 = tpu.memref_squeeze %dma_start3A_22 : memref<1x8208xi32, #tpu.memory_space<hbm>> -> memref<8208xi32, #tpu.memory_space<hbm>>
        %dma_start3A_24 = arith.constant 0 : i32
        %dma_start3A_25 = tpu.memref_slice %arg4[%add3A, %dma_start3A_24] : memref<4x8208xi32, #tpu.memory_space<hbm>> -> memref<1x8208xi32, #tpu.memory_space<hbm>>
        %dma_start3A_26 = tpu.memref_squeeze %dma_start3A_25 : memref<1x8208xi32, #tpu.memory_space<hbm>> -> memref<8208xi32, #tpu.memory_space<hbm>>
        tpu.enqueue_dma source(%arg6 : memref<8208xi32, #tpu.memory_space<vmem>>) target(%dma_start3A_26 : memref<8208xi32, #tpu.memory_space<hbm>>) target_semaphore(%run_scoped3A : memref<!tpu.dma_semaphore, #tpu.memory_space<semaphore_mem>>)
        %dma_wait3A = arith.constant 0 : i32
        %dma_wait3A_27 = tpu.memref_slice %arg4[%add3A, %dma_wait3A] : memref<4x8208xi32, #tpu.memory_space<hbm>> -> memref<1x8208xi32, #tpu.memory_space<hbm>>
        %dma_wait3A_28 = tpu.memref_squeeze %dma_wait3A_27 : memref<1x8208xi32, #tpu.memory_space<hbm>> -> memref<8208xi32, #tpu.memory_space<hbm>>
        %dma_wait3A_29 = arith.constant 0 : i32
        %dma_wait3A_30 = tpu.memref_slice %arg4[%add3A, %dma_wait3A_29] : memref<4x8208xi32, #tpu.memory_space<hbm>> -> memref<1x8208xi32, #tpu.memory_space<hbm>>
        %dma_wait3A_31 = tpu.memref_squeeze %dma_wait3A_30 : memref<1x8208xi32, #tpu.memory_space<hbm>> -> memref<8208xi32, #tpu.memory_space<hbm>>
        tpu.wait_dma2 semaphore(%run_scoped3A : memref<!tpu.dma_semaphore, #tpu.memory_space<semaphore_mem>>) src(%arg6 : memref<8208xi32, #tpu.memory_space<vmem>>) dst(%dma_wait3A_31 : memref<8208xi32, #tpu.memory_space<hbm>>)
        tpu.yield
      }) : () -> ()
    } else {
    }
    return
  }
}

#map = affine_map<(d0, d1) -> (0, 0)>
#map1 = affine_map<(d0, d1) -> (0, 0, 0)>
module attributes {stable_mosaic.version = 14 : i64} {
  func.func @_gather(%arg0: i32, %arg1: i32, %arg2: memref<8064x768xf32, #tpu.memory_space<hbm>>, %arg3: memref<32x8x64xi32, #tpu.memory_space<hbm>>, %arg4: memref<32x8x64xi32, #tpu.memory_space<hbm>>, %arg5: memref<16384x768xf32, #tpu.memory_space<hbm>>, %arg6: memref<16384x768xf32, #tpu.memory_space<hbm>>, %arg7: memref<8x64xi32, #tpu.memory_space<vmem>>, %arg8: memref<8x64xi32, #tpu.memory_space<vmem>>, %arg9: memref<64x768xf32, #tpu.memory_space<vmem>>, %arg10: memref<64x768xf32, #tpu.memory_space<vmem>>, %arg11: memref<!tpu.dma_semaphore, #tpu.memory_space<semaphore_mem>>, %arg12: memref<!tpu.dma_semaphore, #tpu.memory_space<semaphore_mem>>, %arg13: memref<!tpu.dma_semaphore, #tpu.memory_space<semaphore_mem>>, %arg14: memref<!tpu.dma_semaphore, #tpu.memory_space<semaphore_mem>>) attributes {dimension_semantics = [#tpu.dimension_semantics<core_parallel>, #tpu.dimension_semantics<subcore_parallel>], iteration_bounds = array<i64: 2, 16>, scalar_prefetch = 0 : i64, scratch_operands = 8 : i64, tpu.core_type = #tpu.core_type<sc_vector_subcore>, window_params = [{transform_indices = #map}, {transform_indices = #map1}, {transform_indices = #map1}, {transform_indices = #map}, {transform_indices = #map}]} {
    %mul3A = arith.constant 2 : i32
    %mul3A_0 = arith.muli %arg1, %mul3A : i32
    %add3A = arith.addi %mul3A_0, %arg0 : i32
    "tpu.region"() ({
      %run_scoped3A = tpu.sem_alloc : memref<!tpu.dma_semaphore, #tpu.memory_space<semaphore_mem>>
      %dma_start3A_479 = arith.constant 0 : i32
      %dma_start3A_480 = arith.constant 0 : i32
      %dma_start3A_481 = tpu.memref_slice %arg3[%add3A, %dma_start3A_479, %dma_start3A_480] : memref<32x8x64xi32, #tpu.memory_space<hbm>> -> memref<1x8x64xi32, #tpu.memory_space<hbm>>
      %dma_start3A_482 = tpu.memref_squeeze %dma_start3A_481 : memref<1x8x64xi32, #tpu.memory_space<hbm>> -> memref<8x64xi32, #tpu.memory_space<hbm>>
      %dma_start3A_483 = arith.constant 0 : i32
      %dma_start3A_484 = arith.constant 0 : i32
      %dma_start3A_485 = tpu.memref_slice %arg3[%add3A, %dma_start3A_483, %dma_start3A_484] : memref<32x8x64xi32, #tpu.memory_space<hbm>> -> memref<1x8x64xi32, #tpu.memory_space<hbm>>
      %dma_start3A_486 = tpu.memref_squeeze %dma_start3A_485 : memref<1x8x64xi32, #tpu.memory_space<hbm>> -> memref<8x64xi32, #tpu.memory_space<hbm>>
      tpu.enqueue_dma source(%dma_start3A_486 : memref<8x64xi32, #tpu.memory_space<hbm>>) target(%arg7 : memref<8x64xi32, #tpu.memory_space<vmem>>) target_semaphore(%run_scoped3A : memref<!tpu.dma_semaphore, #tpu.memory_space<semaphore_mem>>)
      %dma_wait3A_487 = arith.constant 0 : i32
      %dma_wait3A_488 = arith.constant 0 : i32
      %dma_wait3A_489 = tpu.memref_slice %arg3[%add3A, %dma_wait3A_487, %dma_wait3A_488] : memref<32x8x64xi32, #tpu.memory_space<hbm>> -> memref<1x8x64xi32, #tpu.memory_space<hbm>>
      %dma_wait3A_490 = tpu.memref_squeeze %dma_wait3A_489 : memref<1x8x64xi32, #tpu.memory_space<hbm>> -> memref<8x64xi32, #tpu.memory_space<hbm>>
      %dma_wait3A_491 = arith.constant 0 : i32
      %dma_wait3A_492 = arith.constant 0 : i32
      %dma_wait3A_493 = tpu.memref_slice %arg3[%add3A, %dma_wait3A_491, %dma_wait3A_492] : memref<32x8x64xi32, #tpu.memory_space<hbm>> -> memref<1x8x64xi32, #tpu.memory_space<hbm>>
      %dma_wait3A_494 = tpu.memref_squeeze %dma_wait3A_493 : memref<1x8x64xi32, #tpu.memory_space<hbm>> -> memref<8x64xi32, #tpu.memory_space<hbm>>
      tpu.wait_dma2 semaphore(%run_scoped3A : memref<!tpu.dma_semaphore, #tpu.memory_space<semaphore_mem>>) src(%dma_wait3A_494 : memref<8x64xi32, #tpu.memory_space<hbm>>) dst(%arg7 : memref<8x64xi32, #tpu.memory_space<vmem>>)
      tpu.yield
    }) : () -> ()
    "tpu.region"() ({
      %run_scoped3A = tpu.sem_alloc : memref<!tpu.dma_semaphore, #tpu.memory_space<semaphore_mem>>
      %dma_start3A_479 = arith.constant 0 : i32
      %dma_start3A_480 = arith.constant 0 : i32
      %dma_start3A_481 = tpu.memref_slice %arg4[%add3A, %dma_start3A_479, %dma_start3A_480] : memref<32x8x64xi32, #tpu.memory_space<hbm>> -> memref<1x8x64xi32, #tpu.memory_space<hbm>>
      %dma_start3A_482 = tpu.memref_squeeze %dma_start3A_481 : memref<1x8x64xi32, #tpu.memory_space<hbm>> -> memref<8x64xi32, #tpu.memory_space<hbm>>
      %dma_start3A_483 = arith.constant 0 : i32
      %dma_start3A_484 = arith.constant 0 : i32
      %dma_start3A_485 = tpu.memref_slice %arg4[%add3A, %dma_start3A_483, %dma_start3A_484] : memref<32x8x64xi32, #tpu.memory_space<hbm>> -> memref<1x8x64xi32, #tpu.memory_space<hbm>>
      %dma_start3A_486 = tpu.memref_squeeze %dma_start3A_485 : memref<1x8x64xi32, #tpu.memory_space<hbm>> -> memref<8x64xi32, #tpu.memory_space<hbm>>
      tpu.enqueue_dma source(%dma_start3A_486 : memref<8x64xi32, #tpu.memory_space<hbm>>) target(%arg8 : memref<8x64xi32, #tpu.memory_space<vmem>>) target_semaphore(%run_scoped3A : memref<!tpu.dma_semaphore, #tpu.memory_space<semaphore_mem>>)
      %dma_wait3A_487 = arith.constant 0 : i32
      %dma_wait3A_488 = arith.constant 0 : i32
      %dma_wait3A_489 = tpu.memref_slice %arg4[%add3A, %dma_wait3A_487, %dma_wait3A_488] : memref<32x8x64xi32, #tpu.memory_space<hbm>> -> memref<1x8x64xi32, #tpu.memory_space<hbm>>
      %dma_wait3A_490 = tpu.memref_squeeze %dma_wait3A_489 : memref<1x8x64xi32, #tpu.memory_space<hbm>> -> memref<8x64xi32, #tpu.memory_space<hbm>>
      %dma_wait3A_491 = arith.constant 0 : i32
      %dma_wait3A_492 = arith.constant 0 : i32
      %dma_wait3A_493 = tpu.memref_slice %arg4[%add3A, %dma_wait3A_491, %dma_wait3A_492] : memref<32x8x64xi32, #tpu.memory_space<hbm>> -> memref<1x8x64xi32, #tpu.memory_space<hbm>>
      %dma_wait3A_494 = tpu.memref_squeeze %dma_wait3A_493 : memref<1x8x64xi32, #tpu.memory_space<hbm>> -> memref<8x64xi32, #tpu.memory_space<hbm>>
      tpu.wait_dma2 semaphore(%run_scoped3A : memref<!tpu.dma_semaphore, #tpu.memory_space<semaphore_mem>>) src(%dma_wait3A_494 : memref<8x64xi32, #tpu.memory_space<hbm>>) dst(%arg8 : memref<8x64xi32, #tpu.memory_space<vmem>>)
      tpu.yield
    }) : () -> ()
    %mul3A_1 = arith.constant 512 : i32
    %mul3A_2 = arith.muli %add3A, %mul3A_1 : i32
    %add3A_3 = arith.constant 0 : i32
    %add3A_4 = arith.addi %mul3A_2, %add3A_3 : i32
    %dma_start3A = arith.constant 0 : i32
    %dma_start3A_5 = arith.constant 0 : i32
    %dma_start3A_6 = tpu.memref_slice %arg7[%dma_start3A, %dma_start3A_5] : memref<8x64xi32, #tpu.memory_space<vmem>> -> memref<1x64xi32, #tpu.memory_space<vmem>>
    %dma_start3A_7 = tpu.memref_squeeze %dma_start3A_6 : memref<1x64xi32, #tpu.memory_space<vmem>> -> memref<64xi32, #tpu.memory_space<vmem>>
    %dma_start3A_8 = arith.constant 0 : i32
    %dma_start3A_9 = arith.constant 0 : i32
    %dma_start3A_10 = tpu.memref_slice %arg2[%dma_start3A_8, %dma_start3A_9] : memref<8064x768xf32, #tpu.memory_space<hbm>> -> memref<8064x768xf32, #tpu.memory_space<hbm>>
    tpu.enqueue_indirect_dma source(%dma_start3A_10 : memref<8064x768xf32, #tpu.memory_space<hbm>>) target(%arg9 : memref<64x768xf32, #tpu.memory_space<vmem>>) offsets(%dma_start3A_7 : memref<64xi32, #tpu.memory_space<vmem>>) semaphore(%arg11 : memref<!tpu.dma_semaphore, #tpu.memory_space<semaphore_mem>>)
    %dma_wait3A = arith.constant 0 : i32
    %dma_wait3A_11 = arith.constant 0 : i32
    %dma_wait3A_12 = tpu.memref_slice %arg7[%dma_wait3A, %dma_wait3A_11] : memref<8x64xi32, #tpu.memory_space<vmem>> -> memref<1x64xi32, #tpu.memory_space<vmem>>
    %dma_wait3A_13 = tpu.memref_squeeze %dma_wait3A_12 : memref<1x64xi32, #tpu.memory_space<vmem>> -> memref<64xi32, #tpu.memory_space<vmem>>
    %dma_wait3A_14 = arith.constant 0 : i32
    %dma_wait3A_15 = arith.constant 0 : i32
    %dma_wait3A_16 = tpu.memref_slice %arg2[%dma_wait3A_14, %dma_wait3A_15] : memref<8064x768xf32, #tpu.memory_space<hbm>> -> memref<8064x768xf32, #tpu.memory_space<hbm>>
    tpu.wait_indirect_dma semaphore(%arg11 : memref<!tpu.dma_semaphore, #tpu.memory_space<semaphore_mem>>) src(%dma_wait3A_16 : memref<8064x768xf32, #tpu.memory_space<hbm>>) dst(%arg9 : memref<64x768xf32, #tpu.memory_space<vmem>>)
    %mul3A_17 = arith.constant 512 : i32
    %mul3A_18 = arith.muli %add3A, %mul3A_17 : i32
    %add3A_19 = arith.constant 64 : i32
    %add3A_20 = arith.addi %mul3A_18, %add3A_19 : i32
    %dma_start3A_21 = arith.constant 1 : i32
    %dma_start3A_22 = arith.constant 0 : i32
    %dma_start3A_23 = tpu.memref_slice %arg7[%dma_start3A_21, %dma_start3A_22] : memref<8x64xi32, #tpu.memory_space<vmem>> -> memref<1x64xi32, #tpu.memory_space<vmem>>
    %dma_start3A_24 = tpu.memref_squeeze %dma_start3A_23 : memref<1x64xi32, #tpu.memory_space<vmem>> -> memref<64xi32, #tpu.memory_space<vmem>>
    %dma_start3A_25 = arith.constant 0 : i32
    %dma_start3A_26 = arith.constant 0 : i32
    %dma_start3A_27 = tpu.memref_slice %arg2[%dma_start3A_25, %dma_start3A_26] : memref<8064x768xf32, #tpu.memory_space<hbm>> -> memref<8064x768xf32, #tpu.memory_space<hbm>>
    tpu.enqueue_indirect_dma source(%dma_start3A_27 : memref<8064x768xf32, #tpu.memory_space<hbm>>) target(%arg10 : memref<64x768xf32, #tpu.memory_space<vmem>>) offsets(%dma_start3A_24 : memref<64xi32, #tpu.memory_space<vmem>>) semaphore(%arg12 : memref<!tpu.dma_semaphore, #tpu.memory_space<semaphore_mem>>)
    %mul3A_28 = arith.constant 512 : i32
    %mul3A_29 = arith.muli %add3A, %mul3A_28 : i32
    %add3A_30 = arith.constant 0 : i32
    %add3A_31 = arith.addi %mul3A_29, %add3A_30 : i32
    %dma_start3A_32 = arith.constant 0 : i32
    %dma_start3A_33 = tpu.memref_slice %arg5[%add3A_31, %dma_start3A_32] : memref<16384x768xf32, #tpu.memory_space<hbm>> -> memref<64x768xf32, #tpu.memory_space<hbm>>
    %dma_start3A_34 = arith.constant 0 : i32
    %dma_start3A_35 = tpu.memref_slice %arg5[%add3A_31, %dma_start3A_34] : memref<16384x768xf32, #tpu.memory_space<hbm>> -> memref<64x768xf32, #tpu.memory_space<hbm>>
    tpu.enqueue_dma source(%arg9 : memref<64x768xf32, #tpu.memory_space<vmem>>) target(%dma_start3A_35 : memref<64x768xf32, #tpu.memory_space<hbm>>) target_semaphore(%arg13 : memref<!tpu.dma_semaphore, #tpu.memory_space<semaphore_mem>>)
    %dma_wait3A_36 = arith.constant 1 : i32
    %dma_wait3A_37 = arith.constant 0 : i32
    %dma_wait3A_38 = tpu.memref_slice %arg7[%dma_wait3A_36, %dma_wait3A_37] : memref<8x64xi32, #tpu.memory_space<vmem>> -> memref<1x64xi32, #tpu.memory_space<vmem>>
    %dma_wait3A_39 = tpu.memref_squeeze %dma_wait3A_38 : memref<1x64xi32, #tpu.memory_space<vmem>> -> memref<64xi32, #tpu.memory_space<vmem>>
    %dma_wait3A_40 = arith.constant 0 : i32
    %dma_wait3A_41 = arith.constant 0 : i32
    %dma_wait3A_42 = tpu.memref_slice %arg2[%dma_wait3A_40, %dma_wait3A_41] : memref<8064x768xf32, #tpu.memory_space<hbm>> -> memref<8064x768xf32, #tpu.memory_space<hbm>>
    tpu.wait_indirect_dma semaphore(%arg12 : memref<!tpu.dma_semaphore, #tpu.memory_space<semaphore_mem>>) src(%dma_wait3A_42 : memref<8064x768xf32, #tpu.memory_space<hbm>>) dst(%arg10 : memref<64x768xf32, #tpu.memory_space<vmem>>)
    %dma_wait3A_43 = arith.constant 0 : i32
    %dma_wait3A_44 = tpu.memref_slice %arg5[%add3A_31, %dma_wait3A_43] : memref<16384x768xf32, #tpu.memory_space<hbm>> -> memref<64x768xf32, #tpu.memory_space<hbm>>
    %dma_wait3A_45 = arith.constant 0 : i32
    %dma_wait3A_46 = tpu.memref_slice %arg5[%add3A_31, %dma_wait3A_45] : memref<16384x768xf32, #tpu.memory_space<hbm>> -> memref<64x768xf32, #tpu.memory_space<hbm>>
    tpu.wait_dma2 semaphore(%arg13 : memref<!tpu.dma_semaphore, #tpu.memory_space<semaphore_mem>>) src(%arg9 : memref<64x768xf32, #tpu.memory_space<vmem>>) dst(%dma_wait3A_46 : memref<64x768xf32, #tpu.memory_space<hbm>>)
    %mul3A_47 = arith.constant 512 : i32
    %mul3A_48 = arith.muli %add3A, %mul3A_47 : i32
    %add3A_49 = arith.constant 128 : i32
    %add3A_50 = arith.addi %mul3A_48, %add3A_49 : i32
    %dma_start3A_51 = arith.constant 2 : i32
    %dma_start3A_52 = arith.constant 0 : i32
    %dma_start3A_53 = tpu.memref_slice %arg7[%dma_start3A_51, %dma_start3A_52] : memref<8x64xi32, #tpu.memory_space<vmem>> -> memref<1x64xi32, #tpu.memory_space<vmem>>
    %dma_start3A_54 = tpu.memref_squeeze %dma_start3A_53 : memref<1x64xi32, #tpu.memory_space<vmem>> -> memref<64xi32, #tpu.memory_space<vmem>>
    %dma_start3A_55 = arith.constant 0 : i32
    %dma_start3A_56 = arith.constant 0 : i32
    %dma_start3A_57 = tpu.memref_slice %arg2[%dma_start3A_55, %dma_start3A_56] : memref<8064x768xf32, #tpu.memory_space<hbm>> -> memref<8064x768xf32, #tpu.memory_space<hbm>>
    tpu.enqueue_indirect_dma source(%dma_start3A_57 : memref<8064x768xf32, #tpu.memory_space<hbm>>) target(%arg9 : memref<64x768xf32, #tpu.memory_space<vmem>>) offsets(%dma_start3A_54 : memref<64xi32, #tpu.memory_space<vmem>>) semaphore(%arg11 : memref<!tpu.dma_semaphore, #tpu.memory_space<semaphore_mem>>)
    %mul3A_58 = arith.constant 512 : i32
    %mul3A_59 = arith.muli %add3A, %mul3A_58 : i32
    %add3A_60 = arith.constant 64 : i32
    %add3A_61 = arith.addi %mul3A_59, %add3A_60 : i32
    %dma_start3A_62 = arith.constant 0 : i32
    %dma_start3A_63 = tpu.memref_slice %arg5[%add3A_61, %dma_start3A_62] : memref<16384x768xf32, #tpu.memory_space<hbm>> -> memref<64x768xf32, #tpu.memory_space<hbm>>
    %dma_start3A_64 = arith.constant 0 : i32
    %dma_start3A_65 = tpu.memref_slice %arg5[%add3A_61, %dma_start3A_64] : memref<16384x768xf32, #tpu.memory_space<hbm>> -> memref<64x768xf32, #tpu.memory_space<hbm>>
    tpu.enqueue_dma source(%arg10 : memref<64x768xf32, #tpu.memory_space<vmem>>) target(%dma_start3A_65 : memref<64x768xf32, #tpu.memory_space<hbm>>) target_semaphore(%arg14 : memref<!tpu.dma_semaphore, #tpu.memory_space<semaphore_mem>>)
    %dma_wait3A_66 = arith.constant 2 : i32
    %dma_wait3A_67 = arith.constant 0 : i32
    %dma_wait3A_68 = tpu.memref_slice %arg7[%dma_wait3A_66, %dma_wait3A_67] : memref<8x64xi32, #tpu.memory_space<vmem>> -> memref<1x64xi32, #tpu.memory_space<vmem>>
    %dma_wait3A_69 = tpu.memref_squeeze %dma_wait3A_68 : memref<1x64xi32, #tpu.memory_space<vmem>> -> memref<64xi32, #tpu.memory_space<vmem>>
    %dma_wait3A_70 = arith.constant 0 : i32
    %dma_wait3A_71 = arith.constant 0 : i32
    %dma_wait3A_72 = tpu.memref_slice %arg2[%dma_wait3A_70, %dma_wait3A_71] : memref<8064x768xf32, #tpu.memory_space<hbm>> -> memref<8064x768xf32, #tpu.memory_space<hbm>>
    tpu.wait_indirect_dma semaphore(%arg11 : memref<!tpu.dma_semaphore, #tpu.memory_space<semaphore_mem>>) src(%dma_wait3A_72 : memref<8064x768xf32, #tpu.memory_space<hbm>>) dst(%arg9 : memref<64x768xf32, #tpu.memory_space<vmem>>)
    %dma_wait3A_73 = arith.constant 0 : i32
    %dma_wait3A_74 = tpu.memref_slice %arg5[%add3A_61, %dma_wait3A_73] : memref<16384x768xf32, #tpu.memory_space<hbm>> -> memref<64x768xf32, #tpu.memory_space<hbm>>
    %dma_wait3A_75 = arith.constant 0 : i32
    %dma_wait3A_76 = tpu.memref_slice %arg5[%add3A_61, %dma_wait3A_75] : memref<16384x768xf32, #tpu.memory_space<hbm>> -> memref<64x768xf32, #tpu.memory_space<hbm>>
    tpu.wait_dma2 semaphore(%arg14 : memref<!tpu.dma_semaphore, #tpu.memory_space<semaphore_mem>>) src(%arg10 : memref<64x768xf32, #tpu.memory_space<vmem>>) dst(%dma_wait3A_76 : memref<64x768xf32, #tpu.memory_space<hbm>>)
    %mul3A_77 = arith.constant 512 : i32
    %mul3A_78 = arith.muli %add3A, %mul3A_77 : i32
    %add3A_79 = arith.constant 192 : i32
    %add3A_80 = arith.addi %mul3A_78, %add3A_79 : i32
    %dma_start3A_81 = arith.constant 3 : i32
    %dma_start3A_82 = arith.constant 0 : i32
    %dma_start3A_83 = tpu.memref_slice %arg7[%dma_start3A_81, %dma_start3A_82] : memref<8x64xi32, #tpu.memory_space<vmem>> -> memref<1x64xi32, #tpu.memory_space<vmem>>
    %dma_start3A_84 = tpu.memref_squeeze %dma_start3A_83 : memref<1x64xi32, #tpu.memory_space<vmem>> -> memref<64xi32, #tpu.memory_space<vmem>>
    %dma_start3A_85 = arith.constant 0 : i32
    %dma_start3A_86 = arith.constant 0 : i32
    %dma_start3A_87 = tpu.memref_slice %arg2[%dma_start3A_85, %dma_start3A_86] : memref<8064x768xf32, #tpu.memory_space<hbm>> -> memref<8064x768xf32, #tpu.memory_space<hbm>>
    tpu.enqueue_indirect_dma source(%dma_start3A_87 : memref<8064x768xf32, #tpu.memory_space<hbm>>) target(%arg10 : memref<64x768xf32, #tpu.memory_space<vmem>>) offsets(%dma_start3A_84 : memref<64xi32, #tpu.memory_space<vmem>>) semaphore(%arg12 : memref<!tpu.dma_semaphore, #tpu.memory_space<semaphore_mem>>)
    %mul3A_88 = arith.constant 512 : i32
    %mul3A_89 = arith.muli %add3A, %mul3A_88 : i32
    %add3A_90 = arith.constant 128 : i32
    %add3A_91 = arith.addi %mul3A_89, %add3A_90 : i32
    %dma_start3A_92 = arith.constant 0 : i32
    %dma_start3A_93 = tpu.memref_slice %arg5[%add3A_91, %dma_start3A_92] : memref<16384x768xf32, #tpu.memory_space<hbm>> -> memref<64x768xf32, #tpu.memory_space<hbm>>
    %dma_start3A_94 = arith.constant 0 : i32
    %dma_start3A_95 = tpu.memref_slice %arg5[%add3A_91, %dma_start3A_94] : memref<16384x768xf32, #tpu.memory_space<hbm>> -> memref<64x768xf32, #tpu.memory_space<hbm>>
    tpu.enqueue_dma source(%arg9 : memref<64x768xf32, #tpu.memory_space<vmem>>) target(%dma_start3A_95 : memref<64x768xf32, #tpu.memory_space<hbm>>) target_semaphore(%arg13 : memref<!tpu.dma_semaphore, #tpu.memory_space<semaphore_mem>>)
    %dma_wait3A_96 = arith.constant 3 : i32
    %dma_wait3A_97 = arith.constant 0 : i32
    %dma_wait3A_98 = tpu.memref_slice %arg7[%dma_wait3A_96, %dma_wait3A_97] : memref<8x64xi32, #tpu.memory_space<vmem>> -> memref<1x64xi32, #tpu.memory_space<vmem>>
    %dma_wait3A_99 = tpu.memref_squeeze %dma_wait3A_98 : memref<1x64xi32, #tpu.memory_space<vmem>> -> memref<64xi32, #tpu.memory_space<vmem>>
    %dma_wait3A_100 = arith.constant 0 : i32
    %dma_wait3A_101 = arith.constant 0 : i32
    %dma_wait3A_102 = tpu.memref_slice %arg2[%dma_wait3A_100, %dma_wait3A_101] : memref<8064x768xf32, #tpu.memory_space<hbm>> -> memref<8064x768xf32, #tpu.memory_space<hbm>>
    tpu.wait_indirect_dma semaphore(%arg12 : memref<!tpu.dma_semaphore, #tpu.memory_space<semaphore_mem>>) src(%dma_wait3A_102 : memref<8064x768xf32, #tpu.memory_space<hbm>>) dst(%arg10 : memref<64x768xf32, #tpu.memory_space<vmem>>)
    %dma_wait3A_103 = arith.constant 0 : i32
    %dma_wait3A_104 = tpu.memref_slice %arg5[%add3A_91, %dma_wait3A_103] : memref<16384x768xf32, #tpu.memory_space<hbm>> -> memref<64x768xf32, #tpu.memory_space<hbm>>
    %dma_wait3A_105 = arith.constant 0 : i32
    %dma_wait3A_106 = tpu.memref_slice %arg5[%add3A_91, %dma_wait3A_105] : memref<16384x768xf32, #tpu.memory_space<hbm>> -> memref<64x768xf32, #tpu.memory_space<hbm>>
    tpu.wait_dma2 semaphore(%arg13 : memref<!tpu.dma_semaphore, #tpu.memory_space<semaphore_mem>>) src(%arg9 : memref<64x768xf32, #tpu.memory_space<vmem>>) dst(%dma_wait3A_106 : memref<64x768xf32, #tpu.memory_space<hbm>>)
    %mul3A_107 = arith.constant 512 : i32
    %mul3A_108 = arith.muli %add3A, %mul3A_107 : i32
    %add3A_109 = arith.constant 256 : i32
    %add3A_110 = arith.addi %mul3A_108, %add3A_109 : i32
    %dma_start3A_111 = arith.constant 4 : i32
    %dma_start3A_112 = arith.constant 0 : i32
    %dma_start3A_113 = tpu.memref_slice %arg7[%dma_start3A_111, %dma_start3A_112] : memref<8x64xi32, #tpu.memory_space<vmem>> -> memref<1x64xi32, #tpu.memory_space<vmem>>
    %dma_start3A_114 = tpu.memref_squeeze %dma_start3A_113 : memref<1x64xi32, #tpu.memory_space<vmem>> -> memref<64xi32, #tpu.memory_space<vmem>>
    %dma_start3A_115 = arith.constant 0 : i32
    %dma_start3A_116 = arith.constant 0 : i32
    %dma_start3A_117 = tpu.memref_slice %arg2[%dma_start3A_115, %dma_start3A_116] : memref<8064x768xf32, #tpu.memory_space<hbm>> -> memref<8064x768xf32, #tpu.memory_space<hbm>>
    tpu.enqueue_indirect_dma source(%dma_start3A_117 : memref<8064x768xf32, #tpu.memory_space<hbm>>) target(%arg9 : memref<64x768xf32, #tpu.memory_space<vmem>>) offsets(%dma_start3A_114 : memref<64xi32, #tpu.memory_space<vmem>>) semaphore(%arg11 : memref<!tpu.dma_semaphore, #tpu.memory_space<semaphore_mem>>)
    %mul3A_118 = arith.constant 512 : i32
    %mul3A_119 = arith.muli %add3A, %mul3A_118 : i32
    %add3A_120 = arith.constant 192 : i32
    %add3A_121 = arith.addi %mul3A_119, %add3A_120 : i32
    %dma_start3A_122 = arith.constant 0 : i32
    %dma_start3A_123 = tpu.memref_slice %arg5[%add3A_121, %dma_start3A_122] : memref<16384x768xf32, #tpu.memory_space<hbm>> -> memref<64x768xf32, #tpu.memory_space<hbm>>
    %dma_start3A_124 = arith.constant 0 : i32
    %dma_start3A_125 = tpu.memref_slice %arg5[%add3A_121, %dma_start3A_124] : memref<16384x768xf32, #tpu.memory_space<hbm>> -> memref<64x768xf32, #tpu.memory_space<hbm>>
    tpu.enqueue_dma source(%arg10 : memref<64x768xf32, #tpu.memory_space<vmem>>) target(%dma_start3A_125 : memref<64x768xf32, #tpu.memory_space<hbm>>) target_semaphore(%arg14 : memref<!tpu.dma_semaphore, #tpu.memory_space<semaphore_mem>>)
    %dma_wait3A_126 = arith.constant 4 : i32
    %dma_wait3A_127 = arith.constant 0 : i32
    %dma_wait3A_128 = tpu.memref_slice %arg7[%dma_wait3A_126, %dma_wait3A_127] : memref<8x64xi32, #tpu.memory_space<vmem>> -> memref<1x64xi32, #tpu.memory_space<vmem>>
    %dma_wait3A_129 = tpu.memref_squeeze %dma_wait3A_128 : memref<1x64xi32, #tpu.memory_space<vmem>> -> memref<64xi32, #tpu.memory_space<vmem>>
    %dma_wait3A_130 = arith.constant 0 : i32
    %dma_wait3A_131 = arith.constant 0 : i32
    %dma_wait3A_132 = tpu.memref_slice %arg2[%dma_wait3A_130, %dma_wait3A_131] : memref<8064x768xf32, #tpu.memory_space<hbm>> -> memref<8064x768xf32, #tpu.memory_space<hbm>>
    tpu.wait_indirect_dma semaphore(%arg11 : memref<!tpu.dma_semaphore, #tpu.memory_space<semaphore_mem>>) src(%dma_wait3A_132 : memref<8064x768xf32, #tpu.memory_space<hbm>>) dst(%arg9 : memref<64x768xf32, #tpu.memory_space<vmem>>)
    %dma_wait3A_133 = arith.constant 0 : i32
    %dma_wait3A_134 = tpu.memref_slice %arg5[%add3A_121, %dma_wait3A_133] : memref<16384x768xf32, #tpu.memory_space<hbm>> -> memref<64x768xf32, #tpu.memory_space<hbm>>
    %dma_wait3A_135 = arith.constant 0 : i32
    %dma_wait3A_136 = tpu.memref_slice %arg5[%add3A_121, %dma_wait3A_135] : memref<16384x768xf32, #tpu.memory_space<hbm>> -> memref<64x768xf32, #tpu.memory_space<hbm>>
    tpu.wait_dma2 semaphore(%arg14 : memref<!tpu.dma_semaphore, #tpu.memory_space<semaphore_mem>>) src(%arg10 : memref<64x768xf32, #tpu.memory_space<vmem>>) dst(%dma_wait3A_136 : memref<64x768xf32, #tpu.memory_space<hbm>>)
    %mul3A_137 = arith.constant 512 : i32
    %mul3A_138 = arith.muli %add3A, %mul3A_137 : i32
    %add3A_139 = arith.constant 320 : i32
    %add3A_140 = arith.addi %mul3A_138, %add3A_139 : i32
    %dma_start3A_141 = arith.constant 5 : i32
    %dma_start3A_142 = arith.constant 0 : i32
    %dma_start3A_143 = tpu.memref_slice %arg7[%dma_start3A_141, %dma_start3A_142] : memref<8x64xi32, #tpu.memory_space<vmem>> -> memref<1x64xi32, #tpu.memory_space<vmem>>
    %dma_start3A_144 = tpu.memref_squeeze %dma_start3A_143 : memref<1x64xi32, #tpu.memory_space<vmem>> -> memref<64xi32, #tpu.memory_space<vmem>>
    %dma_start3A_145 = arith.constant 0 : i32
    %dma_start3A_146 = arith.constant 0 : i32
    %dma_start3A_147 = tpu.memref_slice %arg2[%dma_start3A_145, %dma_start3A_146] : memref<8064x768xf32, #tpu.memory_space<hbm>> -> memref<8064x768xf32, #tpu.memory_space<hbm>>
    tpu.enqueue_indirect_dma source(%dma_start3A_147 : memref<8064x768xf32, #tpu.memory_space<hbm>>) target(%arg10 : memref<64x768xf32, #tpu.memory_space<vmem>>) offsets(%dma_start3A_144 : memref<64xi32, #tpu.memory_space<vmem>>) semaphore(%arg12 : memref<!tpu.dma_semaphore, #tpu.memory_space<semaphore_mem>>)
    %mul3A_148 = arith.constant 512 : i32
    %mul3A_149 = arith.muli %add3A, %mul3A_148 : i32
    %add3A_150 = arith.constant 256 : i32
    %add3A_151 = arith.addi %mul3A_149, %add3A_150 : i32
    %dma_start3A_152 = arith.constant 0 : i32
    %dma_start3A_153 = tpu.memref_slice %arg5[%add3A_151, %dma_start3A_152] : memref<16384x768xf32, #tpu.memory_space<hbm>> -> memref<64x768xf32, #tpu.memory_space<hbm>>
    %dma_start3A_154 = arith.constant 0 : i32
    %dma_start3A_155 = tpu.memref_slice %arg5[%add3A_151, %dma_start3A_154] : memref<16384x768xf32, #tpu.memory_space<hbm>> -> memref<64x768xf32, #tpu.memory_space<hbm>>
    tpu.enqueue_dma source(%arg9 : memref<64x768xf32, #tpu.memory_space<vmem>>) target(%dma_start3A_155 : memref<64x768xf32, #tpu.memory_space<hbm>>) target_semaphore(%arg13 : memref<!tpu.dma_semaphore, #tpu.memory_space<semaphore_mem>>)
    %dma_wait3A_156 = arith.constant 5 : i32
    %dma_wait3A_157 = arith.constant 0 : i32
    %dma_wait3A_158 = tpu.memref_slice %arg7[%dma_wait3A_156, %dma_wait3A_157] : memref<8x64xi32, #tpu.memory_space<vmem>> -> memref<1x64xi32, #tpu.memory_space<vmem>>
    %dma_wait3A_159 = tpu.memref_squeeze %dma_wait3A_158 : memref<1x64xi32, #tpu.memory_space<vmem>> -> memref<64xi32, #tpu.memory_space<vmem>>
    %dma_wait3A_160 = arith.constant 0 : i32
    %dma_wait3A_161 = arith.constant 0 : i32
    %dma_wait3A_162 = tpu.memref_slice %arg2[%dma_wait3A_160, %dma_wait3A_161] : memref<8064x768xf32, #tpu.memory_space<hbm>> -> memref<8064x768xf32, #tpu.memory_space<hbm>>
    tpu.wait_indirect_dma semaphore(%arg12 : memref<!tpu.dma_semaphore, #tpu.memory_space<semaphore_mem>>) src(%dma_wait3A_162 : memref<8064x768xf32, #tpu.memory_space<hbm>>) dst(%arg10 : memref<64x768xf32, #tpu.memory_space<vmem>>)
    %dma_wait3A_163 = arith.constant 0 : i32
    %dma_wait3A_164 = tpu.memref_slice %arg5[%add3A_151, %dma_wait3A_163] : memref<16384x768xf32, #tpu.memory_space<hbm>> -> memref<64x768xf32, #tpu.memory_space<hbm>>
    %dma_wait3A_165 = arith.constant 0 : i32
    %dma_wait3A_166 = tpu.memref_slice %arg5[%add3A_151, %dma_wait3A_165] : memref<16384x768xf32, #tpu.memory_space<hbm>> -> memref<64x768xf32, #tpu.memory_space<hbm>>
    tpu.wait_dma2 semaphore(%arg13 : memref<!tpu.dma_semaphore, #tpu.memory_space<semaphore_mem>>) src(%arg9 : memref<64x768xf32, #tpu.memory_space<vmem>>) dst(%dma_wait3A_166 : memref<64x768xf32, #tpu.memory_space<hbm>>)
    %mul3A_167 = arith.constant 512 : i32
    %mul3A_168 = arith.muli %add3A, %mul3A_167 : i32
    %add3A_169 = arith.constant 384 : i32
    %add3A_170 = arith.addi %mul3A_168, %add3A_169 : i32
    %dma_start3A_171 = arith.constant 6 : i32
    %dma_start3A_172 = arith.constant 0 : i32
    %dma_start3A_173 = tpu.memref_slice %arg7[%dma_start3A_171, %dma_start3A_172] : memref<8x64xi32, #tpu.memory_space<vmem>> -> memref<1x64xi32, #tpu.memory_space<vmem>>
    %dma_start3A_174 = tpu.memref_squeeze %dma_start3A_173 : memref<1x64xi32, #tpu.memory_space<vmem>> -> memref<64xi32, #tpu.memory_space<vmem>>
    %dma_start3A_175 = arith.constant 0 : i32
    %dma_start3A_176 = arith.constant 0 : i32
    %dma_start3A_177 = tpu.memref_slice %arg2[%dma_start3A_175, %dma_start3A_176] : memref<8064x768xf32, #tpu.memory_space<hbm>> -> memref<8064x768xf32, #tpu.memory_space<hbm>>
    tpu.enqueue_indirect_dma source(%dma_start3A_177 : memref<8064x768xf32, #tpu.memory_space<hbm>>) target(%arg9 : memref<64x768xf32, #tpu.memory_space<vmem>>) offsets(%dma_start3A_174 : memref<64xi32, #tpu.memory_space<vmem>>) semaphore(%arg11 : memref<!tpu.dma_semaphore, #tpu.memory_space<semaphore_mem>>)
    %mul3A_178 = arith.constant 512 : i32
    %mul3A_179 = arith.muli %add3A, %mul3A_178 : i32
    %add3A_180 = arith.constant 320 : i32
    %add3A_181 = arith.addi %mul3A_179, %add3A_180 : i32
    %dma_start3A_182 = arith.constant 0 : i32
    %dma_start3A_183 = tpu.memref_slice %arg5[%add3A_181, %dma_start3A_182] : memref<16384x768xf32, #tpu.memory_space<hbm>> -> memref<64x768xf32, #tpu.memory_space<hbm>>
    %dma_start3A_184 = arith.constant 0 : i32
    %dma_start3A_185 = tpu.memref_slice %arg5[%add3A_181, %dma_start3A_184] : memref<16384x768xf32, #tpu.memory_space<hbm>> -> memref<64x768xf32, #tpu.memory_space<hbm>>
    tpu.enqueue_dma source(%arg10 : memref<64x768xf32, #tpu.memory_space<vmem>>) target(%dma_start3A_185 : memref<64x768xf32, #tpu.memory_space<hbm>>) target_semaphore(%arg14 : memref<!tpu.dma_semaphore, #tpu.memory_space<semaphore_mem>>)
    %dma_wait3A_186 = arith.constant 6 : i32
    %dma_wait3A_187 = arith.constant 0 : i32
    %dma_wait3A_188 = tpu.memref_slice %arg7[%dma_wait3A_186, %dma_wait3A_187] : memref<8x64xi32, #tpu.memory_space<vmem>> -> memref<1x64xi32, #tpu.memory_space<vmem>>
    %dma_wait3A_189 = tpu.memref_squeeze %dma_wait3A_188 : memref<1x64xi32, #tpu.memory_space<vmem>> -> memref<64xi32, #tpu.memory_space<vmem>>
    %dma_wait3A_190 = arith.constant 0 : i32
    %dma_wait3A_191 = arith.constant 0 : i32
    %dma_wait3A_192 = tpu.memref_slice %arg2[%dma_wait3A_190, %dma_wait3A_191] : memref<8064x768xf32, #tpu.memory_space<hbm>> -> memref<8064x768xf32, #tpu.memory_space<hbm>>
    tpu.wait_indirect_dma semaphore(%arg11 : memref<!tpu.dma_semaphore, #tpu.memory_space<semaphore_mem>>) src(%dma_wait3A_192 : memref<8064x768xf32, #tpu.memory_space<hbm>>) dst(%arg9 : memref<64x768xf32, #tpu.memory_space<vmem>>)
    %dma_wait3A_193 = arith.constant 0 : i32
    %dma_wait3A_194 = tpu.memref_slice %arg5[%add3A_181, %dma_wait3A_193] : memref<16384x768xf32, #tpu.memory_space<hbm>> -> memref<64x768xf32, #tpu.memory_space<hbm>>
    %dma_wait3A_195 = arith.constant 0 : i32
    %dma_wait3A_196 = tpu.memref_slice %arg5[%add3A_181, %dma_wait3A_195] : memref<16384x768xf32, #tpu.memory_space<hbm>> -> memref<64x768xf32, #tpu.memory_space<hbm>>
    tpu.wait_dma2 semaphore(%arg14 : memref<!tpu.dma_semaphore, #tpu.memory_space<semaphore_mem>>) src(%arg10 : memref<64x768xf32, #tpu.memory_space<vmem>>) dst(%dma_wait3A_196 : memref<64x768xf32, #tpu.memory_space<hbm>>)
    %mul3A_197 = arith.constant 512 : i32
    %mul3A_198 = arith.muli %add3A, %mul3A_197 : i32
    %add3A_199 = arith.constant 448 : i32
    %add3A_200 = arith.addi %mul3A_198, %add3A_199 : i32
    %dma_start3A_201 = arith.constant 7 : i32
    %dma_start3A_202 = arith.constant 0 : i32
    %dma_start3A_203 = tpu.memref_slice %arg7[%dma_start3A_201, %dma_start3A_202] : memref<8x64xi32, #tpu.memory_space<vmem>> -> memref<1x64xi32, #tpu.memory_space<vmem>>
    %dma_start3A_204 = tpu.memref_squeeze %dma_start3A_203 : memref<1x64xi32, #tpu.memory_space<vmem>> -> memref<64xi32, #tpu.memory_space<vmem>>
    %dma_start3A_205 = arith.constant 0 : i32
    %dma_start3A_206 = arith.constant 0 : i32
    %dma_start3A_207 = tpu.memref_slice %arg2[%dma_start3A_205, %dma_start3A_206] : memref<8064x768xf32, #tpu.memory_space<hbm>> -> memref<8064x768xf32, #tpu.memory_space<hbm>>
    tpu.enqueue_indirect_dma source(%dma_start3A_207 : memref<8064x768xf32, #tpu.memory_space<hbm>>) target(%arg10 : memref<64x768xf32, #tpu.memory_space<vmem>>) offsets(%dma_start3A_204 : memref<64xi32, #tpu.memory_space<vmem>>) semaphore(%arg12 : memref<!tpu.dma_semaphore, #tpu.memory_space<semaphore_mem>>)
    %mul3A_208 = arith.constant 512 : i32
    %mul3A_209 = arith.muli %add3A, %mul3A_208 : i32
    %add3A_210 = arith.constant 384 : i32
    %add3A_211 = arith.addi %mul3A_209, %add3A_210 : i32
    %dma_start3A_212 = arith.constant 0 : i32
    %dma_start3A_213 = tpu.memref_slice %arg5[%add3A_211, %dma_start3A_212] : memref<16384x768xf32, #tpu.memory_space<hbm>> -> memref<64x768xf32, #tpu.memory_space<hbm>>
    %dma_start3A_214 = arith.constant 0 : i32
    %dma_start3A_215 = tpu.memref_slice %arg5[%add3A_211, %dma_start3A_214] : memref<16384x768xf32, #tpu.memory_space<hbm>> -> memref<64x768xf32, #tpu.memory_space<hbm>>
    tpu.enqueue_dma source(%arg9 : memref<64x768xf32, #tpu.memory_space<vmem>>) target(%dma_start3A_215 : memref<64x768xf32, #tpu.memory_space<hbm>>) target_semaphore(%arg13 : memref<!tpu.dma_semaphore, #tpu.memory_space<semaphore_mem>>)
    %dma_wait3A_216 = arith.constant 7 : i32
    %dma_wait3A_217 = arith.constant 0 : i32
    %dma_wait3A_218 = tpu.memref_slice %arg7[%dma_wait3A_216, %dma_wait3A_217] : memref<8x64xi32, #tpu.memory_space<vmem>> -> memref<1x64xi32, #tpu.memory_space<vmem>>
    %dma_wait3A_219 = tpu.memref_squeeze %dma_wait3A_218 : memref<1x64xi32, #tpu.memory_space<vmem>> -> memref<64xi32, #tpu.memory_space<vmem>>
    %dma_wait3A_220 = arith.constant 0 : i32
    %dma_wait3A_221 = arith.constant 0 : i32
    %dma_wait3A_222 = tpu.memref_slice %arg2[%dma_wait3A_220, %dma_wait3A_221] : memref<8064x768xf32, #tpu.memory_space<hbm>> -> memref<8064x768xf32, #tpu.memory_space<hbm>>
    tpu.wait_indirect_dma semaphore(%arg12 : memref<!tpu.dma_semaphore, #tpu.memory_space<semaphore_mem>>) src(%dma_wait3A_222 : memref<8064x768xf32, #tpu.memory_space<hbm>>) dst(%arg10 : memref<64x768xf32, #tpu.memory_space<vmem>>)
    %dma_wait3A_223 = arith.constant 0 : i32
    %dma_wait3A_224 = tpu.memref_slice %arg5[%add3A_211, %dma_wait3A_223] : memref<16384x768xf32, #tpu.memory_space<hbm>> -> memref<64x768xf32, #tpu.memory_space<hbm>>
    %dma_wait3A_225 = arith.constant 0 : i32
    %dma_wait3A_226 = tpu.memref_slice %arg5[%add3A_211, %dma_wait3A_225] : memref<16384x768xf32, #tpu.memory_space<hbm>> -> memref<64x768xf32, #tpu.memory_space<hbm>>
    tpu.wait_dma2 semaphore(%arg13 : memref<!tpu.dma_semaphore, #tpu.memory_space<semaphore_mem>>) src(%arg9 : memref<64x768xf32, #tpu.memory_space<vmem>>) dst(%dma_wait3A_226 : memref<64x768xf32, #tpu.memory_space<hbm>>)
    %mul3A_227 = arith.constant 512 : i32
    %mul3A_228 = arith.muli %add3A, %mul3A_227 : i32
    %add3A_229 = arith.constant 0 : i32
    %add3A_230 = arith.addi %mul3A_228, %add3A_229 : i32
    %dma_start3A_231 = arith.constant 0 : i32
    %dma_start3A_232 = arith.constant 0 : i32
    %dma_start3A_233 = tpu.memref_slice %arg8[%dma_start3A_231, %dma_start3A_232] : memref<8x64xi32, #tpu.memory_space<vmem>> -> memref<1x64xi32, #tpu.memory_space<vmem>>
    %dma_start3A_234 = tpu.memref_squeeze %dma_start3A_233 : memref<1x64xi32, #tpu.memory_space<vmem>> -> memref<64xi32, #tpu.memory_space<vmem>>
    %dma_start3A_235 = arith.constant 0 : i32
    %dma_start3A_236 = arith.constant 0 : i32
    %dma_start3A_237 = tpu.memref_slice %arg2[%dma_start3A_235, %dma_start3A_236] : memref<8064x768xf32, #tpu.memory_space<hbm>> -> memref<8064x768xf32, #tpu.memory_space<hbm>>
    tpu.enqueue_indirect_dma source(%dma_start3A_237 : memref<8064x768xf32, #tpu.memory_space<hbm>>) target(%arg9 : memref<64x768xf32, #tpu.memory_space<vmem>>) offsets(%dma_start3A_234 : memref<64xi32, #tpu.memory_space<vmem>>) semaphore(%arg11 : memref<!tpu.dma_semaphore, #tpu.memory_space<semaphore_mem>>)
    %mul3A_238 = arith.constant 512 : i32
    %mul3A_239 = arith.muli %add3A, %mul3A_238 : i32
    %add3A_240 = arith.constant 448 : i32
    %add3A_241 = arith.addi %mul3A_239, %add3A_240 : i32
    %dma_start3A_242 = arith.constant 0 : i32
    %dma_start3A_243 = tpu.memref_slice %arg5[%add3A_241, %dma_start3A_242] : memref<16384x768xf32, #tpu.memory_space<hbm>> -> memref<64x768xf32, #tpu.memory_space<hbm>>
    %dma_start3A_244 = arith.constant 0 : i32
    %dma_start3A_245 = tpu.memref_slice %arg5[%add3A_241, %dma_start3A_244] : memref<16384x768xf32, #tpu.memory_space<hbm>> -> memref<64x768xf32, #tpu.memory_space<hbm>>
    tpu.enqueue_dma source(%arg10 : memref<64x768xf32, #tpu.memory_space<vmem>>) target(%dma_start3A_245 : memref<64x768xf32, #tpu.memory_space<hbm>>) target_semaphore(%arg14 : memref<!tpu.dma_semaphore, #tpu.memory_space<semaphore_mem>>)
    %dma_wait3A_246 = arith.constant 0 : i32
    %dma_wait3A_247 = arith.constant 0 : i32
    %dma_wait3A_248 = tpu.memref_slice %arg8[%dma_wait3A_246, %dma_wait3A_247] : memref<8x64xi32, #tpu.memory_space<vmem>> -> memref<1x64xi32, #tpu.memory_space<vmem>>
    %dma_wait3A_249 = tpu.memref_squeeze %dma_wait3A_248 : memref<1x64xi32, #tpu.memory_space<vmem>> -> memref<64xi32, #tpu.memory_space<vmem>>
    %dma_wait3A_250 = arith.constant 0 : i32
    %dma_wait3A_251 = arith.constant 0 : i32
    %dma_wait3A_252 = tpu.memref_slice %arg2[%dma_wait3A_250, %dma_wait3A_251] : memref<8064x768xf32, #tpu.memory_space<hbm>> -> memref<8064x768xf32, #tpu.memory_space<hbm>>
    tpu.wait_indirect_dma semaphore(%arg11 : memref<!tpu.dma_semaphore, #tpu.memory_space<semaphore_mem>>) src(%dma_wait3A_252 : memref<8064x768xf32, #tpu.memory_space<hbm>>) dst(%arg9 : memref<64x768xf32, #tpu.memory_space<vmem>>)
    %dma_wait3A_253 = arith.constant 0 : i32
    %dma_wait3A_254 = tpu.memref_slice %arg5[%add3A_241, %dma_wait3A_253] : memref<16384x768xf32, #tpu.memory_space<hbm>> -> memref<64x768xf32, #tpu.memory_space<hbm>>
    %dma_wait3A_255 = arith.constant 0 : i32
    %dma_wait3A_256 = tpu.memref_slice %arg5[%add3A_241, %dma_wait3A_255] : memref<16384x768xf32, #tpu.memory_space<hbm>> -> memref<64x768xf32, #tpu.memory_space<hbm>>
    tpu.wait_dma2 semaphore(%arg14 : memref<!tpu.dma_semaphore, #tpu.memory_space<semaphore_mem>>) src(%arg10 : memref<64x768xf32, #tpu.memory_space<vmem>>) dst(%dma_wait3A_256 : memref<64x768xf32, #tpu.memory_space<hbm>>)
    %mul3A_257 = arith.constant 512 : i32
    %mul3A_258 = arith.muli %add3A, %mul3A_257 : i32
    %add3A_259 = arith.constant 64 : i32
    %add3A_260 = arith.addi %mul3A_258, %add3A_259 : i32
    %dma_start3A_261 = arith.constant 1 : i32
    %dma_start3A_262 = arith.constant 0 : i32
    %dma_start3A_263 = tpu.memref_slice %arg8[%dma_start3A_261, %dma_start3A_262] : memref<8x64xi32, #tpu.memory_space<vmem>> -> memref<1x64xi32, #tpu.memory_space<vmem>>
    %dma_start3A_264 = tpu.memref_squeeze %dma_start3A_263 : memref<1x64xi32, #tpu.memory_space<vmem>> -> memref<64xi32, #tpu.memory_space<vmem>>
    %dma_start3A_265 = arith.constant 0 : i32
    %dma_start3A_266 = arith.constant 0 : i32
    %dma_start3A_267 = tpu.memref_slice %arg2[%dma_start3A_265, %dma_start3A_266] : memref<8064x768xf32, #tpu.memory_space<hbm>> -> memref<8064x768xf32, #tpu.memory_space<hbm>>
    tpu.enqueue_indirect_dma source(%dma_start3A_267 : memref<8064x768xf32, #tpu.memory_space<hbm>>) target(%arg10 : memref<64x768xf32, #tpu.memory_space<vmem>>) offsets(%dma_start3A_264 : memref<64xi32, #tpu.memory_space<vmem>>) semaphore(%arg12 : memref<!tpu.dma_semaphore, #tpu.memory_space<semaphore_mem>>)
    %mul3A_268 = arith.constant 512 : i32
    %mul3A_269 = arith.muli %add3A, %mul3A_268 : i32
    %add3A_270 = arith.constant 0 : i32
    %add3A_271 = arith.addi %mul3A_269, %add3A_270 : i32
    %dma_start3A_272 = arith.constant 0 : i32
    %dma_start3A_273 = tpu.memref_slice %arg6[%add3A_271, %dma_start3A_272] : memref<16384x768xf32, #tpu.memory_space<hbm>> -> memref<64x768xf32, #tpu.memory_space<hbm>>
    %dma_start3A_274 = arith.constant 0 : i32
    %dma_start3A_275 = tpu.memref_slice %arg6[%add3A_271, %dma_start3A_274] : memref<16384x768xf32, #tpu.memory_space<hbm>> -> memref<64x768xf32, #tpu.memory_space<hbm>>
    tpu.enqueue_dma source(%arg9 : memref<64x768xf32, #tpu.memory_space<vmem>>) target(%dma_start3A_275 : memref<64x768xf32, #tpu.memory_space<hbm>>) target_semaphore(%arg13 : memref<!tpu.dma_semaphore, #tpu.memory_space<semaphore_mem>>)
    %dma_wait3A_276 = arith.constant 1 : i32
    %dma_wait3A_277 = arith.constant 0 : i32
    %dma_wait3A_278 = tpu.memref_slice %arg8[%dma_wait3A_276, %dma_wait3A_277] : memref<8x64xi32, #tpu.memory_space<vmem>> -> memref<1x64xi32, #tpu.memory_space<vmem>>
    %dma_wait3A_279 = tpu.memref_squeeze %dma_wait3A_278 : memref<1x64xi32, #tpu.memory_space<vmem>> -> memref<64xi32, #tpu.memory_space<vmem>>
    %dma_wait3A_280 = arith.constant 0 : i32
    %dma_wait3A_281 = arith.constant 0 : i32
    %dma_wait3A_282 = tpu.memref_slice %arg2[%dma_wait3A_280, %dma_wait3A_281] : memref<8064x768xf32, #tpu.memory_space<hbm>> -> memref<8064x768xf32, #tpu.memory_space<hbm>>
    tpu.wait_indirect_dma semaphore(%arg12 : memref<!tpu.dma_semaphore, #tpu.memory_space<semaphore_mem>>) src(%dma_wait3A_282 : memref<8064x768xf32, #tpu.memory_space<hbm>>) dst(%arg10 : memref<64x768xf32, #tpu.memory_space<vmem>>)
    %dma_wait3A_283 = arith.constant 0 : i32
    %dma_wait3A_284 = tpu.memref_slice %arg6[%add3A_271, %dma_wait3A_283] : memref<16384x768xf32, #tpu.memory_space<hbm>> -> memref<64x768xf32, #tpu.memory_space<hbm>>
    %dma_wait3A_285 = arith.constant 0 : i32
    %dma_wait3A_286 = tpu.memref_slice %arg6[%add3A_271, %dma_wait3A_285] : memref<16384x768xf32, #tpu.memory_space<hbm>> -> memref<64x768xf32, #tpu.memory_space<hbm>>
    tpu.wait_dma2 semaphore(%arg13 : memref<!tpu.dma_semaphore, #tpu.memory_space<semaphore_mem>>) src(%arg9 : memref<64x768xf32, #tpu.memory_space<vmem>>) dst(%dma_wait3A_286 : memref<64x768xf32, #tpu.memory_space<hbm>>)
    %mul3A_287 = arith.constant 512 : i32
    %mul3A_288 = arith.muli %add3A, %mul3A_287 : i32
    %add3A_289 = arith.constant 128 : i32
    %add3A_290 = arith.addi %mul3A_288, %add3A_289 : i32
    %dma_start3A_291 = arith.constant 2 : i32
    %dma_start3A_292 = arith.constant 0 : i32
    %dma_start3A_293 = tpu.memref_slice %arg8[%dma_start3A_291, %dma_start3A_292] : memref<8x64xi32, #tpu.memory_space<vmem>> -> memref<1x64xi32, #tpu.memory_space<vmem>>
    %dma_start3A_294 = tpu.memref_squeeze %dma_start3A_293 : memref<1x64xi32, #tpu.memory_space<vmem>> -> memref<64xi32, #tpu.memory_space<vmem>>
    %dma_start3A_295 = arith.constant 0 : i32
    %dma_start3A_296 = arith.constant 0 : i32
    %dma_start3A_297 = tpu.memref_slice %arg2[%dma_start3A_295, %dma_start3A_296] : memref<8064x768xf32, #tpu.memory_space<hbm>> -> memref<8064x768xf32, #tpu.memory_space<hbm>>
    tpu.enqueue_indirect_dma source(%dma_start3A_297 : memref<8064x768xf32, #tpu.memory_space<hbm>>) target(%arg9 : memref<64x768xf32, #tpu.memory_space<vmem>>) offsets(%dma_start3A_294 : memref<64xi32, #tpu.memory_space<vmem>>) semaphore(%arg11 : memref<!tpu.dma_semaphore, #tpu.memory_space<semaphore_mem>>)
    %mul3A_298 = arith.constant 512 : i32
    %mul3A_299 = arith.muli %add3A, %mul3A_298 : i32
    %add3A_300 = arith.constant 64 : i32
    %add3A_301 = arith.addi %mul3A_299, %add3A_300 : i32
    %dma_start3A_302 = arith.constant 0 : i32
    %dma_start3A_303 = tpu.memref_slice %arg6[%add3A_301, %dma_start3A_302] : memref<16384x768xf32, #tpu.memory_space<hbm>> -> memref<64x768xf32, #tpu.memory_space<hbm>>
    %dma_start3A_304 = arith.constant 0 : i32
    %dma_start3A_305 = tpu.memref_slice %arg6[%add3A_301, %dma_start3A_304] : memref<16384x768xf32, #tpu.memory_space<hbm>> -> memref<64x768xf32, #tpu.memory_space<hbm>>
    tpu.enqueue_dma source(%arg10 : memref<64x768xf32, #tpu.memory_space<vmem>>) target(%dma_start3A_305 : memref<64x768xf32, #tpu.memory_space<hbm>>) target_semaphore(%arg14 : memref<!tpu.dma_semaphore, #tpu.memory_space<semaphore_mem>>)
    %dma_wait3A_306 = arith.constant 2 : i32
    %dma_wait3A_307 = arith.constant 0 : i32
    %dma_wait3A_308 = tpu.memref_slice %arg8[%dma_wait3A_306, %dma_wait3A_307] : memref<8x64xi32, #tpu.memory_space<vmem>> -> memref<1x64xi32, #tpu.memory_space<vmem>>
    %dma_wait3A_309 = tpu.memref_squeeze %dma_wait3A_308 : memref<1x64xi32, #tpu.memory_space<vmem>> -> memref<64xi32, #tpu.memory_space<vmem>>
    %dma_wait3A_310 = arith.constant 0 : i32
    %dma_wait3A_311 = arith.constant 0 : i32
    %dma_wait3A_312 = tpu.memref_slice %arg2[%dma_wait3A_310, %dma_wait3A_311] : memref<8064x768xf32, #tpu.memory_space<hbm>> -> memref<8064x768xf32, #tpu.memory_space<hbm>>
    tpu.wait_indirect_dma semaphore(%arg11 : memref<!tpu.dma_semaphore, #tpu.memory_space<semaphore_mem>>) src(%dma_wait3A_312 : memref<8064x768xf32, #tpu.memory_space<hbm>>) dst(%arg9 : memref<64x768xf32, #tpu.memory_space<vmem>>)
    %dma_wait3A_313 = arith.constant 0 : i32
    %dma_wait3A_314 = tpu.memref_slice %arg6[%add3A_301, %dma_wait3A_313] : memref<16384x768xf32, #tpu.memory_space<hbm>> -> memref<64x768xf32, #tpu.memory_space<hbm>>
    %dma_wait3A_315 = arith.constant 0 : i32
    %dma_wait3A_316 = tpu.memref_slice %arg6[%add3A_301, %dma_wait3A_315] : memref<16384x768xf32, #tpu.memory_space<hbm>> -> memref<64x768xf32, #tpu.memory_space<hbm>>
    tpu.wait_dma2 semaphore(%arg14 : memref<!tpu.dma_semaphore, #tpu.memory_space<semaphore_mem>>) src(%arg10 : memref<64x768xf32, #tpu.memory_space<vmem>>) dst(%dma_wait3A_316 : memref<64x768xf32, #tpu.memory_space<hbm>>)
    %mul3A_317 = arith.constant 512 : i32
    %mul3A_318 = arith.muli %add3A, %mul3A_317 : i32
    %add3A_319 = arith.constant 192 : i32
    %add3A_320 = arith.addi %mul3A_318, %add3A_319 : i32
    %dma_start3A_321 = arith.constant 3 : i32
    %dma_start3A_322 = arith.constant 0 : i32
    %dma_start3A_323 = tpu.memref_slice %arg8[%dma_start3A_321, %dma_start3A_322] : memref<8x64xi32, #tpu.memory_space<vmem>> -> memref<1x64xi32, #tpu.memory_space<vmem>>
    %dma_start3A_324 = tpu.memref_squeeze %dma_start3A_323 : memref<1x64xi32, #tpu.memory_space<vmem>> -> memref<64xi32, #tpu.memory_space<vmem>>
    %dma_start3A_325 = arith.constant 0 : i32
    %dma_start3A_326 = arith.constant 0 : i32
    %dma_start3A_327 = tpu.memref_slice %arg2[%dma_start3A_325, %dma_start3A_326] : memref<8064x768xf32, #tpu.memory_space<hbm>> -> memref<8064x768xf32, #tpu.memory_space<hbm>>
    tpu.enqueue_indirect_dma source(%dma_start3A_327 : memref<8064x768xf32, #tpu.memory_space<hbm>>) target(%arg10 : memref<64x768xf32, #tpu.memory_space<vmem>>) offsets(%dma_start3A_324 : memref<64xi32, #tpu.memory_space<vmem>>) semaphore(%arg12 : memref<!tpu.dma_semaphore, #tpu.memory_space<semaphore_mem>>)
    %mul3A_328 = arith.constant 512 : i32
    %mul3A_329 = arith.muli %add3A, %mul3A_328 : i32
    %add3A_330 = arith.constant 128 : i32
    %add3A_331 = arith.addi %mul3A_329, %add3A_330 : i32
    %dma_start3A_332 = arith.constant 0 : i32
    %dma_start3A_333 = tpu.memref_slice %arg6[%add3A_331, %dma_start3A_332] : memref<16384x768xf32, #tpu.memory_space<hbm>> -> memref<64x768xf32, #tpu.memory_space<hbm>>
    %dma_start3A_334 = arith.constant 0 : i32
    %dma_start3A_335 = tpu.memref_slice %arg6[%add3A_331, %dma_start3A_334] : memref<16384x768xf32, #tpu.memory_space<hbm>> -> memref<64x768xf32, #tpu.memory_space<hbm>>
    tpu.enqueue_dma source(%arg9 : memref<64x768xf32, #tpu.memory_space<vmem>>) target(%dma_start3A_335 : memref<64x768xf32, #tpu.memory_space<hbm>>) target_semaphore(%arg13 : memref<!tpu.dma_semaphore, #tpu.memory_space<semaphore_mem>>)
    %dma_wait3A_336 = arith.constant 3 : i32
    %dma_wait3A_337 = arith.constant 0 : i32
    %dma_wait3A_338 = tpu.memref_slice %arg8[%dma_wait3A_336, %dma_wait3A_337] : memref<8x64xi32, #tpu.memory_space<vmem>> -> memref<1x64xi32, #tpu.memory_space<vmem>>
    %dma_wait3A_339 = tpu.memref_squeeze %dma_wait3A_338 : memref<1x64xi32, #tpu.memory_space<vmem>> -> memref<64xi32, #tpu.memory_space<vmem>>
    %dma_wait3A_340 = arith.constant 0 : i32
    %dma_wait3A_341 = arith.constant 0 : i32
    %dma_wait3A_342 = tpu.memref_slice %arg2[%dma_wait3A_340, %dma_wait3A_341] : memref<8064x768xf32, #tpu.memory_space<hbm>> -> memref<8064x768xf32, #tpu.memory_space<hbm>>
    tpu.wait_indirect_dma semaphore(%arg12 : memref<!tpu.dma_semaphore, #tpu.memory_space<semaphore_mem>>) src(%dma_wait3A_342 : memref<8064x768xf32, #tpu.memory_space<hbm>>) dst(%arg10 : memref<64x768xf32, #tpu.memory_space<vmem>>)
    %dma_wait3A_343 = arith.constant 0 : i32
    %dma_wait3A_344 = tpu.memref_slice %arg6[%add3A_331, %dma_wait3A_343] : memref<16384x768xf32, #tpu.memory_space<hbm>> -> memref<64x768xf32, #tpu.memory_space<hbm>>
    %dma_wait3A_345 = arith.constant 0 : i32
    %dma_wait3A_346 = tpu.memref_slice %arg6[%add3A_331, %dma_wait3A_345] : memref<16384x768xf32, #tpu.memory_space<hbm>> -> memref<64x768xf32, #tpu.memory_space<hbm>>
    tpu.wait_dma2 semaphore(%arg13 : memref<!tpu.dma_semaphore, #tpu.memory_space<semaphore_mem>>) src(%arg9 : memref<64x768xf32, #tpu.memory_space<vmem>>) dst(%dma_wait3A_346 : memref<64x768xf32, #tpu.memory_space<hbm>>)
    %mul3A_347 = arith.constant 512 : i32
    %mul3A_348 = arith.muli %add3A, %mul3A_347 : i32
    %add3A_349 = arith.constant 256 : i32
    %add3A_350 = arith.addi %mul3A_348, %add3A_349 : i32
    %dma_start3A_351 = arith.constant 4 : i32
    %dma_start3A_352 = arith.constant 0 : i32
    %dma_start3A_353 = tpu.memref_slice %arg8[%dma_start3A_351, %dma_start3A_352] : memref<8x64xi32, #tpu.memory_space<vmem>> -> memref<1x64xi32, #tpu.memory_space<vmem>>
    %dma_start3A_354 = tpu.memref_squeeze %dma_start3A_353 : memref<1x64xi32, #tpu.memory_space<vmem>> -> memref<64xi32, #tpu.memory_space<vmem>>
    %dma_start3A_355 = arith.constant 0 : i32
    %dma_start3A_356 = arith.constant 0 : i32
    %dma_start3A_357 = tpu.memref_slice %arg2[%dma_start3A_355, %dma_start3A_356] : memref<8064x768xf32, #tpu.memory_space<hbm>> -> memref<8064x768xf32, #tpu.memory_space<hbm>>
    tpu.enqueue_indirect_dma source(%dma_start3A_357 : memref<8064x768xf32, #tpu.memory_space<hbm>>) target(%arg9 : memref<64x768xf32, #tpu.memory_space<vmem>>) offsets(%dma_start3A_354 : memref<64xi32, #tpu.memory_space<vmem>>) semaphore(%arg11 : memref<!tpu.dma_semaphore, #tpu.memory_space<semaphore_mem>>)
    %mul3A_358 = arith.constant 512 : i32
    %mul3A_359 = arith.muli %add3A, %mul3A_358 : i32
    %add3A_360 = arith.constant 192 : i32
    %add3A_361 = arith.addi %mul3A_359, %add3A_360 : i32
    %dma_start3A_362 = arith.constant 0 : i32
    %dma_start3A_363 = tpu.memref_slice %arg6[%add3A_361, %dma_start3A_362] : memref<16384x768xf32, #tpu.memory_space<hbm>> -> memref<64x768xf32, #tpu.memory_space<hbm>>
    %dma_start3A_364 = arith.constant 0 : i32
    %dma_start3A_365 = tpu.memref_slice %arg6[%add3A_361, %dma_start3A_364] : memref<16384x768xf32, #tpu.memory_space<hbm>> -> memref<64x768xf32, #tpu.memory_space<hbm>>
    tpu.enqueue_dma source(%arg10 : memref<64x768xf32, #tpu.memory_space<vmem>>) target(%dma_start3A_365 : memref<64x768xf32, #tpu.memory_space<hbm>>) target_semaphore(%arg14 : memref<!tpu.dma_semaphore, #tpu.memory_space<semaphore_mem>>)
    %dma_wait3A_366 = arith.constant 4 : i32
    %dma_wait3A_367 = arith.constant 0 : i32
    %dma_wait3A_368 = tpu.memref_slice %arg8[%dma_wait3A_366, %dma_wait3A_367] : memref<8x64xi32, #tpu.memory_space<vmem>> -> memref<1x64xi32, #tpu.memory_space<vmem>>
    %dma_wait3A_369 = tpu.memref_squeeze %dma_wait3A_368 : memref<1x64xi32, #tpu.memory_space<vmem>> -> memref<64xi32, #tpu.memory_space<vmem>>
    %dma_wait3A_370 = arith.constant 0 : i32
    %dma_wait3A_371 = arith.constant 0 : i32
    %dma_wait3A_372 = tpu.memref_slice %arg2[%dma_wait3A_370, %dma_wait3A_371] : memref<8064x768xf32, #tpu.memory_space<hbm>> -> memref<8064x768xf32, #tpu.memory_space<hbm>>
    tpu.wait_indirect_dma semaphore(%arg11 : memref<!tpu.dma_semaphore, #tpu.memory_space<semaphore_mem>>) src(%dma_wait3A_372 : memref<8064x768xf32, #tpu.memory_space<hbm>>) dst(%arg9 : memref<64x768xf32, #tpu.memory_space<vmem>>)
    %dma_wait3A_373 = arith.constant 0 : i32
    %dma_wait3A_374 = tpu.memref_slice %arg6[%add3A_361, %dma_wait3A_373] : memref<16384x768xf32, #tpu.memory_space<hbm>> -> memref<64x768xf32, #tpu.memory_space<hbm>>
    %dma_wait3A_375 = arith.constant 0 : i32
    %dma_wait3A_376 = tpu.memref_slice %arg6[%add3A_361, %dma_wait3A_375] : memref<16384x768xf32, #tpu.memory_space<hbm>> -> memref<64x768xf32, #tpu.memory_space<hbm>>
    tpu.wait_dma2 semaphore(%arg14 : memref<!tpu.dma_semaphore, #tpu.memory_space<semaphore_mem>>) src(%arg10 : memref<64x768xf32, #tpu.memory_space<vmem>>) dst(%dma_wait3A_376 : memref<64x768xf32, #tpu.memory_space<hbm>>)
    %mul3A_377 = arith.constant 512 : i32
    %mul3A_378 = arith.muli %add3A, %mul3A_377 : i32
    %add3A_379 = arith.constant 320 : i32
    %add3A_380 = arith.addi %mul3A_378, %add3A_379 : i32
    %dma_start3A_381 = arith.constant 5 : i32
    %dma_start3A_382 = arith.constant 0 : i32
    %dma_start3A_383 = tpu.memref_slice %arg8[%dma_start3A_381, %dma_start3A_382] : memref<8x64xi32, #tpu.memory_space<vmem>> -> memref<1x64xi32, #tpu.memory_space<vmem>>
    %dma_start3A_384 = tpu.memref_squeeze %dma_start3A_383 : memref<1x64xi32, #tpu.memory_space<vmem>> -> memref<64xi32, #tpu.memory_space<vmem>>
    %dma_start3A_385 = arith.constant 0 : i32
    %dma_start3A_386 = arith.constant 0 : i32
    %dma_start3A_387 = tpu.memref_slice %arg2[%dma_start3A_385, %dma_start3A_386] : memref<8064x768xf32, #tpu.memory_space<hbm>> -> memref<8064x768xf32, #tpu.memory_space<hbm>>
    tpu.enqueue_indirect_dma source(%dma_start3A_387 : memref<8064x768xf32, #tpu.memory_space<hbm>>) target(%arg10 : memref<64x768xf32, #tpu.memory_space<vmem>>) offsets(%dma_start3A_384 : memref<64xi32, #tpu.memory_space<vmem>>) semaphore(%arg12 : memref<!tpu.dma_semaphore, #tpu.memory_space<semaphore_mem>>)
    %mul3A_388 = arith.constant 512 : i32
    %mul3A_389 = arith.muli %add3A, %mul3A_388 : i32
    %add3A_390 = arith.constant 256 : i32
    %add3A_391 = arith.addi %mul3A_389, %add3A_390 : i32
    %dma_start3A_392 = arith.constant 0 : i32
    %dma_start3A_393 = tpu.memref_slice %arg6[%add3A_391, %dma_start3A_392] : memref<16384x768xf32, #tpu.memory_space<hbm>> -> memref<64x768xf32, #tpu.memory_space<hbm>>
    %dma_start3A_394 = arith.constant 0 : i32
    %dma_start3A_395 = tpu.memref_slice %arg6[%add3A_391, %dma_start3A_394] : memref<16384x768xf32, #tpu.memory_space<hbm>> -> memref<64x768xf32, #tpu.memory_space<hbm>>
    tpu.enqueue_dma source(%arg9 : memref<64x768xf32, #tpu.memory_space<vmem>>) target(%dma_start3A_395 : memref<64x768xf32, #tpu.memory_space<hbm>>) target_semaphore(%arg13 : memref<!tpu.dma_semaphore, #tpu.memory_space<semaphore_mem>>)
    %dma_wait3A_396 = arith.constant 5 : i32
    %dma_wait3A_397 = arith.constant 0 : i32
    %dma_wait3A_398 = tpu.memref_slice %arg8[%dma_wait3A_396, %dma_wait3A_397] : memref<8x64xi32, #tpu.memory_space<vmem>> -> memref<1x64xi32, #tpu.memory_space<vmem>>
    %dma_wait3A_399 = tpu.memref_squeeze %dma_wait3A_398 : memref<1x64xi32, #tpu.memory_space<vmem>> -> memref<64xi32, #tpu.memory_space<vmem>>
    %dma_wait3A_400 = arith.constant 0 : i32
    %dma_wait3A_401 = arith.constant 0 : i32
    %dma_wait3A_402 = tpu.memref_slice %arg2[%dma_wait3A_400, %dma_wait3A_401] : memref<8064x768xf32, #tpu.memory_space<hbm>> -> memref<8064x768xf32, #tpu.memory_space<hbm>>
    tpu.wait_indirect_dma semaphore(%arg12 : memref<!tpu.dma_semaphore, #tpu.memory_space<semaphore_mem>>) src(%dma_wait3A_402 : memref<8064x768xf32, #tpu.memory_space<hbm>>) dst(%arg10 : memref<64x768xf32, #tpu.memory_space<vmem>>)
    %dma_wait3A_403 = arith.constant 0 : i32
    %dma_wait3A_404 = tpu.memref_slice %arg6[%add3A_391, %dma_wait3A_403] : memref<16384x768xf32, #tpu.memory_space<hbm>> -> memref<64x768xf32, #tpu.memory_space<hbm>>
    %dma_wait3A_405 = arith.constant 0 : i32
    %dma_wait3A_406 = tpu.memref_slice %arg6[%add3A_391, %dma_wait3A_405] : memref<16384x768xf32, #tpu.memory_space<hbm>> -> memref<64x768xf32, #tpu.memory_space<hbm>>
    tpu.wait_dma2 semaphore(%arg13 : memref<!tpu.dma_semaphore, #tpu.memory_space<semaphore_mem>>) src(%arg9 : memref<64x768xf32, #tpu.memory_space<vmem>>) dst(%dma_wait3A_406 : memref<64x768xf32, #tpu.memory_space<hbm>>)
    %mul3A_407 = arith.constant 512 : i32
    %mul3A_408 = arith.muli %add3A, %mul3A_407 : i32
    %add3A_409 = arith.constant 384 : i32
    %add3A_410 = arith.addi %mul3A_408, %add3A_409 : i32
    %dma_start3A_411 = arith.constant 6 : i32
    %dma_start3A_412 = arith.constant 0 : i32
    %dma_start3A_413 = tpu.memref_slice %arg8[%dma_start3A_411, %dma_start3A_412] : memref<8x64xi32, #tpu.memory_space<vmem>> -> memref<1x64xi32, #tpu.memory_space<vmem>>
    %dma_start3A_414 = tpu.memref_squeeze %dma_start3A_413 : memref<1x64xi32, #tpu.memory_space<vmem>> -> memref<64xi32, #tpu.memory_space<vmem>>
    %dma_start3A_415 = arith.constant 0 : i32
    %dma_start3A_416 = arith.constant 0 : i32
    %dma_start3A_417 = tpu.memref_slice %arg2[%dma_start3A_415, %dma_start3A_416] : memref<8064x768xf32, #tpu.memory_space<hbm>> -> memref<8064x768xf32, #tpu.memory_space<hbm>>
    tpu.enqueue_indirect_dma source(%dma_start3A_417 : memref<8064x768xf32, #tpu.memory_space<hbm>>) target(%arg9 : memref<64x768xf32, #tpu.memory_space<vmem>>) offsets(%dma_start3A_414 : memref<64xi32, #tpu.memory_space<vmem>>) semaphore(%arg11 : memref<!tpu.dma_semaphore, #tpu.memory_space<semaphore_mem>>)
    %mul3A_418 = arith.constant 512 : i32
    %mul3A_419 = arith.muli %add3A, %mul3A_418 : i32
    %add3A_420 = arith.constant 320 : i32
    %add3A_421 = arith.addi %mul3A_419, %add3A_420 : i32
    %dma_start3A_422 = arith.constant 0 : i32
    %dma_start3A_423 = tpu.memref_slice %arg6[%add3A_421, %dma_start3A_422] : memref<16384x768xf32, #tpu.memory_space<hbm>> -> memref<64x768xf32, #tpu.memory_space<hbm>>
    %dma_start3A_424 = arith.constant 0 : i32
    %dma_start3A_425 = tpu.memref_slice %arg6[%add3A_421, %dma_start3A_424] : memref<16384x768xf32, #tpu.memory_space<hbm>> -> memref<64x768xf32, #tpu.memory_space<hbm>>
    tpu.enqueue_dma source(%arg10 : memref<64x768xf32, #tpu.memory_space<vmem>>) target(%dma_start3A_425 : memref<64x768xf32, #tpu.memory_space<hbm>>) target_semaphore(%arg14 : memref<!tpu.dma_semaphore, #tpu.memory_space<semaphore_mem>>)
    %dma_wait3A_426 = arith.constant 6 : i32
    %dma_wait3A_427 = arith.constant 0 : i32
    %dma_wait3A_428 = tpu.memref_slice %arg8[%dma_wait3A_426, %dma_wait3A_427] : memref<8x64xi32, #tpu.memory_space<vmem>> -> memref<1x64xi32, #tpu.memory_space<vmem>>
    %dma_wait3A_429 = tpu.memref_squeeze %dma_wait3A_428 : memref<1x64xi32, #tpu.memory_space<vmem>> -> memref<64xi32, #tpu.memory_space<vmem>>
    %dma_wait3A_430 = arith.constant 0 : i32
    %dma_wait3A_431 = arith.constant 0 : i32
    %dma_wait3A_432 = tpu.memref_slice %arg2[%dma_wait3A_430, %dma_wait3A_431] : memref<8064x768xf32, #tpu.memory_space<hbm>> -> memref<8064x768xf32, #tpu.memory_space<hbm>>
    tpu.wait_indirect_dma semaphore(%arg11 : memref<!tpu.dma_semaphore, #tpu.memory_space<semaphore_mem>>) src(%dma_wait3A_432 : memref<8064x768xf32, #tpu.memory_space<hbm>>) dst(%arg9 : memref<64x768xf32, #tpu.memory_space<vmem>>)
    %dma_wait3A_433 = arith.constant 0 : i32
    %dma_wait3A_434 = tpu.memref_slice %arg6[%add3A_421, %dma_wait3A_433] : memref<16384x768xf32, #tpu.memory_space<hbm>> -> memref<64x768xf32, #tpu.memory_space<hbm>>
    %dma_wait3A_435 = arith.constant 0 : i32
    %dma_wait3A_436 = tpu.memref_slice %arg6[%add3A_421, %dma_wait3A_435] : memref<16384x768xf32, #tpu.memory_space<hbm>> -> memref<64x768xf32, #tpu.memory_space<hbm>>
    tpu.wait_dma2 semaphore(%arg14 : memref<!tpu.dma_semaphore, #tpu.memory_space<semaphore_mem>>) src(%arg10 : memref<64x768xf32, #tpu.memory_space<vmem>>) dst(%dma_wait3A_436 : memref<64x768xf32, #tpu.memory_space<hbm>>)
    %mul3A_437 = arith.constant 512 : i32
    %mul3A_438 = arith.muli %add3A, %mul3A_437 : i32
    %add3A_439 = arith.constant 448 : i32
    %add3A_440 = arith.addi %mul3A_438, %add3A_439 : i32
    %dma_start3A_441 = arith.constant 7 : i32
    %dma_start3A_442 = arith.constant 0 : i32
    %dma_start3A_443 = tpu.memref_slice %arg8[%dma_start3A_441, %dma_start3A_442] : memref<8x64xi32, #tpu.memory_space<vmem>> -> memref<1x64xi32, #tpu.memory_space<vmem>>
    %dma_start3A_444 = tpu.memref_squeeze %dma_start3A_443 : memref<1x64xi32, #tpu.memory_space<vmem>> -> memref<64xi32, #tpu.memory_space<vmem>>
    %dma_start3A_445 = arith.constant 0 : i32
    %dma_start3A_446 = arith.constant 0 : i32
    %dma_start3A_447 = tpu.memref_slice %arg2[%dma_start3A_445, %dma_start3A_446] : memref<8064x768xf32, #tpu.memory_space<hbm>> -> memref<8064x768xf32, #tpu.memory_space<hbm>>
    tpu.enqueue_indirect_dma source(%dma_start3A_447 : memref<8064x768xf32, #tpu.memory_space<hbm>>) target(%arg10 : memref<64x768xf32, #tpu.memory_space<vmem>>) offsets(%dma_start3A_444 : memref<64xi32, #tpu.memory_space<vmem>>) semaphore(%arg12 : memref<!tpu.dma_semaphore, #tpu.memory_space<semaphore_mem>>)
    %mul3A_448 = arith.constant 512 : i32
    %mul3A_449 = arith.muli %add3A, %mul3A_448 : i32
    %add3A_450 = arith.constant 384 : i32
    %add3A_451 = arith.addi %mul3A_449, %add3A_450 : i32
    %dma_start3A_452 = arith.constant 0 : i32
    %dma_start3A_453 = tpu.memref_slice %arg6[%add3A_451, %dma_start3A_452] : memref<16384x768xf32, #tpu.memory_space<hbm>> -> memref<64x768xf32, #tpu.memory_space<hbm>>
    %dma_start3A_454 = arith.constant 0 : i32
    %dma_start3A_455 = tpu.memref_slice %arg6[%add3A_451, %dma_start3A_454] : memref<16384x768xf32, #tpu.memory_space<hbm>> -> memref<64x768xf32, #tpu.memory_space<hbm>>
    tpu.enqueue_dma source(%arg9 : memref<64x768xf32, #tpu.memory_space<vmem>>) target(%dma_start3A_455 : memref<64x768xf32, #tpu.memory_space<hbm>>) target_semaphore(%arg13 : memref<!tpu.dma_semaphore, #tpu.memory_space<semaphore_mem>>)
    %dma_wait3A_456 = arith.constant 7 : i32
    %dma_wait3A_457 = arith.constant 0 : i32
    %dma_wait3A_458 = tpu.memref_slice %arg8[%dma_wait3A_456, %dma_wait3A_457] : memref<8x64xi32, #tpu.memory_space<vmem>> -> memref<1x64xi32, #tpu.memory_space<vmem>>
    %dma_wait3A_459 = tpu.memref_squeeze %dma_wait3A_458 : memref<1x64xi32, #tpu.memory_space<vmem>> -> memref<64xi32, #tpu.memory_space<vmem>>
    %dma_wait3A_460 = arith.constant 0 : i32
    %dma_wait3A_461 = arith.constant 0 : i32
    %dma_wait3A_462 = tpu.memref_slice %arg2[%dma_wait3A_460, %dma_wait3A_461] : memref<8064x768xf32, #tpu.memory_space<hbm>> -> memref<8064x768xf32, #tpu.memory_space<hbm>>
    tpu.wait_indirect_dma semaphore(%arg12 : memref<!tpu.dma_semaphore, #tpu.memory_space<semaphore_mem>>) src(%dma_wait3A_462 : memref<8064x768xf32, #tpu.memory_space<hbm>>) dst(%arg10 : memref<64x768xf32, #tpu.memory_space<vmem>>)
    %mul3A_463 = arith.constant 512 : i32
    %mul3A_464 = arith.muli %add3A, %mul3A_463 : i32
    %add3A_465 = arith.constant 448 : i32
    %add3A_466 = arith.addi %mul3A_464, %add3A_465 : i32
    %dma_start3A_467 = arith.constant 0 : i32
    %dma_start3A_468 = tpu.memref_slice %arg6[%add3A_466, %dma_start3A_467] : memref<16384x768xf32, #tpu.memory_space<hbm>> -> memref<64x768xf32, #tpu.memory_space<hbm>>
    %dma_start3A_469 = arith.constant 0 : i32
    %dma_start3A_470 = tpu.memref_slice %arg6[%add3A_466, %dma_start3A_469] : memref<16384x768xf32, #tpu.memory_space<hbm>> -> memref<64x768xf32, #tpu.memory_space<hbm>>
    tpu.enqueue_dma source(%arg10 : memref<64x768xf32, #tpu.memory_space<vmem>>) target(%dma_start3A_470 : memref<64x768xf32, #tpu.memory_space<hbm>>) target_semaphore(%arg14 : memref<!tpu.dma_semaphore, #tpu.memory_space<semaphore_mem>>)
    %dma_wait3A_471 = arith.constant 0 : i32
    %dma_wait3A_472 = tpu.memref_slice %arg6[%add3A_466, %dma_wait3A_471] : memref<16384x768xf32, #tpu.memory_space<hbm>> -> memref<64x768xf32, #tpu.memory_space<hbm>>
    %dma_wait3A_473 = arith.constant 0 : i32
    %dma_wait3A_474 = tpu.memref_slice %arg6[%add3A_466, %dma_wait3A_473] : memref<16384x768xf32, #tpu.memory_space<hbm>> -> memref<64x768xf32, #tpu.memory_space<hbm>>
    tpu.wait_dma2 semaphore(%arg14 : memref<!tpu.dma_semaphore, #tpu.memory_space<semaphore_mem>>) src(%arg10 : memref<64x768xf32, #tpu.memory_space<vmem>>) dst(%dma_wait3A_474 : memref<64x768xf32, #tpu.memory_space<hbm>>)
    %dma_wait3A_475 = arith.constant 0 : i32
    %dma_wait3A_476 = tpu.memref_slice %arg6[%add3A_451, %dma_wait3A_475] : memref<16384x768xf32, #tpu.memory_space<hbm>> -> memref<64x768xf32, #tpu.memory_space<hbm>>
    %dma_wait3A_477 = arith.constant 0 : i32
    %dma_wait3A_478 = tpu.memref_slice %arg6[%add3A_451, %dma_wait3A_477] : memref<16384x768xf32, #tpu.memory_space<hbm>> -> memref<64x768xf32, #tpu.memory_space<hbm>>
    tpu.wait_dma2 semaphore(%arg13 : memref<!tpu.dma_semaphore, #tpu.memory_space<semaphore_mem>>) src(%arg9 : memref<64x768xf32, #tpu.memory_space<vmem>>) dst(%dma_wait3A_478 : memref<64x768xf32, #tpu.memory_space<hbm>>)
    return
  }
}

module attributes {stable_mosaic.version = 14 : i64} {
  func.func @_router_body(%arg0: i32, %arg1: memref<1024x768xf32, #tpu.memory_space<vmem>>, %arg2: memref<768x64xf32, #tpu.memory_space<vmem>>, %arg3: memref<8x64xf32, #tpu.memory_space<vmem>>, %arg4: memref<1024x1xi32, #tpu.memory_space<vmem>>, %arg5: memref<1024x1xi32, #tpu.memory_space<vmem>>, %arg6: memref<1024x1xi32, #tpu.memory_space<vmem>>, %arg7: memref<1024x1xi32, #tpu.memory_space<vmem>>, %arg8: memref<1024x128xf32, #tpu.memory_space<vmem>>, %arg9: memref<8x64xf32, #tpu.memory_space<vmem>>, %arg10: memref<8x64xf32, #tpu.memory_space<vmem>>) attributes {dimension_semantics = [#tpu.dimension_semantics<arbitrary>], iteration_bounds = array<i64: 16>, scalar_prefetch = 0 : i64, scratch_operands = 1 : i64, tpu.core_type = #tpu.core_type<tc>, window_params = [{transform_indices = @transform_0, window_bounds = array<i64: 1024, 768>}, {pipeline_mode = #tpu.pipeline_mode<synchronous>, transform_indices = @transform_1, window_bounds = array<i64: 768, 64>}, {pipeline_mode = #tpu.pipeline_mode<synchronous>, transform_indices = @transform_2, window_bounds = array<i64: 8, 64>}, {transform_indices = @transform_3, window_bounds = array<i64: 1024, 1>}, {transform_indices = @transform_4, window_bounds = array<i64: 1024, 1>}, {transform_indices = @transform_5, window_bounds = array<i64: 1024, 1>}, {transform_indices = @transform_6, window_bounds = array<i64: 1024, 1>}, {transform_indices = @transform_7, window_bounds = array<i64: 1024, 128>}, {pipeline_mode = #tpu.pipeline_mode<synchronous>, transform_indices = @transform_8, window_bounds = array<i64: 8, 64>}]} {
    %eq3A = arith.constant 0 : i32
    %eq3A_0 = arith.cmpi eq, %arg0, %eq3A : i32
    %convert_element_type3A = arith.extui %eq3A_0 : i1 to i32
    %cond3A = arith.constant 0 : i32
    %cond3A_1 = arith.cmpi ne, %convert_element_type3A, %cond3A : i32
    scf.if %cond3A_1 {
      %broadcast_in_dim3A_206 = arith.constant 0.000000e+00 : f32
      %broadcast_in_dim3A_207 = vector.broadcast %broadcast_in_dim3A_206 : f32 to vector<8x64xf32>
      %swap3A_208 = arith.constant 0 : index
      %swap3A_209 = arith.constant 0 : index
      %swap3A_210 = vector.load %arg10[%swap3A_208, %swap3A_209] : memref<8x64xf32, #tpu.memory_space<vmem>>, vector<8x64xf32>
      tpu.vector_store %arg10[%swap3A_208, %swap3A_209], %broadcast_in_dim3A_207 {strides = array<i32>} : memref<8x64xf32, #tpu.memory_space<vmem>>, vector<8x64xf32>,
    } else {
    }
    %get3A = arith.constant 0 : index
    %get3A_2 = arith.constant 0 : index
    %get3A_3 = vector.load %arg1[%get3A, %get3A_2] : memref<1024x768xf32, #tpu.memory_space<vmem>>, vector<1024x768xf32>
    %get3A_4 = arith.constant 0 : index
    %get3A_5 = arith.constant 0 : index
    %get3A_6 = vector.load %arg2[%get3A_4, %get3A_5] : memref<768x64xf32, #tpu.memory_space<vmem>>, vector<768x64xf32>
    %dot_general3A = arith.constant dense<0.000000e+00> : vector<1024x64xf32>
    %dot_general3A_7 = tpu.matmul %get3A_3, %get3A_6, %dot_general3A {dimension_numbers = #tpu.dot_dimension_numbers<[1], [0], [0], [1], [0, 0, 1, 1], [], []>, transpose_lhs_hint = false} : vector<1024x768xf32>, vector<768x64xf32>, vector<1024x64xf32> -> vector<1024x64xf32>
    %get3A_8 = arith.constant 0 : index
    %get3A_9 = arith.constant 0 : index
    %get3A_10 = vector.load %arg3[%get3A_8, %get3A_9] : memref<8x64xf32, #tpu.memory_space<vmem>>, vector<1x64xf32>
    %add3A = vector.broadcast %get3A_10 : vector<1x64xf32> to vector<1024x64xf32>
    %add3A_11 = arith.addf %dot_general3A_7, %add3A : vector<1024x64xf32>
    %iota3A = tpu.iota {dimensions = array<i32: 1>} : vector<1024x64xi32>
    %reduce_max3A = arith.constant dense<0xFF800000> : vector<1024xf32>
    %reduce_max3A_12 = vector.multi_reduction <maximumf>, %add3A_11, %reduce_max3A [1] : vector<1024x64xf32> to vector<1024xf32>
    %broadcast_in_dim3A = vector.shape_cast %reduce_max3A_12 : vector<1024xf32> to vector<1024x1xf32>
    %eq3A_13 = vector.broadcast %broadcast_in_dim3A : vector<1024x1xf32> to vector<1024x64xf32>
    %eq3A_14 = arith.cmpf oeq, %add3A_11, %eq3A_13 : vector<1024x64xf32>
    %jit3A = arith.constant 64 : i32
    %broadcast_in_dim3A_15 = vector.broadcast %jit3A : i32 to vector<1024x64xi32>
    %select_n3A = arith.select %eq3A_14, %iota3A, %broadcast_in_dim3A_15 : vector<1024x64xi1>, vector<1024x64xi32>
    %reduce_min3A = arith.constant dense<2147483647> : vector<1024xi32>
    %reduce_min3A_16 = vector.multi_reduction <minsi>, %select_n3A, %reduce_min3A [1] : vector<1024x64xi32> to vector<1024xi32>
    %broadcast_in_dim3A_17 = vector.shape_cast %reduce_min3A_16 : vector<1024xi32> to vector<1024x1xi32>
    %eq3A_18 = vector.broadcast %broadcast_in_dim3A_17 : vector<1024x1xi32> to vector<1024x64xi32>
    %eq3A_19 = arith.cmpi eq, %iota3A, %eq3A_18 : vector<1024x64xi32>
    %jit3A_20 = arith.constant -1.000000e+30 : f32
    %broadcast_in_dim3A_21 = vector.broadcast %jit3A_20 : f32 to vector<1024x64xf32>
    %select_n3A_22 = arith.select %eq3A_19, %broadcast_in_dim3A_21, %add3A_11 : vector<1024x64xi1>, vector<1024x64xf32>
    %reduce_max3A_23 = arith.constant dense<0xFF800000> : vector<1024xf32>
    %reduce_max3A_24 = vector.multi_reduction <maximumf>, %select_n3A_22, %reduce_max3A_23 [1] : vector<1024x64xf32> to vector<1024xf32>
    %broadcast_in_dim3A_25 = vector.shape_cast %reduce_max3A_24 : vector<1024xf32> to vector<1024x1xf32>
    %eq3A_26 = vector.broadcast %broadcast_in_dim3A_25 : vector<1024x1xf32> to vector<1024x64xf32>
    %eq3A_27 = arith.cmpf oeq, %select_n3A_22, %eq3A_26 : vector<1024x64xf32>
    %jit3A_28 = arith.constant 64 : i32
    %broadcast_in_dim3A_29 = vector.broadcast %jit3A_28 : i32 to vector<1024x64xi32>
    %select_n3A_30 = arith.select %eq3A_27, %iota3A, %broadcast_in_dim3A_29 : vector<1024x64xi1>, vector<1024x64xi32>
    %reduce_min3A_31 = arith.constant dense<2147483647> : vector<1024xi32>
    %reduce_min3A_32 = vector.multi_reduction <minsi>, %select_n3A_30, %reduce_min3A_31 [1] : vector<1024x64xi32> to vector<1024xi32>
    %broadcast_in_dim3A_33 = vector.shape_cast %reduce_min3A_32 : vector<1024xi32> to vector<1024x1xi32>
    %sub3A = vector.broadcast %broadcast_in_dim3A : vector<1024x1xf32> to vector<1024x64xf32>
    %sub3A_34 = arith.subf %add3A_11, %sub3A : vector<1024x64xf32>
    %exp3A = math.exp %sub3A_34 : vector<1024x64xf32>
    %reduce_sum3A = arith.constant dense<0.000000e+00> : vector<1024xf32>
    %reduce_sum3A_35 = vector.multi_reduction <add>, %exp3A, %reduce_sum3A [1] : vector<1024x64xf32> to vector<1024xf32>
    %broadcast_in_dim3A_36 = vector.shape_cast %reduce_sum3A_35 : vector<1024xf32> to vector<1024x1xf32>
    %div3A = arith.constant 1.000000e+00 : f32
    %div3A_37 = vector.broadcast %div3A : f32 to vector<1024x1xf32>
    %div3A_38 = arith.divf %div3A_37, %broadcast_in_dim3A_36 : vector<1024x1xf32>
    %sub3A_39 = arith.subf %broadcast_in_dim3A_25, %broadcast_in_dim3A : vector<1024x1xf32>
    %exp3A_40 = math.exp %sub3A_39 : vector<1024x1xf32>
    %mul3A = arith.mulf %exp3A_40, %div3A_38 : vector<1024x1xf32>
    %eq3A_41 = arith.constant 63 : i32
    %eq3A_42 = vector.broadcast %eq3A_41 : i32 to vector<1024x1xi32>
    %eq3A_43 = arith.cmpi eq, %broadcast_in_dim3A_17, %eq3A_42 : vector<1024x1xi32>
    %eq3A_44 = arith.constant 63 : i32
    %eq3A_45 = vector.broadcast %eq3A_44 : i32 to vector<1024x1xi32>
    %eq3A_46 = arith.cmpi eq, %broadcast_in_dim3A_33, %eq3A_45 : vector<1024x1xi32>
    %jit3A_47 = arith.constant 0.000000e+00 : f32
    %broadcast_in_dim3A_48 = vector.broadcast %jit3A_47 : f32 to vector<1024x1xf32>
    %select_n3A_49 = arith.select %eq3A_46, %mul3A, %broadcast_in_dim3A_48 : vector<1024x1xi1>, vector<1024x1xf32>
    %select_n3A_50 = arith.select %eq3A_43, %div3A_38, %select_n3A_49 : vector<1024x1xi1>, vector<1024x1xf32>
    %ne3A = arith.constant 63 : i32
    %ne3A_51 = vector.broadcast %ne3A : i32 to vector<1024x1xi32>
    %ne3A_52 = arith.cmpi ne, %broadcast_in_dim3A_17, %ne3A_51 : vector<1024x1xi32>
    %ne3A_53 = arith.constant 63 : i32
    %ne3A_54 = vector.broadcast %ne3A_53 : i32 to vector<1024x1xi32>
    %ne3A_55 = arith.cmpi ne, %broadcast_in_dim3A_33, %ne3A_54 : vector<1024x1xi32>
    %eq3A_56 = vector.broadcast %broadcast_in_dim3A_17 : vector<1024x1xi32> to vector<1024x64xi32>
    %eq3A_57 = arith.cmpi eq, %iota3A, %eq3A_56 : vector<1024x64xi32>
    %and3A = vector.broadcast %ne3A_52 : vector<1024x1xi1> to vector<1024x64xi1>
    %and3A_58 = arith.andi %eq3A_57, %and3A : vector<1024x64xi1>
    %jit3A_59 = arith.constant 1.000000e+00 : f32
    %jit3A_60 = arith.constant 0.000000e+00 : f32
    %broadcast_in_dim3A_61 = vector.broadcast %jit3A_59 : f32 to vector<1024x64xf32>
    %broadcast_in_dim3A_62 = vector.broadcast %jit3A_60 : f32 to vector<1024x64xf32>
    %select_n3A_63 = arith.select %and3A_58, %broadcast_in_dim3A_61, %broadcast_in_dim3A_62 : vector<1024x64xi1>, vector<1024x64xf32>
    %eq3A_64 = vector.broadcast %broadcast_in_dim3A_33 : vector<1024x1xi32> to vector<1024x64xi32>
    %eq3A_65 = arith.cmpi eq, %iota3A, %eq3A_64 : vector<1024x64xi32>
    %and3A_66 = vector.broadcast %ne3A_55 : vector<1024x1xi1> to vector<1024x64xi1>
    %and3A_67 = arith.andi %eq3A_65, %and3A_66 : vector<1024x64xi1>
    %jit3A_68 = arith.constant 1.000000e+00 : f32
    %jit3A_69 = arith.constant 0.000000e+00 : f32
    %broadcast_in_dim3A_70 = vector.broadcast %jit3A_68 : f32 to vector<1024x64xf32>
    %broadcast_in_dim3A_71 = vector.broadcast %jit3A_69 : f32 to vector<1024x64xf32>
    %select_n3A_72 = arith.select %and3A_67, %broadcast_in_dim3A_70, %broadcast_in_dim3A_71 : vector<1024x64xi1>, vector<1024x64xf32>
    %add3A_73 = arith.addf %select_n3A_63, %select_n3A_72 : vector<1024x64xf32>
    %iota3A_74 = tpu.iota {dimensions = array<i32: 0>} : vector<1024x1024xi32>
    %iota3A_75 = tpu.iota {dimensions = array<i32: 1>} : vector<1024x1024xi32>
    %gt3A = arith.cmpi sgt, %iota3A_74, %iota3A_75 : vector<1024x1024xi32>
    %jit3A_76 = arith.constant 1.000000e+00 : f32
    %jit3A_77 = arith.constant 0.000000e+00 : f32
    %broadcast_in_dim3A_78 = vector.broadcast %jit3A_76 : f32 to vector<1024x1024xf32>
    %broadcast_in_dim3A_79 = vector.broadcast %jit3A_77 : f32 to vector<1024x1024xf32>
    %select_n3A_80 = arith.select %gt3A, %broadcast_in_dim3A_78, %broadcast_in_dim3A_79 : vector<1024x1024xi1>, vector<1024x1024xf32>
    %dot_general3A_81 = arith.constant dense<0.000000e+00> : vector<1024x64xf32>
    %dot_general3A_82 = tpu.matmul %select_n3A_80, %add3A_73, %dot_general3A_81 {dimension_numbers = #tpu.dot_dimension_numbers<[1], [0], [0], [1], [0, 0, 1, 1], [], []>, transpose_lhs_hint = false} : vector<1024x1024xf32>, vector<1024x64xf32>, vector<1024x64xf32> -> vector<1024x64xf32>
    %get3A_83 = arith.constant 0 : index
    %get3A_84 = arith.constant 0 : index
    %get3A_85 = vector.load %arg10[%get3A_83, %get3A_84] : memref<8x64xf32, #tpu.memory_space<vmem>>, vector<1x64xf32>
    %add3A_86 = vector.broadcast %get3A_85 : vector<1x64xf32> to vector<1024x64xf32>
    %add3A_87 = arith.addf %dot_general3A_82, %add3A_86 : vector<1024x64xf32>
    %eq3A_88 = vector.broadcast %broadcast_in_dim3A_17 : vector<1024x1xi32> to vector<1024x64xi32>
    %eq3A_89 = arith.cmpi eq, %iota3A, %eq3A_88 : vector<1024x64xi32>
    %jit3A_90 = arith.constant 0.000000e+00 : f32
    %broadcast_in_dim3A_91 = vector.broadcast %jit3A_90 : f32 to vector<1024x64xf32>
    %select_n3A_92 = arith.select %eq3A_89, %add3A_87, %broadcast_in_dim3A_91 : vector<1024x64xi1>, vector<1024x64xf32>
    %reduce_sum3A_93 = arith.constant dense<0.000000e+00> : vector<1024xf32>
    %reduce_sum3A_94 = vector.multi_reduction <add>, %select_n3A_92, %reduce_sum3A_93 [1] : vector<1024x64xf32> to vector<1024xf32>
    %broadcast_in_dim3A_95 = vector.shape_cast %reduce_sum3A_94 : vector<1024xf32> to vector<1024x1xf32>
    %eq3A_96 = vector.broadcast %broadcast_in_dim3A_33 : vector<1024x1xi32> to vector<1024x64xi32>
    %eq3A_97 = arith.cmpi eq, %iota3A, %eq3A_96 : vector<1024x64xi32>
    %jit3A_98 = arith.constant 0.000000e+00 : f32
    %broadcast_in_dim3A_99 = vector.broadcast %jit3A_98 : f32 to vector<1024x64xf32>
    %select_n3A_100 = arith.select %eq3A_97, %add3A_87, %broadcast_in_dim3A_99 : vector<1024x64xi1>, vector<1024x64xf32>
    %reduce_sum3A_101 = arith.constant dense<0.000000e+00> : vector<1024xf32>
    %reduce_sum3A_102 = vector.multi_reduction <add>, %select_n3A_100, %reduce_sum3A_101 [1] : vector<1024x64xf32> to vector<1024xf32>
    %broadcast_in_dim3A_103 = vector.shape_cast %reduce_sum3A_102 : vector<1024xf32> to vector<1024x1xf32>
    %get3A_104 = arith.constant 0 : index
    %get3A_105 = arith.constant 0 : index
    %get3A_106 = vector.load %arg10[%get3A_104, %get3A_105] : memref<8x64xf32, #tpu.memory_space<vmem>>, vector<1x64xf32>
    %reduce_sum3A_107 = arith.constant dense<0.000000e+00> : vector<64xf32>
    %reduce_sum3A_108 = vector.multi_reduction <add>, %add3A_73, %reduce_sum3A_107 [0] : vector<1024x64xf32> to vector<64xf32>
    %broadcast_in_dim3A_109 = vector.shape_cast %reduce_sum3A_108 : vector<64xf32> to vector<1x64xf32>
    %add3A_110 = arith.addf %get3A_106, %broadcast_in_dim3A_109 : vector<1x64xf32>
    %swap3A = arith.constant 0 : index
    %swap3A_111 = arith.constant 0 : index
    %swap3A_112 = vector.load %arg10[%swap3A, %swap3A_111] : memref<8x64xf32, #tpu.memory_space<vmem>>, vector<1x64xf32>
    tpu.vector_store %arg10[%swap3A, %swap3A_111], %add3A_110 {strides = array<i32>} : memref<8x64xf32, #tpu.memory_space<vmem>>, vector<1x64xf32>,
    %get3A_113 = arith.constant 0 : index
    %get3A_114 = arith.constant 0 : index
    %get3A_115 = vector.load %arg10[%get3A_113, %get3A_114] : memref<8x64xf32, #tpu.memory_space<vmem>>, vector<1x64xf32>
    %broadcast_in_dim3A_116 = vector.shape_cast %get3A_115 : vector<1x64xf32> to vector<1x64xf32>
    %broadcast_in_dim3A_117 = vector.broadcast %broadcast_in_dim3A_116 : vector<1x64xf32> to vector<8x64xf32>
    %swap3A_118 = arith.constant 0 : index
    %swap3A_119 = arith.constant 0 : index
    %swap3A_120 = vector.load %arg9[%swap3A_118, %swap3A_119] : memref<8x64xf32, #tpu.memory_space<vmem>>, vector<8x64xf32>
    tpu.vector_store %arg9[%swap3A_118, %swap3A_119], %broadcast_in_dim3A_117 {strides = array<i32>} : memref<8x64xf32, #tpu.memory_space<vmem>>, vector<8x64xf32>,
    %convert_element_type3A_121 = arith.sitofp %broadcast_in_dim3A_17 : vector<1024x1xi32> to vector<1024x1xf32>
    %mul3A_122 = arith.constant 1.280000e+02 : f32
    %mul3A_123 = vector.broadcast %mul3A_122 : f32 to vector<1024x1xf32>
    %mul3A_124 = arith.mulf %convert_element_type3A_121, %mul3A_123 : vector<1024x1xf32>
    %add3A_125 = arith.addf %mul3A_124, %broadcast_in_dim3A_95 : vector<1024x1xf32>
    %convert_element_type3A_126 = arith.sitofp %broadcast_in_dim3A_33 : vector<1024x1xi32> to vector<1024x1xf32>
    %mul3A_127 = arith.constant 1.280000e+02 : f32
    %mul3A_128 = vector.broadcast %mul3A_127 : f32 to vector<1024x1xf32>
    %mul3A_129 = arith.mulf %convert_element_type3A_126, %mul3A_128 : vector<1024x1xf32>
    %add3A_130 = arith.addf %mul3A_129, %broadcast_in_dim3A_103 : vector<1024x1xf32>
    %lt3A = arith.constant 1.280000e+02 : f32
    %lt3A_131 = vector.broadcast %lt3A : f32 to vector<1024x1xf32>
    %lt3A_132 = arith.cmpf olt, %broadcast_in_dim3A_95, %lt3A_131 : vector<1024x1xf32>
    %and3A_133 = arith.andi %ne3A_52, %lt3A_132 : vector<1024x1xi1>
    %lt3A_134 = arith.constant 1.280000e+02 : f32
    %lt3A_135 = vector.broadcast %lt3A_134 : f32 to vector<1024x1xf32>
    %lt3A_136 = arith.cmpf olt, %broadcast_in_dim3A_103, %lt3A_135 : vector<1024x1xf32>
    %and3A_137 = arith.andi %ne3A_55, %lt3A_136 : vector<1024x1xi1>
    %mul3A_138 = arith.constant 1024 : i32
    %mul3A_139 = arith.muli %arg0, %mul3A_138 : i32
    %iota3A_140 = tpu.iota {dimensions = array<i32: 0>} : vector<1024x1xi32>
    %add3A_141 = vector.broadcast %mul3A_139 : i32 to vector<1024x1xi32>
    %add3A_142 = arith.addi %add3A_141, %iota3A_140 : vector<1024x1xi32>
    %jit3A_143 = arith.constant 8064 : i32
    %eq3A_144 = arith.constant 0 : i32
    %eq3A_145 = arith.cmpi eq, %jit3A_143, %eq3A_144 : i32
    %jit3A_146 = arith.constant 1 : i32
    %select_n3A_147 = arith.select %eq3A_145, %jit3A_146, %jit3A_143 : i32
    %rem3A = vector.broadcast %select_n3A_147 : i32 to vector<1024x1xi32>
    %rem3A_148 = arith.remsi %add3A_142, %rem3A : vector<1024x1xi32>
    %ne3A_149 = arith.constant 0 : i32
    %ne3A_150 = vector.broadcast %ne3A_149 : i32 to vector<1024x1xi32>
    %ne3A_151 = arith.cmpi ne, %rem3A_148, %ne3A_150 : vector<1024x1xi32>
    %lt3A_152 = arith.constant 0 : i32
    %lt3A_153 = vector.broadcast %lt3A_152 : i32 to vector<1024x1xi32>
    %lt3A_154 = arith.cmpi slt, %rem3A_148, %lt3A_153 : vector<1024x1xi32>
    %lt3A_155 = arith.constant 0 : i32
    %lt3A_156 = arith.cmpi slt, %select_n3A_147, %lt3A_155 : i32
    %ne3A_157 = vector.broadcast %lt3A_156 : i1 to vector<1024x1xi1>
    %ne3A_158 = vector.broadcast %ne3A_157 : vector<1024x1xi1> to vector<1024x1xi1>
    %ne3A_159 = arith.xori %lt3A_154, %ne3A_158 : vector<1024x1xi1>
    %and3A_160 = arith.andi %ne3A_159, %ne3A_151 : vector<1024x1xi1>
    %add3A_161 = vector.broadcast %select_n3A_147 : i32 to vector<1024x1xi32>
    %add3A_162 = arith.addi %rem3A_148, %add3A_161 : vector<1024x1xi32>
    %select_n3A_163 = arith.select %and3A_160, %add3A_162, %rem3A_148 : vector<1024x1xi1>, vector<1024x1xi32>
    %convert_element_type3A_164 = arith.sitofp %select_n3A_163 : vector<1024x1xi32> to vector<1024x1xf32>
    %jit3A_165 = arith.constant 8.064000e+03 : f32
    %broadcast_in_dim3A_166 = vector.broadcast %jit3A_165 : f32 to vector<1024x1xf32>
    %select_n3A_167 = arith.select %and3A_133, %add3A_125, %broadcast_in_dim3A_166 : vector<1024x1xi1>, vector<1024x1xf32>
    %convert_element_type3A_168 = arith.fptosi %select_n3A_167 : vector<1024x1xf32> to vector<1024x1xi32>
    %swap3A_169 = arith.constant 0 : index
    %swap3A_170 = arith.constant 0 : index
    %swap3A_171 = vector.load %arg4[%swap3A_169, %swap3A_170] : memref<1024x1xi32, #tpu.memory_space<vmem>>, vector<1024x1xi32>
    tpu.vector_store %arg4[%swap3A_169, %swap3A_170], %convert_element_type3A_168 {strides = array<i32>} : memref<1024x1xi32, #tpu.memory_space<vmem>>, vector<1024x1xi32>,
    %jit3A_172 = arith.constant 8.064000e+03 : f32
    %broadcast_in_dim3A_173 = vector.broadcast %jit3A_172 : f32 to vector<1024x1xf32>
    %select_n3A_174 = arith.select %and3A_137, %add3A_130, %broadcast_in_dim3A_173 : vector<1024x1xi1>, vector<1024x1xf32>
    %convert_element_type3A_175 = arith.fptosi %select_n3A_174 : vector<1024x1xf32> to vector<1024x1xi32>
    %swap3A_176 = arith.constant 0 : index
    %swap3A_177 = arith.constant 0 : index
    %swap3A_178 = vector.load %arg5[%swap3A_176, %swap3A_177] : memref<1024x1xi32, #tpu.memory_space<vmem>>, vector<1024x1xi32>
    tpu.vector_store %arg5[%swap3A_176, %swap3A_177], %convert_element_type3A_175 {strides = array<i32>} : memref<1024x1xi32, #tpu.memory_space<vmem>>, vector<1024x1xi32>,
    %select_n3A_179 = arith.select %and3A_133, %add3A_125, %convert_element_type3A_164 : vector<1024x1xi1>, vector<1024x1xf32>
    %convert_element_type3A_180 = arith.fptosi %select_n3A_179 : vector<1024x1xf32> to vector<1024x1xi32>
    %swap3A_181 = arith.constant 0 : index
    %swap3A_182 = arith.constant 0 : index
    %swap3A_183 = vector.load %arg6[%swap3A_181, %swap3A_182] : memref<1024x1xi32, #tpu.memory_space<vmem>>, vector<1024x1xi32>
    tpu.vector_store %arg6[%swap3A_181, %swap3A_182], %convert_element_type3A_180 {strides = array<i32>} : memref<1024x1xi32, #tpu.memory_space<vmem>>, vector<1024x1xi32>,
    %select_n3A_184 = arith.select %and3A_137, %add3A_130, %convert_element_type3A_164 : vector<1024x1xi1>, vector<1024x1xf32>
    %convert_element_type3A_185 = arith.fptosi %select_n3A_184 : vector<1024x1xf32> to vector<1024x1xi32>
    %swap3A_186 = arith.constant 0 : index
    %swap3A_187 = arith.constant 0 : index
    %swap3A_188 = vector.load %arg7[%swap3A_186, %swap3A_187] : memref<1024x1xi32, #tpu.memory_space<vmem>>, vector<1024x1xi32>
    tpu.vector_store %arg7[%swap3A_186, %swap3A_187], %convert_element_type3A_185 {strides = array<i32>} : memref<1024x1xi32, #tpu.memory_space<vmem>>, vector<1024x1xi32>,
    %jit3A_189 = arith.constant 0.000000e+00 : f32
    %broadcast_in_dim3A_190 = vector.broadcast %jit3A_189 : f32 to vector<1024x1xf32>
    %select_n3A_191 = arith.select %and3A_133, %div3A_38, %broadcast_in_dim3A_190 : vector<1024x1xi1>, vector<1024x1xf32>
    %broadcast_in_dim3A_192 = vector.shape_cast %select_n3A_191 : vector<1024x1xf32> to vector<1024x1xf32>
    %broadcast_in_dim3A_193 = vector.broadcast %broadcast_in_dim3A_192 : vector<1024x1xf32> to vector<1024x16xf32>
    %jit3A_194 = arith.constant 0.000000e+00 : f32
    %broadcast_in_dim3A_195 = vector.broadcast %jit3A_194 : f32 to vector<1024x1xf32>
    %select_n3A_196 = arith.select %and3A_137, %mul3A, %broadcast_in_dim3A_195 : vector<1024x1xi1>, vector<1024x1xf32>
    %broadcast_in_dim3A_197 = vector.shape_cast %select_n3A_196 : vector<1024x1xf32> to vector<1024x1xf32>
    %broadcast_in_dim3A_198 = vector.broadcast %broadcast_in_dim3A_197 : vector<1024x1xf32> to vector<1024x16xf32>
    %broadcast_in_dim3A_199 = vector.shape_cast %select_n3A_50 : vector<1024x1xf32> to vector<1024x1xf32>
    %broadcast_in_dim3A_200 = vector.broadcast %broadcast_in_dim3A_199 : vector<1024x1xf32> to vector<1024x16xf32>
    %broadcast_in_dim3A_201 = arith.constant 0.000000e+00 : f32
    %broadcast_in_dim3A_202 = vector.broadcast %broadcast_in_dim3A_201 : f32 to vector<1024x80xf32>
    %concatenate3A = tpu.concatenate %broadcast_in_dim3A_193, %broadcast_in_dim3A_198, %broadcast_in_dim3A_200, %broadcast_in_dim3A_202 in 1 : vector<1024x16xf32>, vector<1024x16xf32>, vector<1024x16xf32>, vector<1024x80xf32> -> vector<1024x128xf32>
    %swap3A_203 = arith.constant 0 : index
    %swap3A_204 = arith.constant 0 : index
    %swap3A_205 = vector.load %arg8[%swap3A_203, %swap3A_204] : memref<1024x128xf32, #tpu.memory_space<vmem>>, vector<1024x128xf32>
    tpu.vector_store %arg8[%swap3A_203, %swap3A_204], %concatenate3A {strides = array<i32>} : memref<1024x128xf32, #tpu.memory_space<vmem>>, vector<1024x128xf32>,
    return
  }
  func.func @transform_0(%arg0: i32) -> (i32, i32) {
    %c0_i32 = arith.constant 0 : i32
    %c0_i32_0 = arith.constant 0 : i32
    return %arg0, %c0_i32 : i32, i32
  }
  func.func @transform_1(%arg0: i32) -> (i32, i32) {
    %c0_i32 = arith.constant 0 : i32
    %c0_i32_0 = arith.constant 0 : i32
    %c0_i32_1 = arith.constant 0 : i32
    return %c0_i32, %c0_i32_0 : i32, i32
  }
  func.func @transform_2(%arg0: i32) -> (i32, i32) {
    %c0_i32 = arith.constant 0 : i32
    %c0_i32_0 = arith.constant 0 : i32
    %c0_i32_1 = arith.constant 0 : i32
    return %c0_i32, %c0_i32_0 : i32, i32
  }
  func.func @transform_3(%arg0: i32) -> (i32, i32) {
    %c0_i32 = arith.constant 0 : i32
    %c0_i32_0 = arith.constant 0 : i32
    return %arg0, %c0_i32 : i32, i32
  }
  func.func @transform_4(%arg0: i32) -> (i32, i32) {
    %c0_i32 = arith.constant 0 : i32
    %c0_i32_0 = arith.constant 0 : i32
    return %arg0, %c0_i32 : i32, i32
  }
  func.func @transform_5(%arg0: i32) -> (i32, i32) {
    %c0_i32 = arith.constant 0 : i32
    %c0_i32_0 = arith.constant 0 : i32
    return %arg0, %c0_i32 : i32, i32
  }
  func.func @transform_6(%arg0: i32) -> (i32, i32) {
    %c0_i32 = arith.constant 0 : i32
    %c0_i32_0 = arith.constant 0 : i32
    return %arg0, %c0_i32 : i32, i32
  }
  func.func @transform_7(%arg0: i32) -> (i32, i32) {
    %c0_i32 = arith.constant 0 : i32
    %c0_i32_0 = arith.constant 0 : i32
    return %arg0, %c0_i32 : i32, i32
  }
  func.func @transform_8(%arg0: i32) -> (i32, i32) {
    %c0_i32 = arith.constant 0 : i32
    %c0_i32_0 = arith.constant 0 : i32
    %c0_i32_1 = arith.constant 0 : i32
    return %c0_i32, %c0_i32_0 : i32, i32
  }
}

module attributes {stable_mosaic.version = 14 : i64} {
  func.func @_ffn_body(%arg0: i32, %arg1: i32, %arg2: memref<128x768xf32, #tpu.memory_space<vmem>>, %arg3: memref<128x1xf32, #tpu.memory_space<vmem>>, %arg4: memref<1x768x1536xf32, #tpu.memory_space<vmem>>, %arg5: memref<1x1536x768xf32, #tpu.memory_space<vmem>>, %arg6: memref<128x768xf32, #tpu.memory_space<vmem>>) attributes {dimension_semantics = [#tpu.dimension_semantics<arbitrary>, #tpu.dimension_semantics<arbitrary>], iteration_bounds = array<i64: 63, 2>, scalar_prefetch = 0 : i64, scratch_operands = 0 : i64, tpu.core_type = #tpu.core_type<tc>, window_params = [{transform_indices = @transform_0, window_bounds = array<i64: 128, 768>}, {transform_indices = @transform_1, window_bounds = array<i64: 128, 1>}, {transform_indices = @transform_2, window_bounds = array<i64: 1, 768, 1536>}, {transform_indices = @transform_3, window_bounds = array<i64: 1, 1536, 768>}, {transform_indices = @transform_4, window_bounds = array<i64: 128, 768>}]} {
    %get3A = arith.constant 0 : index
    %get3A_0 = arith.constant 0 : index
    %get3A_1 = vector.load %arg3[%get3A, %get3A_0] : memref<128x1xf32, #tpu.memory_space<vmem>>, vector<128x1xf32>
    %gt3A = arith.constant 0.000000e+00 : f32
    %gt3A_2 = vector.broadcast %gt3A : f32 to vector<128x1xf32>
    %gt3A_3 = arith.cmpf ogt, %get3A_1, %gt3A_2 : vector<128x1xf32>
    %get3A_4 = arith.constant 0 : index
    %get3A_5 = arith.constant 0 : index
    %get3A_6 = vector.load %arg2[%get3A_4, %get3A_5] : memref<128x768xf32, #tpu.memory_space<vmem>>, vector<128x768xf32>
    %jit3A = arith.constant 0.000000e+00 : f32
    %broadcast_in_dim3A = vector.shape_cast %gt3A_3 : vector<128x1xi1> to vector<128x1xi1>
    %broadcast_in_dim3A_7 = vector.broadcast %broadcast_in_dim3A : vector<128x1xi1> to vector<128x768xi1>
    %broadcast_in_dim3A_8 = vector.broadcast %jit3A : f32 to vector<128x768xf32>
    %select_n3A = arith.select %broadcast_in_dim3A_7, %get3A_6, %broadcast_in_dim3A_8 : vector<128x768xi1>, vector<128x768xf32>
    %get3A_9 = arith.constant 0 : index
    %get3A_10 = arith.constant 0 : index
    %get3A_11 = arith.constant 0 : index
    %get3A_12 = vector.load %arg4[%get3A_9, %get3A_10, %get3A_11] : memref<1x768x1536xf32, #tpu.memory_space<vmem>>, vector<1x768x1536xf32>
    %get3A_13 = vector.shape_cast %get3A_12 : vector<1x768x1536xf32> to vector<768x1536xf32>
    %dot_general3A = arith.constant dense<0.000000e+00> : vector<128x1536xf32>
    %dot_general3A_14 = tpu.matmul %select_n3A, %get3A_13, %dot_general3A {dimension_numbers = #tpu.dot_dimension_numbers<[1], [0], [0], [1], [0, 0, 1, 1], [], []>, transpose_lhs_hint = false} : vector<128x768xf32>, vector<768x1536xf32>, vector<128x1536xf32> -> vector<128x1536xf32>
    %max3A = arith.constant 0.000000e+00 : f32
    %max3A_15 = vector.broadcast %max3A : f32 to vector<128x1536xf32>
    %max3A_16 = arith.maximumf %dot_general3A_14, %max3A_15 : vector<128x1536xf32>
    %get3A_17 = arith.constant 0 : index
    %get3A_18 = arith.constant 0 : index
    %get3A_19 = arith.constant 0 : index
    %get3A_20 = vector.load %arg5[%get3A_17, %get3A_18, %get3A_19] : memref<1x1536x768xf32, #tpu.memory_space<vmem>>, vector<1x1536x768xf32>
    %get3A_21 = vector.shape_cast %get3A_20 : vector<1x1536x768xf32> to vector<1536x768xf32>
    %dot_general3A_22 = arith.constant dense<0.000000e+00> : vector<128x768xf32>
    %dot_general3A_23 = tpu.matmul %max3A_16, %get3A_21, %dot_general3A_22 {dimension_numbers = #tpu.dot_dimension_numbers<[1], [0], [0], [1], [0, 0, 1, 1], [], []>, transpose_lhs_hint = false} : vector<128x1536xf32>, vector<1536x768xf32>, vector<128x768xf32> -> vector<128x768xf32>
    %eq3A = arith.constant 0 : i32
    %eq3A_24 = arith.cmpi eq, %arg1, %eq3A : i32
    %convert_element_type3A = arith.extui %eq3A_24 : i1 to i32
    %cond3A = arith.constant 0 : i32
    %cond3A_25 = arith.cmpi ne, %convert_element_type3A, %cond3A : i32
    scf.if %cond3A_25 {
      %swap3A = arith.constant 0 : index
      %swap3A_30 = arith.constant 0 : index
      %swap3A_31 = vector.load %arg6[%swap3A, %swap3A_30] : memref<128x768xf32, #tpu.memory_space<vmem>>, vector<128x768xf32>
      tpu.vector_store %arg6[%swap3A, %swap3A_30], %dot_general3A_23 {strides = array<i32>} : memref<128x768xf32, #tpu.memory_space<vmem>>, vector<128x768xf32>,
    } else {
    }
    %ne3A = arith.constant 0 : i32
    %ne3A_26 = arith.cmpi ne, %arg1, %ne3A : i32
    %convert_element_type3A_27 = arith.extui %ne3A_26 : i1 to i32
    %cond3A_28 = arith.constant 0 : i32
    %cond3A_29 = arith.cmpi ne, %convert_element_type3A_27, %cond3A_28 : i32
    scf.if %cond3A_29 {
      %get3A_30 = arith.constant 0 : index
      %get3A_31 = arith.constant 0 : index
      %get3A_32 = vector.load %arg6[%get3A_30, %get3A_31] : memref<128x768xf32, #tpu.memory_space<vmem>>, vector<128x768xf32>
      %add3A = arith.addf %get3A_32, %dot_general3A_23 : vector<128x768xf32>
      %swap3A = arith.constant 0 : index
      %swap3A_33 = arith.constant 0 : index
      %swap3A_34 = vector.load %arg6[%swap3A, %swap3A_33] : memref<128x768xf32, #tpu.memory_space<vmem>>, vector<128x768xf32>
      tpu.vector_store %arg6[%swap3A, %swap3A_33], %add3A {strides = array<i32>} : memref<128x768xf32, #tpu.memory_space<vmem>>, vector<128x768xf32>,
    } else {
    }
    return
  }
  func.func @transform_0(%arg0: i32, %arg1: i32) -> (i32, i32) {
    %c0_i32 = arith.constant 0 : i32
    %c0_i32_0 = arith.constant 0 : i32
    return %arg0, %c0_i32 : i32, i32
  }
  func.func @transform_1(%arg0: i32, %arg1: i32) -> (i32, i32) {
    %c0_i32 = arith.constant 0 : i32
    %c0_i32_0 = arith.constant 0 : i32
    return %arg0, %c0_i32 : i32, i32
  }
  func.func @transform_2(%arg0: i32, %arg1: i32) -> (i32, i32, i32) {
    %c0_i32 = arith.constant 0 : i32
    %c0_i32_0 = arith.constant 0 : i32
    return %arg0, %c0_i32, %arg1 : i32, i32, i32
  }
  func.func @transform_3(%arg0: i32, %arg1: i32) -> (i32, i32, i32) {
    %c0_i32 = arith.constant 0 : i32
    %c0_i32_0 = arith.constant 0 : i32
    return %arg0, %arg1, %c0_i32 : i32, i32, i32
  }
  func.func @transform_4(%arg0: i32, %arg1: i32) -> (i32, i32) {
    %c0_i32 = arith.constant 0 : i32
    %c0_i32_0 = arith.constant 0 : i32
    return %arg0, %c0_i32 : i32, i32
  }
}

module attributes {stable_mosaic.version = 14 : i64} {
  func.func @_combine_body(%arg0: i32, %arg1: memref<1024x768xf32, #tpu.memory_space<vmem>>, %arg2: memref<1024x768xf32, #tpu.memory_space<vmem>>, %arg3: memref<1024x768xf32, #tpu.memory_space<vmem>>, %arg4: memref<1024x128xf32, #tpu.memory_space<vmem>>, %arg5: memref<1024x768xf32, #tpu.memory_space<vmem>>) attributes {dimension_semantics = [#tpu.dimension_semantics<arbitrary>], iteration_bounds = array<i64: 16>, scalar_prefetch = 0 : i64, scratch_operands = 0 : i64, tpu.core_type = #tpu.core_type<tc>, window_params = [{transform_indices = @transform_0, window_bounds = array<i64: 1024, 768>}, {transform_indices = @transform_1, window_bounds = array<i64: 1024, 768>}, {transform_indices = @transform_2, window_bounds = array<i64: 1024, 768>}, {transform_indices = @transform_3, window_bounds = array<i64: 1024, 128>}, {transform_indices = @transform_4, window_bounds = array<i64: 1024, 768>}]} {
    %get3A = arith.constant 0 : index
    %get3A_0 = arith.constant 0 : index
    %get3A_1 = vector.load %arg4[%get3A, %get3A_0] : memref<1024x128xf32, #tpu.memory_space<vmem>>, vector<1024x1xf32>
    %get3A_2 = arith.constant 0 : index
    %get3A_3 = arith.constant 16 : index
    %get3A_4 = vector.load %arg4[%get3A_2, %get3A_3] : memref<1024x128xf32, #tpu.memory_space<vmem>>, vector<1024x1xf32>
    %get3A_5 = arith.constant 0 : index
    %get3A_6 = arith.constant 32 : index
    %get3A_7 = vector.load %arg4[%get3A_5, %get3A_6] : memref<1024x128xf32, #tpu.memory_space<vmem>>, vector<1024x1xf32>
    %get3A_8 = arith.constant 0 : index
    %get3A_9 = arith.constant 0 : index
    %get3A_10 = vector.load %arg1[%get3A_8, %get3A_9] : memref<1024x768xf32, #tpu.memory_space<vmem>>, vector<1024x768xf32>
    %mul3A = vector.broadcast %get3A_1 : vector<1024x1xf32> to vector<1024x768xf32>
    %mul3A_11 = arith.mulf %mul3A, %get3A_10 : vector<1024x768xf32>
    %get3A_12 = arith.constant 0 : index
    %get3A_13 = arith.constant 0 : index
    %get3A_14 = vector.load %arg2[%get3A_12, %get3A_13] : memref<1024x768xf32, #tpu.memory_space<vmem>>, vector<1024x768xf32>
    %mul3A_15 = vector.broadcast %get3A_4 : vector<1024x1xf32> to vector<1024x768xf32>
    %mul3A_16 = arith.mulf %mul3A_15, %get3A_14 : vector<1024x768xf32>
    %add3A = arith.addf %mul3A_11, %mul3A_16 : vector<1024x768xf32>
    %get3A_17 = arith.constant 0 : index
    %get3A_18 = arith.constant 0 : index
    %get3A_19 = vector.load %arg3[%get3A_17, %get3A_18] : memref<1024x768xf32, #tpu.memory_space<vmem>>, vector<1024x768xf32>
    %mul3A_20 = vector.broadcast %get3A_7 : vector<1024x1xf32> to vector<1024x768xf32>
    %mul3A_21 = arith.mulf %mul3A_20, %get3A_19 : vector<1024x768xf32>
    %add3A_22 = arith.addf %add3A, %mul3A_21 : vector<1024x768xf32>
    %swap3A = arith.constant 0 : index
    %swap3A_23 = arith.constant 0 : index
    %swap3A_24 = vector.load %arg5[%swap3A, %swap3A_23] : memref<1024x768xf32, #tpu.memory_space<vmem>>, vector<1024x768xf32>
    tpu.vector_store %arg5[%swap3A, %swap3A_23], %add3A_22 {strides = array<i32>} : memref<1024x768xf32, #tpu.memory_space<vmem>>, vector<1024x768xf32>,
    return
  }
  func.func @transform_0(%arg0: i32) -> (i32, i32) {
    %c0_i32 = arith.constant 0 : i32
    %c0_i32_0 = arith.constant 0 : i32
    return %arg0, %c0_i32 : i32, i32
  }
  func.func @transform_1(%arg0: i32) -> (i32, i32) {
    %c0_i32 = arith.constant 0 : i32
    %c0_i32_0 = arith.constant 0 : i32
    return %arg0, %c0_i32 : i32, i32
  }
  func.func @transform_2(%arg0: i32) -> (i32, i32) {
    %add3A = arith.constant 0 : i32
    %add3A_0 = arith.addi %arg0, %add3A : i32
    %c0_i32 = arith.constant 0 : i32
    %c0_i32_1 = arith.constant 0 : i32
    return %add3A_0, %c0_i32 : i32, i32
  }
  func.func @transform_3(%arg0: i32) -> (i32, i32) {
    %add3A = arith.constant 0 : i32
    %add3A_0 = arith.addi %arg0, %add3A : i32
    %c0_i32 = arith.constant 0 : i32
    %c0_i32_1 = arith.constant 0 : i32
    return %add3A_0, %c0_i32 : i32, i32
  }
  func.func @transform_4(%arg0: i32) -> (i32, i32) {
    %c0_i32 = arith.constant 0 : i32
    %c0_i32_0 = arith.constant 0 : i32
    return %arg0, %c0_i32 : i32, i32
  }
}

</mosaic_0001>

<sc_bundles>
// kernel: kernel.11.cloned.1.call-start
scs
__scs_entry_jumppad:
0x0: {  	(pc) =	sbr.rel $0x88, $3  }
0x1: {  	(tag) =	ssettag $0x0;
	lr =	simm.s32 $0x1  }
0x2: {  	[smem:$0x3F9C] =	sst lr;
	_ =	strace $0xD0000000  }
0x3: {  	_ = 	snop  }
0x4: {  	_ = 	snop  }
0x5: {  	_ = 	snop  }
0x6: {  	_ = 	snop  }
0x7: {  	_ = 	snop  }
__scs_overlays_trampoline_lowered:
0x8: {  	[smem:$0x3FAB] =	sst s0  }
0x9: {  	[smem:$0x3FAC] =	sst s1  }
0xa: {  	[smem:$0x3FAD] =	sst s2  }
0xb: {  	[smem:$0x3FAE] =	sst s3  }
0xc: {  	[smem:$0x3FAF] =	sst s4  }
0xd: {  	[smem:$0x3FB0] =	sst s5  }
0xe: {  	[smem:$0x3FB1] =	sst s6  }
0xf: {  	[smem:$0x3FB2] =	sst s7  }
0x10: {  	[smem:$0x3FB3] =	sst s8  }
0x11: {  	[smem:$0x3FB4] =	sst s9;
	s0 =	simm.s32 @!p0 $0x0  }
0x12: {  	s1 =	sld [smem:$0x3F9A];
	s0 =	simm.s32 @p0 $0x1  }
0x13: {  	[smem:$0x3FB5] =	sst s0;
	s0 =	simm.s32 @!p1 $0x0  }
0x14: {  	s2 =	sld [smem:$0x3F99];
	s0 =	simm.s32 @p1 $0x1  }
0x15: {  	[smem:$0x3FB6] =	sst s0;
	s0 =	simm.s32 @!p2 $0x0  }
0x16: {  	s3 =	sld [smem:$0x3FDB];
	s0 =	simm.s32 @p2 $0x1  }
0x17: {  	s4 =	simm.s32 $0x1BF5;
	[smem:$0x3FB8] =	sst s0  }
0x18: {  	s0 =	sld [smem:$0x3F9B];
	_ =	swait.ge [sflag:s4], $0x0  }
0x19: {  	s7 =	sld [smem:$0x3F9C]  }
0x1a: {  	s8 =	sadd.s32 $0xFFFFE003, lr  }
0x1b: {  	s9 =	sadd.s32 $0xFFFFFEF7, lr;
	s5 =	simm.s32 $0xFFFFFFFF;
	p2 =	slt.u32 s8, $0xFFFFF086  }
0x1c: {  	p1 =	slt.u32 s9, $0xF7A;
	s5 =	simm.s32 @!p2 $0x0  }
0x1d: {  	s5 =	simm.s32 @p1 $0x1;
	p0 =	seq.s32 s7, s2  }
0x1e: {  	s7 =	smul.u32 @!p0 $0xF7A, s2;
	p2 =	seq.s32 @!p0 s5, $0x0  }
0x1f: {  	s9 =	smul.u32 $0xF7A, s1;
	s8 =	simm.s32 @!p0 $0x1BF5;
	p2 =	por !p2, p0  }
0x20: {  	[sflag:s8] =	ssyncset.s32 @!p0 $0xFFFFF086;
	s6 =	sadd.s32 @!p0 s3, s7;
	s7 =	simm.s32 @!p0 $0x108  }
0x21: {  	s3 =	sadd.s32 s3, s9;
	s6 =	sadd.s32 @!p0 $0x88, s6;
	s7 =	simm.s32 @p2 $0x1082  }
0x22: {  	[simem:s7], [sflag:s8] =	dma.local @!p0 [hbm:s6], $0xF7A  }
0x23: {  	s9 =	sor.u32 $0xD0000000, s2;
	s6 =	simm.s32 $0x108;
	_ =	swait.ge @!p0 [sflag:s8], $0x0  }
0x24: {  	s3 =	sadd.s32 $0x88, s3;
	s6 =	simm.s32 @!p1 $0x1082;
	[sflag:s4] =	ssyncset.s32 $0xFFFFF086  }
0x25: {  	[simem:s6], [sflag:s4] =	dma.local [hbm:s3], $0xF7A  }
0x26: {  	[smem:$0x3F9C] =	sst s1;
	(tag) =	ssettag s2;
	_ =	strace s9  }
0x27: {  	s1 =	sld [smem:$0x3FAC]  }
0x28: {  	s2 =	sld [smem:$0x3FAD]  }
0x29: {  	s4 =	sld [smem:$0x3FAF]  }
0x2a: {  	p0 =	seq.s32 s5, $0x0;
	s5 =	sld [smem:$0x3FB0]  }
0x2b: {  	s6 =	sld [smem:$0x3FB1]  }
0x2c: {  	s7 =	sld [smem:$0x3FB2]  }
0x2d: {  	s3 =	simm.s32 $0x108;
	s8 =	sld [smem:$0x3FB3]  }
0x2e: {  	s3 =	simm.s32 @!p0 $0x1082;
	s9 =	sld [smem:$0x3FB4]  }
0x2f: {  	lr =	sadd.s32 s0, s3;
	s0 =	sld [smem:$0x3FAB]  }
0x30: {  	s3 =	sld [smem:$0x3FAE]  }
0x31: {  	[smem:$0x3FB7] =	sst s10  }
0x32: {  	s10 =	sld [smem:$0x3FB5];
	_ =	sdelay $0x3  }
0x33: {  	p0 =	seq.s32 s10, $0x1;
	s10 =	sld [smem:$0x3FB7];
	_ =	sdelay $0x3  }
0x34: {  	[smem:$0x3FB7] =	sst s10  }
0x35: {  	s10 =	sld [smem:$0x3FB6];
	_ =	sdelay $0x3  }
0x36: {  	p1 =	seq.s32 s10, $0x1;
	s10 =	sld [smem:$0x3FB7];
	_ =	sdelay $0x3  }
0x37: {  	[smem:$0x3FB7] =	sst s10  }
0x38: {  	s10 =	sld [smem:$0x3FB8]  }
0x39: {  	_ = 	snop;
	(pc) =	sbr.ind lr, $3  }
0x3a: {  	_ = 	snop  }
0x3b: {  	_ = 	snop  }
0x3c: {  	p2 =	seq.s32 s10, $0x1;
	s10 =	sld [smem:$0x3FB7]  }
0x3d: {  	_ =	shalt  }
0x3e: {  	_ =	shalt  }
0x3f: {  	_ =	shalt  }
0x40: {  	_ =	shalt  }
0x41: {  	_ =	shalt  }
0x42: {  	_ =	shalt  }
0x43: {  	_ =	shalt  }
0x44: {  	_ =	shalt  }
0x45: {  	_ =	shalt  }
0x46: {  	_ =	shalt  }
0x47: {  	_ =	shalt  }
0x48: {  	_ =	shalt  }
0x49: {  	_ =	shalt  }
0x4a: {  	_ =	shalt  }
0x4b: {  	_ =	shalt  }
0x4c: {  	_ =	shalt  }
0x4d: {  	_ =	shalt  }
0x4e: {  	_ =	shalt  }
0x4f: {  	_ =	shalt  }
0x50: {  	_ =	shalt  }
0x51: {  	_ =	shalt  }
0x52: {  	_ =	shalt  }
0x53: {  	_ =	shalt  }
0x54: {  	_ =	shalt  }
0x55: {  	_ =	shalt  }
0x56: {  	_ =	shalt  }
0x57: {  	_ =	shalt  }
0x58: {  	_ =	shalt  }
0x59: {  	_ =	shalt  }
0x5a: {  	_ =	shalt  }
0x5b: {  	_ =	shalt  }
0x5c: {  	_ =	shalt  }
0x5d: {  	_ =	shalt  }
0x5e: {  	_ =	shalt  }
0x5f: {  	_ =	shalt  }
0x60: {  	_ =	shalt  }
0x61: {  	_ =	shalt  }
0x62: {  	_ =	shalt  }
0x63: {  	_ =	shalt  }
0x64: {  	_ =	shalt  }
0x65: {  	_ =	shalt  }
0x66: {  	_ =	shalt  }
0x67: {  	_ =	shalt  }
0x68: {  	_ =	shalt  }
0x69: {  	_ =	shalt  }
0x6a: {  	_ =	shalt  }
0x6b: {  	_ =	shalt  }
0x6c: {  	_ =	shalt  }
0x6d: {  	_ =	shalt  }
0x6e: {  	_ =	shalt  }
0x6f: {  	_ =	shalt  }
0x70: {  	_ =	shalt  }
0x71: {  	_ =	shalt  }
0x72: {  	_ =	shalt  }
0x73: {  	_ =	shalt  }
0x74: {  	_ =	shalt  }
0x75: {  	_ =	shalt  }
0x76: {  	_ =	shalt  }
0x77: {  	_ =	shalt  }
0x78: {  	_ =	shalt  }
0x79: {  	_ =	shalt  }
0x7a: {  	_ =	shalt  }
0x7b: {  	_ =	shalt  }
0x7c: {  	_ =	shalt  }
0x7d: {  	_ =	shalt  }
0x7e: {  	_ =	shalt  }
0x7f: {  	_ =	shalt  }
0x80: {  	_ =	shalt  }
0x81: {  	_ =	shalt  }
0x82: {  	_ =	shalt  }
0x83: {  	_ =	shalt  }
0x84: {  	_ =	shalt  }
0x85: {  	_ =	shalt  }
0x86: {  	_ =	shalt  }
0x87: {  	_ =	shalt  }
.Lfunc_end0:
.L_simem_size_0:
called_computation.1_lowered:
.L_overlay_start_0:
0x88: {  	s2 =	sld [smem:$0x3FD9]  }
0x89: {  	s3 =	sld [smem:$0x3FFE];
	_ =	sdelay $0x1  }
0x8a: {  	s1 =	srdreg.scid  }
0x8b: {  	s0 =	sand.u32 $0x1, s1  }
0x8c: {  	s17 =	sshll.u32 s0, $0xA;
	s2 =	sadd.s32 s3, s2  }
0x8d: {  	s2 =	sadd.s32 s2, s17  }
0x8e: {  	[smem:$0x3FC3] =	sst s2  }
0x8f: {  	_ = 	snop  }
0x90: {  	s2 =	sld [smem:$0x3FC9]  }
0x91: {  	s18 =	sld [smem:$0x3FD0];
	(tm) =	ssettm $0x1  }
0x92: {  	s4 =	sld [smem:$0x3FFB];
	_ =	sdelay $0x3  }
0x93: {  	_ =	strace s4  }
0x94: {  	s4 =	sld [smem:$0x3FFC];
	_ =	sdelay $0x3  }
0x95: {  	_ =	strace s4  }
0x96: {  	s4 =	sld [smem:$0x3FFD];
	_ =	sdelay $0x3  }
0x97: {  	_ =	strace s4  }
0x98: {  	_ =	strace $0x8FFFFFFF  }
0x99: {  	s19 =	sld [smem:$0x3FDB];
	_ =	sdelay $0x1  }
0x9a: {  	s5 =	simm.s32 $_scs_section_size  }
0x9b: {  	s6 =	simm.s32 $_size__tile_overlayer_lowered;
	s7 =	simm.s32 $_tile_overlayer_lowered  }
0x9c: {  	s22 =	simm.s32 $0x1BFF;
	s21 =	sshll.u32 s7, $0x1;
	s4 =	sadd.s32 s5, s19  }
0x9d: {  	s8 =	simm.s32 $0x0;
	s20 =	sshll.u32 s6, $0x1;
	s6 =	sadd.s32 s21, s4  }
0x9e: {  	[timem:s8], [sflag:s22] =	dma.local [hbm:s6], s20  }
0x9f: {  	_ =	swait.ge [sflag:s22], s20  }
0xa0: {  	s5 =	ssub.s32 $0x0, s20;
	[sflag:s22] =	ssyncset.done $0x0  }
0xa1: {  	[sflag:s22] =	ssyncadd.s32 s5;
	_ =	sdelay $0x1  }
0xa2: {  	s23 =	simm.s32 $0x1B8B  }
0xa3: {  	_ =	swait.ge [sflag:s23], $0x1  }
0xa4: {  	[sflag:s23] =	ssyncset.done $0x0  }
0xa5: {  	s25 =	simm.s32 $0x1B8E;
	s24 =	sld [smem:$0x3FFE];
	[sflag:s23] =	ssyncadd.s32 $0xFFFFFFFF  }
0xa6: {  	s26 =	simm.s32 $execute0_lowered;
	[smem:$0x3FD2] =	sst s25  }
0xa7: {  	s6 =	sshll.u32 s26, $0x1;
	_ =	strace $0x80000049;
	[dreg:$0x1] =	wrdreg $0xFFFFFFFF  }
0xa8: {  	s28 =	simm.s32 $_size_execute0_lowered;
	s4 =	sadd.s32 s4, s6;
	[dreg:$0x0] =	wrdreg $0x0  }
0xa9: {  	s6 =	sshll.u32 s28, $0x1;
	[dreg:$0x2] =	wrdreg s4  }
0xaa: {  	[dreg:$0x3] =	wrdreg s6  }
0xab: {  	[dreg:$0x4] =	wrdreg $0xC0  }
0xac: {  	_ =	task [dreg:s8], $0x5FFFF  }
0xad: {  	[dreg:$0x1] =	wrdreg $0xFFFFFFFF  }
0xae: {  	[dreg:$0x0] =	wrdreg $0x60  }
0xaf: {  	[dreg:$0x2] =	wrdreg s2  }
0xb0: {  	[dreg:$0x3] =	wrdreg s24  }
0xb1: {  	[dreg:$0x4] =	wrdreg s18  }
0xb2: {  	[dreg:$0x5] =	wrdreg $0x9  }
0xb3: {  	_ =	task.clear_ibuf [dreg:s8], $0x6FFFF;
	_ =	strace $0x90000049  }
0xb4: {  	s29 =	simm.s32 $0x9;
	_ =	strace $0x8000004B  }
0xb5: {  	_ =	swait.ge [sflag:s29], $0x1  }
0xb6: {  	[sflag:s29] =	ssyncadd.s32 $0xFFFFFFFF  }
0xb7: {  	_ =	strace $0x9000004B  }
0xb8: {  	_ =	sfence  }
0xb9: {  	s30 =	sld [smem:$0x0];
	_ =	sdelay $0x2  }
0xba: {  	s31 =	sshll.u32 s1, $0xD;
	s1 =	sshrl.u32 s1, $0x2  }
0xbb: {  	s3 =	sand.u32 $0x4000, s31;
	s1 =	sadd.s32 s1, s30  }
0xbc: {  	s0 =	sor.u32 s3, s0;
	s1 =	sshll.u32 s1, $0x11  }
0xbd: {  	s0 =	sor.u32 s1, s0  }
0xbe: {  	s0 =	sadd.s32 $0x8F2B, s0  }
0xbf: {  	[sflag:s0] =	ssyncadd.remote.s32 $0x1  }
0xc0: {  	_ =	sfence.sel $0xFFFF  }
0xc1: {  	[dreg:$0x0] =	wrdreg $0xFFFFFFFF;
	(pc) =	sbr.abs _section_cstart, $3  }
0xc2: {  	[dreg:$0x1] =	wrdreg $0xFFFFFFFF  }
0xc3: {  	_ =	task.clear_ibuf [dreg:s8], $0x2FFFF;
	_ =	strace $0x9FFFFFFF  }
0xc4: {  	(tm) =	ssettm $0x7FFFFFFF  }
0xc5: {  	_ =	shalt  }
tec
execute0_lowered:
.L_overlay_start_1:
0x0: {  	(tag) =	ssettag $0x1  }
0x1: {  	s1 =	rddreg [dreg:$0x0]  }
0x2: {  	s0 =	srdreg.scid;
	s4 =	rddreg [dreg:$0x1]  }
0x3: {  	s2 =	stileid.u32;
	s5 =	rddreg [dreg:$0x2];
	s17 =	simm.s32 $0x1500  }
0x4: {  	s18 =	simm.s32 $0x1D00;
	s19 =	simm.s32 $0x2500;
	s20 =	simm.s32 $0x2D00  }
0x5: {  	s21 =	simm.s32 $0x3500;
	s28 =	simm.s32 $0x6500;
	s29 =	simm.s32 $0x6D00  }
0x6: {  	s30 =	simm.s32 $0x7500;
	s31 =	simm.s32 $0x7D00;
	s14 =	simm.s32 $0x8500  }
0x7: {  	s11 =	simm.s32 $0x8D00;
	s12 =	simm.s32 $0x9500;
	s10 =	simm.s32 $0xAD00  }
0x8: {  	s13 =	simm.s32 $0xB500;
	s15 =	simm.s32 $0x1;
	s0 =	sand.u32 $0x1, s0  }
0x9: {  	s2 =	sshll.u32 s2, $0x9;
	s3 =	sshll.u32 s0, $0x8;
	s0 =	ssub.s32 $0x2, s0  }
0xa: {  	s2 =	sor.u32 s3, s2;
	s3 =	simm.s32 $0x0;
	s24 =	sshrl.u32 s0, $0x1  }
0xb: {  	s6 =	sshrl.u32 s2, $0x3;
	[smem:$0x7FF] =	sst s3;
	s2 =	sshrl.u32 s2, $0x1  }
0xc: {  	s0 =	ssub.s32 s0, s24;
	s24 =	simm.s32 $0x4D00;
	s7 =	smul.u32 $0x300, s6  }
0xd: {  	s6 =	smul.u32 $0x1800, s6;
	_ =	strace $0x8000004A;
	s2 =	sadd.s32 s2, s4  }
0xe: {  	s9 =	smax.u32 s0, $0x1;
	s2 =	sadd.s32 $0xC1600, s2;
	s7 =	sadd.s32 s5, s7  }
0xf: {  	s22 =	sshrl.u32 s6, $0x3;
	[dreg:$0x4] =	wrdreg s2;
	s6 =	sadd.s32 $0x200, s1  }
0x10: {  	s2 =	simm.s32 $0x3;
	[dreg:$0x8] =	wrdreg s7;
	s23 =	sadd.s32 $0x1800, s7  }
0x11: {  	s4 =	sadd.s32 s5, s22;
	s5 =	sadd.s32 $0x100, s1;
	s22 =	simm.s32 $0x3D00  }
0x12: {  	v2 =	vlaneseq.u32;
	[dreg:$0x5] =	wrdreg s23;
	s25 =	sadd.s32 $0x3000, s4;
	s26 =	sadd.s32 $0x4800, s4  }
0x13: {  	vm0 =	vmmov $0xffff;
	v1 =	vshrl.u32 v2, $0x3;
	s23 =	simm.s32 $0x4500;
	s4 =	simm.s32 $0xC500;
	[dreg:$0x6] =	wrdreg s25  }
0x14: {  	v0 =	vand.u32 $0x7, v2;
	v2 =	vor.u32 $0x8, v2;
	v1 =	vmul.u32 $0x8, v1;
	[dreg:$0x7] =	wrdreg s26;
	s25 =	simm.s32 $0x5500;
	s26 =	simm.s32 $0x5D00  }
.LBB2_1:
0x15: {  	s16 =	rddreg [dreg:$0x4];
	s0 =	simm.s32 $0x5  }
0x16: {  	[tilespmem:s3], [sflag:$0x5] =	stream.linear.gather [hbm4b:s16+s3], $0x400, $0x38;
	[tilespmem:$0x18500] =	vst v63  }
0x17: {  	_ =	swait.ge [sflag:s0], $0x400  }
0x18: {  	[sflag:s0] =	ssyncset.done $0x0  }
0x19: {  	[sflag:s0] =	ssyncadd.s32 $0xFFFFFC00  }
0x1a: {  	v3 =	vld [tilespmem:$0x0]  }
0x1b: {  	v4 =	vld [tilespmem:$0x80]  }
0x1c: {  	v5 =	vld [tilespmem:$0x100]  }
0x1d: {  	v6 =	vld [tilespmem:$0x180]  }
0x1e: {  	v7 =	vld [tilespmem:$0x10]  }
0x1f: {  	v8 =	vld [tilespmem:$0x90]  }
0x20: {  	v9 =	vld [tilespmem:$0x110]  }
0x21: {  	v10 =	vld [tilespmem:$0x190]  }
0x22: {  	v11 =	vld [tilespmem:$0x20]  }
0x23: {  	v12 =	vld [tilespmem:$0xA0]  }
0x24: {  	v13 =	vld [tilespmem:$0x120]  }
0x25: {  	v14 =	vld [tilespmem:$0x1A0]  }
0x26: {  	v15 =	vld [tilespmem:$0x30]  }
0x27: {  	v16 =	vld [tilespmem:$0xB0]  }
0x28: {  	v17 =	vld [tilespmem:$0x130]  }
0x29: {  	v18 =	vld [tilespmem:$0x1B0]  }
0x2a: {  	v19 =	vld [tilespmem:$0x40]  }
0x2b: {  	v20 =	vld [tilespmem:$0xC0]  }
0x2c: {  	v21 =	vld [tilespmem:$0x140]  }
0x2d: {  	v22 =	vld [tilespmem:$0x1C0]  }
0x2e: {  	v23 =	vld [tilespmem:$0x50]  }
0x2f: {  	v24 =	vld [tilespmem:$0xD0]  }
0x30: {  	v25 =	vld [tilespmem:$0x150]  }
0x31: {  	v26 =	vld [tilespmem:$0x1D0]  }
0x32: {  	v27 =	vld [tilespmem:$0x60]  }
0x33: {  	v28 =	vld [tilespmem:$0xE0]  }
0x34: {  	v29 =	vld [tilespmem:$0x160]  }
0x35: {  	v30 =	vld [tilespmem:$0x1E0]  }
0x36: {  	v31 =	vld [tilespmem:$0x70]  }
0x37: {  	v32 =	vld [tilespmem:$0xF0]  }
0x38: {  	v33 =	vld [tilespmem:$0x170]  }
0x39: {  	v34 =	vld [tilespmem:$0x1F0]  }
0x3a: {  	v35 =	vld [tilespmem:$0x200]  }
0x3b: {  	v36 =	vld [tilespmem:$0x280]  }
0x3c: {  	v37 =	vld [tilespmem:$0x300]  }
0x3d: {  	v38 =	vld [tilespmem:$0x380]  }
0x3e: {  	v39 =	vld [tilespmem:$0x210]  }
0x3f: {  	v40 =	vld [tilespmem:$0x290]  }
0x40: {  	v41 =	vld [tilespmem:$0x310]  }
0x41: {  	v42 =	vld [tilespmem:$0x390]  }
0x42: {  	v43 =	vld [tilespmem:$0x220]  }
0x43: {  	v61 =	vld [tilespmem:$0x2A0]  }
0x44: {  	v62 =	vld [tilespmem:$0x320]  }
0x45: {  	v44 =	vld [tilespmem:$0x3A0]  }
0x46: {  	v53 =	vld [tilespmem:$0x240];
	v3 =	vadd.s32 v3, v4;
	v63 =	vadd.s32 v7, v8  }
0x47: {  	v56 =	vld [tilespmem:$0x2C0];
	v12 =	vadd.s32 v11, v12;
	v45 =	vadd.s32 v15, v16;
	v48 =	vadd.s32 v19, v20  }
0x48: {  	v46 =	vld [tilespmem:$0x230];
	v49 =	vadd.s32 v23, v24;
	v51 =	vadd.s32 v27, v28;
	v54 =	vadd.s32 v31, v32  }
0x49: {  	v47 =	vld [tilespmem:$0x2B0];
	v55 =	vadd.s32 v35, v36;
	v57 =	vadd.s32 v39, v40;
	v4 =	vadd.s32 v43, v61  }
0x4a: {  	v50 =	vld [tilespmem:$0x330];
	v3 =	vadd.s32 v5, v3;
	v7 =	vadd.s32 v13, v12;
	v12 =	vadd.s32 v21, v48  }
0x4b: {  	v52 =	vld [tilespmem:$0x3B0];
	v13 =	vadd.s32 v25, v49;
	v15 =	vadd.s32 v29, v51;
	v19 =	vadd.s32 v37, v55  }
0x4c: {  	v60 =	vld [tilespmem:$0x250];
	v21 =	vadd.s32 v41, v57;
	v4 =	vadd.s32 v62, v4;
	v29 =	vadd.s32 v53, v56  }
0x4d: {  	v61 =	vld [tilespmem:$0x2D0];
	v3 =	vadd.s32 v6, v3;
	v6 =	vadd.s32 v9, v63;
	v7 =	vadd.s32 v14, v7  }
0x4e: {  	v27 =	vld [tilespmem:$0x2E0];
	v9 =	vadd.s32 v17, v45;
	v12 =	vadd.s32 v22, v12;
	v13 =	vadd.s32 v26, v13  }
0x4f: {  	v62 =	vld [tilespmem:$0x350];
	v15 =	vadd.s32 v30, v15;
	v19 =	vadd.s32 v38, v19;
	v21 =	vadd.s32 v42, v21  }
0x50: {  	v25 =	vld [tilespmem:$0x260];
	v4 =	vadd.s32 v44, v4;
	v6 =	vadd.s32 v10, v6;
	v9 =	vadd.s32 v18, v9  }
0x51: {  	v63 =	vld [tilespmem:$0x3D0];
	v18 =	vadd.s32 v33, v54;
	vm1 =	vlt.s32 v3, $0x3FFF;
	v10 =	vadd.s32 v46, v47  }
0x52: {  	v30 =	vld [tilespmem:$0x360];
	v18 =	vadd.s32 v34, v18;
	v3 =	vnsel vm1, $0x3FFF, v3;
	vm1 =	vlt.s32 v6, $0x3FFF  }
0x53: {  	v32 =	vld [tilespmem:$0x3E0];
	v10 =	vadd.s32 v50, v10;
	v6 =	vnsel vm1, $0x3FFF, v6;
	vm1 =	vlt.s32 v7, $0x3FFF  }
0x54: {  	v58 =	vld [tilespmem:$0x340];
	v10 =	vadd.s32 v52, v10;
	v5 =	vadd.s32 v60, v61;
	v39 =	vshrl.u32 v3, $0x3  }
0x55: {  	v59 =	vld [tilespmem:$0x3C0];
	[tilespmem:$0x400] =	vst v3;
	v3 =	vand.u32 $0x7, v3;
	v7 =	vnsel vm1, $0x3FFF, v7;
	vm1 =	vlt.s32 v9, $0x3FFF  }
0x56: {  	v36 =	vld [tilespmem:$0x2F0];
	[tilespmem:$0x410] =	vst v6;
	v5 =	vadd.s32 v62, v5;
	v40 =	vadd.s32 v25, v27;
	v9 =	vnsel vm1, $0x3FFF, v9  }
0x57: {  	v34 =	vld [tilespmem:$0x270];
	vm1 =	vlt.s32 v12, $0x3FFF;
	[tilespmem:$0x420] =	vst v7;
	v5 =	vadd.s32 v63, v5;
	v6 =	vadd.s32 v30, v40  }
0x58: {  	v26 =	vnsel vm1, $0x3FFF, v12;
	vm1 =	vlt.s32 v13, $0x3FFF;
	[tilespmem:$0x430] =	vst v9;
	v6 =	vadd.s32 v32, v6  }
0x59: {  	v28 =	vnsel vm1, $0x3FFF, v13;
	vm1 =	vlt.s32 v15, $0x3FFF;
	v13 =	vadd.s32 v58, v29;
	[tilespmem:$0x440] =	vst v26  }
0x5a: {  	v38 =	vld [tilespmem:$0x370];
	v31 =	vnsel vm1, $0x3FFF, v15;
	vm1 =	vlt.s32 v18, $0x3FFF;
	[tilespmem:$0x450] =	vst v28;
	v37 =	vadd.s32 v59, v13  }
0x5b: {  	v13 =	vmul.u32 $0x30, v39;
	v33 =	vnsel vm1, $0x3FFF, v18;
	vm1 =	vlt.s32 v19, $0x3FFF;
	[tilespmem:$0x460] =	vst v31  }
0x5c: {  	v42 =	vld [tilespmem:$0x3F0];
	v43 =	vadd.s32 v34, v36;
	v35 =	vnsel vm1, $0x3FFF, v19;
	vm1 =	vlt.s32 v21, $0x3FFF;
	[tilespmem:$0x470] =	vst v33  }
0x5d: {  	v3 =	vor.u32 v3, v13;
	v41 =	vnsel vm1, $0x3FFF, v21;
	vm1 =	vlt.s32 v4, $0x3FFF;
	[tilespmem:$0x480] =	vst v35  }
0x5e: {  	v44 =	vperm.xlane v3, v0;
	v4 =	vnsel vm1, $0x3FFF, v4;
	[tilespmem:$0x490] =	vst v41;
	vm1 =	vlt.s32 v10, $0x3FFF  }
0x5f: {  	v45 =	vadd.s32 v38, v43;
	[tilespmem:$0x4A0] =	vst v4;
	v46 =	vnsel vm1, $0x3FFF, v10;
	vm1 =	vlt.s32 v37, $0x3FFF  }
0x60: {  	v8 =	vadd.s32 v1, v44;
	[tilespmem:$0x4B0] =	vst v46;
	v47 =	vnsel vm1, $0x3FFF, v37;
	vm1 =	vlt.s32 v5, $0x3FFF  }
0x61: {  	v4 =	vadd.s32 v42, v45;
	[tilespmem:$0x4C0] =	vst v47;
	v5 =	vnsel vm1, $0x3FFF, v5;
	vm1 =	vlt.s32 v6, $0x3FFF  }
0x62: {  	[tilespmem:$0x4D0] =	vst v5;
	v48 =	vnsel vm1, $0x3FFF, v6;
	vm1 =	vlt.s32 v4, $0x3FFF  }
0x63: {  	[tilespmem:$0x4E0] =	vst v48;
	v4 =	vnsel vm1, $0x3FFF, v4  }
0x64: {  	s7 =	simm.s32 $0x500;
	v3 =	vperm.xlane v3, v2;
	[tilespmem:$0x4F0] =	vst v4  }
0x65: {  	[tilespmem:s7], [sflag:$0x1] =	stream.indirect_vreg.gather [hbm4b:s1+s3], $0x80, v8, vm0, $0xb8;
	[tilespmem:$0x18500] =	vst v63  }
0x66: {  	s8 =	simm.s32 $0xD00;
	v3 =	vadd.s32 v1, v3  }
0x67: {  	[tilespmem:s8], [sflag:$0x1] =	stream.indirect_vreg.gather [hbm4b:s5+s3], $0x80, v8, vm0, $0xb8;
	[tilespmem:$0x18500] =	vst v63  }
0x68: {  	_ = 	snop  }
0x69: {  	[tilespmem:s17], [sflag:$0x1] =	stream.indirect_vreg.gather [hbm4b:s6+s3], $0x80, v8, vm0, $0xb8;
	[tilespmem:$0x18500] =	vst v63  }
0x6a: {  	_ = 	snop  }
0x6b: {  	[tilespmem:s18], [sflag:$0x1] =	stream.indirect_vreg.gather [hbm4b:s1+s3], $0x80, v3, vm0, $0xb8;
	[tilespmem:$0x18500] =	vst v63  }
0x6c: {  	_ = 	snop  }
0x6d: {  	[tilespmem:s19], [sflag:$0x1] =	stream.indirect_vreg.gather [hbm4b:s5+s3], $0x80, v3, vm0, $0xb8;
	[tilespmem:$0x18500] =	vst v63  }
0x6e: {  	_ = 	snop  }
0x6f: {  	[tilespmem:s20], [sflag:$0x1] =	stream.indirect_vreg.gather [hbm4b:s6+s3], $0x80, v3, vm0, $0xb8;
	[tilespmem:$0x18500] =	vst v63  }
0x70: {  	v3 =	vld [tilespmem:$0x410];
	_ =	sdelay $0x4  }
0x71: {  	v49 =	vshrl.u32 v3, $0x3  }
0x72: {  	v4 =	vmul.u32 $0x30, v49  }
0x73: {  	v3 =	vand.u32 $0x7, v3  }
0x74: {  	v3 =	vor.u32 v3, v4  }
0x75: {  	v4 =	vperm.xlane v3, v0;
	_ =	sdelay $0x1  }
0x76: {  	v4 =	vadd.s32 v1, v4;
	_ =	sdelay $0x3  }
0x77: {  	v3 =	vperm.xlane v3, v2  }
0x78: {  	[tilespmem:s21], [sflag:$0x1] =	stream.indirect_vreg.gather [hbm4b:s1+s3], $0x80, v4, vm0, $0xb8;
	[tilespmem:$0x18500] =	vst v63  }
0x79: {  	v3 =	vadd.s32 v1, v3  }
0x7a: {  	[tilespmem:s22], [sflag:$0x1] =	stream.indirect_vreg.gather [hbm4b:s5+s3], $0x80, v4, vm0, $0xb8;
	[tilespmem:$0x18500] =	vst v63  }
0x7b: {  	_ = 	snop  }
0x7c: {  	[tilespmem:s23], [sflag:$0x1] =	stream.indirect_vreg.gather [hbm4b:s6+s3], $0x80, v4, vm0, $0xb8;
	[tilespmem:$0x18500] =	vst v63  }
0x7d: {  	_ = 	snop  }
0x7e: {  	[tilespmem:s24], [sflag:$0x1] =	stream.indirect_vreg.gather [hbm4b:s1+s3], $0x80, v3, vm0, $0xb8;
	[tilespmem:$0x18500] =	vst v63  }
0x7f: {  	_ = 	snop  }
0x80: {  	[tilespmem:s25], [sflag:$0x1] =	stream.indirect_vreg.gather [hbm4b:s5+s3], $0x80, v3, vm0, $0xb8;
	[tilespmem:$0x18500] =	vst v63  }
0x81: {  	_ = 	snop  }
0x82: {  	[tilespmem:s26], [sflag:$0x1] =	stream.indirect_vreg.gather [hbm4b:s6+s3], $0x80, v3, vm0, $0xb8;
	[tilespmem:$0x18500] =	vst v63  }
0x83: {  	v3 =	vld [tilespmem:$0x420];
	_ =	sdelay $0x4  }
0x84: {  	v50 =	vshrl.u32 v3, $0x3  }
0x85: {  	v4 =	vmul.u32 $0x30, v50  }
0x86: {  	v3 =	vand.u32 $0x7, v3  }
0x87: {  	v3 =	vor.u32 v3, v4  }
0x88: {  	v4 =	vperm.xlane v3, v0;
	_ =	sdelay $0x1  }
0x89: {  	v4 =	vadd.s32 v1, v4;
	_ =	sdelay $0x3  }
0x8a: {  	v3 =	vperm.xlane v3, v2  }
0x8b: {  	[tilespmem:s28], [sflag:$0x1] =	stream.indirect_vreg.gather [hbm4b:s1+s3], $0x80, v4, vm0, $0xb8;
	[tilespmem:$0x18500] =	vst v63  }
0x8c: {  	v3 =	vadd.s32 v1, v3  }
0x8d: {  	[tilespmem:s29], [sflag:$0x1] =	stream.indirect_vreg.gather [hbm4b:s5+s3], $0x80, v4, vm0, $0xb8;
	[tilespmem:$0x18500] =	vst v63  }
0x8e: {  	_ = 	snop  }
0x8f: {  	[tilespmem:s30], [sflag:$0x1] =	stream.indirect_vreg.gather [hbm4b:s6+s3], $0x80, v4, vm0, $0xb8;
	[tilespmem:$0x18500] =	vst v63  }
0x90: {  	_ = 	snop  }
0x91: {  	[tilespmem:s31], [sflag:$0x1] =	stream.indirect_vreg.gather [hbm4b:s1+s3], $0x80, v3, vm0, $0xb8;
	[tilespmem:$0x18500] =	vst v63  }
0x92: {  	_ = 	snop  }
0x93: {  	[tilespmem:s14], [sflag:$0x1] =	stream.indirect_vreg.gather [hbm4b:s5+s3], $0x80, v3, vm0, $0xb8;
	[tilespmem:$0x18500] =	vst v63  }
0x94: {  	_ = 	snop  }
0x95: {  	[tilespmem:s11], [sflag:$0x1] =	stream.indirect_vreg.gather [hbm4b:s6+s3], $0x80, v3, vm0, $0xb8;
	[tilespmem:$0x18500] =	vst v63  }
0x96: {  	v3 =	vld [tilespmem:$0x430];
	_ =	sdelay $0x4  }
0x97: {  	v51 =	vshrl.u32 v3, $0x3  }
0x98: {  	v4 =	vmul.u32 $0x30, v51  }
0x99: {  	v3 =	vand.u32 $0x7, v3  }
0x9a: {  	v3 =	vor.u32 v3, v4  }
0x9b: {  	v4 =	vperm.xlane v3, v0;
	_ =	sdelay $0x1  }
0x9c: {  	v4 =	vadd.s32 v1, v4;
	_ =	sdelay $0x3  }
0x9d: {  	v3 =	vperm.xlane v3, v2  }
0x9e: {  	[tilespmem:s12], [sflag:$0x1] =	stream.indirect_vreg.gather [hbm4b:s1+s3], $0x80, v4, vm0, $0xb8;
	[tilespmem:$0x18500] =	vst v63  }
0x9f: {  	s8 =	simm.s32 $0x9D00;
	v3 =	vadd.s32 v1, v3  }
0xa0: {  	[tilespmem:s8], [sflag:$0x1] =	stream.indirect_vreg.gather [hbm4b:s5+s3], $0x80, v4, vm0, $0xb8;
	[tilespmem:$0x18500] =	vst v63  }
0xa1: {  	s16 =	simm.s32 $0xA500  }
0xa2: {  	[tilespmem:s16], [sflag:$0x1] =	stream.indirect_vreg.gather [hbm4b:s6+s3], $0x80, v4, vm0, $0xb8;
	[tilespmem:$0x18500] =	vst v63  }
0xa3: {  	_ = 	snop  }
0xa4: {  	[tilespmem:s10], [sflag:$0x1] =	stream.indirect_vreg.gather [hbm4b:s1+s3], $0x80, v3, vm0, $0xb8;
	[tilespmem:$0x18500] =	vst v63  }
0xa5: {  	_ = 	snop  }
0xa6: {  	[tilespmem:s13], [sflag:$0x1] =	stream.indirect_vreg.gather [hbm4b:s5+s3], $0x80, v3, vm0, $0xb8;
	[tilespmem:$0x18500] =	vst v63  }
0xa7: {  	s7 =	simm.s32 $0xBD00  }
0xa8: {  	[tilespmem:s7], [sflag:$0x1] =	stream.indirect_vreg.gather [hbm4b:s6+s3], $0x80, v3, vm0, $0xb8;
	[tilespmem:$0x18500] =	vst v63  }
0xa9: {  	_ =	swait.ge [sflag:s15], $0xC000  }
0xaa: {  	[sflag:s15] =	ssyncset.done $0x0  }
0xab: {  	[sflag:s15] =	ssyncadd.s32 $0xFFFF4000  }
0xac: {  	v3 =	vld [tilespmem:$0x440];
	_ =	sdelay $0x4  }
0xad: {  	v52 =	vshrl.u32 v3, $0x3  }
0xae: {  	v4 =	vmul.u32 $0x30, v52  }
0xaf: {  	v3 =	vand.u32 $0x7, v3  }
0xb0: {  	v3 =	vor.u32 v3, v4  }
0xb1: {  	v4 =	vperm.xlane v3, v0;
	_ =	sdelay $0x1  }
0xb2: {  	v4 =	vadd.s32 v1, v4;
	_ =	sdelay $0x3  }
0xb3: {  	v3 =	vperm.xlane v3, v2  }
0xb4: {  	[tilespmem:s4], [sflag:$0x2] =	stream.indirect_vreg.gather [hbm4b:s1+s3], $0x80, v4, vm0, $0xb8;
	[tilespmem:$0x18500] =	vst v63  }
0xb5: {  	s16 =	simm.s32 $0xCD00;
	v3 =	vadd.s32 v1, v3  }
0xb6: {  	[tilespmem:s16], [sflag:$0x2] =	stream.indirect_vreg.gather [hbm4b:s5+s3], $0x80, v4, vm0, $0xb8;
	[tilespmem:$0x18500] =	vst v63  }
0xb7: {  	s7 =	simm.s32 $0xD500  }
0xb8: {  	[tilespmem:s7], [sflag:$0x2] =	stream.indirect_vreg.gather [hbm4b:s6+s3], $0x80, v4, vm0, $0xb8;
	[tilespmem:$0x18500] =	vst v63  }
0xb9: {  	s16 =	simm.s32 $0xDD00  }
0xba: {  	[tilespmem:s16], [sflag:$0x2] =	stream.indirect_vreg.gather [hbm4b:s1+s3], $0x80, v3, vm0, $0xb8;
	[tilespmem:$0x18500] =	vst v63  }
0xbb: {  	s7 =	simm.s32 $0xE500  }
0xbc: {  	[tilespmem:s7], [sflag:$0x2] =	stream.indirect_vreg.gather [hbm4b:s5+s3], $0x80, v3, vm0, $0xb8;
	[tilespmem:$0x18500] =	vst v63  }
0xbd: {  	s16 =	simm.s32 $0xED00  }
0xbe: {  	[tilespmem:s16], [sflag:$0x2] =	stream.indirect_vreg.gather [hbm4b:s6+s3], $0x80, v3, vm0, $0xb8;
	[tilespmem:$0x18500] =	vst v63  }
0xbf: {  	v3 =	vld [tilespmem:$0x450];
	_ =	sdelay $0x4  }
0xc0: {  	v53 =	vshrl.u32 v3, $0x3  }
0xc1: {  	v4 =	vmul.u32 $0x30, v53  }
0xc2: {  	v3 =	vand.u32 $0x7, v3  }
0xc3: {  	v3 =	vor.u32 v3, v4  }
0xc4: {  	v4 =	vperm.xlane v3, v0;
	_ =	sdelay $0x1  }
0xc5: {  	v4 =	vadd.s32 v1, v4;
	_ =	sdelay $0x3  }
0xc6: {  	s7 =	simm.s32 $0xF500;
	v3 =	vperm.xlane v3, v2  }
0xc7: {  	[tilespmem:s7], [sflag:$0x2] =	stream.indirect_vreg.gather [hbm4b:s1+s3], $0x80, v4, vm0, $0xb8;
	[tilespmem:$0x18500] =	vst v63  }
0xc8: {  	s16 =	simm.s32 $0xFD00;
	v3 =	vadd.s32 v1, v3  }
0xc9: {  	[tilespmem:s16], [sflag:$0x2] =	stream.indirect_vreg.gather [hbm4b:s5+s3], $0x80, v4, vm0, $0xb8;
	[tilespmem:$0x18500] =	vst v63  }
0xca: {  	s7 =	simm.s32 $0x10500  }
0xcb: {  	[tilespmem:s7], [sflag:$0x2] =	stream.indirect_vreg.gather [hbm4b:s6+s3], $0x80, v4, vm0, $0xb8;
	[tilespmem:$0x18500] =	vst v63  }
0xcc: {  	s16 =	simm.s32 $0x10D00  }
0xcd: {  	[tilespmem:s16], [sflag:$0x2] =	stream.indirect_vreg.gather [hbm4b:s1+s3], $0x80, v3, vm0, $0xb8;
	[tilespmem:$0x18500] =	vst v63  }
0xce: {  	s7 =	simm.s32 $0x11500  }
0xcf: {  	[tilespmem:s7], [sflag:$0x2] =	stream.indirect_vreg.gather [hbm4b:s5+s3], $0x80, v3, vm0, $0xb8;
	[tilespmem:$0x18500] =	vst v63  }
0xd0: {  	s16 =	simm.s32 $0x11D00  }
0xd1: {  	[tilespmem:s16], [sflag:$0x2] =	stream.indirect_vreg.gather [hbm4b:s6+s3], $0x80, v3, vm0, $0xb8;
	[tilespmem:$0x18500] =	vst v63  }
0xd2: {  	v3 =	vld [tilespmem:$0x460];
	_ =	sdelay $0x4  }
0xd3: {  	v54 =	vshrl.u32 v3, $0x3  }
0xd4: {  	v4 =	vmul.u32 $0x30, v54  }
0xd5: {  	v3 =	vand.u32 $0x7, v3  }
0xd6: {  	v3 =	vor.u32 v3, v4  }
0xd7: {  	v4 =	vperm.xlane v3, v0;
	_ =	sdelay $0x1  }
0xd8: {  	v4 =	vadd.s32 v1, v4;
	_ =	sdelay $0x3  }
0xd9: {  	s7 =	simm.s32 $0x12500;
	v3 =	vperm.xlane v3, v2  }
0xda: {  	[tilespmem:s7], [sflag:$0x2] =	stream.indirect_vreg.gather [hbm4b:s1+s3], $0x80, v4, vm0, $0xb8;
	[tilespmem:$0x18500] =	vst v63  }
0xdb: {  	s16 =	simm.s32 $0x12D00;
	v3 =	vadd.s32 v1, v3  }
0xdc: {  	[tilespmem:s16], [sflag:$0x2] =	stream.indirect_vreg.gather [hbm4b:s5+s3], $0x80, v4, vm0, $0xb8;
	[tilespmem:$0x18500] =	vst v63  }
0xdd: {  	s7 =	simm.s32 $0x13500  }
0xde: {  	[tilespmem:s7], [sflag:$0x2] =	stream.indirect_vreg.gather [hbm4b:s6+s3], $0x80, v4, vm0, $0xb8;
	[tilespmem:$0x18500] =	vst v63  }
0xdf: {  	s16 =	simm.s32 $0x13D00  }
0xe0: {  	[tilespmem:s16], [sflag:$0x2] =	stream.indirect_vreg.gather [hbm4b:s1+s3], $0x80, v3, vm0, $0xb8;
	[tilespmem:$0x18500] =	vst v63  }
0xe1: {  	s7 =	simm.s32 $0x14500  }
0xe2: {  	[tilespmem:s7], [sflag:$0x2] =	stream.indirect_vreg.gather [hbm4b:s5+s3], $0x80, v3, vm0, $0xb8;
	[tilespmem:$0x18500] =	vst v63  }
0xe3: {  	s16 =	simm.s32 $0x14D00  }
0xe4: {  	[tilespmem:s16], [sflag:$0x2] =	stream.indirect_vreg.gather [hbm4b:s6+s3], $0x80, v3, vm0, $0xb8;
	[tilespmem:$0x18500] =	vst v63  }
0xe5: {  	v3 =	vld [tilespmem:$0x470];
	_ =	sdelay $0x4  }
0xe6: {  	v55 =	vshrl.u32 v3, $0x3  }
0xe7: {  	v4 =	vmul.u32 $0x30, v55  }
0xe8: {  	v3 =	vand.u32 $0x7, v3  }
0xe9: {  	v3 =	vor.u32 v3, v4  }
0xea: {  	v4 =	vperm.xlane v3, v0;
	_ =	sdelay $0x1  }
0xeb: {  	v4 =	vadd.s32 v1, v4;
	_ =	sdelay $0x3  }
0xec: {  	s7 =	simm.s32 $0x15500;
	v3 =	vperm.xlane v3, v2  }
0xed: {  	[tilespmem:s7], [sflag:$0x2] =	stream.indirect_vreg.gather [hbm4b:s1+s3], $0x80, v4, vm0, $0xb8;
	[tilespmem:$0x18500] =	vst v63  }
0xee: {  	s16 =	simm.s32 $0x15D00;
	v3 =	vadd.s32 v1, v3  }
0xef: {  	[tilespmem:s16], [sflag:$0x2] =	stream.indirect_vreg.gather [hbm4b:s5+s3], $0x80, v4, vm0, $0xb8;
	[tilespmem:$0x18500] =	vst v63  }
0xf0: {  	s7 =	simm.s32 $0x16500  }
0xf1: {  	[tilespmem:s7], [sflag:$0x2] =	stream.indirect_vreg.gather [hbm4b:s6+s3], $0x80, v4, vm0, $0xb8;
	[tilespmem:$0x18500] =	vst v63  }
0xf2: {  	s16 =	simm.s32 $0x16D00  }
0xf3: {  	[tilespmem:s16], [sflag:$0x2] =	stream.indirect_vreg.gather [hbm4b:s1+s3], $0x80, v3, vm0, $0xb8;
	[tilespmem:$0x18500] =	vst v63  }
0xf4: {  	s7 =	simm.s32 $0x17500  }
0xf5: {  	[tilespmem:s7], [sflag:$0x2] =	stream.indirect_vreg.gather [hbm4b:s5+s3], $0x80, v3, vm0, $0xb8;
	[tilespmem:$0x18500] =	vst v63  }
0xf6: {  	s16 =	simm.s32 $0x17D00  }
0xf7: {  	[tilespmem:s16], [sflag:$0x2] =	stream.indirect_vreg.gather [hbm4b:s6+s3], $0x80, v3, vm0, $0xb8;
	[tilespmem:$0x18500] =	vst v63  }
0xf8: {  	s0 =	rddreg [dreg:$0x8];
	s7 =	simm.s32 $0x500  }
0xf9: {  	[hbm4b:s0+s3] =	stream.linear.scatter [tilespmem:s7], [sflag:$0x3], $0xC000, $0x38;
	[tilespmem:$0x18500] =	vst v63  }
0xfa: {  	s0 =	simm.s32 $0x2  }
0xfb: {  	_ =	swait.ge [sflag:s0], $0xC000  }
0xfc: {  	[sflag:s0] =	ssyncset.done $0x0  }
0xfd: {  	[sflag:s0] =	ssyncadd.s32 $0xFFFF4000  }
0xfe: {  	_ =	swait.ge [sflag:s2], $0xC000  }
0xff: {  	[sflag:s2] =	ssyncset.done $0x0  }
0x100: {  	[sflag:s2] =	ssyncadd.s32 $0xFFFF4000  }
0x101: {  	v3 =	vld [tilespmem:$0x480];
	_ =	sdelay $0x4  }
0x102: {  	v56 =	vshrl.u32 v3, $0x3  }
0x103: {  	v4 =	vmul.u32 $0x30, v56  }
0x104: {  	v3 =	vand.u32 $0x7, v3  }
0x105: {  	v3 =	vor.u32 v3, v4  }
0x106: {  	v4 =	vperm.xlane v3, v0;
	_ =	sdelay $0x1  }
0x107: {  	v4 =	vadd.s32 v1, v4;
	_ =	sdelay $0x3  }
0x108: {  	v3 =	vperm.xlane v3, v2  }
0x109: {  	[tilespmem:s7], [sflag:$0x1] =	stream.indirect_vreg.gather [hbm4b:s1+s3], $0x80, v4, vm0, $0xb8;
	[tilespmem:$0x18500] =	vst v63  }
0x10a: {  	s16 =	simm.s32 $0xD00;
	v3 =	vadd.s32 v1, v3  }
0x10b: {  	[tilespmem:s16], [sflag:$0x1] =	stream.indirect_vreg.gather [hbm4b:s5+s3], $0x80, v4, vm0, $0xb8;
	[tilespmem:$0x18500] =	vst v63  }
0x10c: {  	_ = 	snop  }
0x10d: {  	[tilespmem:s17], [sflag:$0x1] =	stream.indirect_vreg.gather [hbm4b:s6+s3], $0x80, v4, vm0, $0xb8;
	[tilespmem:$0x18500] =	vst v63  }
0x10e: {  	_ = 	snop  }
0x10f: {  	[tilespmem:s18], [sflag:$0x1] =	stream.indirect_vreg.gather [hbm4b:s1+s3], $0x80, v3, vm0, $0xb8;
	[tilespmem:$0x18500] =	vst v63  }
0x110: {  	_ = 	snop  }
0x111: {  	[tilespmem:s19], [sflag:$0x1] =	stream.indirect_vreg.gather [hbm4b:s5+s3], $0x80, v3, vm0, $0xb8;
	[tilespmem:$0x18500] =	vst v63  }
0x112: {  	_ = 	snop  }
0x113: {  	[tilespmem:s20], [sflag:$0x1] =	stream.indirect_vreg.gather [hbm4b:s6+s3], $0x80, v3, vm0, $0xb8;
	[tilespmem:$0x18500] =	vst v63  }
0x114: {  	v3 =	vld [tilespmem:$0x490];
	_ =	sdelay $0x4  }
0x115: {  	v57 =	vshrl.u32 v3, $0x3  }
0x116: {  	v4 =	vmul.u32 $0x30, v57  }
0x117: {  	v3 =	vand.u32 $0x7, v3  }
0x118: {  	v3 =	vor.u32 v3, v4  }
0x119: {  	v4 =	vperm.xlane v3, v0;
	_ =	sdelay $0x1  }
0x11a: {  	v4 =	vadd.s32 v1, v4;
	_ =	sdelay $0x3  }
0x11b: {  	v3 =	vperm.xlane v3, v2  }
0x11c: {  	[tilespmem:s21], [sflag:$0x1] =	stream.indirect_vreg.gather [hbm4b:s1+s3], $0x80, v4, vm0, $0xb8;
	[tilespmem:$0x18500] =	vst v63  }
0x11d: {  	v3 =	vadd.s32 v1, v3  }
0x11e: {  	[tilespmem:s22], [sflag:$0x1] =	stream.indirect_vreg.gather [hbm4b:s5+s3], $0x80, v4, vm0, $0xb8;
	[tilespmem:$0x18500] =	vst v63  }
0x11f: {  	_ = 	snop  }
0x120: {  	[tilespmem:s23], [sflag:$0x1] =	stream.indirect_vreg.gather [hbm4b:s6+s3], $0x80, v4, vm0, $0xb8;
	[tilespmem:$0x18500] =	vst v63  }
0x121: {  	_ = 	snop  }
0x122: {  	[tilespmem:s24], [sflag:$0x1] =	stream.indirect_vreg.gather [hbm4b:s1+s3], $0x80, v3, vm0, $0xb8;
	[tilespmem:$0x18500] =	vst v63  }
0x123: {  	_ = 	snop  }
0x124: {  	[tilespmem:s25], [sflag:$0x1] =	stream.indirect_vreg.gather [hbm4b:s5+s3], $0x80, v3, vm0, $0xb8;
	[tilespmem:$0x18500] =	vst v63  }
0x125: {  	_ = 	snop  }
0x126: {  	[tilespmem:s26], [sflag:$0x1] =	stream.indirect_vreg.gather [hbm4b:s6+s3], $0x80, v3, vm0, $0xb8;
	[tilespmem:$0x18500] =	vst v63  }
0x127: {  	v3 =	vld [tilespmem:$0x4A0];
	_ =	sdelay $0x4  }
0x128: {  	v58 =	vshrl.u32 v3, $0x3  }
0x129: {  	v4 =	vmul.u32 $0x30, v58  }
0x12a: {  	v3 =	vand.u32 $0x7, v3  }
0x12b: {  	v3 =	vor.u32 v3, v4  }
0x12c: {  	v4 =	vperm.xlane v3, v0;
	_ =	sdelay $0x1  }
0x12d: {  	v4 =	vadd.s32 v1, v4;
	_ =	sdelay $0x3  }
0x12e: {  	v3 =	vperm.xlane v3, v2  }
0x12f: {  	[tilespmem:s28], [sflag:$0x1] =	stream.indirect_vreg.gather [hbm4b:s1+s3], $0x80, v4, vm0, $0xb8;
	[tilespmem:$0x18500] =	vst v63  }
0x130: {  	v3 =	vadd.s32 v1, v3  }
0x131: {  	[tilespmem:s29], [sflag:$0x1] =	stream.indirect_vreg.gather [hbm4b:s5+s3], $0x80, v4, vm0, $0xb8;
	[tilespmem:$0x18500] =	vst v63  }
0x132: {  	_ = 	snop  }
0x133: {  	[tilespmem:s30], [sflag:$0x1] =	stream.indirect_vreg.gather [hbm4b:s6+s3], $0x80, v4, vm0, $0xb8;
	[tilespmem:$0x18500] =	vst v63  }
0x134: {  	_ = 	snop  }
0x135: {  	[tilespmem:s31], [sflag:$0x1] =	stream.indirect_vreg.gather [hbm4b:s1+s3], $0x80, v3, vm0, $0xb8;
	[tilespmem:$0x18500] =	vst v63  }
0x136: {  	_ = 	snop  }
0x137: {  	[tilespmem:s14], [sflag:$0x1] =	stream.indirect_vreg.gather [hbm4b:s5+s3], $0x80, v3, vm0, $0xb8;
	[tilespmem:$0x18500] =	vst v63  }
0x138: {  	_ = 	snop  }
0x139: {  	[tilespmem:s11], [sflag:$0x1] =	stream.indirect_vreg.gather [hbm4b:s6+s3], $0x80, v3, vm0, $0xb8;
	[tilespmem:$0x18500] =	vst v63  }
0x13a: {  	v3 =	vld [tilespmem:$0x4B0];
	_ =	sdelay $0x4  }
0x13b: {  	v59 =	vshrl.u32 v3, $0x3  }
0x13c: {  	v4 =	vmul.u32 $0x30, v59  }
0x13d: {  	v3 =	vand.u32 $0x7, v3  }
0x13e: {  	v3 =	vor.u32 v3, v4  }
0x13f: {  	v4 =	vperm.xlane v3, v0;
	_ =	sdelay $0x1  }
0x140: {  	v4 =	vadd.s32 v1, v4;
	_ =	sdelay $0x3  }
0x141: {  	v3 =	vperm.xlane v3, v2  }
0x142: {  	[tilespmem:s12], [sflag:$0x1] =	stream.indirect_vreg.gather [hbm4b:s1+s3], $0x80, v4, vm0, $0xb8;
	[tilespmem:$0x18500] =	vst v63  }
0x143: {  	v3 =	vadd.s32 v1, v3  }
0x144: {  	[tilespmem:s8], [sflag:$0x1] =	stream.indirect_vreg.gather [hbm4b:s5+s3], $0x80, v4, vm0, $0xb8;
	[tilespmem:$0x18500] =	vst v63  }
0x145: {  	s16 =	simm.s32 $0xA500  }
0x146: {  	[tilespmem:s16], [sflag:$0x1] =	stream.indirect_vreg.gather [hbm4b:s6+s3], $0x80, v4, vm0, $0xb8;
	[tilespmem:$0x18500] =	vst v63  }
0x147: {  	_ = 	snop  }
0x148: {  	[tilespmem:s10], [sflag:$0x1] =	stream.indirect_vreg.gather [hbm4b:s1+s3], $0x80, v3, vm0, $0xb8;
	[tilespmem:$0x18500] =	vst v63  }
0x149: {  	_ = 	snop  }
0x14a: {  	[tilespmem:s13], [sflag:$0x1] =	stream.indirect_vreg.gather [hbm4b:s5+s3], $0x80, v3, vm0, $0xb8;
	[tilespmem:$0x18500] =	vst v63  }
0x14b: {  	s8 =	simm.s32 $0xBD00  }
0x14c: {  	[tilespmem:s8], [sflag:$0x1] =	stream.indirect_vreg.gather [hbm4b:s6+s3], $0x80, v3, vm0, $0xb8;
	[tilespmem:$0x18500] =	vst v63  }
0x14d: {  	s16 =	rddreg [dreg:$0x5]  }
0x14e: {  	[hbm4b:s16+s3] =	stream.linear.scatter [tilespmem:s4], [sflag:$0x4], $0xC000, $0x38;
	[tilespmem:$0x18500] =	vst v63  }
0x14f: {  	_ =	swait.ge [sflag:s15], $0xC000  }
0x150: {  	[sflag:s15] =	ssyncset.done $0x0  }
0x151: {  	s8 =	simm.s32 $0x4;
	[sflag:s15] =	ssyncadd.s32 $0xFFFF4000  }
0x152: {  	_ =	swait.ge [sflag:s8], $0xC000  }
0x153: {  	[sflag:s8] =	ssyncset.done $0x0  }
0x154: {  	[sflag:s8] =	ssyncadd.s32 $0xFFFF4000  }
0x155: {  	v3 =	vld [tilespmem:$0x4C0];
	_ =	sdelay $0x4  }
0x156: {  	v60 =	vshrl.u32 v3, $0x3  }
0x157: {  	v4 =	vmul.u32 $0x30, v60  }
0x158: {  	v3 =	vand.u32 $0x7, v3  }
0x159: {  	v3 =	vor.u32 v3, v4  }
0x15a: {  	v4 =	vperm.xlane v3, v0;
	_ =	sdelay $0x1  }
0x15b: {  	v4 =	vadd.s32 v1, v4;
	_ =	sdelay $0x3  }
0x15c: {  	v3 =	vperm.xlane v3, v2  }
0x15d: {  	[tilespmem:s4], [sflag:$0x2] =	stream.indirect_vreg.gather [hbm4b:s1+s3], $0x80, v4, vm0, $0xb8;
	[tilespmem:$0x18500] =	vst v63  }
0x15e: {  	s16 =	simm.s32 $0xCD00;
	v3 =	vadd.s32 v1, v3  }
0x15f: {  	[tilespmem:s16], [sflag:$0x2] =	stream.indirect_vreg.gather [hbm4b:s5+s3], $0x80, v4, vm0, $0xb8;
	[tilespmem:$0x18500] =	vst v63  }
0x160: {  	s16 =	simm.s32 $0xD500  }
0x161: {  	[tilespmem:s16], [sflag:$0x2] =	stream.indirect_vreg.gather [hbm4b:s6+s3], $0x80, v4, vm0, $0xb8;
	[tilespmem:$0x18500] =	vst v63  }
0x162: {  	s16 =	simm.s32 $0xDD00  }
0x163: {  	[tilespmem:s16], [sflag:$0x2] =	stream.indirect_vreg.gather [hbm4b:s1+s3], $0x80, v3, vm0, $0xb8;
	[tilespmem:$0x18500] =	vst v63  }
0x164: {  	s16 =	simm.s32 $0xE500  }
0x165: {  	[tilespmem:s16], [sflag:$0x2] =	stream.indirect_vreg.gather [hbm4b:s5+s3], $0x80, v3, vm0, $0xb8;
	[tilespmem:$0x18500] =	vst v63  }
0x166: {  	s16 =	simm.s32 $0xED00  }
0x167: {  	[tilespmem:s16], [sflag:$0x2] =	stream.indirect_vreg.gather [hbm4b:s6+s3], $0x80, v3, vm0, $0xb8;
	[tilespmem:$0x18500] =	vst v63  }
0x168: {  	v3 =	vld [tilespmem:$0x4D0];
	_ =	sdelay $0x4  }
0x169: {  	v61 =	vshrl.u32 v3, $0x3  }
0x16a: {  	v4 =	vmul.u32 $0x30, v61  }
0x16b: {  	v3 =	vand.u32 $0x7, v3  }
0x16c: {  	v3 =	vor.u32 v3, v4  }
0x16d: {  	v4 =	vperm.xlane v3, v0;
	_ =	sdelay $0x1  }
0x16e: {  	v4 =	vadd.s32 v1, v4;
	_ =	sdelay $0x3  }
0x16f: {  	s16 =	simm.s32 $0xF500;
	v3 =	vperm.xlane v3, v2  }
0x170: {  	[tilespmem:s16], [sflag:$0x2] =	stream.indirect_vreg.gather [hbm4b:s1+s3], $0x80, v4, vm0, $0xb8;
	[tilespmem:$0x18500] =	vst v63  }
0x171: {  	v3 =	vadd.s32 v1, v3;
	s16 =	simm.s32 $0xFD00  }
0x172: {  	[tilespmem:s16], [sflag:$0x2] =	stream.indirect_vreg.gather [hbm4b:s5+s3], $0x80, v4, vm0, $0xb8;
	[tilespmem:$0x18500] =	vst v63  }
0x173: {  	s16 =	simm.s32 $0x10500  }
0x174: {  	[tilespmem:s16], [sflag:$0x2] =	stream.indirect_vreg.gather [hbm4b:s6+s3], $0x80, v4, vm0, $0xb8;
	[tilespmem:$0x18500] =	vst v63  }
0x175: {  	s16 =	simm.s32 $0x10D00  }
0x176: {  	[tilespmem:s16], [sflag:$0x2] =	stream.indirect_vreg.gather [hbm4b:s1+s3], $0x80, v3, vm0, $0xb8;
	[tilespmem:$0x18500] =	vst v63  }
0x177: {  	s16 =	simm.s32 $0x11500  }
0x178: {  	[tilespmem:s16], [sflag:$0x2] =	stream.indirect_vreg.gather [hbm4b:s5+s3], $0x80, v3, vm0, $0xb8;
	[tilespmem:$0x18500] =	vst v63  }
0x179: {  	s16 =	simm.s32 $0x11D00  }
0x17a: {  	[tilespmem:s16], [sflag:$0x2] =	stream.indirect_vreg.gather [hbm4b:s6+s3], $0x80, v3, vm0, $0xb8;
	[tilespmem:$0x18500] =	vst v63  }
0x17b: {  	v3 =	vld [tilespmem:$0x4E0];
	_ =	sdelay $0x4  }
0x17c: {  	v62 =	vshrl.u32 v3, $0x3  }
0x17d: {  	v4 =	vmul.u32 $0x30, v62  }
0x17e: {  	v3 =	vand.u32 $0x7, v3  }
0x17f: {  	v3 =	vor.u32 v3, v4  }
0x180: {  	v4 =	vperm.xlane v3, v0;
	_ =	sdelay $0x1  }
0x181: {  	v4 =	vadd.s32 v1, v4;
	_ =	sdelay $0x3  }
0x182: {  	s16 =	simm.s32 $0x12500;
	v3 =	vperm.xlane v3, v2  }
0x183: {  	[tilespmem:s16], [sflag:$0x2] =	stream.indirect_vreg.gather [hbm4b:s1+s3], $0x80, v4, vm0, $0xb8;
	[tilespmem:$0x18500] =	vst v63  }
0x184: {  	v3 =	vadd.s32 v1, v3;
	s16 =	simm.s32 $0x12D00  }
0x185: {  	[tilespmem:s16], [sflag:$0x2] =	stream.indirect_vreg.gather [hbm4b:s5+s3], $0x80, v4, vm0, $0xb8;
	[tilespmem:$0x18500] =	vst v63  }
0x186: {  	s16 =	simm.s32 $0x13500  }
0x187: {  	[tilespmem:s16], [sflag:$0x2] =	stream.indirect_vreg.gather [hbm4b:s6+s3], $0x80, v4, vm0, $0xb8;
	[tilespmem:$0x18500] =	vst v63  }
0x188: {  	s16 =	simm.s32 $0x13D00  }
0x189: {  	[tilespmem:s16], [sflag:$0x2] =	stream.indirect_vreg.gather [hbm4b:s1+s3], $0x80, v3, vm0, $0xb8;
	[tilespmem:$0x18500] =	vst v63  }
0x18a: {  	s16 =	simm.s32 $0x14500  }
0x18b: {  	[tilespmem:s16], [sflag:$0x2] =	stream.indirect_vreg.gather [hbm4b:s5+s3], $0x80, v3, vm0, $0xb8;
	[tilespmem:$0x18500] =	vst v63  }
0x18c: {  	s16 =	simm.s32 $0x14D00  }
0x18d: {  	[tilespmem:s16], [sflag:$0x2] =	stream.indirect_vreg.gather [hbm4b:s6+s3], $0x80, v3, vm0, $0xb8;
	[tilespmem:$0x18500] =	vst v63  }
0x18e: {  	v3 =	vld [tilespmem:$0x4F0];
	_ =	sdelay $0x4  }
0x18f: {  	v63 =	vshrl.u32 v3, $0x3  }
0x190: {  	v4 =	vmul.u32 $0x30, v63  }
0x191: {  	v3 =	vand.u32 $0x7, v3  }
0x192: {  	v3 =	vor.u32 v3, v4  }
0x193: {  	v4 =	vperm.xlane v3, v0;
	_ =	sdelay $0x1  }
0x194: {  	v4 =	vadd.s32 v1, v4;
	_ =	sdelay $0x3  }
0x195: {  	s16 =	simm.s32 $0x15500;
	v3 =	vperm.xlane v3, v2  }
0x196: {  	[tilespmem:s16], [sflag:$0x2] =	stream.indirect_vreg.gather [hbm4b:s1+s3], $0x80, v4, vm0, $0xb8;
	[tilespmem:$0x18500] =	vst v63  }
0x197: {  	v3 =	vadd.s32 v1, v3;
	s16 =	simm.s32 $0x15D00  }
0x198: {  	[tilespmem:s16], [sflag:$0x2] =	stream.indirect_vreg.gather [hbm4b:s5+s3], $0x80, v4, vm0, $0xb8;
	[tilespmem:$0x18500] =	vst v63  }
0x199: {  	s16 =	simm.s32 $0x16500  }
0x19a: {  	[tilespmem:s16], [sflag:$0x2] =	stream.indirect_vreg.gather [hbm4b:s6+s3], $0x80, v4, vm0, $0xb8;
	[tilespmem:$0x18500] =	vst v63  }
0x19b: {  	s16 =	simm.s32 $0x16D00  }
0x19c: {  	[tilespmem:s16], [sflag:$0x2] =	stream.indirect_vreg.gather [hbm4b:s1+s3], $0x80, v3, vm0, $0xb8;
	[tilespmem:$0x18500] =	vst v63  }
0x19d: {  	s16 =	simm.s32 $0x17500  }
0x19e: {  	[tilespmem:s16], [sflag:$0x2] =	stream.indirect_vreg.gather [hbm4b:s5+s3], $0x80, v3, vm0, $0xb8;
	[tilespmem:$0x18500] =	vst v63  }
0x19f: {  	s7 =	simm.s32 $0x17D00  }
0x1a0: {  	[tilespmem:s7], [sflag:$0x2] =	stream.indirect_vreg.gather [hbm4b:s6+s3], $0x80, v3, vm0, $0xb8;
	[tilespmem:$0x18500] =	vst v63  }
0x1a1: {  	s16 =	rddreg [dreg:$0x6];
	s7 =	simm.s32 $0x500  }
0x1a2: {  	[hbm4b:s16+s3] =	stream.linear.scatter [tilespmem:s7], [sflag:$0x3], $0xC000, $0x38;
	[tilespmem:$0x18500] =	vst v63  }
0x1a3: {  	_ =	swait.ge [sflag:s0], $0xC000  }
0x1a4: {  	[sflag:s0] =	ssyncset.done $0x0  }
0x1a5: {  	s7 =	rddreg [dreg:$0x7];
	[sflag:s0] =	ssyncadd.s32 $0xFFFF4000  }
0x1a6: {  	[hbm4b:s7+s3] =	stream.linear.scatter [tilespmem:s4], [sflag:$0x4], $0xC000, $0x38;
	[tilespmem:$0x18500] =	vst v63  }
0x1a7: {  	p0 =	sne.s32 s9, $0x1;
	_ =	swait.ge [sflag:s8], $0xC000  }
.Ltmp0:
0x1a8: {  	[sflag:s8] =	ssyncset.done $0x0;
	(pc) =	sbr.rel @p0 .LBB2_1-.Ltmp0, $4  }
0x1a9: {  	[sflag:s8] =	ssyncadd.s32 $0xFFFF4000  }
0x1aa: {  	_ =	swait.ge [sflag:s2], $0xC000  }
0x1ab: {  	[sflag:s2] =	ssyncset.done $0x0  }
0x1ac: {  	s9 =	sadd.s32 $0xFFFFFFFF, s9;
	[sflag:s2] =	ssyncadd.s32 $0xFFFF4000  }
0x1ad: {  	_ =	sfence.sel $0x180000  }
0x1ae: {  	[bflag:$0x0] =	sbarrier.arrive $0xFFFF  }
0x1af: {  	_ =	strace $0x9000004A  }
0x1b0: {  	s0 =	stileid.u32;
	[bflag:$0x2] =	sbarrier.arrive $0xFFFF  }
0x1b1: {  	p0 =	sne.s32 s0, $0x0;
	s0 =	rddreg [dreg:$0x3]  }
0x1b2: {  	s0 =	sadd.s32 @!p0 $0x100000, s0  }
0x1b3: {  	[sflag:s0] =	ssyncadd.tile.s32 @!p0 $0x1;
	_ =	shalt  }
.Lfunc_end2:
_tile_overlayer_lowered:
.L_overlay_start_2:
0x1b4: {  	(tag) =	ssettag $0x2  }
0x1b5: {  	s0 =	rddreg [dreg:$0x0];
	s2 =	stileid.u32  }
0x1b6: {  	s1 =	rddreg [dreg:$0x1];
	p0 =	sne.s32 s2, $0x0  }
0x1b7: {  	s3 =	rddreg [dreg:$0x2];
	[bflag:$0x3] =	sbarrier.arrive $0xFFFF;
	s2 =	simm.s32 @!p0 $0x1C05  }
0x1b8: {  	[timem:s3], [sflag:s2] =	dma.local @!p0 [hbm:s0], s1  }
0x1b9: {  	s0 =	simm.s32 @!p0 $0x5  }
0x1ba: {  	_ =	swait.ge @!p0 [sflag:s0], s1  }
0x1bb: {  	s1 =	ssub.s32 @!p0 $0x0, s1;
	[sflag:s0] =	ssyncset.done @!p0 $0x0  }
0x1bc: {  	[sflag:s0] =	ssyncadd.s32 @!p0 s1  }
0x1bd: {  	[bflag:$0x3] =	sbarrier.arrive $0xFFFF  }
0x1be: {  	_ =	shalt  }

// kernel: kernel.14.cloned.1.call-start
scs
__scs_entry_jumppad:
0x0: {  	(pc) =	sbr.rel $0x88, $3  }
0x1: {  	(tag) =	ssettag $0x0;
	lr =	simm.s32 $0x1  }
0x2: {  	[smem:$0x3F9C] =	sst lr;
	_ =	strace $0xD0000000  }
0x3: {  	_ = 	snop  }
0x4: {  	_ = 	snop  }
0x5: {  	_ = 	snop  }
0x6: {  	_ = 	snop  }
0x7: {  	_ = 	snop  }
__scs_overlays_trampoline_lowered:
0x8: {  	[smem:$0x3FAB] =	sst s0  }
0x9: {  	[smem:$0x3FAC] =	sst s1  }
0xa: {  	[smem:$0x3FAD] =	sst s2  }
0xb: {  	[smem:$0x3FAE] =	sst s3  }
0xc: {  	[smem:$0x3FAF] =	sst s4  }
0xd: {  	[smem:$0x3FB0] =	sst s5  }
0xe: {  	[smem:$0x3FB1] =	sst s6  }
0xf: {  	[smem:$0x3FB2] =	sst s7  }
0x10: {  	[smem:$0x3FB3] =	sst s8  }
0x11: {  	[smem:$0x3FB4] =	sst s9;
	s0 =	simm.s32 @!p0 $0x0  }
0x12: {  	s1 =	sld [smem:$0x3F9A];
	s0 =	simm.s32 @p0 $0x1  }
0x13: {  	[smem:$0x3FB5] =	sst s0;
	s0 =	simm.s32 @!p1 $0x0  }
0x14: {  	s2 =	sld [smem:$0x3F99];
	s0 =	simm.s32 @p1 $0x1  }
0x15: {  	[smem:$0x3FB6] =	sst s0;
	s0 =	simm.s32 @!p2 $0x0  }
0x16: {  	s3 =	sld [smem:$0x3FDB];
	s0 =	simm.s32 @p2 $0x1  }
0x17: {  	s4 =	simm.s32 $0x1BF5;
	[smem:$0x3FB8] =	sst s0  }
0x18: {  	s0 =	sld [smem:$0x3F9B];
	_ =	swait.ge [sflag:s4], $0x0  }
0x19: {  	s7 =	sld [smem:$0x3F9C]  }
0x1a: {  	s8 =	sadd.s32 $0xFFFFE003, lr  }
0x1b: {  	s9 =	sadd.s32 $0xFFFFFEF7, lr;
	s5 =	simm.s32 $0xFFFFFFFF;
	p2 =	slt.u32 s8, $0xFFFFF086  }
0x1c: {  	p1 =	slt.u32 s9, $0xF7A;
	s5 =	simm.s32 @!p2 $0x0  }
0x1d: {  	s5 =	simm.s32 @p1 $0x1;
	p0 =	seq.s32 s7, s2  }
0x1e: {  	s7 =	smul.u32 @!p0 $0xF7A, s2;
	p2 =	seq.s32 @!p0 s5, $0x0  }
0x1f: {  	s9 =	smul.u32 $0xF7A, s1;
	s8 =	simm.s32 @!p0 $0x1BF5;
	p2 =	por !p2, p0  }
0x20: {  	[sflag:s8] =	ssyncset.s32 @!p0 $0xFFFFF086;
	s6 =	sadd.s32 @!p0 s3, s7;
	s7 =	simm.s32 @!p0 $0x108  }
0x21: {  	s3 =	sadd.s32 s3, s9;
	s6 =	sadd.s32 @!p0 $0x88, s6;
	s7 =	simm.s32 @p2 $0x1082  }
0x22: {  	[simem:s7], [sflag:s8] =	dma.local @!p0 [hbm:s6], $0xF7A  }
0x23: {  	s9 =	sor.u32 $0xD0000000, s2;
	s6 =	simm.s32 $0x108;
	_ =	swait.ge @!p0 [sflag:s8], $0x0  }
0x24: {  	s3 =	sadd.s32 $0x88, s3;
	s6 =	simm.s32 @!p1 $0x1082;
	[sflag:s4] =	ssyncset.s32 $0xFFFFF086  }
0x25: {  	[simem:s6], [sflag:s4] =	dma.local [hbm:s3], $0xF7A  }
0x26: {  	[smem:$0x3F9C] =	sst s1;
	(tag) =	ssettag s2;
	_ =	strace s9  }
0x27: {  	s1 =	sld [smem:$0x3FAC]  }
0x28: {  	s2 =	sld [smem:$0x3FAD]  }
0x29: {  	s4 =	sld [smem:$0x3FAF]  }
0x2a: {  	p0 =	seq.s32 s5, $0x0;
	s5 =	sld [smem:$0x3FB0]  }
0x2b: {  	s6 =	sld [smem:$0x3FB1]  }
0x2c: {  	s7 =	sld [smem:$0x3FB2]  }
0x2d: {  	s3 =	simm.s32 $0x108;
	s8 =	sld [smem:$0x3FB3]  }
0x2e: {  	s3 =	simm.s32 @!p0 $0x1082;
	s9 =	sld [smem:$0x3FB4]  }
0x2f: {  	lr =	sadd.s32 s0, s3;
	s0 =	sld [smem:$0x3FAB]  }
0x30: {  	s3 =	sld [smem:$0x3FAE]  }
0x31: {  	[smem:$0x3FB7] =	sst s10  }
0x32: {  	s10 =	sld [smem:$0x3FB5];
	_ =	sdelay $0x3  }
0x33: {  	p0 =	seq.s32 s10, $0x1;
	s10 =	sld [smem:$0x3FB7];
	_ =	sdelay $0x3  }
0x34: {  	[smem:$0x3FB7] =	sst s10  }
0x35: {  	s10 =	sld [smem:$0x3FB6];
	_ =	sdelay $0x3  }
0x36: {  	p1 =	seq.s32 s10, $0x1;
	s10 =	sld [smem:$0x3FB7];
	_ =	sdelay $0x3  }
0x37: {  	[smem:$0x3FB7] =	sst s10  }
0x38: {  	s10 =	sld [smem:$0x3FB8]  }
0x39: {  	_ = 	snop;
	(pc) =	sbr.ind lr, $3  }
0x3a: {  	_ = 	snop  }
0x3b: {  	_ = 	snop  }
0x3c: {  	p2 =	seq.s32 s10, $0x1;
	s10 =	sld [smem:$0x3FB7]  }
0x3d: {  	_ =	shalt  }
0x3e: {  	_ =	shalt  }
0x3f: {  	_ =	shalt  }
0x40: {  	_ =	shalt  }
0x41: {  	_ =	shalt  }
0x42: {  	_ =	shalt  }
0x43: {  	_ =	shalt  }
0x44: {  	_ =	shalt  }
0x45: {  	_ =	shalt  }
0x46: {  	_ =	shalt  }
0x47: {  	_ =	shalt  }
0x48: {  	_ =	shalt  }
0x49: {  	_ =	shalt  }
0x4a: {  	_ =	shalt  }
0x4b: {  	_ =	shalt  }
0x4c: {  	_ =	shalt  }
0x4d: {  	_ =	shalt  }
0x4e: {  	_ =	shalt  }
0x4f: {  	_ =	shalt  }
0x50: {  	_ =	shalt  }
0x51: {  	_ =	shalt  }
0x52: {  	_ =	shalt  }
0x53: {  	_ =	shalt  }
0x54: {  	_ =	shalt  }
0x55: {  	_ =	shalt  }
0x56: {  	_ =	shalt  }
0x57: {  	_ =	shalt  }
0x58: {  	_ =	shalt  }
0x59: {  	_ =	shalt  }
0x5a: {  	_ =	shalt  }
0x5b: {  	_ =	shalt  }
0x5c: {  	_ =	shalt  }
0x5d: {  	_ =	shalt  }
0x5e: {  	_ =	shalt  }
0x5f: {  	_ =	shalt  }
0x60: {  	_ =	shalt  }
0x61: {  	_ =	shalt  }
0x62: {  	_ =	shalt  }
0x63: {  	_ =	shalt  }
0x64: {  	_ =	shalt  }
0x65: {  	_ =	shalt  }
0x66: {  	_ =	shalt  }
0x67: {  	_ =	shalt  }
0x68: {  	_ =	shalt  }
0x69: {  	_ =	shalt  }
0x6a: {  	_ =	shalt  }
0x6b: {  	_ =	shalt  }
0x6c: {  	_ =	shalt  }
0x6d: {  	_ =	shalt  }
0x6e: {  	_ =	shalt  }
0x6f: {  	_ =	shalt  }
0x70: {  	_ =	shalt  }
0x71: {  	_ =	shalt  }
0x72: {  	_ =	shalt  }
0x73: {  	_ =	shalt  }
0x74: {  	_ =	shalt  }
0x75: {  	_ =	shalt  }
0x76: {  	_ =	shalt  }
0x77: {  	_ =	shalt  }
0x78: {  	_ =	shalt  }
0x79: {  	_ =	shalt  }
0x7a: {  	_ =	shalt  }
0x7b: {  	_ =	shalt  }
0x7c: {  	_ =	shalt  }
0x7d: {  	_ =	shalt  }
0x7e: {  	_ =	shalt  }
0x7f: {  	_ =	shalt  }
0x80: {  	_ =	shalt  }
0x81: {  	_ =	shalt  }
0x82: {  	_ =	shalt  }
0x83: {  	_ =	shalt  }
0x84: {  	_ =	shalt  }
0x85: {  	_ =	shalt  }
0x86: {  	_ =	shalt  }
0x87: {  	_ =	shalt  }
.Lfunc_end0:
.L_simem_size_0:
called_computation.2_lowered:
.L_overlay_start_0:
0x88: {  	s2 =	sld [smem:$0x3FD9]  }
0x89: {  	s3 =	sld [smem:$0x3FFE];
	_ =	sdelay $0x1  }
0x8a: {  	s1 =	srdreg.scid  }
0x8b: {  	s0 =	sand.u32 $0x1, s1  }
0x8c: {  	s16 =	sshll.u32 s0, $0xA;
	s2 =	sadd.s32 s3, s2  }
0x8d: {  	s2 =	sadd.s32 s2, s16  }
0x8e: {  	[smem:$0x3FC3] =	sst s2  }
0x8f: {  	_ = 	snop  }
0x90: {  	(tm) =	ssettm $0x1  }
0x91: {  	s17 =	sld [smem:$0x3FFB];
	_ =	sdelay $0x3  }
0x92: {  	_ =	strace s17  }
0x93: {  	s2 =	sld [smem:$0x3FFC];
	_ =	sdelay $0x3  }
0x94: {  	_ =	strace s2  }
0x95: {  	s2 =	sld [smem:$0x3FFD];
	_ =	sdelay $0x3  }
0x96: {  	_ =	strace s2  }
0x97: {  	_ =	strace $0x8FFFFFFF  }
0x98: {  	s18 =	sld [smem:$0x3FDB];
	_ =	sdelay $0x1  }
0x99: {  	s19 =	simm.s32 $_scs_section_size  }
0x9a: {  	s4 =	simm.s32 $_size__tile_overlayer_lowered;
	s5 =	simm.s32 $_tile_overlayer_lowered  }
0x9b: {  	s22 =	simm.s32 $0x1BFF;
	s21 =	sshll.u32 s5, $0x1;
	s2 =	sadd.s32 s19, s18  }
0x9c: {  	s6 =	simm.s32 $0x0;
	s20 =	sshll.u32 s4, $0x1;
	s4 =	sadd.s32 s21, s2  }
0x9d: {  	[timem:s6], [sflag:s22] =	dma.local [hbm:s4], s20  }
0x9e: {  	_ =	swait.ge [sflag:s22], s20  }
0x9f: {  	s3 =	ssub.s32 $0x0, s20;
	[sflag:s22] =	ssyncset.done $0x0  }
0xa0: {  	[sflag:s22] =	ssyncadd.s32 s3;
	_ =	sdelay $0x1  }
0xa1: {  	s23 =	simm.s32 $0x1B8B  }
0xa2: {  	_ =	swait.ge [sflag:s23], $0x1  }
0xa3: {  	[sflag:s23] =	ssyncset.done $0x0  }
0xa4: {  	s25 =	simm.s32 $0x1B8E;
	s24 =	sld [smem:$0x3FFE];
	[sflag:s23] =	ssyncadd.s32 $0xFFFFFFFF  }
0xa5: {  	s26 =	simm.s32 $execute0_lowered;
	[smem:$0x3FD2] =	sst s25  }
0xa6: {  	s4 =	sshll.u32 s26, $0x1;
	_ =	strace $0x8000004C;
	[dreg:$0x1] =	wrdreg $0xFFFFFFFF  }
0xa7: {  	s28 =	simm.s32 $_size_execute0_lowered;
	s2 =	sadd.s32 s2, s4;
	[dreg:$0x0] =	wrdreg $0x0  }
0xa8: {  	s4 =	sshll.u32 s28, $0x1;
	[dreg:$0x2] =	wrdreg s2  }
0xa9: {  	[dreg:$0x3] =	wrdreg s4  }
0xaa: {  	[dreg:$0x4] =	wrdreg $0xC0  }
0xab: {  	_ =	task [dreg:s6], $0x5FFFF  }
0xac: {  	[dreg:$0x1] =	wrdreg $0xFFFFFFFF  }
0xad: {  	[dreg:$0x0] =	wrdreg $0x60  }
0xae: {  	[dreg:$0x2] =	wrdreg s24  }
0xaf: {  	[dreg:$0x3] =	wrdreg $0x9  }
0xb0: {  	_ =	task.clear_ibuf [dreg:s6], $0x4FFFF;
	_ =	strace $0x9000004C  }
0xb1: {  	s29 =	simm.s32 $0x9;
	_ =	strace $0x8000004E  }
0xb2: {  	_ =	swait.ge [sflag:s29], $0x1  }
0xb3: {  	[sflag:s29] =	ssyncadd.s32 $0xFFFFFFFF  }
0xb4: {  	_ =	strace $0x9000004E  }
0xb5: {  	_ =	sfence  }
0xb6: {  	s30 =	sld [smem:$0x0];
	_ =	sdelay $0x2  }
0xb7: {  	s31 =	sshll.u32 s1, $0xD;
	s1 =	sshrl.u32 s1, $0x2  }
0xb8: {  	s3 =	sand.u32 $0x4000, s31;
	s1 =	sadd.s32 s1, s30  }
0xb9: {  	s0 =	sor.u32 s3, s0;
	s1 =	sshll.u32 s1, $0x11  }
0xba: {  	s0 =	sor.u32 s1, s0  }
0xbb: {  	s0 =	sadd.s32 $0x8F2B, s0  }
0xbc: {  	[sflag:s0] =	ssyncadd.remote.s32 $0x1  }
0xbd: {  	_ =	sfence.sel $0xFFFF  }
0xbe: {  	[dreg:$0x0] =	wrdreg $0xFFFFFFFF;
	(pc) =	sbr.abs _section_cstart, $3  }
0xbf: {  	[dreg:$0x1] =	wrdreg $0xFFFFFFFF  }
0xc0: {  	_ =	task.clear_ibuf [dreg:s6], $0x2FFFF;
	_ =	strace $0x9FFFFFFF  }
0xc1: {  	(tm) =	ssettm $0x7FFFFFFF  }
tec
execute0_lowered:
.L_overlay_start_1:
0x0: {  	(tag) =	ssettag $0x1  }
0x1: {  	s0 =	srdreg.scid  }
0x2: {  	s1 =	stileid.u32;
	s5 =	rddreg [dreg:$0x0]  }
0x3: {  	s2 =	simm.s32 $0x0;
	s0 =	sand.u32 $0x1, s0;
	s1 =	sshll.u32 s1, $0x1  }
0x4: {  	s31 =	simm.s32 $0x400;
	[smem:$0x7FF] =	sst s2;
	s1 =	sor.u32 s0, s1  }
0x5: {  	s7 =	sadd.s32 $0x17DE00, s5;
	_ =	strace $0x8000004D;
	s3 =	sshll.u32 s1, $0x7  }
0x6: {  	s0 =	ssub.s32 $0x2, s0;
	s6 =	smul.u32 $0xC000, s1;
	s3 =	sadd.s32 s3, s5  }
0x7: {  	[dreg:$0x14] =	wrdreg s31;
	s1 =	smul.u32 $0x60000, s1;
	s4 =	sadd.s32 $0x1E00, s3  }
0x8: {  	s3 =	sadd.s32 $0xE00, s3;
	s13 =	sadd.s32 s7, s6;
	[dreg:$0x2] =	wrdreg s4  }
0x9: {  	s14 =	sor.u32 $0x1800, s6;
	s8 =	sor.u32 $0x3000, s6;
	[dreg:$0x3] =	wrdreg s3  }
0xa: {  	s1 =	sshrl.u32 s1, $0x3;
	[dreg:$0x4] =	wrdreg s13;
	s15 =	sadd.s32 s7, s14  }
0xb: {  	s16 =	sadd.s32 s7, s8;
	s9 =	sadd.s32 $0x4800, s1;
	[dreg:$0x5] =	wrdreg s15  }
0xc: {  	s10 =	sadd.s32 $0x6000, s1;
	[dreg:$0x6] =	wrdreg s16;
	s17 =	sadd.s32 s7, s9  }
0xd: {  	s11 =	sadd.s32 $0x7800, s1;
	s18 =	sadd.s32 s7, s10;
	[dreg:$0x7] =	wrdreg s17  }
0xe: {  	s12 =	sadd.s32 $0x9000, s1;
	s19 =	sadd.s32 s7, s11;
	[dreg:$0x8] =	wrdreg s18  }
0xf: {  	s1 =	sadd.s32 $0xA800, s1;
	s20 =	sadd.s32 s7, s12;
	[dreg:$0x9] =	wrdreg s19  }
0x10: {  	s13 =	sadd.s32 $0x2FDE00, s5;
	s21 =	sadd.s32 s7, s1;
	[dreg:$0xa] =	wrdreg s20  }
0x11: {  	s26 =	sshrl.u32 s0, $0x1;
	s22 =	sadd.s32 s13, s6;
	[dreg:$0xb] =	wrdreg s21  }
0x12: {  	s0 =	ssub.s32 s0, s26;
	s23 =	sadd.s32 s13, s14;
	[dreg:$0xc] =	wrdreg s22  }
0x13: {  	s3 =	sadd.s32 $0xC0E00, s5;
	s24 =	sadd.s32 s13, s8;
	[dreg:$0xd] =	wrdreg s23  }
0x14: {  	s4 =	sadd.s32 $0xC0F00, s5;
	s25 =	sadd.s32 s13, s9;
	[dreg:$0xe] =	wrdreg s24  }
0x15: {  	s5 =	sadd.s32 $0xC1000, s5;
	s28 =	sadd.s32 s13, s10;
	[dreg:$0xf] =	wrdreg s25  }
0x16: {  	s29 =	sadd.s32 s13, s11;
	s30 =	sadd.s32 s13, s12;
	[dreg:$0x10] =	wrdreg s28  }
0x17: {  	v2 =	vlaneseq.u32;
	s1 =	sadd.s32 s13, s1;
	s9 =	simm.s32 $0x2;
	[dreg:$0x11] =	wrdreg s29  }
0x18: {  	vm0 =	vmmov $0xffff;
	v1 =	vshrl.u32 v2, $0x3;
	s10 =	simm.s32 $0x3;
	s11 =	simm.s32 $0x4;
	[dreg:$0x12] =	wrdreg s30  }
0x19: {  	v0 =	vand.u32 $0x7, v2;
	v2 =	vor.u32 $0x8, v2;
	v1 =	vmul.u32 $0x8, v1;
	[dreg:$0x13] =	wrdreg s1;
	s1 =	smax.u32 s0, $0x1;
	s0 =	simm.s32 $0x1  }
.LBB2_1:
0x1a: {  	[dreg:$0x15] =	wrdreg s1  }
0x1b: {  	s12 =	rddreg [dreg:$0x2];
	s14 =	simm.s32 $0x5  }
0x1c: {  	[tilespmem:s2], [sflag:$0x5] =	stream.linear.gather [hbm4b:s12+s2], $0x400, $0x38;
	[tilespmem:$0x18800] =	vst v63  }
0x1d: {  	_ =	swait.ge [sflag:s14], $0x400  }
0x1e: {  	s18 =	rddreg [dreg:$0x3];
	[sflag:s14] =	ssyncset.done $0x0  }
0x1f: {  	s13 =	rddreg [dreg:$0x14];
	[sflag:s14] =	ssyncadd.s32 $0xFFFFFC00  }
0x20: {  	[tilespmem:s13], [sflag:$0x5] =	stream.linear.gather [hbm4b:s18+s2], $0x400, $0x38;
	[tilespmem:$0x18800] =	vst v63  }
0x21: {  	_ =	swait.ge [sflag:s14], $0x400  }
0x22: {  	[sflag:s14] =	ssyncset.done $0x0  }
0x23: {  	[sflag:s14] =	ssyncadd.s32 $0xFFFFFC00  }
0x24: {  	v3 =	vld [tilespmem:$0x0];
	_ =	sdelay $0x4  }
0x25: {  	v4 =	vshrl.u32 v3, $0x3  }
0x26: {  	v4 =	vmul.u32 $0x30, v4  }
0x27: {  	v3 =	vand.u32 $0x7, v3  }
0x28: {  	v3 =	vor.u32 v3, v4  }
0x29: {  	v4 =	vperm.xlane v3, v0;
	_ =	sdelay $0x1  }
0x2a: {  	v4 =	vadd.s32 v1, v4;
	_ =	sdelay $0x3  }
0x2b: {  	s19 =	simm.s32 $0x800;
	v3 =	vperm.xlane v3, v2  }
0x2c: {  	[tilespmem:s19], [sflag:$0x1] =	stream.indirect_vreg.gather [hbm4b:s3+s2], $0x80, v4, vm0, $0xb8;
	[tilespmem:$0x18800] =	vst v63  }
0x2d: {  	s20 =	simm.s32 $0x1000;
	v3 =	vadd.s32 v1, v3  }
0x2e: {  	[tilespmem:s20], [sflag:$0x1] =	stream.indirect_vreg.gather [hbm4b:s4+s2], $0x80, v4, vm0, $0xb8;
	[tilespmem:$0x18800] =	vst v63  }
0x2f: {  	s21 =	simm.s32 $0x1800  }
0x30: {  	[tilespmem:s21], [sflag:$0x1] =	stream.indirect_vreg.gather [hbm4b:s5+s2], $0x80, v4, vm0, $0xb8;
	[tilespmem:$0x18800] =	vst v63  }
0x31: {  	s22 =	simm.s32 $0x2000  }
0x32: {  	[tilespmem:s22], [sflag:$0x1] =	stream.indirect_vreg.gather [hbm4b:s3+s2], $0x80, v3, vm0, $0xb8;
	[tilespmem:$0x18800] =	vst v63  }
0x33: {  	s23 =	simm.s32 $0x2800  }
0x34: {  	[tilespmem:s23], [sflag:$0x1] =	stream.indirect_vreg.gather [hbm4b:s4+s2], $0x80, v3, vm0, $0xb8;
	[tilespmem:$0x18800] =	vst v63  }
0x35: {  	s24 =	simm.s32 $0x3000  }
0x36: {  	[tilespmem:s24], [sflag:$0x1] =	stream.indirect_vreg.gather [hbm4b:s5+s2], $0x80, v3, vm0, $0xb8;
	[tilespmem:$0x18800] =	vst v63  }
0x37: {  	v3 =	vld [tilespmem:$0x10];
	_ =	sdelay $0x4  }
0x38: {  	v57 =	vshrl.u32 v3, $0x3  }
0x39: {  	v4 =	vmul.u32 $0x30, v57  }
0x3a: {  	v3 =	vand.u32 $0x7, v3  }
0x3b: {  	v3 =	vor.u32 v3, v4  }
0x3c: {  	v4 =	vperm.xlane v3, v0;
	_ =	sdelay $0x1  }
0x3d: {  	v4 =	vadd.s32 v1, v4;
	_ =	sdelay $0x3  }
0x3e: {  	s25 =	simm.s32 $0x3800;
	v3 =	vperm.xlane v3, v2  }
0x3f: {  	[tilespmem:s25], [sflag:$0x1] =	stream.indirect_vreg.gather [hbm4b:s3+s2], $0x80, v4, vm0, $0xb8;
	[tilespmem:$0x18800] =	vst v63  }
0x40: {  	s26 =	simm.s32 $0x4000;
	v3 =	vadd.s32 v1, v3  }
0x41: {  	[tilespmem:s26], [sflag:$0x1] =	stream.indirect_vreg.gather [hbm4b:s4+s2], $0x80, v4, vm0, $0xb8;
	[tilespmem:$0x18800] =	vst v63  }
0x42: {  	s28 =	simm.s32 $0x4800  }
0x43: {  	[tilespmem:s28], [sflag:$0x1] =	stream.indirect_vreg.gather [hbm4b:s5+s2], $0x80, v4, vm0, $0xb8;
	[tilespmem:$0x18800] =	vst v63  }
0x44: {  	s29 =	simm.s32 $0x5000  }
0x45: {  	[tilespmem:s29], [sflag:$0x1] =	stream.indirect_vreg.gather [hbm4b:s3+s2], $0x80, v3, vm0, $0xb8;
	[tilespmem:$0x18800] =	vst v63  }
0x46: {  	s30 =	simm.s32 $0x5800  }
0x47: {  	[tilespmem:s30], [sflag:$0x1] =	stream.indirect_vreg.gather [hbm4b:s4+s2], $0x80, v3, vm0, $0xb8;
	[tilespmem:$0x18800] =	vst v63  }
0x48: {  	s6 =	simm.s32 $0x6000  }
0x49: {  	[tilespmem:s6], [sflag:$0x1] =	stream.indirect_vreg.gather [hbm4b:s5+s2], $0x80, v3, vm0, $0xb8;
	[tilespmem:$0x18800] =	vst v63  }
0x4a: {  	v3 =	vld [tilespmem:$0x20];
	_ =	sdelay $0x4  }
0x4b: {  	v58 =	vshrl.u32 v3, $0x3  }
0x4c: {  	v4 =	vmul.u32 $0x30, v58  }
0x4d: {  	v3 =	vand.u32 $0x7, v3  }
0x4e: {  	v3 =	vor.u32 v3, v4  }
0x4f: {  	v4 =	vperm.xlane v3, v0;
	_ =	sdelay $0x1  }
0x50: {  	v4 =	vadd.s32 v1, v4;
	_ =	sdelay $0x3  }
0x51: {  	s7 =	simm.s32 $0x6800;
	v3 =	vperm.xlane v3, v2  }
0x52: {  	[tilespmem:s7], [sflag:$0x1] =	stream.indirect_vreg.gather [hbm4b:s3+s2], $0x80, v4, vm0, $0xb8;
	[tilespmem:$0x18800] =	vst v63  }
0x53: {  	s12 =	simm.s32 $0x7000;
	v3 =	vadd.s32 v1, v3  }
0x54: {  	[tilespmem:s12], [sflag:$0x1] =	stream.indirect_vreg.gather [hbm4b:s4+s2], $0x80, v4, vm0, $0xb8;
	[tilespmem:$0x18800] =	vst v63  }
0x55: {  	s17 =	simm.s32 $0x7800  }
0x56: {  	[tilespmem:s17], [sflag:$0x1] =	stream.indirect_vreg.gather [hbm4b:s5+s2], $0x80, v4, vm0, $0xb8;
	[tilespmem:$0x18800] =	vst v63  }
0x57: {  	s18 =	simm.s32 $0x8000  }
0x58: {  	[tilespmem:s18], [sflag:$0x1] =	stream.indirect_vreg.gather [hbm4b:s3+s2], $0x80, v3, vm0, $0xb8;
	[tilespmem:$0x18800] =	vst v63  }
0x59: {  	s21 =	simm.s32 $0x8800  }
0x5a: {  	[tilespmem:s21], [sflag:$0x1] =	stream.indirect_vreg.gather [hbm4b:s4+s2], $0x80, v3, vm0, $0xb8;
	[tilespmem:$0x18800] =	vst v63  }
0x5b: {  	s22 =	simm.s32 $0x9000  }
0x5c: {  	[tilespmem:s22], [sflag:$0x1] =	stream.indirect_vreg.gather [hbm4b:s5+s2], $0x80, v3, vm0, $0xb8;
	[tilespmem:$0x18800] =	vst v63  }
0x5d: {  	v3 =	vld [tilespmem:$0x30];
	_ =	sdelay $0x4  }
0x5e: {  	v59 =	vshrl.u32 v3, $0x3  }
0x5f: {  	v4 =	vmul.u32 $0x30, v59  }
0x60: {  	v3 =	vand.u32 $0x7, v3  }
0x61: {  	v3 =	vor.u32 v3, v4  }
0x62: {  	v4 =	vperm.xlane v3, v0;
	_ =	sdelay $0x1  }
0x63: {  	v4 =	vadd.s32 v1, v4;
	_ =	sdelay $0x3  }
0x64: {  	s25 =	simm.s32 $0x9800;
	v3 =	vperm.xlane v3, v2  }
0x65: {  	[tilespmem:s25], [sflag:$0x1] =	stream.indirect_vreg.gather [hbm4b:s3+s2], $0x80, v4, vm0, $0xb8;
	[tilespmem:$0x18800] =	vst v63  }
0x66: {  	s26 =	simm.s32 $0xA000;
	v3 =	vadd.s32 v1, v3  }
0x67: {  	[tilespmem:s26], [sflag:$0x1] =	stream.indirect_vreg.gather [hbm4b:s4+s2], $0x80, v4, vm0, $0xb8;
	[tilespmem:$0x18800] =	vst v63  }
0x68: {  	s12 =	simm.s32 $0xA800  }
0x69: {  	[tilespmem:s12], [sflag:$0x1] =	stream.indirect_vreg.gather [hbm4b:s5+s2], $0x80, v4, vm0, $0xb8;
	[tilespmem:$0x18800] =	vst v63  }
0x6a: {  	s17 =	simm.s32 $0xB000  }
0x6b: {  	[tilespmem:s17], [sflag:$0x1] =	stream.indirect_vreg.gather [hbm4b:s3+s2], $0x80, v3, vm0, $0xb8;
	[tilespmem:$0x18800] =	vst v63  }
0x6c: {  	s18 =	simm.s32 $0xB800  }
0x6d: {  	[tilespmem:s18], [sflag:$0x1] =	stream.indirect_vreg.gather [hbm4b:s4+s2], $0x80, v3, vm0, $0xb8;
	[tilespmem:$0x18800] =	vst v63  }
0x6e: {  	s21 =	simm.s32 $0xC000  }
0x6f: {  	[tilespmem:s21], [sflag:$0x1] =	stream.indirect_vreg.gather [hbm4b:s5+s2], $0x80, v3, vm0, $0xb8;
	[tilespmem:$0x18800] =	vst v63  }
0x70: {  	_ =	swait.ge [sflag:s0], $0xC000  }
0x71: {  	[sflag:s0] =	ssyncset.done $0x0  }
0x72: {  	[sflag:s0] =	ssyncadd.s32 $0xFFFF4000  }
0x73: {  	v3 =	vld [tilespmem:$0x80];
	_ =	sdelay $0x4  }
0x74: {  	v60 =	vshrl.u32 v3, $0x3  }
0x75: {  	v4 =	vmul.u32 $0x30, v60  }
0x76: {  	v3 =	vand.u32 $0x7, v3  }
0x77: {  	v3 =	vor.u32 v3, v4  }
0x78: {  	v4 =	vperm.xlane v3, v0;
	_ =	sdelay $0x1  }
0x79: {  	v4 =	vadd.s32 v1, v4;
	_ =	sdelay $0x3  }
0x7a: {  	s22 =	simm.s32 $0xC800;
	v3 =	vperm.xlane v3, v2  }
0x7b: {  	[tilespmem:s22], [sflag:$0x2] =	stream.indirect_vreg.gather [hbm4b:s3+s2], $0x80, v4, vm0, $0xb8;
	[tilespmem:$0x18800] =	vst v63  }
0x7c: {  	s25 =	simm.s32 $0xD000;
	v3 =	vadd.s32 v1, v3  }
0x7d: {  	[tilespmem:s25], [sflag:$0x2] =	stream.indirect_vreg.gather [hbm4b:s4+s2], $0x80, v4, vm0, $0xb8;
	[tilespmem:$0x18800] =	vst v63  }
0x7e: {  	s26 =	simm.s32 $0xD800  }
0x7f: {  	[tilespmem:s26], [sflag:$0x2] =	stream.indirect_vreg.gather [hbm4b:s5+s2], $0x80, v4, vm0, $0xb8;
	[tilespmem:$0x18800] =	vst v63  }
0x80: {  	s1 =	simm.s32 $0xE000  }
0x81: {  	[tilespmem:s1], [sflag:$0x2] =	stream.indirect_vreg.gather [hbm4b:s3+s2], $0x80, v3, vm0, $0xb8;
	[tilespmem:$0x18800] =	vst v63  }
0x82: {  	s21 =	simm.s32 $0xE800  }
0x83: {  	[tilespmem:s21], [sflag:$0x2] =	stream.indirect_vreg.gather [hbm4b:s4+s2], $0x80, v3, vm0, $0xb8;
	[tilespmem:$0x18800] =	vst v63  }
0x84: {  	s22 =	simm.s32 $0xF000  }
0x85: {  	[tilespmem:s22], [sflag:$0x2] =	stream.indirect_vreg.gather [hbm4b:s5+s2], $0x80, v3, vm0, $0xb8;
	[tilespmem:$0x18800] =	vst v63  }
0x86: {  	v3 =	vld [tilespmem:$0x90];
	_ =	sdelay $0x4  }
0x87: {  	v61 =	vshrl.u32 v3, $0x3  }
0x88: {  	v4 =	vmul.u32 $0x30, v61  }
0x89: {  	v3 =	vand.u32 $0x7, v3  }
0x8a: {  	v3 =	vor.u32 v3, v4  }
0x8b: {  	v4 =	vperm.xlane v3, v0;
	_ =	sdelay $0x1  }
0x8c: {  	v4 =	vadd.s32 v1, v4;
	_ =	sdelay $0x3  }
0x8d: {  	s25 =	simm.s32 $0xF800;
	v3 =	vperm.xlane v3, v2  }
0x8e: {  	[tilespmem:s25], [sflag:$0x2] =	stream.indirect_vreg.gather [hbm4b:s3+s2], $0x80, v4, vm0, $0xb8;
	[tilespmem:$0x18800] =	vst v63  }
0x8f: {  	s26 =	simm.s32 $0x10000;
	v3 =	vadd.s32 v1, v3  }
0x90: {  	[tilespmem:s26], [sflag:$0x2] =	stream.indirect_vreg.gather [hbm4b:s4+s2], $0x80, v4, vm0, $0xb8;
	[tilespmem:$0x18800] =	vst v63  }
0x91: {  	s1 =	simm.s32 $0x10800  }
0x92: {  	[tilespmem:s1], [sflag:$0x2] =	stream.indirect_vreg.gather [hbm4b:s5+s2], $0x80, v4, vm0, $0xb8;
	[tilespmem:$0x18800] =	vst v63  }
0x93: {  	s21 =	simm.s32 $0x11000  }
0x94: {  	[tilespmem:s21], [sflag:$0x2] =	stream.indirect_vreg.gather [hbm4b:s3+s2], $0x80, v3, vm0, $0xb8;
	[tilespmem:$0x18800] =	vst v63  }
0x95: {  	s22 =	simm.s32 $0x11800  }
0x96: {  	[tilespmem:s22], [sflag:$0x2] =	stream.indirect_vreg.gather [hbm4b:s4+s2], $0x80, v3, vm0, $0xb8;
	[tilespmem:$0x18800] =	vst v63  }
0x97: {  	s25 =	simm.s32 $0x12000  }
0x98: {  	[tilespmem:s25], [sflag:$0x2] =	stream.indirect_vreg.gather [hbm4b:s5+s2], $0x80, v3, vm0, $0xb8;
	[tilespmem:$0x18800] =	vst v63  }
0x99: {  	v3 =	vld [tilespmem:$0xA0];
	_ =	sdelay $0x4  }
0x9a: {  	v62 =	vshrl.u32 v3, $0x3  }
0x9b: {  	v4 =	vmul.u32 $0x30, v62  }
0x9c: {  	v3 =	vand.u32 $0x7, v3  }
0x9d: {  	v3 =	vor.u32 v3, v4  }
0x9e: {  	v4 =	vperm.xlane v3, v0;
	_ =	sdelay $0x1  }
0x9f: {  	v4 =	vadd.s32 v1, v4;
	_ =	sdelay $0x3  }
0xa0: {  	s26 =	simm.s32 $0x12800;
	v3 =	vperm.xlane v3, v2  }
0xa1: {  	[tilespmem:s26], [sflag:$0x2] =	stream.indirect_vreg.gather [hbm4b:s3+s2], $0x80, v4, vm0, $0xb8;
	[tilespmem:$0x18800] =	vst v63  }
0xa2: {  	s1 =	simm.s32 $0x13000;
	v3 =	vadd.s32 v1, v3  }
0xa3: {  	[tilespmem:s1], [sflag:$0x2] =	stream.indirect_vreg.gather [hbm4b:s4+s2], $0x80, v4, vm0, $0xb8;
	[tilespmem:$0x18800] =	vst v63  }
0xa4: {  	s25 =	simm.s32 $0x13800  }
0xa5: {  	[tilespmem:s25], [sflag:$0x2] =	stream.indirect_vreg.gather [hbm4b:s5+s2], $0x80, v4, vm0, $0xb8;
	[tilespmem:$0x18800] =	vst v63  }
0xa6: {  	s26 =	simm.s32 $0x14000  }
0xa7: {  	[tilespmem:s26], [sflag:$0x2] =	stream.indirect_vreg.gather [hbm4b:s3+s2], $0x80, v3, vm0, $0xb8;
	[tilespmem:$0x18800] =	vst v63  }
0xa8: {  	s1 =	simm.s32 $0x14800  }
0xa9: {  	[tilespmem:s1], [sflag:$0x2] =	stream.indirect_vreg.gather [hbm4b:s4+s2], $0x80, v3, vm0, $0xb8;
	[tilespmem:$0x18800] =	vst v63  }
0xaa: {  	s25 =	simm.s32 $0x15000  }
0xab: {  	[tilespmem:s25], [sflag:$0x2] =	stream.indirect_vreg.gather [hbm4b:s5+s2], $0x80, v3, vm0, $0xb8;
	[tilespmem:$0x18800] =	vst v63  }
0xac: {  	v3 =	vld [tilespmem:$0xB0];
	_ =	sdelay $0x4  }
0xad: {  	v63 =	vshrl.u32 v3, $0x3  }
0xae: {  	v4 =	vmul.u32 $0x30, v63  }
0xaf: {  	v3 =	vand.u32 $0x7, v3  }
0xb0: {  	v3 =	vor.u32 v3, v4  }
0xb1: {  	v4 =	vperm.xlane v3, v0;
	_ =	sdelay $0x1  }
0xb2: {  	v4 =	vadd.s32 v1, v4;
	_ =	sdelay $0x3  }
0xb3: {  	s26 =	simm.s32 $0x15800;
	v3 =	vperm.xlane v3, v2  }
0xb4: {  	[tilespmem:s26], [sflag:$0x2] =	stream.indirect_vreg.gather [hbm4b:s3+s2], $0x80, v4, vm0, $0xb8;
	[tilespmem:$0x18800] =	vst v63  }
0xb5: {  	s1 =	simm.s32 $0x16000;
	v3 =	vadd.s32 v1, v3  }
0xb6: {  	[tilespmem:s1], [sflag:$0x2] =	stream.indirect_vreg.gather [hbm4b:s4+s2], $0x80, v4, vm0, $0xb8;
	[tilespmem:$0x18800] =	vst v63  }
0xb7: {  	s1 =	simm.s32 $0x16800  }
0xb8: {  	[tilespmem:s1], [sflag:$0x2] =	stream.indirect_vreg.gather [hbm4b:s5+s2], $0x80, v4, vm0, $0xb8;
	[tilespmem:$0x18800] =	vst v63  }
0xb9: {  	s1 =	simm.s32 $0x17000  }
0xba: {  	[tilespmem:s1], [sflag:$0x2] =	stream.indirect_vreg.gather [hbm4b:s3+s2], $0x80, v3, vm0, $0xb8;
	[tilespmem:$0x18800] =	vst v63  }
0xbb: {  	s1 =	simm.s32 $0x17800  }
0xbc: {  	[tilespmem:s1], [sflag:$0x2] =	stream.indirect_vreg.gather [hbm4b:s4+s2], $0x80, v3, vm0, $0xb8;
	[tilespmem:$0x18800] =	vst v63  }
0xbd: {  	s1 =	simm.s32 $0x18000  }
0xbe: {  	[tilespmem:s1], [sflag:$0x2] =	stream.indirect_vreg.gather [hbm4b:s5+s2], $0x80, v3, vm0, $0xb8;
	[tilespmem:$0x18800] =	vst v63  }
0xbf: {  	s12 =	rddreg [dreg:$0x4];
	s1 =	simm.s32 $0x800  }
0xc0: {  	[hbm4b:s12+s2] =	stream.linear.scatter [tilespmem:s1], [sflag:$0x3], $0xC000, $0x38;
	[tilespmem:$0x18800] =	vst v63  }
0xc1: {  	_ =	swait.ge [sflag:s9], $0xC000  }
0xc2: {  	[sflag:s9] =	ssyncset.done $0x0  }
0xc3: {  	[sflag:s9] =	ssyncadd.s32 $0xFFFF4000  }
0xc4: {  	_ =	swait.ge [sflag:s10], $0xC000  }
0xc5: {  	[sflag:s10] =	ssyncset.done $0x0  }
0xc6: {  	[sflag:s10] =	ssyncadd.s32 $0xFFFF4000  }
0xc7: {  	v3 =	vld [tilespmem:$0x100];
	_ =	sdelay $0x4  }
0xc8: {  	v8 =	vshrl.u32 v3, $0x3  }
0xc9: {  	v4 =	vmul.u32 $0x30, v8  }
0xca: {  	v3 =	vand.u32 $0x7, v3  }
0xcb: {  	v3 =	vor.u32 v3, v4  }
0xcc: {  	v4 =	vperm.xlane v3, v0;
	_ =	sdelay $0x1  }
0xcd: {  	v4 =	vadd.s32 v1, v4;
	_ =	sdelay $0x3  }
0xce: {  	v3 =	vperm.xlane v3, v2  }
0xcf: {  	[tilespmem:s1], [sflag:$0x1] =	stream.indirect_vreg.gather [hbm4b:s3+s2], $0x80, v4, vm0, $0xb8;
	[tilespmem:$0x18800] =	vst v63  }
0xd0: {  	s15 =	simm.s32 $0x1000;
	v3 =	vadd.s32 v1, v3  }
0xd1: {  	[tilespmem:s15], [sflag:$0x1] =	stream.indirect_vreg.gather [hbm4b:s4+s2], $0x80, v4, vm0, $0xb8;
	[tilespmem:$0x18800] =	vst v63  }
0xd2: {  	s31 =	simm.s32 $0x1800  }
0xd3: {  	[tilespmem:s31], [sflag:$0x1] =	stream.indirect_vreg.gather [hbm4b:s5+s2], $0x80, v4, vm0, $0xb8;
	[tilespmem:$0x18800] =	vst v63  }
0xd4: {  	s16 =	simm.s32 $0x2000  }
0xd5: {  	[tilespmem:s16], [sflag:$0x1] =	stream.indirect_vreg.gather [hbm4b:s3+s2], $0x80, v3, vm0, $0xb8;
	[tilespmem:$0x18800] =	vst v63  }
0xd6: {  	s19 =	simm.s32 $0x2800  }
0xd7: {  	[tilespmem:s19], [sflag:$0x1] =	stream.indirect_vreg.gather [hbm4b:s4+s2], $0x80, v3, vm0, $0xb8;
	[tilespmem:$0x18800] =	vst v63  }
0xd8: {  	s8 =	simm.s32 $0x3000  }
0xd9: {  	[tilespmem:s8], [sflag:$0x1] =	stream.indirect_vreg.gather [hbm4b:s5+s2], $0x80, v3, vm0, $0xb8;
	[tilespmem:$0x18800] =	vst v63  }
0xda: {  	v3 =	vld [tilespmem:$0x110];
	_ =	sdelay $0x4  }
0xdb: {  	v9 =	vshrl.u32 v3, $0x3  }
0xdc: {  	v4 =	vmul.u32 $0x30, v9  }
0xdd: {  	v3 =	vand.u32 $0x7, v3  }
0xde: {  	v3 =	vor.u32 v3, v4  }
0xdf: {  	v4 =	vperm.xlane v3, v0;
	_ =	sdelay $0x1  }
0xe0: {  	v4 =	vadd.s32 v1, v4;
	_ =	sdelay $0x3  }
0xe1: {  	s13 =	simm.s32 $0x3800;
	v3 =	vperm.xlane v3, v2  }
0xe2: {  	[tilespmem:s13], [sflag:$0x1] =	stream.indirect_vreg.gather [hbm4b:s3+s2], $0x80, v4, vm0, $0xb8;
	[tilespmem:$0x18800] =	vst v63  }
0xe3: {  	s20 =	simm.s32 $0x4000;
	v3 =	vadd.s32 v1, v3  }
0xe4: {  	[tilespmem:s20], [sflag:$0x1] =	stream.indirect_vreg.gather [hbm4b:s4+s2], $0x80, v4, vm0, $0xb8;
	[tilespmem:$0x18800] =	vst v63  }
0xe5: {  	s23 =	simm.s32 $0x4800  }
0xe6: {  	[tilespmem:s23], [sflag:$0x1] =	stream.indirect_vreg.gather [hbm4b:s5+s2], $0x80, v4, vm0, $0xb8;
	[tilespmem:$0x18800] =	vst v63  }
0xe7: {  	s24 =	simm.s32 $0x5000  }
0xe8: {  	[tilespmem:s24], [sflag:$0x1] =	stream.indirect_vreg.gather [hbm4b:s3+s2], $0x80, v3, vm0, $0xb8;
	[tilespmem:$0x18800] =	vst v63  }
0xe9: {  	s28 =	simm.s32 $0x5800  }
0xea: {  	[tilespmem:s28], [sflag:$0x1] =	stream.indirect_vreg.gather [hbm4b:s4+s2], $0x80, v3, vm0, $0xb8;
	[tilespmem:$0x18800] =	vst v63  }
0xeb: {  	s14 =	simm.s32 $0x6000  }
0xec: {  	[tilespmem:s14], [sflag:$0x1] =	stream.indirect_vreg.gather [hbm4b:s5+s2], $0x80, v3, vm0, $0xb8;
	[tilespmem:$0x18800] =	vst v63  }
0xed: {  	v3 =	vld [tilespmem:$0x120];
	_ =	sdelay $0x4  }
0xee: {  	v10 =	vshrl.u32 v3, $0x3  }
0xef: {  	v4 =	vmul.u32 $0x30, v10  }
0xf0: {  	v3 =	vand.u32 $0x7, v3  }
0xf1: {  	v3 =	vor.u32 v3, v4  }
0xf2: {  	v4 =	vperm.xlane v3, v0;
	_ =	sdelay $0x1  }
0xf3: {  	v4 =	vadd.s32 v1, v4;
	_ =	sdelay $0x3  }
0xf4: {  	s30 =	simm.s32 $0x6800;
	v3 =	vperm.xlane v3, v2  }
0xf5: {  	[tilespmem:s30], [sflag:$0x1] =	stream.indirect_vreg.gather [hbm4b:s3+s2], $0x80, v4, vm0, $0xb8;
	[tilespmem:$0x18800] =	vst v63  }
0xf6: {  	s29 =	simm.s32 $0x7000;
	v3 =	vadd.s32 v1, v3  }
0xf7: {  	[tilespmem:s29], [sflag:$0x1] =	stream.indirect_vreg.gather [hbm4b:s4+s2], $0x80, v4, vm0, $0xb8;
	[tilespmem:$0x18800] =	vst v63  }
0xf8: {  	s30 =	simm.s32 $0x7800  }
0xf9: {  	[tilespmem:s30], [sflag:$0x1] =	stream.indirect_vreg.gather [hbm4b:s5+s2], $0x80, v4, vm0, $0xb8;
	[tilespmem:$0x18800] =	vst v63  }
0xfa: {  	s31 =	simm.s32 $0x8000  }
0xfb: {  	[tilespmem:s31], [sflag:$0x1] =	stream.indirect_vreg.gather [hbm4b:s3+s2], $0x80, v3, vm0, $0xb8;
	[tilespmem:$0x18800] =	vst v63  }
0xfc: {  	s8 =	simm.s32 $0x8800  }
0xfd: {  	[tilespmem:s8], [sflag:$0x1] =	stream.indirect_vreg.gather [hbm4b:s4+s2], $0x80, v3, vm0, $0xb8;
	[tilespmem:$0x18800] =	vst v63  }
0xfe: {  	s6 =	simm.s32 $0x9000  }
0xff: {  	[tilespmem:s6], [sflag:$0x1] =	stream.indirect_vreg.gather [hbm4b:s5+s2], $0x80, v3, vm0, $0xb8;
	[tilespmem:$0x18800] =	vst v63  }
0x100: {  	v3 =	vld [tilespmem:$0x130];
	_ =	sdelay $0x4  }
0x101: {  	v11 =	vshrl.u32 v3, $0x3  }
0x102: {  	v4 =	vmul.u32 $0x30, v11  }
0x103: {  	v3 =	vand.u32 $0x7, v3  }
0x104: {  	v3 =	vor.u32 v3, v4  }
0x105: {  	v4 =	vperm.xlane v3, v0;
	_ =	sdelay $0x1  }
0x106: {  	v4 =	vadd.s32 v1, v4;
	_ =	sdelay $0x3  }
0x107: {  	s7 =	simm.s32 $0x9800;
	v3 =	vperm.xlane v3, v2  }
0x108: {  	[tilespmem:s7], [sflag:$0x1] =	stream.indirect_vreg.gather [hbm4b:s3+s2], $0x80, v4, vm0, $0xb8;
	[tilespmem:$0x18800] =	vst v63  }
0x109: {  	v3 =	vadd.s32 v1, v3;
	s7 =	simm.s32 $0xA000  }
0x10a: {  	[tilespmem:s7], [sflag:$0x1] =	stream.indirect_vreg.gather [hbm4b:s4+s2], $0x80, v4, vm0, $0xb8;
	[tilespmem:$0x18800] =	vst v63  }
0x10b: {  	s13 =	simm.s32 $0xA800  }
0x10c: {  	[tilespmem:s13], [sflag:$0x1] =	stream.indirect_vreg.gather [hbm4b:s5+s2], $0x80, v4, vm0, $0xb8;
	[tilespmem:$0x18800] =	vst v63  }
0x10d: {  	s14 =	simm.s32 $0xB000  }
0x10e: {  	[tilespmem:s14], [sflag:$0x1] =	stream.indirect_vreg.gather [hbm4b:s3+s2], $0x80, v3, vm0, $0xb8;
	[tilespmem:$0x18800] =	vst v63  }
0x10f: {  	s17 =	simm.s32 $0xB800  }
0x110: {  	[tilespmem:s17], [sflag:$0x1] =	stream.indirect_vreg.gather [hbm4b:s4+s2], $0x80, v3, vm0, $0xb8;
	[tilespmem:$0x18800] =	vst v63  }
0x111: {  	s18 =	simm.s32 $0xC000  }
0x112: {  	[tilespmem:s18], [sflag:$0x1] =	stream.indirect_vreg.gather [hbm4b:s5+s2], $0x80, v3, vm0, $0xb8;
	[tilespmem:$0x18800] =	vst v63  }
0x113: {  	s20 =	rddreg [dreg:$0x5];
	s23 =	simm.s32 $0xC800  }
0x114: {  	[hbm4b:s20+s2] =	stream.linear.scatter [tilespmem:s23], [sflag:$0x4], $0xC000, $0x38;
	[tilespmem:$0x18800] =	vst v63  }
0x115: {  	_ =	swait.ge [sflag:s0], $0xC000  }
0x116: {  	[sflag:s0] =	ssyncset.done $0x0  }
0x117: {  	[sflag:s0] =	ssyncadd.s32 $0xFFFF4000  }
0x118: {  	_ =	swait.ge [sflag:s11], $0xC000  }
0x119: {  	[sflag:s11] =	ssyncset.done $0x0  }
0x11a: {  	[sflag:s11] =	ssyncadd.s32 $0xFFFF4000  }
0x11b: {  	v3 =	vld [tilespmem:$0x180];
	_ =	sdelay $0x4  }
0x11c: {  	v12 =	vshrl.u32 v3, $0x3  }
0x11d: {  	v4 =	vmul.u32 $0x30, v12  }
0x11e: {  	v3 =	vand.u32 $0x7, v3  }
0x11f: {  	v3 =	vor.u32 v3, v4  }
0x120: {  	v4 =	vperm.xlane v3, v0;
	_ =	sdelay $0x1  }
0x121: {  	v4 =	vadd.s32 v1, v4;
	_ =	sdelay $0x3  }
0x122: {  	v3 =	vperm.xlane v3, v2  }
0x123: {  	[tilespmem:s23], [sflag:$0x2] =	stream.indirect_vreg.gather [hbm4b:s3+s2], $0x80, v4, vm0, $0xb8;
	[tilespmem:$0x18800] =	vst v63  }
0x124: {  	s24 =	simm.s32 $0xD000;
	v3 =	vadd.s32 v1, v3  }
0x125: {  	[tilespmem:s24], [sflag:$0x2] =	stream.indirect_vreg.gather [hbm4b:s4+s2], $0x80, v4, vm0, $0xb8;
	[tilespmem:$0x18800] =	vst v63  }
0x126: {  	s6 =	simm.s32 $0xD800  }
0x127: {  	[tilespmem:s6], [sflag:$0x2] =	stream.indirect_vreg.gather [hbm4b:s5+s2], $0x80, v4, vm0, $0xb8;
	[tilespmem:$0x18800] =	vst v63  }
0x128: {  	s15 =	simm.s32 $0xE000  }
0x129: {  	[tilespmem:s15], [sflag:$0x2] =	stream.indirect_vreg.gather [hbm4b:s3+s2], $0x80, v3, vm0, $0xb8;
	[tilespmem:$0x18800] =	vst v63  }
0x12a: {  	s16 =	simm.s32 $0xE800  }
0x12b: {  	[tilespmem:s16], [sflag:$0x2] =	stream.indirect_vreg.gather [hbm4b:s4+s2], $0x80, v3, vm0, $0xb8;
	[tilespmem:$0x18800] =	vst v63  }
0x12c: {  	s28 =	simm.s32 $0xF000  }
0x12d: {  	[tilespmem:s28], [sflag:$0x2] =	stream.indirect_vreg.gather [hbm4b:s5+s2], $0x80, v3, vm0, $0xb8;
	[tilespmem:$0x18800] =	vst v63  }
0x12e: {  	v3 =	vld [tilespmem:$0x190];
	_ =	sdelay $0x4  }
0x12f: {  	v13 =	vshrl.u32 v3, $0x3  }
0x130: {  	v4 =	vmul.u32 $0x30, v13  }
0x131: {  	v3 =	vand.u32 $0x7, v3  }
0x132: {  	v3 =	vor.u32 v3, v4  }
0x133: {  	v4 =	vperm.xlane v3, v0;
	_ =	sdelay $0x1  }
0x134: {  	v4 =	vadd.s32 v1, v4;
	_ =	sdelay $0x3  }
0x135: {  	s29 =	simm.s32 $0xF800;
	v3 =	vperm.xlane v3, v2  }
0x136: {  	[tilespmem:s29], [sflag:$0x2] =	stream.indirect_vreg.gather [hbm4b:s3+s2], $0x80, v4, vm0, $0xb8;
	[tilespmem:$0x18800] =	vst v63  }
0x137: {  	s17 =	simm.s32 $0x10000;
	v3 =	vadd.s32 v1, v3  }
0x138: {  	[tilespmem:s17], [sflag:$0x2] =	stream.indirect_vreg.gather [hbm4b:s4+s2], $0x80, v4, vm0, $0xb8;
	[tilespmem:$0x18800] =	vst v63  }
0x139: {  	s18 =	simm.s32 $0x10800  }
0x13a: {  	[tilespmem:s18], [sflag:$0x2] =	stream.indirect_vreg.gather [hbm4b:s5+s2], $0x80, v4, vm0, $0xb8;
	[tilespmem:$0x18800] =	vst v63  }
0x13b: {  	s19 =	simm.s32 $0x11000  }
0x13c: {  	[tilespmem:s19], [sflag:$0x2] =	stream.indirect_vreg.gather [hbm4b:s3+s2], $0x80, v3, vm0, $0xb8;
	[tilespmem:$0x18800] =	vst v63  }
0x13d: {  	s20 =	simm.s32 $0x11800  }
0x13e: {  	[tilespmem:s20], [sflag:$0x2] =	stream.indirect_vreg.gather [hbm4b:s4+s2], $0x80, v3, vm0, $0xb8;
	[tilespmem:$0x18800] =	vst v63  }
0x13f: {  	s21 =	simm.s32 $0x12000  }
0x140: {  	[tilespmem:s21], [sflag:$0x2] =	stream.indirect_vreg.gather [hbm4b:s5+s2], $0x80, v3, vm0, $0xb8;
	[tilespmem:$0x18800] =	vst v63  }
0x141: {  	v3 =	vld [tilespmem:$0x1A0];
	_ =	sdelay $0x4  }
0x142: {  	v14 =	vshrl.u32 v3, $0x3  }
0x143: {  	v4 =	vmul.u32 $0x30, v14  }
0x144: {  	v3 =	vand.u32 $0x7, v3  }
0x145: {  	v3 =	vor.u32 v3, v4  }
0x146: {  	v4 =	vperm.xlane v3, v0;
	_ =	sdelay $0x1  }
0x147: {  	v4 =	vadd.s32 v1, v4;
	_ =	sdelay $0x3  }
0x148: {  	s22 =	simm.s32 $0x12800;
	v3 =	vperm.xlane v3, v2  }
0x149: {  	[tilespmem:s22], [sflag:$0x2] =	stream.indirect_vreg.gather [hbm4b:s3+s2], $0x80, v4, vm0, $0xb8;
	[tilespmem:$0x18800] =	vst v63  }
0x14a: {  	s21 =	simm.s32 $0x13000;
	v3 =	vadd.s32 v1, v3  }
0x14b: {  	[tilespmem:s21], [sflag:$0x2] =	stream.indirect_vreg.gather [hbm4b:s4+s2], $0x80, v4, vm0, $0xb8;
	[tilespmem:$0x18800] =	vst v63  }
0x14c: {  	s22 =	simm.s32 $0x13800  }
0x14d: {  	[tilespmem:s22], [sflag:$0x2] =	stream.indirect_vreg.gather [hbm4b:s5+s2], $0x80, v4, vm0, $0xb8;
	[tilespmem:$0x18800] =	vst v63  }
0x14e: {  	s23 =	simm.s32 $0x14000  }
0x14f: {  	[tilespmem:s23], [sflag:$0x2] =	stream.indirect_vreg.gather [hbm4b:s3+s2], $0x80, v3, vm0, $0xb8;
	[tilespmem:$0x18800] =	vst v63  }
0x150: {  	s24 =	simm.s32 $0x14800  }
0x151: {  	[tilespmem:s24], [sflag:$0x2] =	stream.indirect_vreg.gather [hbm4b:s4+s2], $0x80, v3, vm0, $0xb8;
	[tilespmem:$0x18800] =	vst v63  }
0x152: {  	s25 =	simm.s32 $0x15000  }
0x153: {  	[tilespmem:s25], [sflag:$0x2] =	stream.indirect_vreg.gather [hbm4b:s5+s2], $0x80, v3, vm0, $0xb8;
	[tilespmem:$0x18800] =	vst v63  }
0x154: {  	v3 =	vld [tilespmem:$0x1B0];
	_ =	sdelay $0x4  }
0x155: {  	v15 =	vshrl.u32 v3, $0x3  }
0x156: {  	v4 =	vmul.u32 $0x30, v15  }
0x157: {  	v3 =	vand.u32 $0x7, v3  }
0x158: {  	v3 =	vor.u32 v3, v4  }
0x159: {  	v4 =	vperm.xlane v3, v0;
	_ =	sdelay $0x1  }
0x15a: {  	v4 =	vadd.s32 v1, v4;
	_ =	sdelay $0x3  }
0x15b: {  	s26 =	simm.s32 $0x15800;
	v3 =	vperm.xlane v3, v2  }
0x15c: {  	[tilespmem:s26], [sflag:$0x2] =	stream.indirect_vreg.gather [hbm4b:s3+s2], $0x80, v4, vm0, $0xb8;
	[tilespmem:$0x18800] =	vst v63  }
0x15d: {  	s25 =	simm.s32 $0x16000;
	v3 =	vadd.s32 v1, v3  }
0x15e: {  	[tilespmem:s25], [sflag:$0x2] =	stream.indirect_vreg.gather [hbm4b:s4+s2], $0x80, v4, vm0, $0xb8;
	[tilespmem:$0x18800] =	vst v63  }
0x15f: {  	s26 =	simm.s32 $0x16800  }
0x160: {  	[tilespmem:s26], [sflag:$0x2] =	stream.indirect_vreg.gather [hbm4b:s5+s2], $0x80, v4, vm0, $0xb8;
	[tilespmem:$0x18800] =	vst v63  }
0x161: {  	s28 =	simm.s32 $0x17000  }
0x162: {  	[tilespmem:s28], [sflag:$0x2] =	stream.indirect_vreg.gather [hbm4b:s3+s2], $0x80, v3, vm0, $0xb8;
	[tilespmem:$0x18800] =	vst v63  }
0x163: {  	s29 =	simm.s32 $0x17800  }
0x164: {  	[tilespmem:s29], [sflag:$0x2] =	stream.indirect_vreg.gather [hbm4b:s4+s2], $0x80, v3, vm0, $0xb8;
	[tilespmem:$0x18800] =	vst v63  }
0x165: {  	s1 =	simm.s32 $0x18000  }
0x166: {  	[tilespmem:s1], [sflag:$0x2] =	stream.indirect_vreg.gather [hbm4b:s5+s2], $0x80, v3, vm0, $0xb8;
	[tilespmem:$0x18800] =	vst v63  }
0x167: {  	s12 =	rddreg [dreg:$0x6];
	s1 =	simm.s32 $0x800  }
0x168: {  	[hbm4b:s12+s2] =	stream.linear.scatter [tilespmem:s1], [sflag:$0x3], $0xC000, $0x38;
	[tilespmem:$0x18800] =	vst v63  }
0x169: {  	_ =	swait.ge [sflag:s9], $0xC000  }
0x16a: {  	[sflag:s9] =	ssyncset.done $0x0  }
0x16b: {  	[sflag:s9] =	ssyncadd.s32 $0xFFFF4000  }
0x16c: {  	_ =	swait.ge [sflag:s10], $0xC000  }
0x16d: {  	[sflag:s10] =	ssyncset.done $0x0  }
0x16e: {  	[sflag:s10] =	ssyncadd.s32 $0xFFFF4000  }
0x16f: {  	v3 =	vld [tilespmem:$0x200];
	_ =	sdelay $0x4  }
0x170: {  	v16 =	vshrl.u32 v3, $0x3  }
0x171: {  	v4 =	vmul.u32 $0x30, v16  }
0x172: {  	v3 =	vand.u32 $0x7, v3  }
0x173: {  	v3 =	vor.u32 v3, v4  }
0x174: {  	v4 =	vperm.xlane v3, v0;
	_ =	sdelay $0x1  }
0x175: {  	v4 =	vadd.s32 v1, v4;
	_ =	sdelay $0x3  }
0x176: {  	v3 =	vperm.xlane v3, v2  }
0x177: {  	[tilespmem:s1], [sflag:$0x1] =	stream.indirect_vreg.gather [hbm4b:s3+s2], $0x80, v4, vm0, $0xb8;
	[tilespmem:$0x18800] =	vst v63  }
0x178: {  	s12 =	simm.s32 $0x1000;
	v3 =	vadd.s32 v1, v3  }
0x179: {  	[tilespmem:s12], [sflag:$0x1] =	stream.indirect_vreg.gather [hbm4b:s4+s2], $0x80, v4, vm0, $0xb8;
	[tilespmem:$0x18800] =	vst v63  }
0x17a: {  	s12 =	simm.s32 $0x1800  }
0x17b: {  	[tilespmem:s12], [sflag:$0x1] =	stream.indirect_vreg.gather [hbm4b:s5+s2], $0x80, v4, vm0, $0xb8;
	[tilespmem:$0x18800] =	vst v63  }
0x17c: {  	s12 =	simm.s32 $0x2000  }
0x17d: {  	[tilespmem:s12], [sflag:$0x1] =	stream.indirect_vreg.gather [hbm4b:s3+s2], $0x80, v3, vm0, $0xb8;
	[tilespmem:$0x18800] =	vst v63  }
0x17e: {  	s12 =	simm.s32 $0x2800  }
0x17f: {  	[tilespmem:s12], [sflag:$0x1] =	stream.indirect_vreg.gather [hbm4b:s4+s2], $0x80, v3, vm0, $0xb8;
	[tilespmem:$0x18800] =	vst v63  }
0x180: {  	s12 =	simm.s32 $0x3000  }
0x181: {  	[tilespmem:s12], [sflag:$0x1] =	stream.indirect_vreg.gather [hbm4b:s5+s2], $0x80, v3, vm0, $0xb8;
	[tilespmem:$0x18800] =	vst v63  }
0x182: {  	v3 =	vld [tilespmem:$0x210];
	_ =	sdelay $0x4  }
0x183: {  	v17 =	vshrl.u32 v3, $0x3  }
0x184: {  	v4 =	vmul.u32 $0x30, v17  }
0x185: {  	v3 =	vand.u32 $0x7, v3  }
0x186: {  	v3 =	vor.u32 v3, v4  }
0x187: {  	v4 =	vperm.xlane v3, v0;
	_ =	sdelay $0x1  }
0x188: {  	v4 =	vadd.s32 v1, v4;
	_ =	sdelay $0x3  }
0x189: {  	s12 =	simm.s32 $0x3800;
	v3 =	vperm.xlane v3, v2  }
0x18a: {  	[tilespmem:s12], [sflag:$0x1] =	stream.indirect_vreg.gather [hbm4b:s3+s2], $0x80, v4, vm0, $0xb8;
	[tilespmem:$0x18800] =	vst v63  }
0x18b: {  	v3 =	vadd.s32 v1, v3;
	s12 =	simm.s32 $0x4000  }
0x18c: {  	[tilespmem:s12], [sflag:$0x1] =	stream.indirect_vreg.gather [hbm4b:s4+s2], $0x80, v4, vm0, $0xb8;
	[tilespmem:$0x18800] =	vst v63  }
0x18d: {  	s12 =	simm.s32 $0x4800  }
0x18e: {  	[tilespmem:s12], [sflag:$0x1] =	stream.indirect_vreg.gather [hbm4b:s5+s2], $0x80, v4, vm0, $0xb8;
	[tilespmem:$0x18800] =	vst v63  }
0x18f: {  	s12 =	simm.s32 $0x5000  }
0x190: {  	[tilespmem:s12], [sflag:$0x1] =	stream.indirect_vreg.gather [hbm4b:s3+s2], $0x80, v3, vm0, $0xb8;
	[tilespmem:$0x18800] =	vst v63  }
0x191: {  	s12 =	simm.s32 $0x5800  }
0x192: {  	[tilespmem:s12], [sflag:$0x1] =	stream.indirect_vreg.gather [hbm4b:s4+s2], $0x80, v3, vm0, $0xb8;
	[tilespmem:$0x18800] =	vst v63  }
0x193: {  	s12 =	simm.s32 $0x6000  }
0x194: {  	[tilespmem:s12], [sflag:$0x1] =	stream.indirect_vreg.gather [hbm4b:s5+s2], $0x80, v3, vm0, $0xb8;
	[tilespmem:$0x18800] =	vst v63  }
0x195: {  	v3 =	vld [tilespmem:$0x220];
	_ =	sdelay $0x4  }
0x196: {  	v18 =	vshrl.u32 v3, $0x3  }
0x197: {  	v4 =	vmul.u32 $0x30, v18  }
0x198: {  	v3 =	vand.u32 $0x7, v3  }
0x199: {  	v3 =	vor.u32 v3, v4  }
0x19a: {  	v4 =	vperm.xlane v3, v0;
	_ =	sdelay $0x1  }
0x19b: {  	v4 =	vadd.s32 v1, v4;
	_ =	sdelay $0x3  }
0x19c: {  	s12 =	simm.s32 $0x6800;
	v3 =	vperm.xlane v3, v2  }
0x19d: {  	[tilespmem:s12], [sflag:$0x1] =	stream.indirect_vreg.gather [hbm4b:s3+s2], $0x80, v4, vm0, $0xb8;
	[tilespmem:$0x18800] =	vst v63  }
0x19e: {  	v3 =	vadd.s32 v1, v3;
	s12 =	simm.s32 $0x7000  }
0x19f: {  	[tilespmem:s12], [sflag:$0x1] =	stream.indirect_vreg.gather [hbm4b:s4+s2], $0x80, v4, vm0, $0xb8;
	[tilespmem:$0x18800] =	vst v63  }
0x1a0: {  	_ = 	snop  }
0x1a1: {  	[tilespmem:s30], [sflag:$0x1] =	stream.indirect_vreg.gather [hbm4b:s5+s2], $0x80, v4, vm0, $0xb8;
	[tilespmem:$0x18800] =	vst v63  }
0x1a2: {  	_ = 	snop  }
0x1a3: {  	[tilespmem:s31], [sflag:$0x1] =	stream.indirect_vreg.gather [hbm4b:s3+s2], $0x80, v3, vm0, $0xb8;
	[tilespmem:$0x18800] =	vst v63  }
0x1a4: {  	_ = 	snop  }
0x1a5: {  	[tilespmem:s8], [sflag:$0x1] =	stream.indirect_vreg.gather [hbm4b:s4+s2], $0x80, v3, vm0, $0xb8;
	[tilespmem:$0x18800] =	vst v63  }
0x1a6: {  	s1 =	simm.s32 $0x9000  }
0x1a7: {  	[tilespmem:s1], [sflag:$0x1] =	stream.indirect_vreg.gather [hbm4b:s5+s2], $0x80, v3, vm0, $0xb8;
	[tilespmem:$0x18800] =	vst v63  }
0x1a8: {  	v3 =	vld [tilespmem:$0x230];
	_ =	sdelay $0x4  }
0x1a9: {  	v19 =	vshrl.u32 v3, $0x3  }
0x1aa: {  	v4 =	vmul.u32 $0x30, v19  }
0x1ab: {  	v3 =	vand.u32 $0x7, v3  }
0x1ac: {  	v3 =	vor.u32 v3, v4  }
0x1ad: {  	v4 =	vperm.xlane v3, v0;
	_ =	sdelay $0x1  }
0x1ae: {  	v4 =	vadd.s32 v1, v4;
	_ =	sdelay $0x3  }
0x1af: {  	s30 =	simm.s32 $0x9800;
	v3 =	vperm.xlane v3, v2  }
0x1b0: {  	[tilespmem:s30], [sflag:$0x1] =	stream.indirect_vreg.gather [hbm4b:s3+s2], $0x80, v4, vm0, $0xb8;
	[tilespmem:$0x18800] =	vst v63  }
0x1b1: {  	v3 =	vadd.s32 v1, v3  }
0x1b2: {  	[tilespmem:s7], [sflag:$0x1] =	stream.indirect_vreg.gather [hbm4b:s4+s2], $0x80, v4, vm0, $0xb8;
	[tilespmem:$0x18800] =	vst v63  }
0x1b3: {  	_ = 	snop  }
0x1b4: {  	[tilespmem:s13], [sflag:$0x1] =	stream.indirect_vreg.gather [hbm4b:s5+s2], $0x80, v4, vm0, $0xb8;
	[tilespmem:$0x18800] =	vst v63  }
0x1b5: {  	_ = 	snop  }
0x1b6: {  	[tilespmem:s14], [sflag:$0x1] =	stream.indirect_vreg.gather [hbm4b:s3+s2], $0x80, v3, vm0, $0xb8;
	[tilespmem:$0x18800] =	vst v63  }
0x1b7: {  	s14 =	simm.s32 $0xB800  }
0x1b8: {  	[tilespmem:s14], [sflag:$0x1] =	stream.indirect_vreg.gather [hbm4b:s4+s2], $0x80, v3, vm0, $0xb8;
	[tilespmem:$0x18800] =	vst v63  }
0x1b9: {  	s31 =	simm.s32 $0xC000  }
0x1ba: {  	[tilespmem:s31], [sflag:$0x1] =	stream.indirect_vreg.gather [hbm4b:s5+s2], $0x80, v3, vm0, $0xb8;
	[tilespmem:$0x18800] =	vst v63  }
0x1bb: {  	s8 =	simm.s32 $0xC800;
	s13 =	rddreg [dreg:$0x7]  }
0x1bc: {  	[hbm4b:s13+s2] =	stream.linear.scatter [tilespmem:s8], [sflag:$0x4], $0xC000, $0x38;
	[tilespmem:$0x18800] =	vst v63  }
0x1bd: {  	_ =	swait.ge [sflag:s0], $0xC000  }
0x1be: {  	[sflag:s0] =	ssyncset.done $0x0  }
0x1bf: {  	[sflag:s0] =	ssyncadd.s32 $0xFFFF4000  }
0x1c0: {  	_ =	swait.ge [sflag:s11], $0xC000  }
0x1c1: {  	[sflag:s11] =	ssyncset.done $0x0  }
0x1c2: {  	[sflag:s11] =	ssyncadd.s32 $0xFFFF4000  }
0x1c3: {  	v3 =	vld [tilespmem:$0x280];
	_ =	sdelay $0x4  }
0x1c4: {  	v20 =	vshrl.u32 v3, $0x3  }
0x1c5: {  	v4 =	vmul.u32 $0x30, v20  }
0x1c6: {  	v3 =	vand.u32 $0x7, v3  }
0x1c7: {  	v3 =	vor.u32 v3, v4  }
0x1c8: {  	v4 =	vperm.xlane v3, v0;
	_ =	sdelay $0x1  }
0x1c9: {  	v4 =	vadd.s32 v1, v4;
	_ =	sdelay $0x3  }
0x1ca: {  	v3 =	vperm.xlane v3, v2  }
0x1cb: {  	[tilespmem:s8], [sflag:$0x2] =	stream.indirect_vreg.gather [hbm4b:s3+s2], $0x80, v4, vm0, $0xb8;
	[tilespmem:$0x18800] =	vst v63  }
0x1cc: {  	s13 =	simm.s32 $0xD000;
	v3 =	vadd.s32 v1, v3  }
0x1cd: {  	[tilespmem:s13], [sflag:$0x2] =	stream.indirect_vreg.gather [hbm4b:s4+s2], $0x80, v4, vm0, $0xb8;
	[tilespmem:$0x18800] =	vst v63  }
0x1ce: {  	_ = 	snop  }
0x1cf: {  	[tilespmem:s6], [sflag:$0x2] =	stream.indirect_vreg.gather [hbm4b:s5+s2], $0x80, v4, vm0, $0xb8;
	[tilespmem:$0x18800] =	vst v63  }
0x1d0: {  	_ = 	snop  }
0x1d1: {  	[tilespmem:s15], [sflag:$0x2] =	stream.indirect_vreg.gather [hbm4b:s3+s2], $0x80, v3, vm0, $0xb8;
	[tilespmem:$0x18800] =	vst v63  }
0x1d2: {  	_ = 	snop  }
0x1d3: {  	[tilespmem:s16], [sflag:$0x2] =	stream.indirect_vreg.gather [hbm4b:s4+s2], $0x80, v3, vm0, $0xb8;
	[tilespmem:$0x18800] =	vst v63  }
0x1d4: {  	s6 =	simm.s32 $0xF000  }
0x1d5: {  	[tilespmem:s6], [sflag:$0x2] =	stream.indirect_vreg.gather [hbm4b:s5+s2], $0x80, v3, vm0, $0xb8;
	[tilespmem:$0x18800] =	vst v63  }
0x1d6: {  	v3 =	vld [tilespmem:$0x290];
	_ =	sdelay $0x4  }
0x1d7: {  	v21 =	vshrl.u32 v3, $0x3  }
0x1d8: {  	v4 =	vmul.u32 $0x30, v21  }
0x1d9: {  	v3 =	vand.u32 $0x7, v3  }
0x1da: {  	v3 =	vor.u32 v3, v4  }
0x1db: {  	v4 =	vperm.xlane v3, v0;
	_ =	sdelay $0x1  }
0x1dc: {  	v4 =	vadd.s32 v1, v4;
	_ =	sdelay $0x3  }
0x1dd: {  	s13 =	simm.s32 $0xF800;
	v3 =	vperm.xlane v3, v2  }
0x1de: {  	[tilespmem:s13], [sflag:$0x2] =	stream.indirect_vreg.gather [hbm4b:s3+s2], $0x80, v4, vm0, $0xb8;
	[tilespmem:$0x18800] =	vst v63  }
0x1df: {  	v3 =	vadd.s32 v1, v3  }
0x1e0: {  	[tilespmem:s17], [sflag:$0x2] =	stream.indirect_vreg.gather [hbm4b:s4+s2], $0x80, v4, vm0, $0xb8;
	[tilespmem:$0x18800] =	vst v63  }
0x1e1: {  	_ = 	snop  }
0x1e2: {  	[tilespmem:s18], [sflag:$0x2] =	stream.indirect_vreg.gather [hbm4b:s5+s2], $0x80, v4, vm0, $0xb8;
	[tilespmem:$0x18800] =	vst v63  }
0x1e3: {  	_ = 	snop  }
0x1e4: {  	[tilespmem:s19], [sflag:$0x2] =	stream.indirect_vreg.gather [hbm4b:s3+s2], $0x80, v3, vm0, $0xb8;
	[tilespmem:$0x18800] =	vst v63  }
0x1e5: {  	_ = 	snop  }
0x1e6: {  	[tilespmem:s20], [sflag:$0x2] =	stream.indirect_vreg.gather [hbm4b:s4+s2], $0x80, v3, vm0, $0xb8;
	[tilespmem:$0x18800] =	vst v63  }
0x1e7: {  	s7 =	simm.s32 $0x12000  }
0x1e8: {  	[tilespmem:s7], [sflag:$0x2] =	stream.indirect_vreg.gather [hbm4b:s5+s2], $0x80, v3, vm0, $0xb8;
	[tilespmem:$0x18800] =	vst v63  }
0x1e9: {  	v3 =	vld [tilespmem:$0x2A0];
	_ =	sdelay $0x4  }
0x1ea: {  	v22 =	vshrl.u32 v3, $0x3  }
0x1eb: {  	v4 =	vmul.u32 $0x30, v22  }
0x1ec: {  	v3 =	vand.u32 $0x7, v3  }
0x1ed: {  	v3 =	vor.u32 v3, v4  }
0x1ee: {  	v4 =	vperm.xlane v3, v0;
	_ =	sdelay $0x1  }
0x1ef: {  	v4 =	vadd.s32 v1, v4;
	_ =	sdelay $0x3  }
0x1f0: {  	s15 =	simm.s32 $0x12800;
	v3 =	vperm.xlane v3, v2  }
0x1f1: {  	[tilespmem:s15], [sflag:$0x2] =	stream.indirect_vreg.gather [hbm4b:s3+s2], $0x80, v4, vm0, $0xb8;
	[tilespmem:$0x18800] =	vst v63  }
0x1f2: {  	v3 =	vadd.s32 v1, v3  }
0x1f3: {  	[tilespmem:s21], [sflag:$0x2] =	stream.indirect_vreg.gather [hbm4b:s4+s2], $0x80, v4, vm0, $0xb8;
	[tilespmem:$0x18800] =	vst v63  }
0x1f4: {  	_ = 	snop  }
0x1f5: {  	[tilespmem:s22], [sflag:$0x2] =	stream.indirect_vreg.gather [hbm4b:s5+s2], $0x80, v4, vm0, $0xb8;
	[tilespmem:$0x18800] =	vst v63  }
0x1f6: {  	_ = 	snop  }
0x1f7: {  	[tilespmem:s23], [sflag:$0x2] =	stream.indirect_vreg.gather [hbm4b:s3+s2], $0x80, v3, vm0, $0xb8;
	[tilespmem:$0x18800] =	vst v63  }
0x1f8: {  	_ = 	snop  }
0x1f9: {  	[tilespmem:s24], [sflag:$0x2] =	stream.indirect_vreg.gather [hbm4b:s4+s2], $0x80, v3, vm0, $0xb8;
	[tilespmem:$0x18800] =	vst v63  }
0x1fa: {  	s8 =	simm.s32 $0x15000  }
0x1fb: {  	[tilespmem:s8], [sflag:$0x2] =	stream.indirect_vreg.gather [hbm4b:s5+s2], $0x80, v3, vm0, $0xb8;
	[tilespmem:$0x18800] =	vst v63  }
0x1fc: {  	v3 =	vld [tilespmem:$0x2B0];
	_ =	sdelay $0x4  }
0x1fd: {  	v23 =	vshrl.u32 v3, $0x3  }
0x1fe: {  	v4 =	vmul.u32 $0x30, v23  }
0x1ff: {  	v3 =	vand.u32 $0x7, v3  }
0x200: {  	v3 =	vor.u32 v3, v4  }
0x201: {  	v4 =	vperm.xlane v3, v0;
	_ =	sdelay $0x1  }
0x202: {  	v4 =	vadd.s32 v1, v4;
	_ =	sdelay $0x3  }
0x203: {  	s16 =	simm.s32 $0x15800;
	v3 =	vperm.xlane v3, v2  }
0x204: {  	[tilespmem:s16], [sflag:$0x2] =	stream.indirect_vreg.gather [hbm4b:s3+s2], $0x80, v4, vm0, $0xb8;
	[tilespmem:$0x18800] =	vst v63  }
0x205: {  	v3 =	vadd.s32 v1, v3  }
0x206: {  	[tilespmem:s25], [sflag:$0x2] =	stream.indirect_vreg.gather [hbm4b:s4+s2], $0x80, v4, vm0, $0xb8;
	[tilespmem:$0x18800] =	vst v63  }
0x207: {  	_ = 	snop  }
0x208: {  	[tilespmem:s26], [sflag:$0x2] =	stream.indirect_vreg.gather [hbm4b:s5+s2], $0x80, v4, vm0, $0xb8;
	[tilespmem:$0x18800] =	vst v63  }
0x209: {  	_ = 	snop  }
0x20a: {  	[tilespmem:s28], [sflag:$0x2] =	stream.indirect_vreg.gather [hbm4b:s3+s2], $0x80, v3, vm0, $0xb8;
	[tilespmem:$0x18800] =	vst v63  }
0x20b: {  	_ = 	snop  }
0x20c: {  	[tilespmem:s29], [sflag:$0x2] =	stream.indirect_vreg.gather [hbm4b:s4+s2], $0x80, v3, vm0, $0xb8;
	[tilespmem:$0x18800] =	vst v63  }
0x20d: {  	s17 =	simm.s32 $0x18000  }
0x20e: {  	[tilespmem:s17], [sflag:$0x2] =	stream.indirect_vreg.gather [hbm4b:s5+s2], $0x80, v3, vm0, $0xb8;
	[tilespmem:$0x18800] =	vst v63  }
0x20f: {  	s23 =	rddreg [dreg:$0x8];
	s24 =	simm.s32 $0x800  }
0x210: {  	[hbm4b:s23+s2] =	stream.linear.scatter [tilespmem:s24], [sflag:$0x3], $0xC000, $0x38;
	[tilespmem:$0x18800] =	vst v63  }
0x211: {  	_ =	swait.ge [sflag:s9], $0xC000  }
0x212: {  	[sflag:s9] =	ssyncset.done $0x0  }
0x213: {  	[sflag:s9] =	ssyncadd.s32 $0xFFFF4000  }
0x214: {  	_ =	swait.ge [sflag:s10], $0xC000  }
0x215: {  	[sflag:s10] =	ssyncset.done $0x0  }
0x216: {  	[sflag:s10] =	ssyncadd.s32 $0xFFFF4000  }
0x217: {  	v3 =	vld [tilespmem:$0x300];
	_ =	sdelay $0x4  }
0x218: {  	v24 =	vshrl.u32 v3, $0x3  }
0x219: {  	v4 =	vmul.u32 $0x30, v24  }
0x21a: {  	v3 =	vand.u32 $0x7, v3  }
0x21b: {  	v3 =	vor.u32 v3, v4  }
0x21c: {  	v4 =	vperm.xlane v3, v0;
	_ =	sdelay $0x1  }
0x21d: {  	v4 =	vadd.s32 v1, v4;
	_ =	sdelay $0x3  }
0x21e: {  	v3 =	vperm.xlane v3, v2  }
0x21f: {  	[tilespmem:s24], [sflag:$0x1] =	stream.indirect_vreg.gather [hbm4b:s3+s2], $0x80, v4, vm0, $0xb8;
	[tilespmem:$0x18800] =	vst v63  }
0x220: {  	s18 =	simm.s32 $0x1000;
	v3 =	vadd.s32 v1, v3  }
0x221: {  	[tilespmem:s18], [sflag:$0x1] =	stream.indirect_vreg.gather [hbm4b:s4+s2], $0x80, v4, vm0, $0xb8;
	[tilespmem:$0x18800] =	vst v63  }
0x222: {  	s26 =	simm.s32 $0x1800  }
0x223: {  	[tilespmem:s26], [sflag:$0x1] =	stream.indirect_vreg.gather [hbm4b:s5+s2], $0x80, v4, vm0, $0xb8;
	[tilespmem:$0x18800] =	vst v63  }
0x224: {  	s19 =	simm.s32 $0x2000  }
0x225: {  	[tilespmem:s19], [sflag:$0x1] =	stream.indirect_vreg.gather [hbm4b:s3+s2], $0x80, v3, vm0, $0xb8;
	[tilespmem:$0x18800] =	vst v63  }
0x226: {  	s20 =	simm.s32 $0x2800  }
0x227: {  	[tilespmem:s20], [sflag:$0x1] =	stream.indirect_vreg.gather [hbm4b:s4+s2], $0x80, v3, vm0, $0xb8;
	[tilespmem:$0x18800] =	vst v63  }
0x228: {  	s28 =	simm.s32 $0x3000  }
0x229: {  	[tilespmem:s28], [sflag:$0x1] =	stream.indirect_vreg.gather [hbm4b:s5+s2], $0x80, v3, vm0, $0xb8;
	[tilespmem:$0x18800] =	vst v63  }
0x22a: {  	v3 =	vld [tilespmem:$0x310];
	_ =	sdelay $0x4  }
0x22b: {  	v25 =	vshrl.u32 v3, $0x3  }
0x22c: {  	v4 =	vmul.u32 $0x30, v25  }
0x22d: {  	v3 =	vand.u32 $0x7, v3  }
0x22e: {  	v3 =	vor.u32 v3, v4  }
0x22f: {  	v4 =	vperm.xlane v3, v0;
	_ =	sdelay $0x1  }
0x230: {  	v4 =	vadd.s32 v1, v4;
	_ =	sdelay $0x3  }
0x231: {  	s29 =	simm.s32 $0x3800;
	v3 =	vperm.xlane v3, v2  }
0x232: {  	[tilespmem:s29], [sflag:$0x1] =	stream.indirect_vreg.gather [hbm4b:s3+s2], $0x80, v4, vm0, $0xb8;
	[tilespmem:$0x18800] =	vst v63  }
0x233: {  	s21 =	simm.s32 $0x4000;
	v3 =	vadd.s32 v1, v3  }
0x234: {  	[tilespmem:s21], [sflag:$0x1] =	stream.indirect_vreg.gather [hbm4b:s4+s2], $0x80, v4, vm0, $0xb8;
	[tilespmem:$0x18800] =	vst v63  }
0x235: {  	s22 =	simm.s32 $0x4800  }
0x236: {  	[tilespmem:s22], [sflag:$0x1] =	stream.indirect_vreg.gather [hbm4b:s5+s2], $0x80, v4, vm0, $0xb8;
	[tilespmem:$0x18800] =	vst v63  }
0x237: {  	s23 =	simm.s32 $0x5000  }
0x238: {  	[tilespmem:s23], [sflag:$0x1] =	stream.indirect_vreg.gather [hbm4b:s3+s2], $0x80, v3, vm0, $0xb8;
	[tilespmem:$0x18800] =	vst v63  }
0x239: {  	s24 =	simm.s32 $0x5800  }
0x23a: {  	[tilespmem:s24], [sflag:$0x1] =	stream.indirect_vreg.gather [hbm4b:s4+s2], $0x80, v3, vm0, $0xb8;
	[tilespmem:$0x18800] =	vst v63  }
0x23b: {  	s31 =	simm.s32 $0x6000  }
0x23c: {  	[tilespmem:s31], [sflag:$0x1] =	stream.indirect_vreg.gather [hbm4b:s5+s2], $0x80, v3, vm0, $0xb8;
	[tilespmem:$0x18800] =	vst v63  }
0x23d: {  	v3 =	vld [tilespmem:$0x320];
	_ =	sdelay $0x4  }
0x23e: {  	v26 =	vshrl.u32 v3, $0x3  }
0x23f: {  	v4 =	vmul.u32 $0x30, v26  }
0x240: {  	v3 =	vand.u32 $0x7, v3  }
0x241: {  	v3 =	vor.u32 v3, v4  }
0x242: {  	v4 =	vperm.xlane v3, v0;
	_ =	sdelay $0x1  }
0x243: {  	v4 =	vadd.s32 v1, v4;
	_ =	sdelay $0x3  }
0x244: {  	s25 =	simm.s32 $0x6800;
	v3 =	vperm.xlane v3, v2  }
0x245: {  	[tilespmem:s25], [sflag:$0x1] =	stream.indirect_vreg.gather [hbm4b:s3+s2], $0x80, v4, vm0, $0xb8;
	[tilespmem:$0x18800] =	vst v63  }
0x246: {  	v3 =	vadd.s32 v1, v3;
	s25 =	simm.s32 $0x7000  }
0x247: {  	[tilespmem:s25], [sflag:$0x1] =	stream.indirect_vreg.gather [hbm4b:s4+s2], $0x80, v4, vm0, $0xb8;
	[tilespmem:$0x18800] =	vst v63  }
0x248: {  	s12 =	simm.s32 $0x7800  }
0x249: {  	[tilespmem:s12], [sflag:$0x1] =	stream.indirect_vreg.gather [hbm4b:s5+s2], $0x80, v4, vm0, $0xb8;
	[tilespmem:$0x18800] =	vst v63  }
0x24a: {  	s12 =	simm.s32 $0x8000  }
0x24b: {  	[tilespmem:s12], [sflag:$0x1] =	stream.indirect_vreg.gather [hbm4b:s3+s2], $0x80, v3, vm0, $0xb8;
	[tilespmem:$0x18800] =	vst v63  }
0x24c: {  	s12 =	simm.s32 $0x8800  }
0x24d: {  	[tilespmem:s12], [sflag:$0x1] =	stream.indirect_vreg.gather [hbm4b:s4+s2], $0x80, v3, vm0, $0xb8;
	[tilespmem:$0x18800] =	vst v63  }
0x24e: {  	_ = 	snop  }
0x24f: {  	[tilespmem:s1], [sflag:$0x1] =	stream.indirect_vreg.gather [hbm4b:s5+s2], $0x80, v3, vm0, $0xb8;
	[tilespmem:$0x18800] =	vst v63  }
0x250: {  	v3 =	vld [tilespmem:$0x330];
	_ =	sdelay $0x4  }
0x251: {  	v27 =	vshrl.u32 v3, $0x3  }
0x252: {  	v4 =	vmul.u32 $0x30, v27  }
0x253: {  	v3 =	vand.u32 $0x7, v3  }
0x254: {  	v3 =	vor.u32 v3, v4  }
0x255: {  	v4 =	vperm.xlane v3, v0;
	_ =	sdelay $0x1  }
0x256: {  	v4 =	vadd.s32 v1, v4;
	_ =	sdelay $0x3  }
0x257: {  	v3 =	vperm.xlane v3, v2  }
0x258: {  	[tilespmem:s30], [sflag:$0x1] =	stream.indirect_vreg.gather [hbm4b:s3+s2], $0x80, v4, vm0, $0xb8;
	[tilespmem:$0x18800] =	vst v63  }
0x259: {  	s12 =	simm.s32 $0xA000;
	v3 =	vadd.s32 v1, v3  }
0x25a: {  	[tilespmem:s12], [sflag:$0x1] =	stream.indirect_vreg.gather [hbm4b:s4+s2], $0x80, v4, vm0, $0xb8;
	[tilespmem:$0x18800] =	vst v63  }
0x25b: {  	s30 =	simm.s32 $0xA800  }
0x25c: {  	[tilespmem:s30], [sflag:$0x1] =	stream.indirect_vreg.gather [hbm4b:s5+s2], $0x80, v4, vm0, $0xb8;
	[tilespmem:$0x18800] =	vst v63  }
0x25d: {  	s12 =	simm.s32 $0xB000  }
0x25e: {  	[tilespmem:s12], [sflag:$0x1] =	stream.indirect_vreg.gather [hbm4b:s3+s2], $0x80, v3, vm0, $0xb8;
	[tilespmem:$0x18800] =	vst v63  }
0x25f: {  	_ = 	snop  }
0x260: {  	[tilespmem:s14], [sflag:$0x1] =	stream.indirect_vreg.gather [hbm4b:s4+s2], $0x80, v3, vm0, $0xb8;
	[tilespmem:$0x18800] =	vst v63  }
0x261: {  	s1 =	simm.s32 $0xC000  }
0x262: {  	[tilespmem:s1], [sflag:$0x1] =	stream.indirect_vreg.gather [hbm4b:s5+s2], $0x80, v3, vm0, $0xb8;
	[tilespmem:$0x18800] =	vst v63  }
0x263: {  	s30 =	simm.s32 $0xC800;
	s14 =	rddreg [dreg:$0x9]  }
0x264: {  	[hbm4b:s14+s2] =	stream.linear.scatter [tilespmem:s30], [sflag:$0x4], $0xC000, $0x38;
	[tilespmem:$0x18800] =	vst v63  }
0x265: {  	_ =	swait.ge [sflag:s0], $0xC000  }
0x266: {  	[sflag:s0] =	ssyncset.done $0x0  }
0x267: {  	[sflag:s0] =	ssyncadd.s32 $0xFFFF4000  }
0x268: {  	_ =	swait.ge [sflag:s11], $0xC000  }
0x269: {  	[sflag:s11] =	ssyncset.done $0x0  }
0x26a: {  	[sflag:s11] =	ssyncadd.s32 $0xFFFF4000  }
0x26b: {  	v3 =	vld [tilespmem:$0x380];
	_ =	sdelay $0x4  }
0x26c: {  	v28 =	vshrl.u32 v3, $0x3  }
0x26d: {  	v4 =	vmul.u32 $0x30, v28  }
0x26e: {  	v3 =	vand.u32 $0x7, v3  }
0x26f: {  	v3 =	vor.u32 v3, v4  }
0x270: {  	v4 =	vperm.xlane v3, v0;
	_ =	sdelay $0x1  }
0x271: {  	v4 =	vadd.s32 v1, v4;
	_ =	sdelay $0x3  }
0x272: {  	v3 =	vperm.xlane v3, v2  }
0x273: {  	[tilespmem:s30], [sflag:$0x2] =	stream.indirect_vreg.gather [hbm4b:s3+s2], $0x80, v4, vm0, $0xb8;
	[tilespmem:$0x18800] =	vst v63  }
0x274: {  	s14 =	simm.s32 $0xD000;
	v3 =	vadd.s32 v1, v3  }
0x275: {  	[tilespmem:s14], [sflag:$0x2] =	stream.indirect_vreg.gather [hbm4b:s4+s2], $0x80, v4, vm0, $0xb8;
	[tilespmem:$0x18800] =	vst v63  }
0x276: {  	s30 =	simm.s32 $0xD800  }
0x277: {  	[tilespmem:s30], [sflag:$0x2] =	stream.indirect_vreg.gather [hbm4b:s5+s2], $0x80, v4, vm0, $0xb8;
	[tilespmem:$0x18800] =	vst v63  }
0x278: {  	s12 =	simm.s32 $0xE000  }
0x279: {  	[tilespmem:s12], [sflag:$0x2] =	stream.indirect_vreg.gather [hbm4b:s3+s2], $0x80, v3, vm0, $0xb8;
	[tilespmem:$0x18800] =	vst v63  }
0x27a: {  	s12 =	simm.s32 $0xE800  }
0x27b: {  	[tilespmem:s12], [sflag:$0x2] =	stream.indirect_vreg.gather [hbm4b:s4+s2], $0x80, v3, vm0, $0xb8;
	[tilespmem:$0x18800] =	vst v63  }
0x27c: {  	_ = 	snop  }
0x27d: {  	[tilespmem:s6], [sflag:$0x2] =	stream.indirect_vreg.gather [hbm4b:s5+s2], $0x80, v3, vm0, $0xb8;
	[tilespmem:$0x18800] =	vst v63  }
0x27e: {  	v3 =	vld [tilespmem:$0x390];
	_ =	sdelay $0x4  }
0x27f: {  	v29 =	vshrl.u32 v3, $0x3  }
0x280: {  	v4 =	vmul.u32 $0x30, v29  }
0x281: {  	v3 =	vand.u32 $0x7, v3  }
0x282: {  	v3 =	vor.u32 v3, v4  }
0x283: {  	v4 =	vperm.xlane v3, v0;
	_ =	sdelay $0x1  }
0x284: {  	v4 =	vadd.s32 v1, v4;
	_ =	sdelay $0x3  }
0x285: {  	v3 =	vperm.xlane v3, v2  }
0x286: {  	[tilespmem:s13], [sflag:$0x2] =	stream.indirect_vreg.gather [hbm4b:s3+s2], $0x80, v4, vm0, $0xb8;
	[tilespmem:$0x18800] =	vst v63  }
0x287: {  	v3 =	vadd.s32 v1, v3;
	s13 =	simm.s32 $0x10000  }
0x288: {  	[tilespmem:s13], [sflag:$0x2] =	stream.indirect_vreg.gather [hbm4b:s4+s2], $0x80, v4, vm0, $0xb8;
	[tilespmem:$0x18800] =	vst v63  }
0x289: {  	s13 =	simm.s32 $0x10800  }
0x28a: {  	[tilespmem:s13], [sflag:$0x2] =	stream.indirect_vreg.gather [hbm4b:s5+s2], $0x80, v4, vm0, $0xb8;
	[tilespmem:$0x18800] =	vst v63  }
0x28b: {  	s12 =	simm.s32 $0x11000  }
0x28c: {  	[tilespmem:s12], [sflag:$0x2] =	stream.indirect_vreg.gather [hbm4b:s3+s2], $0x80, v3, vm0, $0xb8;
	[tilespmem:$0x18800] =	vst v63  }
0x28d: {  	s12 =	simm.s32 $0x11800  }
0x28e: {  	[tilespmem:s12], [sflag:$0x2] =	stream.indirect_vreg.gather [hbm4b:s4+s2], $0x80, v3, vm0, $0xb8;
	[tilespmem:$0x18800] =	vst v63  }
0x28f: {  	_ = 	snop  }
0x290: {  	[tilespmem:s7], [sflag:$0x2] =	stream.indirect_vreg.gather [hbm4b:s5+s2], $0x80, v3, vm0, $0xb8;
	[tilespmem:$0x18800] =	vst v63  }
0x291: {  	v3 =	vld [tilespmem:$0x3A0];
	_ =	sdelay $0x4  }
0x292: {  	v30 =	vshrl.u32 v3, $0x3  }
0x293: {  	v4 =	vmul.u32 $0x30, v30  }
0x294: {  	v3 =	vand.u32 $0x7, v3  }
0x295: {  	v3 =	vor.u32 v3, v4  }
0x296: {  	v4 =	vperm.xlane v3, v0;
	_ =	sdelay $0x1  }
0x297: {  	v4 =	vadd.s32 v1, v4;
	_ =	sdelay $0x3  }
0x298: {  	v3 =	vperm.xlane v3, v2  }
0x299: {  	[tilespmem:s15], [sflag:$0x2] =	stream.indirect_vreg.gather [hbm4b:s3+s2], $0x80, v4, vm0, $0xb8;
	[tilespmem:$0x18800] =	vst v63  }
0x29a: {  	s7 =	simm.s32 $0x13000;
	v3 =	vadd.s32 v1, v3  }
0x29b: {  	[tilespmem:s7], [sflag:$0x2] =	stream.indirect_vreg.gather [hbm4b:s4+s2], $0x80, v4, vm0, $0xb8;
	[tilespmem:$0x18800] =	vst v63  }
0x29c: {  	s15 =	simm.s32 $0x13800  }
0x29d: {  	[tilespmem:s15], [sflag:$0x2] =	stream.indirect_vreg.gather [hbm4b:s5+s2], $0x80, v4, vm0, $0xb8;
	[tilespmem:$0x18800] =	vst v63  }
0x29e: {  	s12 =	simm.s32 $0x14000  }
0x29f: {  	[tilespmem:s12], [sflag:$0x2] =	stream.indirect_vreg.gather [hbm4b:s3+s2], $0x80, v3, vm0, $0xb8;
	[tilespmem:$0x18800] =	vst v63  }
0x2a0: {  	s7 =	simm.s32 $0x14800  }
0x2a1: {  	[tilespmem:s7], [sflag:$0x2] =	stream.indirect_vreg.gather [hbm4b:s4+s2], $0x80, v3, vm0, $0xb8;
	[tilespmem:$0x18800] =	vst v63  }
0x2a2: {  	_ = 	snop  }
0x2a3: {  	[tilespmem:s8], [sflag:$0x2] =	stream.indirect_vreg.gather [hbm4b:s5+s2], $0x80, v3, vm0, $0xb8;
	[tilespmem:$0x18800] =	vst v63  }
0x2a4: {  	v3 =	vld [tilespmem:$0x3B0];
	_ =	sdelay $0x4  }
0x2a5: {  	v31 =	vshrl.u32 v3, $0x3  }
0x2a6: {  	v4 =	vmul.u32 $0x30, v31  }
0x2a7: {  	v3 =	vand.u32 $0x7, v3  }
0x2a8: {  	v3 =	vor.u32 v3, v4  }
0x2a9: {  	v4 =	vperm.xlane v3, v0;
	_ =	sdelay $0x1  }
0x2aa: {  	v4 =	vadd.s32 v1, v4;
	_ =	sdelay $0x3  }
0x2ab: {  	v3 =	vperm.xlane v3, v2  }
0x2ac: {  	[tilespmem:s16], [sflag:$0x2] =	stream.indirect_vreg.gather [hbm4b:s3+s2], $0x80, v4, vm0, $0xb8;
	[tilespmem:$0x18800] =	vst v63  }
0x2ad: {  	s8 =	simm.s32 $0x16000;
	v3 =	vadd.s32 v1, v3  }
0x2ae: {  	[tilespmem:s8], [sflag:$0x2] =	stream.indirect_vreg.gather [hbm4b:s4+s2], $0x80, v4, vm0, $0xb8;
	[tilespmem:$0x18800] =	vst v63  }
0x2af: {  	s12 =	simm.s32 $0x16800  }
0x2b0: {  	[tilespmem:s12], [sflag:$0x2] =	stream.indirect_vreg.gather [hbm4b:s5+s2], $0x80, v4, vm0, $0xb8;
	[tilespmem:$0x18800] =	vst v63  }
0x2b1: {  	s16 =	simm.s32 $0x17000  }
0x2b2: {  	[tilespmem:s16], [sflag:$0x2] =	stream.indirect_vreg.gather [hbm4b:s3+s2], $0x80, v3, vm0, $0xb8;
	[tilespmem:$0x18800] =	vst v63  }
0x2b3: {  	s7 =	simm.s32 $0x17800  }
0x2b4: {  	[tilespmem:s7], [sflag:$0x2] =	stream.indirect_vreg.gather [hbm4b:s4+s2], $0x80, v3, vm0, $0xb8;
	[tilespmem:$0x18800] =	vst v63  }
0x2b5: {  	_ = 	snop  }
0x2b6: {  	[tilespmem:s17], [sflag:$0x2] =	stream.indirect_vreg.gather [hbm4b:s5+s2], $0x80, v3, vm0, $0xb8;
	[tilespmem:$0x18800] =	vst v63  }
0x2b7: {  	s8 =	rddreg [dreg:$0xa];
	s16 =	simm.s32 $0x800  }
0x2b8: {  	[hbm4b:s8+s2] =	stream.linear.scatter [tilespmem:s16], [sflag:$0x3], $0xC000, $0x38;
	[tilespmem:$0x18800] =	vst v63  }
0x2b9: {  	_ =	swait.ge [sflag:s9], $0xC000  }
0x2ba: {  	[sflag:s9] =	ssyncset.done $0x0  }
0x2bb: {  	[sflag:s9] =	ssyncadd.s32 $0xFFFF4000  }
0x2bc: {  	_ =	swait.ge [sflag:s10], $0xC000  }
0x2bd: {  	[sflag:s10] =	ssyncset.done $0x0  }
0x2be: {  	[sflag:s10] =	ssyncadd.s32 $0xFFFF4000  }
0x2bf: {  	v3 =	vld [tilespmem:$0x400];
	_ =	sdelay $0x4  }
0x2c0: {  	v32 =	vshrl.u32 v3, $0x3  }
0x2c1: {  	v4 =	vmul.u32 $0x30, v32  }
0x2c2: {  	v3 =	vand.u32 $0x7, v3  }
0x2c3: {  	v3 =	vor.u32 v3, v4  }
0x2c4: {  	v4 =	vperm.xlane v3, v0;
	_ =	sdelay $0x1  }
0x2c5: {  	v4 =	vadd.s32 v1, v4;
	_ =	sdelay $0x3  }
0x2c6: {  	v3 =	vperm.xlane v3, v2  }
0x2c7: {  	[tilespmem:s16], [sflag:$0x1] =	stream.indirect_vreg.gather [hbm4b:s3+s2], $0x80, v4, vm0, $0xb8;
	[tilespmem:$0x18800] =	vst v63  }
0x2c8: {  	v3 =	vadd.s32 v1, v3  }
0x2c9: {  	[tilespmem:s18], [sflag:$0x1] =	stream.indirect_vreg.gather [hbm4b:s4+s2], $0x80, v4, vm0, $0xb8;
	[tilespmem:$0x18800] =	vst v63  }
0x2ca: {  	_ = 	snop  }
0x2cb: {  	[tilespmem:s26], [sflag:$0x1] =	stream.indirect_vreg.gather [hbm4b:s5+s2], $0x80, v4, vm0, $0xb8;
	[tilespmem:$0x18800] =	vst v63  }
0x2cc: {  	_ = 	snop  }
0x2cd: {  	[tilespmem:s19], [sflag:$0x1] =	stream.indirect_vreg.gather [hbm4b:s3+s2], $0x80, v3, vm0, $0xb8;
	[tilespmem:$0x18800] =	vst v63  }
0x2ce: {  	_ = 	snop  }
0x2cf: {  	[tilespmem:s20], [sflag:$0x1] =	stream.indirect_vreg.gather [hbm4b:s4+s2], $0x80, v3, vm0, $0xb8;
	[tilespmem:$0x18800] =	vst v63  }
0x2d0: {  	_ = 	snop  }
0x2d1: {  	[tilespmem:s28], [sflag:$0x1] =	stream.indirect_vreg.gather [hbm4b:s5+s2], $0x80, v3, vm0, $0xb8;
	[tilespmem:$0x18800] =	vst v63  }
0x2d2: {  	v3 =	vld [tilespmem:$0x410];
	_ =	sdelay $0x4  }
0x2d3: {  	v33 =	vshrl.u32 v3, $0x3  }
0x2d4: {  	v4 =	vmul.u32 $0x30, v33  }
0x2d5: {  	v3 =	vand.u32 $0x7, v3  }
0x2d6: {  	v3 =	vor.u32 v3, v4  }
0x2d7: {  	v4 =	vperm.xlane v3, v0;
	_ =	sdelay $0x1  }
0x2d8: {  	v4 =	vadd.s32 v1, v4;
	_ =	sdelay $0x3  }
0x2d9: {  	v3 =	vperm.xlane v3, v2  }
0x2da: {  	[tilespmem:s29], [sflag:$0x1] =	stream.indirect_vreg.gather [hbm4b:s3+s2], $0x80, v4, vm0, $0xb8;
	[tilespmem:$0x18800] =	vst v63  }
0x2db: {  	v3 =	vadd.s32 v1, v3  }
0x2dc: {  	[tilespmem:s21], [sflag:$0x1] =	stream.indirect_vreg.gather [hbm4b:s4+s2], $0x80, v4, vm0, $0xb8;
	[tilespmem:$0x18800] =	vst v63  }
0x2dd: {  	_ = 	snop  }
0x2de: {  	[tilespmem:s22], [sflag:$0x1] =	stream.indirect_vreg.gather [hbm4b:s5+s2], $0x80, v4, vm0, $0xb8;
	[tilespmem:$0x18800] =	vst v63  }
0x2df: {  	_ = 	snop  }
0x2e0: {  	[tilespmem:s23], [sflag:$0x1] =	stream.indirect_vreg.gather [hbm4b:s3+s2], $0x80, v3, vm0, $0xb8;
	[tilespmem:$0x18800] =	vst v63  }
0x2e1: {  	_ = 	snop  }
0x2e2: {  	[tilespmem:s24], [sflag:$0x1] =	stream.indirect_vreg.gather [hbm4b:s4+s2], $0x80, v3, vm0, $0xb8;
	[tilespmem:$0x18800] =	vst v63  }
0x2e3: {  	_ = 	snop  }
0x2e4: {  	[tilespmem:s31], [sflag:$0x1] =	stream.indirect_vreg.gather [hbm4b:s5+s2], $0x80, v3, vm0, $0xb8;
	[tilespmem:$0x18800] =	vst v63  }
0x2e5: {  	v3 =	vld [tilespmem:$0x420];
	_ =	sdelay $0x4  }
0x2e6: {  	v34 =	vshrl.u32 v3, $0x3  }
0x2e7: {  	v4 =	vmul.u32 $0x30, v34  }
0x2e8: {  	v3 =	vand.u32 $0x7, v3  }
0x2e9: {  	v3 =	vor.u32 v3, v4  }
0x2ea: {  	v4 =	vperm.xlane v3, v0;
	_ =	sdelay $0x1  }
0x2eb: {  	v4 =	vadd.s32 v1, v4;
	_ =	sdelay $0x3  }
0x2ec: {  	s31 =	simm.s32 $0x6800;
	v3 =	vperm.xlane v3, v2  }
0x2ed: {  	[tilespmem:s31], [sflag:$0x1] =	stream.indirect_vreg.gather [hbm4b:s3+s2], $0x80, v4, vm0, $0xb8;
	[tilespmem:$0x18800] =	vst v63  }
0x2ee: {  	v3 =	vadd.s32 v1, v3  }
0x2ef: {  	[tilespmem:s25], [sflag:$0x1] =	stream.indirect_vreg.gather [hbm4b:s4+s2], $0x80, v4, vm0, $0xb8;
	[tilespmem:$0x18800] =	vst v63  }
0x2f0: {  	s7 =	simm.s32 $0x7800  }
0x2f1: {  	[tilespmem:s7], [sflag:$0x1] =	stream.indirect_vreg.gather [hbm4b:s5+s2], $0x80, v4, vm0, $0xb8;
	[tilespmem:$0x18800] =	vst v63  }
0x2f2: {  	s8 =	simm.s32 $0x8000  }
0x2f3: {  	[tilespmem:s8], [sflag:$0x1] =	stream.indirect_vreg.gather [hbm4b:s3+s2], $0x80, v3, vm0, $0xb8;
	[tilespmem:$0x18800] =	vst v63  }
0x2f4: {  	s12 =	simm.s32 $0x8800  }
0x2f5: {  	[tilespmem:s12], [sflag:$0x1] =	stream.indirect_vreg.gather [hbm4b:s4+s2], $0x80, v3, vm0, $0xb8;
	[tilespmem:$0x18800] =	vst v63  }
0x2f6: {  	s6 =	simm.s32 $0x9000  }
0x2f7: {  	[tilespmem:s6], [sflag:$0x1] =	stream.indirect_vreg.gather [hbm4b:s5+s2], $0x80, v3, vm0, $0xb8;
	[tilespmem:$0x18800] =	vst v63  }
0x2f8: {  	v3 =	vld [tilespmem:$0x430];
	_ =	sdelay $0x4  }
0x2f9: {  	v35 =	vshrl.u32 v3, $0x3  }
0x2fa: {  	v4 =	vmul.u32 $0x30, v35  }
0x2fb: {  	v3 =	vand.u32 $0x7, v3  }
0x2fc: {  	v3 =	vor.u32 v3, v4  }
0x2fd: {  	v4 =	vperm.xlane v3, v0;
	_ =	sdelay $0x1  }
0x2fe: {  	v4 =	vadd.s32 v1, v4;
	_ =	sdelay $0x3  }
0x2ff: {  	s17 =	simm.s32 $0x9800;
	v3 =	vperm.xlane v3, v2  }
0x300: {  	[tilespmem:s17], [sflag:$0x1] =	stream.indirect_vreg.gather [hbm4b:s3+s2], $0x80, v4, vm0, $0xb8;
	[tilespmem:$0x18800] =	vst v63  }
0x301: {  	s16 =	simm.s32 $0xA000;
	v3 =	vadd.s32 v1, v3  }
0x302: {  	[tilespmem:s16], [sflag:$0x1] =	stream.indirect_vreg.gather [hbm4b:s4+s2], $0x80, v4, vm0, $0xb8;
	[tilespmem:$0x18800] =	vst v63  }
0x303: {  	s18 =	simm.s32 $0xA800  }
0x304: {  	[tilespmem:s18], [sflag:$0x1] =	stream.indirect_vreg.gather [hbm4b:s5+s2], $0x80, v4, vm0, $0xb8;
	[tilespmem:$0x18800] =	vst v63  }
0x305: {  	s19 =	simm.s32 $0xB000  }
0x306: {  	[tilespmem:s19], [sflag:$0x1] =	stream.indirect_vreg.gather [hbm4b:s3+s2], $0x80, v3, vm0, $0xb8;
	[tilespmem:$0x18800] =	vst v63  }
0x307: {  	s20 =	simm.s32 $0xB800  }
0x308: {  	[tilespmem:s20], [sflag:$0x1] =	stream.indirect_vreg.gather [hbm4b:s4+s2], $0x80, v3, vm0, $0xb8;
	[tilespmem:$0x18800] =	vst v63  }
0x309: {  	_ = 	snop  }
0x30a: {  	[tilespmem:s1], [sflag:$0x1] =	stream.indirect_vreg.gather [hbm4b:s5+s2], $0x80, v3, vm0, $0xb8;
	[tilespmem:$0x18800] =	vst v63  }
0x30b: {  	s23 =	rddreg [dreg:$0xb];
	s24 =	simm.s32 $0xC800  }
0x30c: {  	[hbm4b:s23+s2] =	stream.linear.scatter [tilespmem:s24], [sflag:$0x4], $0xC000, $0x38;
	[tilespmem:$0x18800] =	vst v63  }
0x30d: {  	_ =	swait.ge [sflag:s0], $0xC000  }
0x30e: {  	[sflag:s0] =	ssyncset.done $0x0  }
0x30f: {  	[sflag:s0] =	ssyncadd.s32 $0xFFFF4000  }
0x310: {  	_ =	swait.ge [sflag:s11], $0xC000  }
0x311: {  	[sflag:s11] =	ssyncset.done $0x0  }
0x312: {  	[sflag:s11] =	ssyncadd.s32 $0xFFFF4000  }
0x313: {  	v3 =	vld [tilespmem:$0x480];
	_ =	sdelay $0x4  }
0x314: {  	v36 =	vshrl.u32 v3, $0x3  }
0x315: {  	v4 =	vmul.u32 $0x30, v36  }
0x316: {  	v3 =	vand.u32 $0x7, v3  }
0x317: {  	v3 =	vor.u32 v3, v4  }
0x318: {  	v4 =	vperm.xlane v3, v0;
	_ =	sdelay $0x1  }
0x319: {  	v4 =	vadd.s32 v1, v4;
	_ =	sdelay $0x3  }
0x31a: {  	v3 =	vperm.xlane v3, v2  }
0x31b: {  	[tilespmem:s24], [sflag:$0x2] =	stream.indirect_vreg.gather [hbm4b:s3+s2], $0x80, v4, vm0, $0xb8;
	[tilespmem:$0x18800] =	vst v63  }
0x31c: {  	v3 =	vadd.s32 v1, v3  }
0x31d: {  	[tilespmem:s14], [sflag:$0x2] =	stream.indirect_vreg.gather [hbm4b:s4+s2], $0x80, v4, vm0, $0xb8;
	[tilespmem:$0x18800] =	vst v63  }
0x31e: {  	_ = 	snop  }
0x31f: {  	[tilespmem:s30], [sflag:$0x2] =	stream.indirect_vreg.gather [hbm4b:s5+s2], $0x80, v4, vm0, $0xb8;
	[tilespmem:$0x18800] =	vst v63  }
0x320: {  	s25 =	simm.s32 $0xE000  }
0x321: {  	[tilespmem:s25], [sflag:$0x2] =	stream.indirect_vreg.gather [hbm4b:s3+s2], $0x80, v3, vm0, $0xb8;
	[tilespmem:$0x18800] =	vst v63  }
0x322: {  	s26 =	simm.s32 $0xE800  }
0x323: {  	[tilespmem:s26], [sflag:$0x2] =	stream.indirect_vreg.gather [hbm4b:s4+s2], $0x80, v3, vm0, $0xb8;
	[tilespmem:$0x18800] =	vst v63  }
0x324: {  	s16 =	simm.s32 $0xF000  }
0x325: {  	[tilespmem:s16], [sflag:$0x2] =	stream.indirect_vreg.gather [hbm4b:s5+s2], $0x80, v3, vm0, $0xb8;
	[tilespmem:$0x18800] =	vst v63  }
0x326: {  	v3 =	vld [tilespmem:$0x490];
	_ =	sdelay $0x4  }
0x327: {  	v37 =	vshrl.u32 v3, $0x3  }
0x328: {  	v4 =	vmul.u32 $0x30, v37  }
0x329: {  	v3 =	vand.u32 $0x7, v3  }
0x32a: {  	v3 =	vor.u32 v3, v4  }
0x32b: {  	v4 =	vperm.xlane v3, v0;
	_ =	sdelay $0x1  }
0x32c: {  	v4 =	vadd.s32 v1, v4;
	_ =	sdelay $0x3  }
0x32d: {  	s25 =	simm.s32 $0xF800;
	v3 =	vperm.xlane v3, v2  }
0x32e: {  	[tilespmem:s25], [sflag:$0x2] =	stream.indirect_vreg.gather [hbm4b:s3+s2], $0x80, v4, vm0, $0xb8;
	[tilespmem:$0x18800] =	vst v63  }
0x32f: {  	s29 =	simm.s32 $0x10000;
	v3 =	vadd.s32 v1, v3  }
0x330: {  	[tilespmem:s29], [sflag:$0x2] =	stream.indirect_vreg.gather [hbm4b:s4+s2], $0x80, v4, vm0, $0xb8;
	[tilespmem:$0x18800] =	vst v63  }
0x331: {  	_ = 	snop  }
0x332: {  	[tilespmem:s13], [sflag:$0x2] =	stream.indirect_vreg.gather [hbm4b:s5+s2], $0x80, v4, vm0, $0xb8;
	[tilespmem:$0x18800] =	vst v63  }
0x333: {  	s30 =	simm.s32 $0x11000  }
0x334: {  	[tilespmem:s30], [sflag:$0x2] =	stream.indirect_vreg.gather [hbm4b:s3+s2], $0x80, v3, vm0, $0xb8;
	[tilespmem:$0x18800] =	vst v63  }
0x335: {  	s7 =	simm.s32 $0x11800  }
0x336: {  	[tilespmem:s7], [sflag:$0x2] =	stream.indirect_vreg.gather [hbm4b:s4+s2], $0x80, v3, vm0, $0xb8;
	[tilespmem:$0x18800] =	vst v63  }
0x337: {  	s7 =	simm.s32 $0x12000  }
0x338: {  	[tilespmem:s7], [sflag:$0x2] =	stream.indirect_vreg.gather [hbm4b:s5+s2], $0x80, v3, vm0, $0xb8;
	[tilespmem:$0x18800] =	vst v63  }
0x339: {  	v3 =	vld [tilespmem:$0x4A0];
	_ =	sdelay $0x4  }
0x33a: {  	v38 =	vshrl.u32 v3, $0x3  }
0x33b: {  	v4 =	vmul.u32 $0x30, v38  }
0x33c: {  	v3 =	vand.u32 $0x7, v3  }
0x33d: {  	v3 =	vor.u32 v3, v4  }
0x33e: {  	v4 =	vperm.xlane v3, v0;
	_ =	sdelay $0x1  }
0x33f: {  	v4 =	vadd.s32 v1, v4;
	_ =	sdelay $0x3  }
0x340: {  	s29 =	simm.s32 $0x12800;
	v3 =	vperm.xlane v3, v2  }
0x341: {  	[tilespmem:s29], [sflag:$0x2] =	stream.indirect_vreg.gather [hbm4b:s3+s2], $0x80, v4, vm0, $0xb8;
	[tilespmem:$0x18800] =	vst v63  }
0x342: {  	s8 =	simm.s32 $0x13000;
	v3 =	vadd.s32 v1, v3  }
0x343: {  	[tilespmem:s8], [sflag:$0x2] =	stream.indirect_vreg.gather [hbm4b:s4+s2], $0x80, v4, vm0, $0xb8;
	[tilespmem:$0x18800] =	vst v63  }
0x344: {  	_ = 	snop  }
0x345: {  	[tilespmem:s15], [sflag:$0x2] =	stream.indirect_vreg.gather [hbm4b:s5+s2], $0x80, v4, vm0, $0xb8;
	[tilespmem:$0x18800] =	vst v63  }
0x346: {  	s12 =	simm.s32 $0x14000  }
0x347: {  	[tilespmem:s12], [sflag:$0x2] =	stream.indirect_vreg.gather [hbm4b:s3+s2], $0x80, v3, vm0, $0xb8;
	[tilespmem:$0x18800] =	vst v63  }
0x348: {  	s13 =	simm.s32 $0x14800  }
0x349: {  	[tilespmem:s13], [sflag:$0x2] =	stream.indirect_vreg.gather [hbm4b:s4+s2], $0x80, v3, vm0, $0xb8;
	[tilespmem:$0x18800] =	vst v63  }
0x34a: {  	s8 =	simm.s32 $0x15000  }
0x34b: {  	[tilespmem:s8], [sflag:$0x2] =	stream.indirect_vreg.gather [hbm4b:s5+s2], $0x80, v3, vm0, $0xb8;
	[tilespmem:$0x18800] =	vst v63  }
0x34c: {  	v3 =	vld [tilespmem:$0x4B0];
	_ =	sdelay $0x4  }
0x34d: {  	v39 =	vshrl.u32 v3, $0x3  }
0x34e: {  	v4 =	vmul.u32 $0x30, v39  }
0x34f: {  	v3 =	vand.u32 $0x7, v3  }
0x350: {  	v3 =	vor.u32 v3, v4  }
0x351: {  	v4 =	vperm.xlane v3, v0;
	_ =	sdelay $0x1  }
0x352: {  	v4 =	vadd.s32 v1, v4;
	_ =	sdelay $0x3  }
0x353: {  	s14 =	simm.s32 $0x15800;
	v3 =	vperm.xlane v3, v2  }
0x354: {  	[tilespmem:s14], [sflag:$0x2] =	stream.indirect_vreg.gather [hbm4b:s3+s2], $0x80, v4, vm0, $0xb8;
	[tilespmem:$0x18800] =	vst v63  }
0x355: {  	s15 =	simm.s32 $0x16000;
	v3 =	vadd.s32 v1, v3  }
0x356: {  	[tilespmem:s15], [sflag:$0x2] =	stream.indirect_vreg.gather [hbm4b:s4+s2], $0x80, v4, vm0, $0xb8;
	[tilespmem:$0x18800] =	vst v63  }
0x357: {  	s18 =	simm.s32 $0x16800  }
0x358: {  	[tilespmem:s18], [sflag:$0x2] =	stream.indirect_vreg.gather [hbm4b:s5+s2], $0x80, v4, vm0, $0xb8;
	[tilespmem:$0x18800] =	vst v63  }
0x359: {  	s19 =	simm.s32 $0x17000  }
0x35a: {  	[tilespmem:s19], [sflag:$0x2] =	stream.indirect_vreg.gather [hbm4b:s3+s2], $0x80, v3, vm0, $0xb8;
	[tilespmem:$0x18800] =	vst v63  }
0x35b: {  	s20 =	simm.s32 $0x17800  }
0x35c: {  	[tilespmem:s20], [sflag:$0x2] =	stream.indirect_vreg.gather [hbm4b:s4+s2], $0x80, v3, vm0, $0xb8;
	[tilespmem:$0x18800] =	vst v63  }
0x35d: {  	s24 =	simm.s32 $0x18000  }
0x35e: {  	[tilespmem:s24], [sflag:$0x2] =	stream.indirect_vreg.gather [hbm4b:s5+s2], $0x80, v3, vm0, $0xb8;
	[tilespmem:$0x18800] =	vst v63  }
0x35f: {  	s23 =	rddreg [dreg:$0xc];
	s26 =	simm.s32 $0x800  }
0x360: {  	[hbm4b:s23+s2] =	stream.linear.scatter [tilespmem:s26], [sflag:$0x3], $0xC000, $0x38;
	[tilespmem:$0x18800] =	vst v63  }
0x361: {  	_ =	swait.ge [sflag:s9], $0xC000  }
0x362: {  	[sflag:s9] =	ssyncset.done $0x0  }
0x363: {  	[sflag:s9] =	ssyncadd.s32 $0xFFFF4000  }
0x364: {  	_ =	swait.ge [sflag:s10], $0xC000  }
0x365: {  	[sflag:s10] =	ssyncset.done $0x0  }
0x366: {  	[sflag:s10] =	ssyncadd.s32 $0xFFFF4000  }
0x367: {  	v3 =	vld [tilespmem:$0x500];
	_ =	sdelay $0x4  }
0x368: {  	v40 =	vshrl.u32 v3, $0x3  }
0x369: {  	v4 =	vmul.u32 $0x30, v40  }
0x36a: {  	v3 =	vand.u32 $0x7, v3  }
0x36b: {  	v3 =	vor.u32 v3, v4  }
0x36c: {  	v4 =	vperm.xlane v3, v0;
	_ =	sdelay $0x1  }
0x36d: {  	v4 =	vadd.s32 v1, v4;
	_ =	sdelay $0x3  }
0x36e: {  	v3 =	vperm.xlane v3, v2  }
0x36f: {  	[tilespmem:s26], [sflag:$0x1] =	stream.indirect_vreg.gather [hbm4b:s3+s2], $0x80, v4, vm0, $0xb8;
	[tilespmem:$0x18800] =	vst v63  }
0x370: {  	s18 =	simm.s32 $0x1000;
	v3 =	vadd.s32 v1, v3  }
0x371: {  	[tilespmem:s18], [sflag:$0x1] =	stream.indirect_vreg.gather [hbm4b:s4+s2], $0x80, v4, vm0, $0xb8;
	[tilespmem:$0x18800] =	vst v63  }
0x372: {  	s23 =	simm.s32 $0x1800  }
0x373: {  	[tilespmem:s23], [sflag:$0x1] =	stream.indirect_vreg.gather [hbm4b:s5+s2], $0x80, v4, vm0, $0xb8;
	[tilespmem:$0x18800] =	vst v63  }
0x374: {  	s19 =	simm.s32 $0x2000  }
0x375: {  	[tilespmem:s19], [sflag:$0x1] =	stream.indirect_vreg.gather [hbm4b:s3+s2], $0x80, v3, vm0, $0xb8;
	[tilespmem:$0x18800] =	vst v63  }
0x376: {  	s20 =	simm.s32 $0x2800  }
0x377: {  	[tilespmem:s20], [sflag:$0x1] =	stream.indirect_vreg.gather [hbm4b:s4+s2], $0x80, v3, vm0, $0xb8;
	[tilespmem:$0x18800] =	vst v63  }
0x378: {  	s30 =	simm.s32 $0x3000  }
0x379: {  	[tilespmem:s30], [sflag:$0x1] =	stream.indirect_vreg.gather [hbm4b:s5+s2], $0x80, v3, vm0, $0xb8;
	[tilespmem:$0x18800] =	vst v63  }
0x37a: {  	v3 =	vld [tilespmem:$0x510];
	_ =	sdelay $0x4  }
0x37b: {  	v41 =	vshrl.u32 v3, $0x3  }
0x37c: {  	v4 =	vmul.u32 $0x30, v41  }
0x37d: {  	v3 =	vand.u32 $0x7, v3  }
0x37e: {  	v3 =	vor.u32 v3, v4  }
0x37f: {  	v4 =	vperm.xlane v3, v0;
	_ =	sdelay $0x1  }
0x380: {  	v4 =	vadd.s32 v1, v4;
	_ =	sdelay $0x3  }
0x381: {  	s24 =	simm.s32 $0x3800;
	v3 =	vperm.xlane v3, v2  }
0x382: {  	[tilespmem:s24], [sflag:$0x1] =	stream.indirect_vreg.gather [hbm4b:s3+s2], $0x80, v4, vm0, $0xb8;
	[tilespmem:$0x18800] =	vst v63  }
0x383: {  	s21 =	simm.s32 $0x4000;
	v3 =	vadd.s32 v1, v3  }
0x384: {  	[tilespmem:s21], [sflag:$0x1] =	stream.indirect_vreg.gather [hbm4b:s4+s2], $0x80, v4, vm0, $0xb8;
	[tilespmem:$0x18800] =	vst v63  }
0x385: {  	s13 =	simm.s32 $0x4800  }
0x386: {  	[tilespmem:s13], [sflag:$0x1] =	stream.indirect_vreg.gather [hbm4b:s5+s2], $0x80, v4, vm0, $0xb8;
	[tilespmem:$0x18800] =	vst v63  }
0x387: {  	s21 =	simm.s32 $0x5000  }
0x388: {  	[tilespmem:s21], [sflag:$0x1] =	stream.indirect_vreg.gather [hbm4b:s3+s2], $0x80, v3, vm0, $0xb8;
	[tilespmem:$0x18800] =	vst v63  }
0x389: {  	s22 =	simm.s32 $0x5800  }
0x38a: {  	[tilespmem:s22], [sflag:$0x1] =	stream.indirect_vreg.gather [hbm4b:s4+s2], $0x80, v3, vm0, $0xb8;
	[tilespmem:$0x18800] =	vst v63  }
0x38b: {  	s14 =	simm.s32 $0x6000  }
0x38c: {  	[tilespmem:s14], [sflag:$0x1] =	stream.indirect_vreg.gather [hbm4b:s5+s2], $0x80, v3, vm0, $0xb8;
	[tilespmem:$0x18800] =	vst v63  }
0x38d: {  	v3 =	vld [tilespmem:$0x520];
	_ =	sdelay $0x4  }
0x38e: {  	v42 =	vshrl.u32 v3, $0x3  }
0x38f: {  	v4 =	vmul.u32 $0x30, v42  }
0x390: {  	v3 =	vand.u32 $0x7, v3  }
0x391: {  	v3 =	vor.u32 v3, v4  }
0x392: {  	v4 =	vperm.xlane v3, v0;
	_ =	sdelay $0x1  }
0x393: {  	v4 =	vadd.s32 v1, v4;
	_ =	sdelay $0x3  }
0x394: {  	s26 =	simm.s32 $0x6800;
	v3 =	vperm.xlane v3, v2  }
0x395: {  	[tilespmem:s26], [sflag:$0x1] =	stream.indirect_vreg.gather [hbm4b:s3+s2], $0x80, v4, vm0, $0xb8;
	[tilespmem:$0x18800] =	vst v63  }
0x396: {  	s22 =	simm.s32 $0x7000;
	v3 =	vadd.s32 v1, v3  }
0x397: {  	[tilespmem:s22], [sflag:$0x1] =	stream.indirect_vreg.gather [hbm4b:s4+s2], $0x80, v4, vm0, $0xb8;
	[tilespmem:$0x18800] =	vst v63  }
0x398: {  	s28 =	simm.s32 $0x7800  }
0x399: {  	[tilespmem:s28], [sflag:$0x1] =	stream.indirect_vreg.gather [hbm4b:s5+s2], $0x80, v4, vm0, $0xb8;
	[tilespmem:$0x18800] =	vst v63  }
0x39a: {  	s31 =	simm.s32 $0x8000  }
0x39b: {  	[tilespmem:s31], [sflag:$0x1] =	stream.indirect_vreg.gather [hbm4b:s3+s2], $0x80, v3, vm0, $0xb8;
	[tilespmem:$0x18800] =	vst v63  }
0x39c: {  	s15 =	simm.s32 $0x8800  }
0x39d: {  	[tilespmem:s15], [sflag:$0x1] =	stream.indirect_vreg.gather [hbm4b:s4+s2], $0x80, v3, vm0, $0xb8;
	[tilespmem:$0x18800] =	vst v63  }
0x39e: {  	_ = 	snop  }
0x39f: {  	[tilespmem:s6], [sflag:$0x1] =	stream.indirect_vreg.gather [hbm4b:s5+s2], $0x80, v3, vm0, $0xb8;
	[tilespmem:$0x18800] =	vst v63  }
0x3a0: {  	v3 =	vld [tilespmem:$0x530];
	_ =	sdelay $0x4  }
0x3a1: {  	v43 =	vshrl.u32 v3, $0x3  }
0x3a2: {  	v4 =	vmul.u32 $0x30, v43  }
0x3a3: {  	v3 =	vand.u32 $0x7, v3  }
0x3a4: {  	v3 =	vor.u32 v3, v4  }
0x3a5: {  	v4 =	vperm.xlane v3, v0;
	_ =	sdelay $0x1  }
0x3a6: {  	v4 =	vadd.s32 v1, v4;
	_ =	sdelay $0x3  }
0x3a7: {  	v3 =	vperm.xlane v3, v2  }
0x3a8: {  	[tilespmem:s17], [sflag:$0x1] =	stream.indirect_vreg.gather [hbm4b:s3+s2], $0x80, v4, vm0, $0xb8;
	[tilespmem:$0x18800] =	vst v63  }
0x3a9: {  	s28 =	simm.s32 $0xA000;
	v3 =	vadd.s32 v1, v3  }
0x3aa: {  	[tilespmem:s28], [sflag:$0x1] =	stream.indirect_vreg.gather [hbm4b:s4+s2], $0x80, v4, vm0, $0xb8;
	[tilespmem:$0x18800] =	vst v63  }
0x3ab: {  	s31 =	simm.s32 $0xA800  }
0x3ac: {  	[tilespmem:s31], [sflag:$0x1] =	stream.indirect_vreg.gather [hbm4b:s5+s2], $0x80, v4, vm0, $0xb8;
	[tilespmem:$0x18800] =	vst v63  }
0x3ad: {  	s12 =	simm.s32 $0xB000  }
0x3ae: {  	[tilespmem:s12], [sflag:$0x1] =	stream.indirect_vreg.gather [hbm4b:s3+s2], $0x80, v3, vm0, $0xb8;
	[tilespmem:$0x18800] =	vst v63  }
0x3af: {  	s17 =	simm.s32 $0xB800  }
0x3b0: {  	[tilespmem:s17], [sflag:$0x1] =	stream.indirect_vreg.gather [hbm4b:s4+s2], $0x80, v3, vm0, $0xb8;
	[tilespmem:$0x18800] =	vst v63  }
0x3b1: {  	s31 =	simm.s32 $0xC000  }
0x3b2: {  	[tilespmem:s31], [sflag:$0x1] =	stream.indirect_vreg.gather [hbm4b:s5+s2], $0x80, v3, vm0, $0xb8;
	[tilespmem:$0x18800] =	vst v63  }
0x3b3: {  	s6 =	simm.s32 $0xC800;
	s28 =	rddreg [dreg:$0xd]  }
0x3b4: {  	[hbm4b:s28+s2] =	stream.linear.scatter [tilespmem:s6], [sflag:$0x4], $0xC000, $0x38;
	[tilespmem:$0x18800] =	vst v63  }
0x3b5: {  	_ =	swait.ge [sflag:s0], $0xC000  }
0x3b6: {  	[sflag:s0] =	ssyncset.done $0x0  }
0x3b7: {  	[sflag:s0] =	ssyncadd.s32 $0xFFFF4000  }
0x3b8: {  	_ =	swait.ge [sflag:s11], $0xC000  }
0x3b9: {  	[sflag:s11] =	ssyncset.done $0x0  }
0x3ba: {  	[sflag:s11] =	ssyncadd.s32 $0xFFFF4000  }
0x3bb: {  	v3 =	vld [tilespmem:$0x580];
	_ =	sdelay $0x4  }
0x3bc: {  	v44 =	vshrl.u32 v3, $0x3  }
0x3bd: {  	v4 =	vmul.u32 $0x30, v44  }
0x3be: {  	v3 =	vand.u32 $0x7, v3  }
0x3bf: {  	v3 =	vor.u32 v3, v4  }
0x3c0: {  	v4 =	vperm.xlane v3, v0;
	_ =	sdelay $0x1  }
0x3c1: {  	v4 =	vadd.s32 v1, v4;
	_ =	sdelay $0x3  }
0x3c2: {  	v3 =	vperm.xlane v3, v2  }
0x3c3: {  	[tilespmem:s6], [sflag:$0x2] =	stream.indirect_vreg.gather [hbm4b:s3+s2], $0x80, v4, vm0, $0xb8;
	[tilespmem:$0x18800] =	vst v63  }
0x3c4: {  	s17 =	simm.s32 $0xD000;
	v3 =	vadd.s32 v1, v3  }
0x3c5: {  	[tilespmem:s17], [sflag:$0x2] =	stream.indirect_vreg.gather [hbm4b:s4+s2], $0x80, v4, vm0, $0xb8;
	[tilespmem:$0x18800] =	vst v63  }
0x3c6: {  	s28 =	simm.s32 $0xD800  }
0x3c7: {  	[tilespmem:s28], [sflag:$0x2] =	stream.indirect_vreg.gather [hbm4b:s5+s2], $0x80, v4, vm0, $0xb8;
	[tilespmem:$0x18800] =	vst v63  }
0x3c8: {  	s31 =	simm.s32 $0xE000  }
0x3c9: {  	[tilespmem:s31], [sflag:$0x2] =	stream.indirect_vreg.gather [hbm4b:s3+s2], $0x80, v3, vm0, $0xb8;
	[tilespmem:$0x18800] =	vst v63  }
0x3ca: {  	s12 =	simm.s32 $0xE800  }
0x3cb: {  	[tilespmem:s12], [sflag:$0x2] =	stream.indirect_vreg.gather [hbm4b:s4+s2], $0x80, v3, vm0, $0xb8;
	[tilespmem:$0x18800] =	vst v63  }
0x3cc: {  	_ = 	snop  }
0x3cd: {  	[tilespmem:s16], [sflag:$0x2] =	stream.indirect_vreg.gather [hbm4b:s5+s2], $0x80, v3, vm0, $0xb8;
	[tilespmem:$0x18800] =	vst v63  }
0x3ce: {  	v3 =	vld [tilespmem:$0x590];
	_ =	sdelay $0x4  }
0x3cf: {  	v45 =	vshrl.u32 v3, $0x3  }
0x3d0: {  	v4 =	vmul.u32 $0x30, v45  }
0x3d1: {  	v3 =	vand.u32 $0x7, v3  }
0x3d2: {  	v3 =	vor.u32 v3, v4  }
0x3d3: {  	v4 =	vperm.xlane v3, v0;
	_ =	sdelay $0x1  }
0x3d4: {  	v4 =	vadd.s32 v1, v4;
	_ =	sdelay $0x3  }
0x3d5: {  	v3 =	vperm.xlane v3, v2  }
0x3d6: {  	[tilespmem:s25], [sflag:$0x2] =	stream.indirect_vreg.gather [hbm4b:s3+s2], $0x80, v4, vm0, $0xb8;
	[tilespmem:$0x18800] =	vst v63  }
0x3d7: {  	v3 =	vadd.s32 v1, v3;
	s25 =	simm.s32 $0x10000  }
0x3d8: {  	[tilespmem:s25], [sflag:$0x2] =	stream.indirect_vreg.gather [hbm4b:s4+s2], $0x80, v4, vm0, $0xb8;
	[tilespmem:$0x18800] =	vst v63  }
0x3d9: {  	s25 =	simm.s32 $0x10800  }
0x3da: {  	[tilespmem:s25], [sflag:$0x2] =	stream.indirect_vreg.gather [hbm4b:s5+s2], $0x80, v4, vm0, $0xb8;
	[tilespmem:$0x18800] =	vst v63  }
0x3db: {  	s16 =	simm.s32 $0x11000  }
0x3dc: {  	[tilespmem:s16], [sflag:$0x2] =	stream.indirect_vreg.gather [hbm4b:s3+s2], $0x80, v3, vm0, $0xb8;
	[tilespmem:$0x18800] =	vst v63  }
0x3dd: {  	s16 =	simm.s32 $0x11800  }
0x3de: {  	[tilespmem:s16], [sflag:$0x2] =	stream.indirect_vreg.gather [hbm4b:s4+s2], $0x80, v3, vm0, $0xb8;
	[tilespmem:$0x18800] =	vst v63  }
0x3df: {  	_ = 	snop  }
0x3e0: {  	[tilespmem:s7], [sflag:$0x2] =	stream.indirect_vreg.gather [hbm4b:s5+s2], $0x80, v3, vm0, $0xb8;
	[tilespmem:$0x18800] =	vst v63  }
0x3e1: {  	v3 =	vld [tilespmem:$0x5A0];
	_ =	sdelay $0x4  }
0x3e2: {  	v46 =	vshrl.u32 v3, $0x3  }
0x3e3: {  	v4 =	vmul.u32 $0x30, v46  }
0x3e4: {  	v3 =	vand.u32 $0x7, v3  }
0x3e5: {  	v3 =	vor.u32 v3, v4  }
0x3e6: {  	v4 =	vperm.xlane v3, v0;
	_ =	sdelay $0x1  }
0x3e7: {  	v4 =	vadd.s32 v1, v4;
	_ =	sdelay $0x3  }
0x3e8: {  	v3 =	vperm.xlane v3, v2  }
0x3e9: {  	[tilespmem:s29], [sflag:$0x2] =	stream.indirect_vreg.gather [hbm4b:s3+s2], $0x80, v4, vm0, $0xb8;
	[tilespmem:$0x18800] =	vst v63  }
0x3ea: {  	s7 =	simm.s32 $0x13000;
	v3 =	vadd.s32 v1, v3  }
0x3eb: {  	[tilespmem:s7], [sflag:$0x2] =	stream.indirect_vreg.gather [hbm4b:s4+s2], $0x80, v4, vm0, $0xb8;
	[tilespmem:$0x18800] =	vst v63  }
0x3ec: {  	s29 =	simm.s32 $0x13800  }
0x3ed: {  	[tilespmem:s29], [sflag:$0x2] =	stream.indirect_vreg.gather [hbm4b:s5+s2], $0x80, v4, vm0, $0xb8;
	[tilespmem:$0x18800] =	vst v63  }
0x3ee: {  	s16 =	simm.s32 $0x14000  }
0x3ef: {  	[tilespmem:s16], [sflag:$0x2] =	stream.indirect_vreg.gather [hbm4b:s3+s2], $0x80, v3, vm0, $0xb8;
	[tilespmem:$0x18800] =	vst v63  }
0x3f0: {  	s16 =	simm.s32 $0x14800  }
0x3f1: {  	[tilespmem:s16], [sflag:$0x2] =	stream.indirect_vreg.gather [hbm4b:s4+s2], $0x80, v3, vm0, $0xb8;
	[tilespmem:$0x18800] =	vst v63  }
0x3f2: {  	_ = 	snop  }
0x3f3: {  	[tilespmem:s8], [sflag:$0x2] =	stream.indirect_vreg.gather [hbm4b:s5+s2], $0x80, v3, vm0, $0xb8;
	[tilespmem:$0x18800] =	vst v63  }
0x3f4: {  	v3 =	vld [tilespmem:$0x5B0];
	_ =	sdelay $0x4  }
0x3f5: {  	v47 =	vshrl.u32 v3, $0x3  }
0x3f6: {  	v4 =	vmul.u32 $0x30, v47  }
0x3f7: {  	v3 =	vand.u32 $0x7, v3  }
0x3f8: {  	v3 =	vor.u32 v3, v4  }
0x3f9: {  	v4 =	vperm.xlane v3, v0;
	_ =	sdelay $0x1  }
0x3fa: {  	v4 =	vadd.s32 v1, v4;
	_ =	sdelay $0x3  }
0x3fb: {  	s12 =	simm.s32 $0x15800;
	v3 =	vperm.xlane v3, v2  }
0x3fc: {  	[tilespmem:s12], [sflag:$0x2] =	stream.indirect_vreg.gather [hbm4b:s3+s2], $0x80, v4, vm0, $0xb8;
	[tilespmem:$0x18800] =	vst v63  }
0x3fd: {  	s8 =	simm.s32 $0x16000;
	v3 =	vadd.s32 v1, v3  }
0x3fe: {  	[tilespmem:s8], [sflag:$0x2] =	stream.indirect_vreg.gather [hbm4b:s4+s2], $0x80, v4, vm0, $0xb8;
	[tilespmem:$0x18800] =	vst v63  }
0x3ff: {  	s16 =	simm.s32 $0x16800  }
0x400: {  	[tilespmem:s16], [sflag:$0x2] =	stream.indirect_vreg.gather [hbm4b:s5+s2], $0x80, v4, vm0, $0xb8;
	[tilespmem:$0x18800] =	vst v63  }
0x401: {  	s16 =	simm.s32 $0x17000  }
0x402: {  	[tilespmem:s16], [sflag:$0x2] =	stream.indirect_vreg.gather [hbm4b:s3+s2], $0x80, v3, vm0, $0xb8;
	[tilespmem:$0x18800] =	vst v63  }
0x403: {  	s16 =	simm.s32 $0x17800  }
0x404: {  	[tilespmem:s16], [sflag:$0x2] =	stream.indirect_vreg.gather [hbm4b:s4+s2], $0x80, v3, vm0, $0xb8;
	[tilespmem:$0x18800] =	vst v63  }
0x405: {  	s16 =	simm.s32 $0x18000  }
0x406: {  	[tilespmem:s16], [sflag:$0x2] =	stream.indirect_vreg.gather [hbm4b:s5+s2], $0x80, v3, vm0, $0xb8;
	[tilespmem:$0x18800] =	vst v63  }
0x407: {  	s1 =	simm.s32 $0x800;
	s12 =	rddreg [dreg:$0xe]  }
0x408: {  	[hbm4b:s12+s2] =	stream.linear.scatter [tilespmem:s1], [sflag:$0x3], $0xC000, $0x38;
	[tilespmem:$0x18800] =	vst v63  }
0x409: {  	_ =	swait.ge [sflag:s9], $0xC000  }
0x40a: {  	[sflag:s9] =	ssyncset.done $0x0  }
0x40b: {  	[sflag:s9] =	ssyncadd.s32 $0xFFFF4000  }
0x40c: {  	_ =	swait.ge [sflag:s10], $0xC000  }
0x40d: {  	[sflag:s10] =	ssyncset.done $0x0  }
0x40e: {  	[sflag:s10] =	ssyncadd.s32 $0xFFFF4000  }
0x40f: {  	v3 =	vld [tilespmem:$0x600];
	_ =	sdelay $0x4  }
0x410: {  	v48 =	vshrl.u32 v3, $0x3  }
0x411: {  	v4 =	vmul.u32 $0x30, v48  }
0x412: {  	v3 =	vand.u32 $0x7, v3  }
0x413: {  	v3 =	vor.u32 v3, v4  }
0x414: {  	v4 =	vperm.xlane v3, v0;
	_ =	sdelay $0x1  }
0x415: {  	v4 =	vadd.s32 v1, v4;
	_ =	sdelay $0x3  }
0x416: {  	v3 =	vperm.xlane v3, v2  }
0x417: {  	[tilespmem:s1], [sflag:$0x1] =	stream.indirect_vreg.gather [hbm4b:s3+s2], $0x80, v4, vm0, $0xb8;
	[tilespmem:$0x18800] =	vst v63  }
0x418: {  	v3 =	vadd.s32 v1, v3  }
0x419: {  	[tilespmem:s18], [sflag:$0x1] =	stream.indirect_vreg.gather [hbm4b:s4+s2], $0x80, v4, vm0, $0xb8;
	[tilespmem:$0x18800] =	vst v63  }
0x41a: {  	_ = 	snop  }
0x41b: {  	[tilespmem:s23], [sflag:$0x1] =	stream.indirect_vreg.gather [hbm4b:s5+s2], $0x80, v4, vm0, $0xb8;
	[tilespmem:$0x18800] =	vst v63  }
0x41c: {  	_ = 	snop  }
0x41d: {  	[tilespmem:s19], [sflag:$0x1] =	stream.indirect_vreg.gather [hbm4b:s3+s2], $0x80, v3, vm0, $0xb8;
	[tilespmem:$0x18800] =	vst v63  }
0x41e: {  	_ = 	snop  }
0x41f: {  	[tilespmem:s20], [sflag:$0x1] =	stream.indirect_vreg.gather [hbm4b:s4+s2], $0x80, v3, vm0, $0xb8;
	[tilespmem:$0x18800] =	vst v63  }
0x420: {  	_ = 	snop  }
0x421: {  	[tilespmem:s30], [sflag:$0x1] =	stream.indirect_vreg.gather [hbm4b:s5+s2], $0x80, v3, vm0, $0xb8;
	[tilespmem:$0x18800] =	vst v63  }
0x422: {  	v3 =	vld [tilespmem:$0x610];
	_ =	sdelay $0x4  }
0x423: {  	v49 =	vshrl.u32 v3, $0x3  }
0x424: {  	v4 =	vmul.u32 $0x30, v49  }
0x425: {  	v3 =	vand.u32 $0x7, v3  }
0x426: {  	v3 =	vor.u32 v3, v4  }
0x427: {  	v4 =	vperm.xlane v3, v0;
	_ =	sdelay $0x1  }
0x428: {  	v4 =	vadd.s32 v1, v4;
	_ =	sdelay $0x3  }
0x429: {  	v3 =	vperm.xlane v3, v2  }
0x42a: {  	[tilespmem:s24], [sflag:$0x1] =	stream.indirect_vreg.gather [hbm4b:s3+s2], $0x80, v4, vm0, $0xb8;
	[tilespmem:$0x18800] =	vst v63  }
0x42b: {  	s20 =	simm.s32 $0x4000;
	v3 =	vadd.s32 v1, v3  }
0x42c: {  	[tilespmem:s20], [sflag:$0x1] =	stream.indirect_vreg.gather [hbm4b:s4+s2], $0x80, v4, vm0, $0xb8;
	[tilespmem:$0x18800] =	vst v63  }
0x42d: {  	_ = 	snop  }
0x42e: {  	[tilespmem:s13], [sflag:$0x1] =	stream.indirect_vreg.gather [hbm4b:s5+s2], $0x80, v4, vm0, $0xb8;
	[tilespmem:$0x18800] =	vst v63  }
0x42f: {  	_ = 	snop  }
0x430: {  	[tilespmem:s21], [sflag:$0x1] =	stream.indirect_vreg.gather [hbm4b:s3+s2], $0x80, v3, vm0, $0xb8;
	[tilespmem:$0x18800] =	vst v63  }
0x431: {  	s21 =	simm.s32 $0x5800  }
0x432: {  	[tilespmem:s21], [sflag:$0x1] =	stream.indirect_vreg.gather [hbm4b:s4+s2], $0x80, v3, vm0, $0xb8;
	[tilespmem:$0x18800] =	vst v63  }
0x433: {  	_ = 	snop  }
0x434: {  	[tilespmem:s14], [sflag:$0x1] =	stream.indirect_vreg.gather [hbm4b:s5+s2], $0x80, v3, vm0, $0xb8;
	[tilespmem:$0x18800] =	vst v63  }
0x435: {  	v3 =	vld [tilespmem:$0x620];
	_ =	sdelay $0x4  }
0x436: {  	v50 =	vshrl.u32 v3, $0x3  }
0x437: {  	v4 =	vmul.u32 $0x30, v50  }
0x438: {  	v3 =	vand.u32 $0x7, v3  }
0x439: {  	v3 =	vor.u32 v3, v4  }
0x43a: {  	v4 =	vperm.xlane v3, v0;
	_ =	sdelay $0x1  }
0x43b: {  	v4 =	vadd.s32 v1, v4;
	_ =	sdelay $0x3  }
0x43c: {  	v3 =	vperm.xlane v3, v2  }
0x43d: {  	[tilespmem:s26], [sflag:$0x1] =	stream.indirect_vreg.gather [hbm4b:s3+s2], $0x80, v4, vm0, $0xb8;
	[tilespmem:$0x18800] =	vst v63  }
0x43e: {  	v3 =	vadd.s32 v1, v3  }
0x43f: {  	[tilespmem:s22], [sflag:$0x1] =	stream.indirect_vreg.gather [hbm4b:s4+s2], $0x80, v4, vm0, $0xb8;
	[tilespmem:$0x18800] =	vst v63  }
0x440: {  	s22 =	simm.s32 $0x7800  }
0x441: {  	[tilespmem:s22], [sflag:$0x1] =	stream.indirect_vreg.gather [hbm4b:s5+s2], $0x80, v4, vm0, $0xb8;
	[tilespmem:$0x18800] =	vst v63  }
0x442: {  	s26 =	simm.s32 $0x8000  }
0x443: {  	[tilespmem:s26], [sflag:$0x1] =	stream.indirect_vreg.gather [hbm4b:s3+s2], $0x80, v3, vm0, $0xb8;
	[tilespmem:$0x18800] =	vst v63  }
0x444: {  	_ = 	snop  }
0x445: {  	[tilespmem:s15], [sflag:$0x1] =	stream.indirect_vreg.gather [hbm4b:s4+s2], $0x80, v3, vm0, $0xb8;
	[tilespmem:$0x18800] =	vst v63  }
0x446: {  	s12 =	simm.s32 $0x9000  }
0x447: {  	[tilespmem:s12], [sflag:$0x1] =	stream.indirect_vreg.gather [hbm4b:s5+s2], $0x80, v3, vm0, $0xb8;
	[tilespmem:$0x18800] =	vst v63  }
0x448: {  	v3 =	vld [tilespmem:$0x630];
	_ =	sdelay $0x4  }
0x449: {  	v51 =	vshrl.u32 v3, $0x3  }
0x44a: {  	v4 =	vmul.u32 $0x30, v51  }
0x44b: {  	v3 =	vand.u32 $0x7, v3  }
0x44c: {  	v3 =	vor.u32 v3, v4  }
0x44d: {  	v4 =	vperm.xlane v3, v0;
	_ =	sdelay $0x1  }
0x44e: {  	v4 =	vadd.s32 v1, v4;
	_ =	sdelay $0x3  }
0x44f: {  	s15 =	simm.s32 $0x9800;
	v3 =	vperm.xlane v3, v2  }
0x450: {  	[tilespmem:s15], [sflag:$0x1] =	stream.indirect_vreg.gather [hbm4b:s3+s2], $0x80, v4, vm0, $0xb8;
	[tilespmem:$0x18800] =	vst v63  }
0x451: {  	s22 =	simm.s32 $0xA000;
	v3 =	vadd.s32 v1, v3  }
0x452: {  	[tilespmem:s22], [sflag:$0x1] =	stream.indirect_vreg.gather [hbm4b:s4+s2], $0x80, v4, vm0, $0xb8;
	[tilespmem:$0x18800] =	vst v63  }
0x453: {  	s26 =	simm.s32 $0xA800  }
0x454: {  	[tilespmem:s26], [sflag:$0x1] =	stream.indirect_vreg.gather [hbm4b:s5+s2], $0x80, v4, vm0, $0xb8;
	[tilespmem:$0x18800] =	vst v63  }
0x455: {  	s1 =	simm.s32 $0xB000  }
0x456: {  	[tilespmem:s1], [sflag:$0x1] =	stream.indirect_vreg.gather [hbm4b:s3+s2], $0x80, v3, vm0, $0xb8;
	[tilespmem:$0x18800] =	vst v63  }
0x457: {  	s15 =	simm.s32 $0xB800  }
0x458: {  	[tilespmem:s15], [sflag:$0x1] =	stream.indirect_vreg.gather [hbm4b:s4+s2], $0x80, v3, vm0, $0xb8;
	[tilespmem:$0x18800] =	vst v63  }
0x459: {  	s26 =	simm.s32 $0xC000  }
0x45a: {  	[tilespmem:s26], [sflag:$0x1] =	stream.indirect_vreg.gather [hbm4b:s5+s2], $0x80, v3, vm0, $0xb8;
	[tilespmem:$0x18800] =	vst v63  }
0x45b: {  	s6 =	simm.s32 $0xC800;
	s22 =	rddreg [dreg:$0xf]  }
0x45c: {  	[hbm4b:s22+s2] =	stream.linear.scatter [tilespmem:s6], [sflag:$0x4], $0xC000, $0x38;
	[tilespmem:$0x18800] =	vst v63  }
0x45d: {  	_ =	swait.ge [sflag:s0], $0xC000  }
0x45e: {  	[sflag:s0] =	ssyncset.done $0x0  }
0x45f: {  	[sflag:s0] =	ssyncadd.s32 $0xFFFF4000  }
0x460: {  	_ =	swait.ge [sflag:s11], $0xC000  }
0x461: {  	[sflag:s11] =	ssyncset.done $0x0  }
0x462: {  	[sflag:s11] =	ssyncadd.s32 $0xFFFF4000  }
0x463: {  	v3 =	vld [tilespmem:$0x680];
	_ =	sdelay $0x4  }
0x464: {  	v52 =	vshrl.u32 v3, $0x3  }
0x465: {  	v4 =	vmul.u32 $0x30, v52  }
0x466: {  	v3 =	vand.u32 $0x7, v3  }
0x467: {  	v3 =	vor.u32 v3, v4  }
0x468: {  	v4 =	vperm.xlane v3, v0;
	_ =	sdelay $0x1  }
0x469: {  	v4 =	vadd.s32 v1, v4;
	_ =	sdelay $0x3  }
0x46a: {  	v3 =	vperm.xlane v3, v2  }
0x46b: {  	[tilespmem:s6], [sflag:$0x2] =	stream.indirect_vreg.gather [hbm4b:s3+s2], $0x80, v4, vm0, $0xb8;
	[tilespmem:$0x18800] =	vst v63  }
0x46c: {  	v3 =	vadd.s32 v1, v3  }
0x46d: {  	[tilespmem:s17], [sflag:$0x2] =	stream.indirect_vreg.gather [hbm4b:s4+s2], $0x80, v4, vm0, $0xb8;
	[tilespmem:$0x18800] =	vst v63  }
0x46e: {  	_ = 	snop  }
0x46f: {  	[tilespmem:s28], [sflag:$0x2] =	stream.indirect_vreg.gather [hbm4b:s5+s2], $0x80, v4, vm0, $0xb8;
	[tilespmem:$0x18800] =	vst v63  }
0x470: {  	_ = 	snop  }
0x471: {  	[tilespmem:s31], [sflag:$0x2] =	stream.indirect_vreg.gather [hbm4b:s3+s2], $0x80, v3, vm0, $0xb8;
	[tilespmem:$0x18800] =	vst v63  }
0x472: {  	s6 =	simm.s32 $0xE800  }
0x473: {  	[tilespmem:s6], [sflag:$0x2] =	stream.indirect_vreg.gather [hbm4b:s4+s2], $0x80, v3, vm0, $0xb8;
	[tilespmem:$0x18800] =	vst v63  }
0x474: {  	s15 =	simm.s32 $0xF000  }
0x475: {  	[tilespmem:s15], [sflag:$0x2] =	stream.indirect_vreg.gather [hbm4b:s5+s2], $0x80, v3, vm0, $0xb8;
	[tilespmem:$0x18800] =	vst v63  }
0x476: {  	v3 =	vld [tilespmem:$0x690];
	_ =	sdelay $0x4  }
0x477: {  	v53 =	vshrl.u32 v3, $0x3  }
0x478: {  	v4 =	vmul.u32 $0x30, v53  }
0x479: {  	v3 =	vand.u32 $0x7, v3  }
0x47a: {  	v3 =	vor.u32 v3, v4  }
0x47b: {  	v4 =	vperm.xlane v3, v0;
	_ =	sdelay $0x1  }
0x47c: {  	v4 =	vadd.s32 v1, v4;
	_ =	sdelay $0x3  }
0x47d: {  	s28 =	simm.s32 $0xF800;
	v3 =	vperm.xlane v3, v2  }
0x47e: {  	[tilespmem:s28], [sflag:$0x2] =	stream.indirect_vreg.gather [hbm4b:s3+s2], $0x80, v4, vm0, $0xb8;
	[tilespmem:$0x18800] =	vst v63  }
0x47f: {  	s31 =	simm.s32 $0x10000;
	v3 =	vadd.s32 v1, v3  }
0x480: {  	[tilespmem:s31], [sflag:$0x2] =	stream.indirect_vreg.gather [hbm4b:s4+s2], $0x80, v4, vm0, $0xb8;
	[tilespmem:$0x18800] =	vst v63  }
0x481: {  	_ = 	snop  }
0x482: {  	[tilespmem:s25], [sflag:$0x2] =	stream.indirect_vreg.gather [hbm4b:s5+s2], $0x80, v4, vm0, $0xb8;
	[tilespmem:$0x18800] =	vst v63  }
0x483: {  	s6 =	simm.s32 $0x11000  }
0x484: {  	[tilespmem:s6], [sflag:$0x2] =	stream.indirect_vreg.gather [hbm4b:s3+s2], $0x80, v3, vm0, $0xb8;
	[tilespmem:$0x18800] =	vst v63  }
0x485: {  	s12 =	simm.s32 $0x11800  }
0x486: {  	[tilespmem:s12], [sflag:$0x2] =	stream.indirect_vreg.gather [hbm4b:s4+s2], $0x80, v3, vm0, $0xb8;
	[tilespmem:$0x18800] =	vst v63  }
0x487: {  	s15 =	simm.s32 $0x12000  }
0x488: {  	[tilespmem:s15], [sflag:$0x2] =	stream.indirect_vreg.gather [hbm4b:s5+s2], $0x80, v3, vm0, $0xb8;
	[tilespmem:$0x18800] =	vst v63  }
0x489: {  	v3 =	vld [tilespmem:$0x6A0];
	_ =	sdelay $0x4  }
0x48a: {  	v54 =	vshrl.u32 v3, $0x3  }
0x48b: {  	v4 =	vmul.u32 $0x30, v54  }
0x48c: {  	v3 =	vand.u32 $0x7, v3  }
0x48d: {  	v3 =	vor.u32 v3, v4  }
0x48e: {  	v4 =	vperm.xlane v3, v0;
	_ =	sdelay $0x1  }
0x48f: {  	v4 =	vadd.s32 v1, v4;
	_ =	sdelay $0x3  }
0x490: {  	s6 =	simm.s32 $0x12800;
	v3 =	vperm.xlane v3, v2  }
0x491: {  	[tilespmem:s6], [sflag:$0x2] =	stream.indirect_vreg.gather [hbm4b:s3+s2], $0x80, v4, vm0, $0xb8;
	[tilespmem:$0x18800] =	vst v63  }
0x492: {  	v3 =	vadd.s32 v1, v3  }
0x493: {  	[tilespmem:s7], [sflag:$0x2] =	stream.indirect_vreg.gather [hbm4b:s4+s2], $0x80, v4, vm0, $0xb8;
	[tilespmem:$0x18800] =	vst v63  }
0x494: {  	_ = 	snop  }
0x495: {  	[tilespmem:s29], [sflag:$0x2] =	stream.indirect_vreg.gather [hbm4b:s5+s2], $0x80, v4, vm0, $0xb8;
	[tilespmem:$0x18800] =	vst v63  }
0x496: {  	s12 =	simm.s32 $0x14000  }
0x497: {  	[tilespmem:s12], [sflag:$0x2] =	stream.indirect_vreg.gather [hbm4b:s3+s2], $0x80, v3, vm0, $0xb8;
	[tilespmem:$0x18800] =	vst v63  }
0x498: {  	s15 =	simm.s32 $0x14800  }
0x499: {  	[tilespmem:s15], [sflag:$0x2] =	stream.indirect_vreg.gather [hbm4b:s4+s2], $0x80, v3, vm0, $0xb8;
	[tilespmem:$0x18800] =	vst v63  }
0x49a: {  	s6 =	simm.s32 $0x15000  }
0x49b: {  	[tilespmem:s6], [sflag:$0x2] =	stream.indirect_vreg.gather [hbm4b:s5+s2], $0x80, v3, vm0, $0xb8;
	[tilespmem:$0x18800] =	vst v63  }
0x49c: {  	v3 =	vld [tilespmem:$0x6B0];
	_ =	sdelay $0x4  }
0x49d: {  	v55 =	vshrl.u32 v3, $0x3  }
0x49e: {  	v4 =	vmul.u32 $0x30, v55  }
0x49f: {  	v3 =	vand.u32 $0x7, v3  }
0x4a0: {  	v3 =	vor.u32 v3, v4  }
0x4a1: {  	v4 =	vperm.xlane v3, v0;
	_ =	sdelay $0x1  }
0x4a2: {  	v4 =	vadd.s32 v1, v4;
	_ =	sdelay $0x3  }
0x4a3: {  	s12 =	simm.s32 $0x15800;
	v3 =	vperm.xlane v3, v2  }
0x4a4: {  	[tilespmem:s12], [sflag:$0x2] =	stream.indirect_vreg.gather [hbm4b:s3+s2], $0x80, v4, vm0, $0xb8;
	[tilespmem:$0x18800] =	vst v63  }
0x4a5: {  	v3 =	vadd.s32 v1, v3  }
0x4a6: {  	[tilespmem:s8], [sflag:$0x2] =	stream.indirect_vreg.gather [hbm4b:s4+s2], $0x80, v4, vm0, $0xb8;
	[tilespmem:$0x18800] =	vst v63  }
0x4a7: {  	s15 =	simm.s32 $0x16800  }
0x4a8: {  	[tilespmem:s15], [sflag:$0x2] =	stream.indirect_vreg.gather [hbm4b:s5+s2], $0x80, v4, vm0, $0xb8;
	[tilespmem:$0x18800] =	vst v63  }
0x4a9: {  	s6 =	simm.s32 $0x17000  }
0x4aa: {  	[tilespmem:s6], [sflag:$0x2] =	stream.indirect_vreg.gather [hbm4b:s3+s2], $0x80, v3, vm0, $0xb8;
	[tilespmem:$0x18800] =	vst v63  }
0x4ab: {  	s12 =	simm.s32 $0x17800  }
0x4ac: {  	[tilespmem:s12], [sflag:$0x2] =	stream.indirect_vreg.gather [hbm4b:s4+s2], $0x80, v3, vm0, $0xb8;
	[tilespmem:$0x18800] =	vst v63  }
0x4ad: {  	s6 =	simm.s32 $0x18000  }
0x4ae: {  	[tilespmem:s6], [sflag:$0x2] =	stream.indirect_vreg.gather [hbm4b:s5+s2], $0x80, v3, vm0, $0xb8;
	[tilespmem:$0x18800] =	vst v63  }
0x4af: {  	s12 =	rddreg [dreg:$0x10];
	s6 =	simm.s32 $0x800  }
0x4b0: {  	[hbm4b:s12+s2] =	stream.linear.scatter [tilespmem:s6], [sflag:$0x3], $0xC000, $0x38;
	[tilespmem:$0x18800] =	vst v63  }
0x4b1: {  	_ =	swait.ge [sflag:s9], $0xC000  }
0x4b2: {  	[sflag:s9] =	ssyncset.done $0x0  }
0x4b3: {  	[sflag:s9] =	ssyncadd.s32 $0xFFFF4000  }
0x4b4: {  	_ =	swait.ge [sflag:s10], $0xC000  }
0x4b5: {  	[sflag:s10] =	ssyncset.done $0x0  }
0x4b6: {  	[sflag:s10] =	ssyncadd.s32 $0xFFFF4000  }
0x4b7: {  	v3 =	vld [tilespmem:$0x700];
	_ =	sdelay $0x4  }
0x4b8: {  	v56 =	vshrl.u32 v3, $0x3  }
0x4b9: {  	v4 =	vmul.u32 $0x30, v56  }
0x4ba: {  	v3 =	vand.u32 $0x7, v3  }
0x4bb: {  	v3 =	vor.u32 v3, v4  }
0x4bc: {  	v4 =	vperm.xlane v3, v0;
	_ =	sdelay $0x1  }
0x4bd: {  	v4 =	vadd.s32 v1, v4;
	_ =	sdelay $0x3  }
0x4be: {  	v3 =	vperm.xlane v3, v2  }
0x4bf: {  	[tilespmem:s6], [sflag:$0x1] =	stream.indirect_vreg.gather [hbm4b:s3+s2], $0x80, v4, vm0, $0xb8;
	[tilespmem:$0x18800] =	vst v63  }
0x4c0: {  	s16 =	simm.s32 $0x1000;
	v3 =	vadd.s32 v1, v3  }
0x4c1: {  	[tilespmem:s16], [sflag:$0x1] =	stream.indirect_vreg.gather [hbm4b:s4+s2], $0x80, v4, vm0, $0xb8;
	[tilespmem:$0x18800] =	vst v63  }
0x4c2: {  	s23 =	simm.s32 $0x1800  }
0x4c3: {  	[tilespmem:s23], [sflag:$0x1] =	stream.indirect_vreg.gather [hbm4b:s5+s2], $0x80, v4, vm0, $0xb8;
	[tilespmem:$0x18800] =	vst v63  }
0x4c4: {  	s18 =	simm.s32 $0x2000  }
0x4c5: {  	[tilespmem:s18], [sflag:$0x1] =	stream.indirect_vreg.gather [hbm4b:s3+s2], $0x80, v3, vm0, $0xb8;
	[tilespmem:$0x18800] =	vst v63  }
0x4c6: {  	s19 =	simm.s32 $0x2800  }
0x4c7: {  	[tilespmem:s19], [sflag:$0x1] =	stream.indirect_vreg.gather [hbm4b:s4+s2], $0x80, v3, vm0, $0xb8;
	[tilespmem:$0x18800] =	vst v63  }
0x4c8: {  	s30 =	simm.s32 $0x3000  }
0x4c9: {  	[tilespmem:s30], [sflag:$0x1] =	stream.indirect_vreg.gather [hbm4b:s5+s2], $0x80, v3, vm0, $0xb8;
	[tilespmem:$0x18800] =	vst v63  }
0x4ca: {  	v3 =	vld [tilespmem:$0x710];
	_ =	sdelay $0x4  }
0x4cb: {  	v57 =	vshrl.u32 v3, $0x3  }
0x4cc: {  	v4 =	vmul.u32 $0x30, v57  }
0x4cd: {  	v3 =	vand.u32 $0x7, v3  }
0x4ce: {  	v3 =	vor.u32 v3, v4  }
0x4cf: {  	v4 =	vperm.xlane v3, v0;
	_ =	sdelay $0x1  }
0x4d0: {  	v4 =	vadd.s32 v1, v4;
	_ =	sdelay $0x3  }
0x4d1: {  	s24 =	simm.s32 $0x3800;
	v3 =	vperm.xlane v3, v2  }
0x4d2: {  	[tilespmem:s24], [sflag:$0x1] =	stream.indirect_vreg.gather [hbm4b:s3+s2], $0x80, v4, vm0, $0xb8;
	[tilespmem:$0x18800] =	vst v63  }
0x4d3: {  	s23 =	simm.s32 $0x4000;
	v3 =	vadd.s32 v1, v3  }
0x4d4: {  	[tilespmem:s23], [sflag:$0x1] =	stream.indirect_vreg.gather [hbm4b:s4+s2], $0x80, v4, vm0, $0xb8;
	[tilespmem:$0x18800] =	vst v63  }
0x4d5: {  	s13 =	simm.s32 $0x4800  }
0x4d6: {  	[tilespmem:s13], [sflag:$0x1] =	stream.indirect_vreg.gather [hbm4b:s5+s2], $0x80, v4, vm0, $0xb8;
	[tilespmem:$0x18800] =	vst v63  }
0x4d7: {  	s20 =	simm.s32 $0x5000  }
0x4d8: {  	[tilespmem:s20], [sflag:$0x1] =	stream.indirect_vreg.gather [hbm4b:s3+s2], $0x80, v3, vm0, $0xb8;
	[tilespmem:$0x18800] =	vst v63  }
0x4d9: {  	s24 =	simm.s32 $0x5800  }
0x4da: {  	[tilespmem:s24], [sflag:$0x1] =	stream.indirect_vreg.gather [hbm4b:s4+s2], $0x80, v3, vm0, $0xb8;
	[tilespmem:$0x18800] =	vst v63  }
0x4db: {  	s14 =	simm.s32 $0x6000  }
0x4dc: {  	[tilespmem:s14], [sflag:$0x1] =	stream.indirect_vreg.gather [hbm4b:s5+s2], $0x80, v3, vm0, $0xb8;
	[tilespmem:$0x18800] =	vst v63  }
0x4dd: {  	v3 =	vld [tilespmem:$0x720];
	_ =	sdelay $0x4  }
0x4de: {  	v58 =	vshrl.u32 v3, $0x3  }
0x4df: {  	v4 =	vmul.u32 $0x30, v58  }
0x4e0: {  	v3 =	vand.u32 $0x7, v3  }
0x4e1: {  	v3 =	vor.u32 v3, v4  }
0x4e2: {  	v4 =	vperm.xlane v3, v0;
	_ =	sdelay $0x1  }
0x4e3: {  	v4 =	vadd.s32 v1, v4;
	_ =	sdelay $0x3  }
0x4e4: {  	s30 =	simm.s32 $0x6800;
	v3 =	vperm.xlane v3, v2  }
0x4e5: {  	[tilespmem:s30], [sflag:$0x1] =	stream.indirect_vreg.gather [hbm4b:s3+s2], $0x80, v4, vm0, $0xb8;
	[tilespmem:$0x18800] =	vst v63  }
0x4e6: {  	s21 =	simm.s32 $0x7000;
	v3 =	vadd.s32 v1, v3  }
0x4e7: {  	[tilespmem:s21], [sflag:$0x1] =	stream.indirect_vreg.gather [hbm4b:s4+s2], $0x80, v4, vm0, $0xb8;
	[tilespmem:$0x18800] =	vst v63  }
0x4e8: {  	s12 =	simm.s32 $0x7800  }
0x4e9: {  	[tilespmem:s12], [sflag:$0x1] =	stream.indirect_vreg.gather [hbm4b:s5+s2], $0x80, v4, vm0, $0xb8;
	[tilespmem:$0x18800] =	vst v63  }
0x4ea: {  	s13 =	simm.s32 $0x8000  }
0x4eb: {  	[tilespmem:s13], [sflag:$0x1] =	stream.indirect_vreg.gather [hbm4b:s3+s2], $0x80, v3, vm0, $0xb8;
	[tilespmem:$0x18800] =	vst v63  }
0x4ec: {  	s14 =	simm.s32 $0x8800  }
0x4ed: {  	[tilespmem:s14], [sflag:$0x1] =	stream.indirect_vreg.gather [hbm4b:s4+s2], $0x80, v3, vm0, $0xb8;
	[tilespmem:$0x18800] =	vst v63  }
0x4ee: {  	s16 =	simm.s32 $0x9000  }
0x4ef: {  	[tilespmem:s16], [sflag:$0x1] =	stream.indirect_vreg.gather [hbm4b:s5+s2], $0x80, v3, vm0, $0xb8;
	[tilespmem:$0x18800] =	vst v63  }
0x4f0: {  	v3 =	vld [tilespmem:$0x730];
	_ =	sdelay $0x4  }
0x4f1: {  	v59 =	vshrl.u32 v3, $0x3  }
0x4f2: {  	v4 =	vmul.u32 $0x30, v59  }
0x4f3: {  	v3 =	vand.u32 $0x7, v3  }
0x4f4: {  	v3 =	vor.u32 v3, v4  }
0x4f5: {  	v4 =	vperm.xlane v3, v0;
	_ =	sdelay $0x1  }
0x4f6: {  	v4 =	vadd.s32 v1, v4;
	_ =	sdelay $0x3  }
0x4f7: {  	s18 =	simm.s32 $0x9800;
	v3 =	vperm.xlane v3, v2  }
0x4f8: {  	[tilespmem:s18], [sflag:$0x1] =	stream.indirect_vreg.gather [hbm4b:s3+s2], $0x80, v4, vm0, $0xb8;
	[tilespmem:$0x18800] =	vst v63  }
0x4f9: {  	s19 =	simm.s32 $0xA000;
	v3 =	vadd.s32 v1, v3  }
0x4fa: {  	[tilespmem:s19], [sflag:$0x1] =	stream.indirect_vreg.gather [hbm4b:s4+s2], $0x80, v4, vm0, $0xb8;
	[tilespmem:$0x18800] =	vst v63  }
0x4fb: {  	s20 =	simm.s32 $0xA800  }
0x4fc: {  	[tilespmem:s20], [sflag:$0x1] =	stream.indirect_vreg.gather [hbm4b:s5+s2], $0x80, v4, vm0, $0xb8;
	[tilespmem:$0x18800] =	vst v63  }
0x4fd: {  	s21 =	simm.s32 $0xB000  }
0x4fe: {  	[tilespmem:s21], [sflag:$0x1] =	stream.indirect_vreg.gather [hbm4b:s3+s2], $0x80, v3, vm0, $0xb8;
	[tilespmem:$0x18800] =	vst v63  }
0x4ff: {  	s23 =	simm.s32 $0xB800  }
0x500: {  	[tilespmem:s23], [sflag:$0x1] =	stream.indirect_vreg.gather [hbm4b:s4+s2], $0x80, v3, vm0, $0xb8;
	[tilespmem:$0x18800] =	vst v63  }
0x501: {  	s30 =	simm.s32 $0xC000  }
0x502: {  	[tilespmem:s30], [sflag:$0x1] =	stream.indirect_vreg.gather [hbm4b:s5+s2], $0x80, v3, vm0, $0xb8;
	[tilespmem:$0x18800] =	vst v63  }
0x503: {  	s24 =	rddreg [dreg:$0x11];
	s13 =	simm.s32 $0xC800  }
0x504: {  	[hbm4b:s24+s2] =	stream.linear.scatter [tilespmem:s13], [sflag:$0x4], $0xC000, $0x38;
	[tilespmem:$0x18800] =	vst v63  }
0x505: {  	_ =	swait.ge [sflag:s0], $0xC000  }
0x506: {  	[sflag:s0] =	ssyncset.done $0x0  }
0x507: {  	[sflag:s0] =	ssyncadd.s32 $0xFFFF4000  }
0x508: {  	_ =	swait.ge [sflag:s11], $0xC000  }
0x509: {  	[sflag:s11] =	ssyncset.done $0x0  }
0x50a: {  	[sflag:s11] =	ssyncadd.s32 $0xFFFF4000  }
0x50b: {  	v3 =	vld [tilespmem:$0x780];
	_ =	sdelay $0x4  }
0x50c: {  	v60 =	vshrl.u32 v3, $0x3  }
0x50d: {  	v4 =	vmul.u32 $0x30, v60  }
0x50e: {  	v3 =	vand.u32 $0x7, v3  }
0x50f: {  	v3 =	vor.u32 v3, v4  }
0x510: {  	v4 =	vperm.xlane v3, v0;
	_ =	sdelay $0x1  }
0x511: {  	v4 =	vadd.s32 v1, v4;
	_ =	sdelay $0x3  }
0x512: {  	v3 =	vperm.xlane v3, v2  }
0x513: {  	[tilespmem:s13], [sflag:$0x2] =	stream.indirect_vreg.gather [hbm4b:s3+s2], $0x80, v4, vm0, $0xb8;
	[tilespmem:$0x18800] =	vst v63  }
0x514: {  	s14 =	simm.s32 $0xD000;
	v3 =	vadd.s32 v1, v3  }
0x515: {  	[tilespmem:s14], [sflag:$0x2] =	stream.indirect_vreg.gather [hbm4b:s4+s2], $0x80, v4, vm0, $0xb8;
	[tilespmem:$0x18800] =	vst v63  }
0x516: {  	s17 =	simm.s32 $0xD800  }
0x517: {  	[tilespmem:s17], [sflag:$0x2] =	stream.indirect_vreg.gather [hbm4b:s5+s2], $0x80, v4, vm0, $0xb8;
	[tilespmem:$0x18800] =	vst v63  }
0x518: {  	s22 =	simm.s32 $0xE000  }
0x519: {  	[tilespmem:s22], [sflag:$0x2] =	stream.indirect_vreg.gather [hbm4b:s3+s2], $0x80, v3, vm0, $0xb8;
	[tilespmem:$0x18800] =	vst v63  }
0x51a: {  	s26 =	simm.s32 $0xE800  }
0x51b: {  	[tilespmem:s26], [sflag:$0x2] =	stream.indirect_vreg.gather [hbm4b:s4+s2], $0x80, v3, vm0, $0xb8;
	[tilespmem:$0x18800] =	vst v63  }
0x51c: {  	s17 =	simm.s32 $0xF000  }
0x51d: {  	[tilespmem:s17], [sflag:$0x2] =	stream.indirect_vreg.gather [hbm4b:s5+s2], $0x80, v3, vm0, $0xb8;
	[tilespmem:$0x18800] =	vst v63  }
0x51e: {  	v3 =	vld [tilespmem:$0x790];
	_ =	sdelay $0x4  }
0x51f: {  	v61 =	vshrl.u32 v3, $0x3  }
0x520: {  	v4 =	vmul.u32 $0x30, v61  }
0x521: {  	v3 =	vand.u32 $0x7, v3  }
0x522: {  	v3 =	vor.u32 v3, v4  }
0x523: {  	v4 =	vperm.xlane v3, v0;
	_ =	sdelay $0x1  }
0x524: {  	v4 =	vadd.s32 v1, v4;
	_ =	sdelay $0x3  }
0x525: {  	s18 =	simm.s32 $0xF800;
	v3 =	vperm.xlane v3, v2  }
0x526: {  	[tilespmem:s18], [sflag:$0x2] =	stream.indirect_vreg.gather [hbm4b:s3+s2], $0x80, v4, vm0, $0xb8;
	[tilespmem:$0x18800] =	vst v63  }
0x527: {  	s28 =	simm.s32 $0x10000;
	v3 =	vadd.s32 v1, v3  }
0x528: {  	[tilespmem:s28], [sflag:$0x2] =	stream.indirect_vreg.gather [hbm4b:s4+s2], $0x80, v4, vm0, $0xb8;
	[tilespmem:$0x18800] =	vst v63  }
0x529: {  	s25 =	simm.s32 $0x10800  }
0x52a: {  	[tilespmem:s25], [sflag:$0x2] =	stream.indirect_vreg.gather [hbm4b:s5+s2], $0x80, v4, vm0, $0xb8;
	[tilespmem:$0x18800] =	vst v63  }
0x52b: {  	s31 =	simm.s32 $0x11000  }
0x52c: {  	[tilespmem:s31], [sflag:$0x2] =	stream.indirect_vreg.gather [hbm4b:s3+s2], $0x80, v3, vm0, $0xb8;
	[tilespmem:$0x18800] =	vst v63  }
0x52d: {  	s19 =	simm.s32 $0x11800  }
0x52e: {  	[tilespmem:s19], [sflag:$0x2] =	stream.indirect_vreg.gather [hbm4b:s4+s2], $0x80, v3, vm0, $0xb8;
	[tilespmem:$0x18800] =	vst v63  }
0x52f: {  	s20 =	simm.s32 $0x12000  }
0x530: {  	[tilespmem:s20], [sflag:$0x2] =	stream.indirect_vreg.gather [hbm4b:s5+s2], $0x80, v3, vm0, $0xb8;
	[tilespmem:$0x18800] =	vst v63  }
0x531: {  	v3 =	vld [tilespmem:$0x7A0];
	_ =	sdelay $0x4  }
0x532: {  	v62 =	vshrl.u32 v3, $0x3  }
0x533: {  	v4 =	vmul.u32 $0x30, v62  }
0x534: {  	v3 =	vand.u32 $0x7, v3  }
0x535: {  	v3 =	vor.u32 v3, v4  }
0x536: {  	v4 =	vperm.xlane v3, v0;
	_ =	sdelay $0x1  }
0x537: {  	v4 =	vadd.s32 v1, v4;
	_ =	sdelay $0x3  }
0x538: {  	s21 =	simm.s32 $0x12800;
	v3 =	vperm.xlane v3, v2  }
0x539: {  	[tilespmem:s21], [sflag:$0x2] =	stream.indirect_vreg.gather [hbm4b:s3+s2], $0x80, v4, vm0, $0xb8;
	[tilespmem:$0x18800] =	vst v63  }
0x53a: {  	s7 =	simm.s32 $0x13000;
	v3 =	vadd.s32 v1, v3  }
0x53b: {  	[tilespmem:s7], [sflag:$0x2] =	stream.indirect_vreg.gather [hbm4b:s4+s2], $0x80, v4, vm0, $0xb8;
	[tilespmem:$0x18800] =	vst v63  }
0x53c: {  	s29 =	simm.s32 $0x13800  }
0x53d: {  	[tilespmem:s29], [sflag:$0x2] =	stream.indirect_vreg.gather [hbm4b:s5+s2], $0x80, v4, vm0, $0xb8;
	[tilespmem:$0x18800] =	vst v63  }
0x53e: {  	s22 =	simm.s32 $0x14000  }
0x53f: {  	[tilespmem:s22], [sflag:$0x2] =	stream.indirect_vreg.gather [hbm4b:s3+s2], $0x80, v3, vm0, $0xb8;
	[tilespmem:$0x18800] =	vst v63  }
0x540: {  	s23 =	simm.s32 $0x14800  }
0x541: {  	[tilespmem:s23], [sflag:$0x2] =	stream.indirect_vreg.gather [hbm4b:s4+s2], $0x80, v3, vm0, $0xb8;
	[tilespmem:$0x18800] =	vst v63  }
0x542: {  	s24 =	simm.s32 $0x15000  }
0x543: {  	[tilespmem:s24], [sflag:$0x2] =	stream.indirect_vreg.gather [hbm4b:s5+s2], $0x80, v3, vm0, $0xb8;
	[tilespmem:$0x18800] =	vst v63  }
0x544: {  	v3 =	vld [tilespmem:$0x7B0];
	_ =	sdelay $0x4  }
0x545: {  	v63 =	vshrl.u32 v3, $0x3  }
0x546: {  	v4 =	vmul.u32 $0x30, v63  }
0x547: {  	v3 =	vand.u32 $0x7, v3  }
0x548: {  	v3 =	vor.u32 v3, v4  }
0x549: {  	v4 =	vperm.xlane v3, v0;
	_ =	sdelay $0x1  }
0x54a: {  	v4 =	vadd.s32 v1, v4;
	_ =	sdelay $0x3  }
0x54b: {  	s25 =	simm.s32 $0x15800;
	v3 =	vperm.xlane v3, v2  }
0x54c: {  	[tilespmem:s25], [sflag:$0x2] =	stream.indirect_vreg.gather [hbm4b:s3+s2], $0x80, v4, vm0, $0xb8;
	[tilespmem:$0x18800] =	vst v63  }
0x54d: {  	s8 =	simm.s32 $0x16000;
	v3 =	vadd.s32 v1, v3  }
0x54e: {  	[tilespmem:s8], [sflag:$0x2] =	stream.indirect_vreg.gather [hbm4b:s4+s2], $0x80, v4, vm0, $0xb8;
	[tilespmem:$0x18800] =	vst v63  }
0x54f: {  	s15 =	simm.s32 $0x16800  }
0x550: {  	[tilespmem:s15], [sflag:$0x2] =	stream.indirect_vreg.gather [hbm4b:s5+s2], $0x80, v4, vm0, $0xb8;
	[tilespmem:$0x18800] =	vst v63  }
0x551: {  	s26 =	simm.s32 $0x17000  }
0x552: {  	[tilespmem:s26], [sflag:$0x2] =	stream.indirect_vreg.gather [hbm4b:s3+s2], $0x80, v3, vm0, $0xb8;
	[tilespmem:$0x18800] =	vst v63  }
0x553: {  	s28 =	simm.s32 $0x17800  }
0x554: {  	[tilespmem:s28], [sflag:$0x2] =	stream.indirect_vreg.gather [hbm4b:s4+s2], $0x80, v3, vm0, $0xb8;
	[tilespmem:$0x18800] =	vst v63  }
0x555: {  	s30 =	simm.s32 $0x18000  }
0x556: {  	[tilespmem:s30], [sflag:$0x2] =	stream.indirect_vreg.gather [hbm4b:s5+s2], $0x80, v3, vm0, $0xb8;
	[tilespmem:$0x18800] =	vst v63  }
0x557: {  	s6 =	simm.s32 $0x800;
	s29 =	rddreg [dreg:$0x12]  }
0x558: {  	[hbm4b:s29+s2] =	stream.linear.scatter [tilespmem:s6], [sflag:$0x3], $0xC000, $0x38;
	[tilespmem:$0x18800] =	vst v63  }
0x559: {  	s16 =	rddreg [dreg:$0x15];
	_ =	swait.ge [sflag:s9], $0xC000  }
0x55a: {  	[sflag:s9] =	ssyncset.done $0x0  }
0x55b: {  	s13 =	simm.s32 $0xC800;
	s31 =	rddreg [dreg:$0x13];
	[sflag:s9] =	ssyncadd.s32 $0xFFFF4000  }
0x55c: {  	[hbm4b:s31+s2] =	stream.linear.scatter [tilespmem:s13], [sflag:$0x4], $0xC000, $0x38;
	[tilespmem:$0x18800] =	vst v63  }
0x55d: {  	p0 =	sne.s32 s16, $0x1;
	_ =	swait.ge [sflag:s11], $0xC000  }
.Ltmp0:
0x55e: {  	[sflag:s11] =	ssyncset.done $0x0;
	(pc) =	sbr.rel @p0 .LBB2_1-.Ltmp0, $4  }
0x55f: {  	[sflag:s11] =	ssyncadd.s32 $0xFFFF4000  }
0x560: {  	_ =	swait.ge [sflag:s10], $0xC000  }
0x561: {  	[sflag:s10] =	ssyncset.done $0x0  }
0x562: {  	s1 =	sadd.s32 $0xFFFFFFFF, s16;
	[sflag:s10] =	ssyncadd.s32 $0xFFFF4000  }
0x563: {  	_ =	sfence.sel $0x180000  }
0x564: {  	[bflag:$0x0] =	sbarrier.arrive $0xFFFF  }
0x565: {  	_ =	strace $0x9000004D  }
0x566: {  	s0 =	stileid.u32;
	[bflag:$0x2] =	sbarrier.arrive $0xFFFF  }
0x567: {  	p0 =	sne.s32 s0, $0x0;
	s0 =	rddreg [dreg:$0x1]  }
0x568: {  	s0 =	sadd.s32 @!p0 $0x100000, s0  }
0x569: {  	[sflag:s0] =	ssyncadd.tile.s32 @!p0 $0x1;
	_ =	shalt  }
.Lfunc_end2:
_tile_overlayer_lowered:
.L_overlay_start_2:
0x56a: {  	(tag) =	ssettag $0x2  }
0x56b: {  	s0 =	rddreg [dreg:$0x0];
	s2 =	stileid.u32  }
0x56c: {  	s1 =	rddreg [dreg:$0x1];
	p0 =	sne.s32 s2, $0x0  }
0x56d: {  	s3 =	rddreg [dreg:$0x2];
	[bflag:$0x3] =	sbarrier.arrive $0xFFFF;
	s2 =	simm.s32 @!p0 $0x1C05  }
0x56e: {  	[timem:s3], [sflag:s2] =	dma.local @!p0 [hbm:s0], s1  }
0x56f: {  	s0 =	simm.s32 @!p0 $0x5  }
0x570: {  	_ =	swait.ge @!p0 [sflag:s0], s1  }
0x571: {  	s1 =	ssub.s32 @!p0 $0x0, s1;
	[sflag:s0] =	ssyncset.done @!p0 $0x0  }
0x572: {  	[sflag:s0] =	ssyncadd.s32 @!p0 s1  }
0x573: {  	[bflag:$0x3] =	sbarrier.arrive $0xFFFF  }
0x574: {  	_ =	shalt  }

// kernel: kernel.8.cloned.1.call-start
scs
__scs_entry_jumppad:
0x0: {  	(pc) =	sbr.rel $0x88, $3  }
0x1: {  	(tag) =	ssettag $0x0;
	lr =	simm.s32 $0x1  }
0x2: {  	[smem:$0x3F9C] =	sst lr;
	_ =	strace $0xD0000000  }
0x3: {  	_ = 	snop  }
0x4: {  	_ = 	snop  }
0x5: {  	_ = 	snop  }
0x6: {  	_ = 	snop  }
0x7: {  	_ = 	snop  }
__scs_overlays_trampoline_lowered:
0x8: {  	[smem:$0x3FAB] =	sst s0  }
0x9: {  	[smem:$0x3FAC] =	sst s1  }
0xa: {  	[smem:$0x3FAD] =	sst s2  }
0xb: {  	[smem:$0x3FAE] =	sst s3  }
0xc: {  	[smem:$0x3FAF] =	sst s4  }
0xd: {  	[smem:$0x3FB0] =	sst s5  }
0xe: {  	[smem:$0x3FB1] =	sst s6  }
0xf: {  	[smem:$0x3FB2] =	sst s7  }
0x10: {  	[smem:$0x3FB3] =	sst s8  }
0x11: {  	[smem:$0x3FB4] =	sst s9;
	s0 =	simm.s32 @!p0 $0x0  }
0x12: {  	s1 =	sld [smem:$0x3F9A];
	s0 =	simm.s32 @p0 $0x1  }
0x13: {  	[smem:$0x3FB5] =	sst s0;
	s0 =	simm.s32 @!p1 $0x0  }
0x14: {  	s2 =	sld [smem:$0x3F99];
	s0 =	simm.s32 @p1 $0x1  }
0x15: {  	[smem:$0x3FB6] =	sst s0;
	s0 =	simm.s32 @!p2 $0x0  }
0x16: {  	s3 =	sld [smem:$0x3FDB];
	s0 =	simm.s32 @p2 $0x1  }
0x17: {  	s4 =	simm.s32 $0x1BF5;
	[smem:$0x3FB8] =	sst s0  }
0x18: {  	s0 =	sld [smem:$0x3F9B];
	_ =	swait.ge [sflag:s4], $0x0  }
0x19: {  	s7 =	sld [smem:$0x3F9C]  }
0x1a: {  	s8 =	sadd.s32 $0xFFFFE003, lr  }
0x1b: {  	s9 =	sadd.s32 $0xFFFFFEF7, lr;
	s5 =	simm.s32 $0xFFFFFFFF;
	p2 =	slt.u32 s8, $0xFFFFF086  }
0x1c: {  	p1 =	slt.u32 s9, $0xF7A;
	s5 =	simm.s32 @!p2 $0x0  }
0x1d: {  	s5 =	simm.s32 @p1 $0x1;
	p0 =	seq.s32 s7, s2  }
0x1e: {  	s7 =	smul.u32 @!p0 $0xF7A, s2;
	p2 =	seq.s32 @!p0 s5, $0x0  }
0x1f: {  	s9 =	smul.u32 $0xF7A, s1;
	s8 =	simm.s32 @!p0 $0x1BF5;
	p2 =	por !p2, p0  }
0x20: {  	[sflag:s8] =	ssyncset.s32 @!p0 $0xFFFFF086;
	s6 =	sadd.s32 @!p0 s3, s7;
	s7 =	simm.s32 @!p0 $0x108  }
0x21: {  	s3 =	sadd.s32 s3, s9;
	s6 =	sadd.s32 @!p0 $0x88, s6;
	s7 =	simm.s32 @p2 $0x1082  }
0x22: {  	[simem:s7], [sflag:s8] =	dma.local @!p0 [hbm:s6], $0xF7A  }
0x23: {  	s9 =	sor.u32 $0xD0000000, s2;
	s6 =	simm.s32 $0x108;
	_ =	swait.ge @!p0 [sflag:s8], $0x0  }
0x24: {  	s3 =	sadd.s32 $0x88, s3;
	s6 =	simm.s32 @!p1 $0x1082;
	[sflag:s4] =	ssyncset.s32 $0xFFFFF086  }
0x25: {  	[simem:s6], [sflag:s4] =	dma.local [hbm:s3], $0xF7A  }
0x26: {  	[smem:$0x3F9C] =	sst s1;
	(tag) =	ssettag s2;
	_ =	strace s9  }
0x27: {  	s1 =	sld [smem:$0x3FAC]  }
0x28: {  	s2 =	sld [smem:$0x3FAD]  }
0x29: {  	s4 =	sld [smem:$0x3FAF]  }
0x2a: {  	p0 =	seq.s32 s5, $0x0;
	s5 =	sld [smem:$0x3FB0]  }
0x2b: {  	s6 =	sld [smem:$0x3FB1]  }
0x2c: {  	s7 =	sld [smem:$0x3FB2]  }
0x2d: {  	s3 =	simm.s32 $0x108;
	s8 =	sld [smem:$0x3FB3]  }
0x2e: {  	s3 =	simm.s32 @!p0 $0x1082;
	s9 =	sld [smem:$0x3FB4]  }
0x2f: {  	lr =	sadd.s32 s0, s3;
	s0 =	sld [smem:$0x3FAB]  }
0x30: {  	s3 =	sld [smem:$0x3FAE]  }
0x31: {  	[smem:$0x3FB7] =	sst s10  }
0x32: {  	s10 =	sld [smem:$0x3FB5];
	_ =	sdelay $0x3  }
0x33: {  	p0 =	seq.s32 s10, $0x1;
	s10 =	sld [smem:$0x3FB7];
	_ =	sdelay $0x3  }
0x34: {  	[smem:$0x3FB7] =	sst s10  }
0x35: {  	s10 =	sld [smem:$0x3FB6];
	_ =	sdelay $0x3  }
0x36: {  	p1 =	seq.s32 s10, $0x1;
	s10 =	sld [smem:$0x3FB7];
	_ =	sdelay $0x3  }
0x37: {  	[smem:$0x3FB7] =	sst s10  }
0x38: {  	s10 =	sld [smem:$0x3FB8]  }
0x39: {  	_ = 	snop;
	(pc) =	sbr.ind lr, $3  }
0x3a: {  	_ = 	snop  }
0x3b: {  	_ = 	snop  }
0x3c: {  	p2 =	seq.s32 s10, $0x1;
	s10 =	sld [smem:$0x3FB7]  }
0x3d: {  	_ =	shalt  }
0x3e: {  	_ =	shalt  }
0x3f: {  	_ =	shalt  }
0x40: {  	_ =	shalt  }
0x41: {  	_ =	shalt  }
0x42: {  	_ =	shalt  }
0x43: {  	_ =	shalt  }
0x44: {  	_ =	shalt  }
0x45: {  	_ =	shalt  }
0x46: {  	_ =	shalt  }
0x47: {  	_ =	shalt  }
0x48: {  	_ =	shalt  }
0x49: {  	_ =	shalt  }
0x4a: {  	_ =	shalt  }
0x4b: {  	_ =	shalt  }
0x4c: {  	_ =	shalt  }
0x4d: {  	_ =	shalt  }
0x4e: {  	_ =	shalt  }
0x4f: {  	_ =	shalt  }
0x50: {  	_ =	shalt  }
0x51: {  	_ =	shalt  }
0x52: {  	_ =	shalt  }
0x53: {  	_ =	shalt  }
0x54: {  	_ =	shalt  }
0x55: {  	_ =	shalt  }
0x56: {  	_ =	shalt  }
0x57: {  	_ =	shalt  }
0x58: {  	_ =	shalt  }
0x59: {  	_ =	shalt  }
0x5a: {  	_ =	shalt  }
0x5b: {  	_ =	shalt  }
0x5c: {  	_ =	shalt  }
0x5d: {  	_ =	shalt  }
0x5e: {  	_ =	shalt  }
0x5f: {  	_ =	shalt  }
0x60: {  	_ =	shalt  }
0x61: {  	_ =	shalt  }
0x62: {  	_ =	shalt  }
0x63: {  	_ =	shalt  }
0x64: {  	_ =	shalt  }
0x65: {  	_ =	shalt  }
0x66: {  	_ =	shalt  }
0x67: {  	_ =	shalt  }
0x68: {  	_ =	shalt  }
0x69: {  	_ =	shalt  }
0x6a: {  	_ =	shalt  }
0x6b: {  	_ =	shalt  }
0x6c: {  	_ =	shalt  }
0x6d: {  	_ =	shalt  }
0x6e: {  	_ =	shalt  }
0x6f: {  	_ =	shalt  }
0x70: {  	_ =	shalt  }
0x71: {  	_ =	shalt  }
0x72: {  	_ =	shalt  }
0x73: {  	_ =	shalt  }
0x74: {  	_ =	shalt  }
0x75: {  	_ =	shalt  }
0x76: {  	_ =	shalt  }
0x77: {  	_ =	shalt  }
0x78: {  	_ =	shalt  }
0x79: {  	_ =	shalt  }
0x7a: {  	_ =	shalt  }
0x7b: {  	_ =	shalt  }
0x7c: {  	_ =	shalt  }
0x7d: {  	_ =	shalt  }
0x7e: {  	_ =	shalt  }
0x7f: {  	_ =	shalt  }
0x80: {  	_ =	shalt  }
0x81: {  	_ =	shalt  }
0x82: {  	_ =	shalt  }
0x83: {  	_ =	shalt  }
0x84: {  	_ =	shalt  }
0x85: {  	_ =	shalt  }
0x86: {  	_ =	shalt  }
0x87: {  	_ =	shalt  }
.Lfunc_end0:
.L_simem_size_0:
called_computation_lowered:
.L_overlay_start_0:
0x88: {  	s2 =	sld [smem:$0x3FD9]  }
0x89: {  	s3 =	sld [smem:$0x3FFE];
	_ =	sdelay $0x1  }
0x8a: {  	s1 =	srdreg.scid  }
0x8b: {  	s0 =	sand.u32 $0x1, s1  }
0x8c: {  	s17 =	sshll.u32 s0, $0xA;
	s2 =	sadd.s32 s3, s2  }
0x8d: {  	s2 =	sadd.s32 s2, s17  }
0x8e: {  	[smem:$0x3FC3] =	sst s2  }
0x8f: {  	_ = 	snop  }
0x90: {  	s2 =	sld [smem:$0x3FD0];
	(tm) =	ssettm $0x1  }
0x91: {  	s18 =	sld [smem:$0x3FFB];
	_ =	sdelay $0x3  }
0x92: {  	_ =	strace s18  }
0x93: {  	s3 =	sld [smem:$0x3FFC];
	_ =	sdelay $0x3  }
0x94: {  	_ =	strace s3  }
0x95: {  	s3 =	sld [smem:$0x3FFD];
	_ =	sdelay $0x3  }
0x96: {  	_ =	strace s3  }
0x97: {  	_ =	strace $0x8FFFFFFF  }
0x98: {  	s19 =	sld [smem:$0x3FDB];
	_ =	sdelay $0x1  }
0x99: {  	s4 =	simm.s32 $_scs_section_size  }
0x9a: {  	s5 =	simm.s32 $_size__tile_overlayer_lowered;
	s6 =	simm.s32 $_tile_overlayer_lowered  }
0x9b: {  	s22 =	simm.s32 $0x1BFF;
	s21 =	sshll.u32 s6, $0x1;
	s3 =	sadd.s32 s4, s19  }
0x9c: {  	s7 =	simm.s32 $0x0;
	s20 =	sshll.u32 s5, $0x1;
	s5 =	sadd.s32 s21, s3  }
0x9d: {  	[timem:s7], [sflag:s22] =	dma.local [hbm:s5], s20  }
0x9e: {  	_ =	swait.ge [sflag:s22], s20  }
0x9f: {  	s4 =	ssub.s32 $0x0, s20;
	[sflag:s22] =	ssyncset.done $0x0  }
0xa0: {  	[sflag:s22] =	ssyncadd.s32 s4;
	_ =	sdelay $0x1  }
0xa1: {  	s23 =	simm.s32 $0x1B8B  }
0xa2: {  	_ =	swait.ge [sflag:s23], $0x1  }
0xa3: {  	[sflag:s23] =	ssyncset.done $0x0  }
0xa4: {  	s25 =	simm.s32 $0x1B8E;
	s24 =	sld [smem:$0x3FFE];
	[sflag:s23] =	ssyncadd.s32 $0xFFFFFFFF  }
0xa5: {  	s26 =	simm.s32 $execute0_lowered;
	[smem:$0x3FD2] =	sst s25  }
0xa6: {  	s5 =	sshll.u32 s26, $0x1;
	_ =	strace $0x80000046;
	[dreg:$0x1] =	wrdreg $0xFFFFFFFF  }
0xa7: {  	s28 =	simm.s32 $_size_execute0_lowered;
	s3 =	sadd.s32 s3, s5;
	[dreg:$0x0] =	wrdreg $0x0  }
0xa8: {  	s5 =	sshll.u32 s28, $0x1;
	[dreg:$0x2] =	wrdreg s3  }
0xa9: {  	[dreg:$0x3] =	wrdreg s5  }
0xaa: {  	[dreg:$0x4] =	wrdreg $0xC0  }
0xab: {  	_ =	task [dreg:s7], $0x5FFFF  }
0xac: {  	[dreg:$0x1] =	wrdreg $0xFFFFFFFF  }
0xad: {  	[dreg:$0x0] =	wrdreg $0x60  }
0xae: {  	[dreg:$0x2] =	wrdreg s2  }
0xaf: {  	[dreg:$0x3] =	wrdreg s24  }
0xb0: {  	[dreg:$0x4] =	wrdreg $0x9  }
0xb1: {  	_ =	task.clear_ibuf [dreg:s7], $0x5FFFF;
	_ =	strace $0x90000046  }
0xb2: {  	s29 =	simm.s32 $0x9;
	_ =	strace $0x80000048  }
0xb3: {  	_ =	swait.ge [sflag:s29], $0x1  }
0xb4: {  	[sflag:s29] =	ssyncadd.s32 $0xFFFFFFFF  }
0xb5: {  	_ =	strace $0x90000048  }
0xb6: {  	_ =	sfence  }
0xb7: {  	s30 =	sld [smem:$0x0];
	_ =	sdelay $0x2  }
0xb8: {  	s31 =	sshll.u32 s1, $0xD;
	s1 =	sshrl.u32 s1, $0x2  }
0xb9: {  	s3 =	sand.u32 $0x4000, s31;
	s1 =	sadd.s32 s1, s30  }
0xba: {  	s0 =	sor.u32 s3, s0;
	s1 =	sshll.u32 s1, $0x11  }
0xbb: {  	s0 =	sor.u32 s1, s0  }
0xbc: {  	s0 =	sadd.s32 $0x8F2B, s0  }
0xbd: {  	[sflag:s0] =	ssyncadd.remote.s32 $0x1  }
0xbe: {  	_ =	sfence.sel $0xFFFF  }
0xbf: {  	[dreg:$0x0] =	wrdreg $0xFFFFFFFF;
	(pc) =	sbr.abs _section_cstart, $3  }
0xc0: {  	[dreg:$0x1] =	wrdreg $0xFFFFFFFF  }
0xc1: {  	_ =	task.clear_ibuf [dreg:s7], $0x2FFFF;
	_ =	strace $0x9FFFFFFF  }
0xc2: {  	(tm) =	ssettm $0x7FFFFFFF  }
0xc3: {  	_ =	shalt  }
tec
execute0_lowered:
.L_overlay_start_1:
0x0: {  	(tag) =	ssettag $0x1  }
0x1: {  	s1 =	stileid.u32  }
0x2: {  	p0 =	sgt.u32 s1, $0x1  }
.Ltmp0:
0x3: {  	_ = 	snop;
	(pc) =	sbr.rel @p0 .LBB2_9-.Ltmp0, $4  }
0x4: {  	s5 =	rddreg [dreg:$0x0]  }
0x5: {  	s3 =	rddreg [dreg:$0x1];
	s2 =	simm.s32 $0x0  }
0x6: {  	[smem:$0x7FF] =	sst s2  }
0x7: {  	s0 =	rddreg [dreg:$0x2];
	_ =	strace $0x80000047  }
0x8: {  	s4 =	srdreg.scid;
	s29 =	sshll.u32 s1, $0x1  }
0x9: {  	s31 =	sshll.u32 s1, $0xD;
	s10 =	simm.s32 $0x2000;
	s7 =	sand.u32 $0x1, s4  }
0xa: {  	s11 =	simm.s32 $0x80;
	s12 =	simm.s32 $0x200;
	s4 =	sor.u32 s7, s29  }
0xb: {  	s9 =	ssub.s32 $0x2, s7;
	s7 =	sshll.u32 s7, $0xC;
	s6 =	sshll.u32 s4, $0x9  }
0xc: {  	s4 =	sshll.u32 s4, $0x4;
	s30 =	sshrl.u32 s9, $0x1;
	s7 =	sor.u32 s7, s31  }
0xd: {  	s8 =	sadd.s32 s6, s3;
	s4 =	sadd.s32 s4, s3;
	s5 =	sadd.s32 s5, s6  }
0xe: {  	s3 =	sadd.s32 $0xC0E00, s8;
	s4 =	sadd.s32 $0xC1600, s4;
	s8 =	ssub.s32 s9, s30  }
0xf: {  	v0 =	vimm.s32 $0x0;
	v1 =	vlaneseq.u32;
	s9 =	simm.s32 $0x1000;
	s6 =	smax.u32 s8, $0x1;
	s8 =	simm.s32 $0x1  }
.LBB2_2:
0x10: {  	s13 =	simm.s32 $0x40;
	s14 =	simm.s32 $0x0  }
.LBB2_3:
0x11: {  	p0 =	sne.s32 s13, $0x8000;
	[tilespmem:s14+$0x2000] =	vst v0;
	s14 =	smov.u32 s13;
	s13 =	sadd.s32 $0x40, s13  }
.Ltmp1:
0x12: {  	(pc) =	sbr.rel @p0 .LBB2_3-.Ltmp1, $2  }
0x13: {  	_ =	sdelay $0x2  }
0x14: {  	s14 =	sshra.s32 s14, $0x2  }
0x15: {  	[tilespmem:s14+$0x2000] =	vst v0;
	s13 =	simm.s32 $0x0  }
0x16: {  	[tilespmem:s13], [sflag:$0x1] =	stream.linear.gather [hbm4b:s5+s13], $0x1000, $0x38;
	[tilespmem:$0x4080] =	vst v63  }
0x17: {  	_ =	swait.ge [sflag:s8], $0x1000  }
0x18: {  	[sflag:s8] =	ssyncset.done $0x0  }
0x19: {  	[sflag:s8] =	ssyncadd.s32 $0xFFFFF000  }
0x1a: {  	[tilespmem:s9], [sflag:$0x1] =	stream.linear.gather [hbm4b:s3+s13], $0x1000, $0x38;
	[tilespmem:$0x4080] =	vst v63  }
0x1b: {  	_ =	swait.ge [sflag:s8], $0x1000  }
0x1c: {  	[sflag:s8] =	ssyncset.done $0x0  }
0x1d: {  	s31 =	simm.s32 $0x0;
	[sflag:s8] =	ssyncadd.s32 $0xFFFFF000  }
0x1e: {  	v2 =	vld [tilespmem:s31+$0x0];
	_ =	sdelay $0x6  }
0x1f: {  	v3 =	vor.u32 s7, v1  }
0x20: {  	s16 =	simm.s32 $0x10;
	s15 =	simm.s32 $0x80;
	s14 =	smov.u32 s7;
	[tilespmem:v2+s10+$0x0] =	vst.idx.msk $0xffff, v3  }
.LBB2_5:
0x21: {  	p0 =	sne.s32 s15, $0x3FC0;
	v2 =	vld [tilespmem:s16+$0x0];
	_ =	sdelay $0x3  }
.Ltmp2:
0x22: {  	(pc) =	sbr.rel @p0 .LBB2_5-.Ltmp2, $4  }
0x23: {  	_ = 	snop  }
0x24: {  	s14 =	sadd.s32 $0x10, s14  }
0x25: {  	v3 =	vor.u32 s14, v1  }
0x26: {  	s16 =	sshra.s32 s15, $0x2;
	s15 =	sadd.s32 $0x40, s15;
	[tilespmem:v2+s10+$0x0] =	vst.idx.msk $0xffff, v3  }
0x27: {  	v2 =	vld [tilespmem:s16+$0x0];
	_ =	sdelay $0x5  }
0x28: {  	s14 =	sadd.s32 $0x10, s14  }
0x29: {  	v3 =	vor.u32 s14, v1  }
0x2a: {  	s15 =	sand.u32 $0xFF0, s13;
	s14 =	simm.s32 $0x10;
	[tilespmem:v2+s10+$0x0] =	vst.idx.msk $0xffff, v3  }
.LBB2_7:
0x2b: {  	p0 =	sne.s32 s14, $0xFF0;
	v2 =	vld [tilespmem:s15+$0x1000];
	_ =	sdelay $0x3  }
.Ltmp3:
0x2c: {  	(pc) =	sbr.rel @p0 .LBB2_7-.Ltmp3, $4  }
0x2d: {  	_ = 	snop  }
0x2e: {  	s15 =	sadd.s32 s13, s7;
	s13 =	smov.u32 s14  }
0x2f: {  	v3 =	vor.u32 s15, v1  }
0x30: {  	s14 =	sadd.s32 $0x10, s14;
	s15 =	sand.u32 $0xFF0, s13;
	[tilespmem:v2+s10+$0x0] =	vst.idx.msk $0xffff, v3  }
0x31: {  	v2 =	vld [tilespmem:s15+$0x1000];
	_ =	sdelay $0x5  }
0x32: {  	s13 =	sadd.s32 s13, s7;
	s2 =	sadd.s32 $0x1, s2  }
0x33: {  	v3 =	vor.u32 s13, v1;
	p0 =	sne.s32 s2, s6  }
.Ltmp4:
0x34: {  	[tilespmem:v2+s10+$0x0] =	vst.idx.msk $0xffff, v3;
	(pc) =	sbr.rel @p0 .LBB2_2-.Ltmp4, $4  }
0x35: {  	[hbm4b:s4+s11] =	stream.strided.scatter [tilespmem:s10], [sflag:$0x1], $0x2080, s12, s11, $0x38;
	[tilespmem:$0x4080] =	vst v63  }
0x36: {  	_ =	swait.ge [sflag:s8], $0x2080  }
0x37: {  	[sflag:s8] =	ssyncset.done $0x0  }
0x38: {  	[sflag:s8] =	ssyncadd.s32 $0xFFFFDF80  }
.LBB2_9:
0x39: {  	_ =	sfence.sel $0x180000  }
0x3a: {  	[bflag:$0x0] =	sbarrier.arrive $0xFFFF  }
0x3b: {  	p0 =	sne.s32 s1, $0x0;
	_ =	strace $0x90000047  }
0x3c: {  	s0 =	sadd.s32 @!p0 $0x100000, s0;
	[bflag:$0x2] =	sbarrier.arrive $0xFFFF  }
0x3d: {  	[sflag:s0] =	ssyncadd.tile.s32 @!p0 $0x1;
	_ =	shalt  }
.Lfunc_end2:
_tile_overlayer_lowered:
.L_overlay_start_2:
0x3e: {  	(tag) =	ssettag $0x2  }
0x3f: {  	s0 =	rddreg [dreg:$0x0];
	s2 =	stileid.u32  }
0x40: {  	s1 =	rddreg [dreg:$0x1];
	p0 =	sne.s32 s2, $0x0  }
0x41: {  	s3 =	rddreg [dreg:$0x2];
	[bflag:$0x3] =	sbarrier.arrive $0xFFFF;
	s2 =	simm.s32 @!p0 $0x1C01  }
0x42: {  	[timem:s3], [sflag:s2] =	dma.local @!p0 [hbm:s0], s1  }
0x43: {  	s0 =	simm.s32 @!p0 $0x1  }
0x44: {  	_ =	swait.ge @!p0 [sflag:s0], s1  }
0x45: {  	s1 =	ssub.s32 @!p0 $0x0, s1;
	[sflag:s0] =	ssyncset.done @!p0 $0x0  }
0x46: {  	[sflag:s0] =	ssyncadd.s32 @!p0 s1  }
0x47: {  	[bflag:$0x3] =	sbarrier.arrive $0xFFFF  }
0x48: {  	_ =	shalt  }

</sc_bundles>
